<compile_context>
chip_gen: v7x
topology: tpu7x:2x2x1
jax: 0.10.2.dev20260603
libtpu: 0.0.44.dev20260713+nightly
codegen_flags: <defaults>
</compile_context>

<pallas_src>
import functools

import jax
import jax.numpy as jnp
from jax import lax
from jax.experimental import pallas as pl
from jax.experimental.pallas import tpu as pltpu, tpu_sc as plsc

N = 10000
E = 320000
F_IN = 145
D = 128
G = 64

N_PAD = 10240
HALF = N_PAD // 2
SINKG = -1

NC = 2
NS = 16
CHUNK = 128
NCHUNK = 2560
CH_T = NCHUNK // NS
E_PAD = NCHUNK * CHUNK
ROWS_T = HALF // NS
ZROWS = 64

BLK = 512
NBLK = N_PAD // BLK

_HIGHEST = lax.Precision.HIGHEST



def _sc_aggr_body(h_hbm, src_hbm, dst_hbm, zeros_hbm, out_hbm,
                  src_v, dst_v, rows0, rows1, zv, aggr, sem0, sem1):
  c = lax.axis_index("c")
  s = lax.axis_index("s")
  base = c * HALF

  pltpu.sync_copy(zeros_hbm, zv)
  for k in range(ROWS_T // ZROWS):
    pltpu.sync_copy(zv.at[pl.ds(0, ZROWS)],
                    aggr.at[pl.ds(s * ROWS_T + k * ZROWS, ZROWS)])

  @pl.when(s == NS - 1)
  def _():
    pltpu.sync_copy(zv.at[pl.ds(0, NS)], aggr.at[pl.ds(HALF, NS)])

  pltpu.sync_copy(src_hbm.at[pl.ds(s * CH_T, CH_T)], src_v)
  pltpu.sync_copy(dst_hbm.at[pl.ds(s * CH_T, CH_T)], dst_v)

  def rbody(r, carry):
    for jj in range(CHUNK // 16):
      v = dst_v[r, pl.ds(jj * 16, 16)]
      loc = v - base
      ok = (v >= base) & (loc < HALF)
      dst_v[r, pl.ds(jj * 16, 16)] = jnp.where(ok, loc, HALF + s)
    return carry

  lax.fori_loop(0, CH_T, rbody, 0)
  plsc.subcore_barrier()

  pltpu.async_copy(h_hbm.at[src_v.at[0]], rows0, sem0)
  pltpu.async_copy(h_hbm.at[src_v.at[1]], rows1, sem1)

  def gbody(gi, carry):
    g = gi * 2

    pltpu.make_async_copy(h_hbm.at[src_v.at[0]], rows0, sem0).wait()
    pltpu.sync_copy(rows0, aggr.at[dst_v.at[g]], add=True)

    @pl.when(g + 2 < CH_T)
    def _():
      pltpu.async_copy(h_hbm.at[src_v.at[g + 2]], rows0, sem0)

    pltpu.make_async_copy(h_hbm.at[src_v.at[1]], rows1, sem1).wait()
    pltpu.sync_copy(rows1, aggr.at[dst_v.at[g + 1]], add=True)

    @pl.when(g + 3 < CH_T)
    def _():
      pltpu.async_copy(h_hbm.at[src_v.at[g + 3]], rows1, sem1)

    return carry

  lax.fori_loop(0, CH_T // 2, gbody, 0)
  plsc.subcore_barrier()

  pltpu.sync_copy(aggr.at[pl.ds(s * ROWS_T, ROWS_T)],
                  out_hbm.at[pl.ds(base + s * ROWS_T, ROWS_T)])


_sc_aggr = pl.kernel(
    _sc_aggr_body,
    out_type=jax.ShapeDtypeStruct((N_PAD, D), jnp.float32),
    mesh=plsc.VectorSubcoreMesh(core_axis_name="c", subcore_axis_name="s"),
    scratch_types=[
        pltpu.VMEM((CH_T, CHUNK), jnp.int32),
        pltpu.VMEM((CH_T, CHUNK), jnp.int32),
        pltpu.VMEM((CHUNK, D), jnp.float32),
        pltpu.VMEM((CHUNK, D), jnp.float32),
        pltpu.VMEM((ZROWS, D), jnp.float32),
        pltpu.VMEM_SHARED((HALF + NS, D), jnp.float32),
        pltpu.SemaphoreType.DMA,
        pltpu.SemaphoreType.DMA,
    ],
)



@functools.lru_cache(maxsize=None)
def _make_tc_mlp(k):

  def body(*refs):
    hs = refs[0:k]
    prs = refs[k:2 * k]
    w1s = refs[2 * k:3 * k]
    b1_ref, w2_ref, b2_ref, eps_ref = refs[3 * k:3 * k + 4]
    z_ref, stats_ref = refs[3 * k + 4:3 * k + 6]
    acc_ref = refs[3 * k + 6]
    i = pl.program_id(0)

    a = jnp.zeros((BLK, 2 * D), jnp.float32) + b1_ref[...]
    for t in range(k):
      zin = hs[t][...] * eps_ref[0, 0] + prs[t][...]
      a = a + jnp.dot(zin, w1s[t][...], preferred_element_type=jnp.float32,
                      precision=_HIGHEST)
    a = jnp.maximum(a, 0.0)
    zb = jnp.dot(a, w2_ref[...], preferred_element_type=jnp.float32,
                 precision=_HIGHEST) + b2_ref[...]
    z_ref[...] = zb

    rows = i * BLK + lax.broadcasted_iota(jnp.int32, (BLK, 1), 0)
    zm = zb * (rows < N).astype(jnp.float32)

    @pl.when(i == 0)
    def _():
      acc_ref[...] = jnp.zeros_like(acc_ref)

    acc_ref[0:1, :] += jnp.sum(zm, axis=0, keepdims=True)
    acc_ref[1:2, :] += jnp.sum(zm * zm, axis=0, keepdims=True)

    @pl.when(i == NBLK - 1)
    def _():
      mean = acc_ref[0:1, :] * (1.0 / N)
      var = acc_ref[1:2, :] * (1.0 / N) - mean * mean
      stats_ref[0:1, :] = mean
      stats_ref[1:2, :] = lax.rsqrt(var + 1e-5)

  return pl.pallas_call(
      body,
      grid=(NBLK,),
      in_specs=(
          [pl.BlockSpec((BLK, D), lambda i: (i, 0)) for _ in range(2 * k)] +
          [pl.BlockSpec((D, 2 * D), lambda i: (0, 0)) for _ in range(k)] +
          [
              pl.BlockSpec((1, 2 * D), lambda i: (0, 0)),
              pl.BlockSpec((2 * D, D), lambda i: (0, 0)),
              pl.BlockSpec((1, D), lambda i: (0, 0)),
              pl.BlockSpec((1, 1), lambda i: (0, 0)),
          ]),
      out_specs=[
          pl.BlockSpec((BLK, D), lambda i: (i, 0)),
          pl.BlockSpec((2, D), lambda i: (0, 0)),
      ],
      out_shape=[
          jax.ShapeDtypeStruct((N_PAD, D), jnp.float32),
          jax.ShapeDtypeStruct((2, D), jnp.float32),
      ],
      scratch_shapes=[pltpu.VMEM((2, D), jnp.float32)],
  )


def _norm_body(z_ref, stats_ref, g_ref, bt_ref, h_ref):
  i = pl.program_id(0)
  hn = (z_ref[...] - stats_ref[0:1, :]) * stats_ref[1:2, :] * g_ref[...]
  hn = jnp.maximum(hn + bt_ref[...], 0.0)
  rows = i * BLK + lax.broadcasted_iota(jnp.int32, (BLK, 1), 0)
  h_ref[...] = jnp.where(rows < N, hn, 0.0)


_tc_norm = pl.pallas_call(
    _norm_body,
    grid=(NBLK,),
    in_specs=[
        pl.BlockSpec((BLK, D), lambda i: (i, 0)),
        pl.BlockSpec((2, D), lambda i: (0, 0)),
        pl.BlockSpec((1, D), lambda i: (0, 0)),
        pl.BlockSpec((1, D), lambda i: (0, 0)),
    ],
    out_specs=pl.BlockSpec((BLK, D), lambda i: (i, 0)),
    out_shape=jax.ShapeDtypeStruct((N_PAD, D), jnp.float32),
)


def _pool_body(h_ref, b_ref, out_ref, acc_ref):
  i = pl.program_id(0)

  @pl.when(i == 0)
  def _():
    acc_ref[...] = jnp.zeros_like(acc_ref)

  seg = jnp.reshape(b_ref[...], (1, BLK))
  onehot = (seg == lax.broadcasted_iota(jnp.int32, (G, BLK), 0))
  acc_ref[...] += jnp.dot(onehot.astype(jnp.float32), h_ref[...],
                          preferred_element_type=jnp.float32,
                          precision=_HIGHEST)

  @pl.when(i == NBLK - 1)
  def _():
    out_ref[...] = acc_ref[...]


_tc_pool = pl.pallas_call(
    _pool_body,
    grid=(NBLK,),
    in_specs=[
        pl.BlockSpec((BLK, D), lambda i: (i, 0)),
        pl.BlockSpec((1, 1, BLK), lambda i: (i, 0, 0)),
    ],
    out_specs=pl.BlockSpec((G, D), lambda i: (0, 0)),
    out_shape=jax.ShapeDtypeStruct((G, D), jnp.float32),
    scratch_shapes=[pltpu.VMEM((G, D), jnp.float32)],
)



def kernel(x, edge_index, batch, params):
  xp = jnp.pad(x, ((0, N_PAD - N), (0, 2 * D - F_IN)))
  xa = xp[:, :D]
  xb = xp[:, D:]
  srcp = jnp.concatenate(
      [edge_index[0], jnp.zeros((E_PAD - E,), jnp.int32)]).reshape(
          NCHUNK, CHUNK)
  dstp = jnp.concatenate(
      [edge_index[1], jnp.full((E_PAD - E,), SINKG, jnp.int32)]).reshape(
          NCHUNK, CHUNK)
  batchp = jnp.concatenate(
      [batch, jnp.full((N_PAD - N,), -1, jnp.int32)]).reshape(NBLK, 1, BLK)
  zeros = jnp.zeros((ZROWS, D), jnp.float32)

  h = None
  for li, p in enumerate(params):
    b1 = p['b1'].reshape(1, 2 * D)
    b2 = p['b2'].reshape(1, D)
    eps1 = (1.0 + p['eps']).reshape(1, 1)
    if li == 0:
      w1p = jnp.pad(p['W1'], ((0, 2 * D - F_IN), (0, 0)))
      aggr_a = _sc_aggr(xa, srcp, dstp, zeros)
      aggr_b = _sc_aggr(xb, srcp, dstp, zeros)
      z, stats = _make_tc_mlp(2)(
          xa, xb, aggr_a, aggr_b, w1p[:D], w1p[D:],
          b1, p['W2'], b2, eps1)
    else:
      aggr = _sc_aggr(h, srcp, dstp, zeros)
      z, stats = _make_tc_mlp(1)(
          h, aggr, p['W1'], b1, p['W2'], b2, eps1)
    h = _tc_norm(z, stats, p['gamma'].reshape(1, D), p['beta'].reshape(1, D))

  return _tc_pool(h, batchp)

# --- scband reference (transcript-rebuilt; emitter-appended) ---
"""Pipeline reference for scband-graph-encoder-38568806318718 (READ-ONLY COPY).

The authoritative reference and input builder live on the scoring server;
editing this copy changes nothing except your own understanding.
"""

import jax, jax.numpy as jnp
import numpy as np

N = 10000
E = 320000
F_IN = 145
D = 128
L = 4
G = 64


def setup_inputs(seed: int = 0) -> dict:
    key = jax.random.key(seed)
    ks = jax.random.split(key, 3 + 4 * L)
    x = jax.random.normal(ks[0], (N, F_IN), dtype=jnp.float32)
    edge_index = jax.random.randint(ks[1], (2, E), 0, N, dtype=jnp.int32)
    batch = jnp.sort(jax.random.randint(ks[2], (N,), 0, G, dtype=jnp.int32))
    params = []
    ki = 3
    for i in range(L):
        in_dim = F_IN if i == 0 else D
        W1 = jax.random.normal(ks[ki], (in_dim, 2 * D), dtype=jnp.float32) * (1.0 / np.sqrt(in_dim))
        W2 = jax.random.normal(ks[ki + 1], (2 * D, D), dtype=jnp.float32) * (1.0 / np.sqrt(2 * D))
        params.append({
            'W1': W1,
            'b1': jnp.zeros((2 * D,), dtype=jnp.float32),
            'W2': W2,
            'b2': jnp.zeros((D,), dtype=jnp.float32),
            'eps': jnp.zeros((), dtype=jnp.float32),
            'gamma': jnp.ones((D,), dtype=jnp.float32),
            'beta': jnp.zeros((D,), dtype=jnp.float32),
        })
        ki += 2
    return {'x': x, 'edge_index': edge_index, 'batch': batch, 'params': params}


def reference(x, edge_index, batch, params):
    # GraphEncoder forward: stacked GINConv + BatchNorm1d (training-mode batch stats)
    # + ReLU; dropout treated as identity (deterministic eval). Final global_add_pool.
    src = edge_index[0]
    dst = edge_index[1]
    h = x
    for p in params:
        # GINConv: mlp((1 + eps) * h + sum_{j in N(i)} h_j)
        msgs = jnp.take(h, src, axis=0)                      # gather (SparseCore)
        aggr = jax.ops.segment_sum(msgs, dst, num_segments=N)  # scatter-add
        z = (1.0 + p['eps']) * h + aggr
        z = jnp.maximum(z @ p['W1'] + p['b1'], 0.0)
        z = z @ p['W2'] + p['b2']
        # BatchNorm1d (training mode: biased batch statistics)
        mean = jnp.mean(z, axis=0)
        var = jnp.var(z, axis=0)
        z = (z - mean) / jnp.sqrt(var + 1e-5) * p['gamma'] + p['beta']
        h = jnp.maximum(z, 0.0)
    # global_add_pool
    out = jax.ops.segment_sum(h, batch, num_segments=G)
    return out

if __name__ == "__main__":
    import jax
    _d = setup_inputs()
    print(jax.jit(kernel)(*tuple(_d.values())))

</pallas_src>

<mosaic_0001>
#map = affine_map<(d0, d1) -> (0, 0)>
module attributes {stable_mosaic.version = 14 : i64} {
  func.func @_sc_aggr_body(%arg0: i32, %arg1: i32, %arg2: memref<10240x128xf32, #tpu.memory_space<hbm>>, %arg3: memref<2560x128xi32, #tpu.memory_space<hbm>>, %arg4: memref<2560x128xi32, #tpu.memory_space<hbm>>, %arg5: memref<64x128xf32, #tpu.memory_space<hbm>>, %arg6: memref<10240x128xf32, #tpu.memory_space<hbm>>, %arg7: memref<160x128xi32, #tpu.memory_space<vmem>>, %arg8: memref<160x128xi32, #tpu.memory_space<vmem>>, %arg9: memref<128x128xf32, #tpu.memory_space<vmem>>, %arg10: memref<128x128xf32, #tpu.memory_space<vmem>>, %arg11: memref<64x128xf32, #tpu.memory_space<vmem>>, %arg12: memref<5136x128xf32, #tpu.memory_space<vmem_shared>>, %arg13: memref<!tpu.dma_semaphore, #tpu.memory_space<semaphore_mem>>, %arg14: memref<!tpu.dma_semaphore, #tpu.memory_space<semaphore_mem>>) attributes {dimension_semantics = [#tpu.dimension_semantics<core_parallel>, #tpu.dimension_semantics<subcore_parallel>], iteration_bounds = array<i64: 2, 16>, scalar_prefetch = 0 : i64, scratch_operands = 8 : i64, tpu.core_type = #tpu.core_type<sc_vector_subcore>, window_params = [{transform_indices = #map}, {transform_indices = #map}, {transform_indices = #map}, {transform_indices = #map}, {transform_indices = #map}]} {
    %mul3A = arith.constant 5120 : i32
    %mul3A_0 = arith.muli %arg0, %mul3A : i32
    "tpu.region"() ({
      %run_scoped3A = tpu.sem_alloc : memref<!tpu.dma_semaphore, #tpu.memory_space<semaphore_mem>>
      tpu.enqueue_dma source(%arg5 : memref<64x128xf32, #tpu.memory_space<hbm>>) target(%arg11 : memref<64x128xf32, #tpu.memory_space<vmem>>) target_semaphore(%run_scoped3A : memref<!tpu.dma_semaphore, #tpu.memory_space<semaphore_mem>>)
      tpu.wait_dma2 semaphore(%run_scoped3A : memref<!tpu.dma_semaphore, #tpu.memory_space<semaphore_mem>>) src(%arg5 : memref<64x128xf32, #tpu.memory_space<hbm>>) dst(%arg11 : memref<64x128xf32, #tpu.memory_space<vmem>>)
      tpu.yield
    }) : () -> ()
    %mul3A_1 = arith.constant 320 : i32
    %mul3A_2 = arith.muli %arg1, %mul3A_1 : i32
    %add3A = arith.constant 0 : i32
    %add3A_3 = arith.addi %mul3A_2, %add3A : i32
    "tpu.region"() ({
      %run_scoped3A = tpu.sem_alloc : memref<!tpu.dma_semaphore, #tpu.memory_space<semaphore_mem>>
      %dma_start3A_56 = arith.constant 0 : i32
      %dma_start3A_57 = arith.constant 0 : i32
      %dma_start3A_58 = tpu.memref_slice %arg11[%dma_start3A_56, %dma_start3A_57] : memref<64x128xf32, #tpu.memory_space<vmem>> -> memref<64x128xf32, #tpu.memory_space<vmem>>
      %dma_start3A_59 = arith.constant 0 : i32
      %dma_start3A_60 = tpu.memref_slice %arg12[%add3A_3, %dma_start3A_59] : memref<5136x128xf32, #tpu.memory_space<vmem_shared>> -> memref<64x128xf32, #tpu.memory_space<vmem_shared>>
      %dma_start3A_61 = arith.constant 0 : i32
      %dma_start3A_62 = tpu.memref_slice %arg12[%add3A_3, %dma_start3A_61] : memref<5136x128xf32, #tpu.memory_space<vmem_shared>> -> memref<64x128xf32, #tpu.memory_space<vmem_shared>>
      %dma_start3A_63 = arith.constant 0 : i32
      %dma_start3A_64 = arith.constant 0 : i32
      %dma_start3A_65 = tpu.memref_slice %arg11[%dma_start3A_63, %dma_start3A_64] : memref<64x128xf32, #tpu.memory_space<vmem>> -> memref<64x128xf32, #tpu.memory_space<vmem>>
      tpu.enqueue_dma source(%dma_start3A_65 : memref<64x128xf32, #tpu.memory_space<vmem>>) target(%dma_start3A_62 : memref<64x128xf32, #tpu.memory_space<vmem_shared>>) target_semaphore(%run_scoped3A : memref<!tpu.dma_semaphore, #tpu.memory_space<semaphore_mem>>)
      %dma_wait3A = arith.constant 0 : i32
      %dma_wait3A_66 = arith.constant 0 : i32
      %dma_wait3A_67 = tpu.memref_slice %arg11[%dma_wait3A, %dma_wait3A_66] : memref<64x128xf32, #tpu.memory_space<vmem>> -> memref<64x128xf32, #tpu.memory_space<vmem>>
      %dma_wait3A_68 = arith.constant 0 : i32
      %dma_wait3A_69 = tpu.memref_slice %arg12[%add3A_3, %dma_wait3A_68] : memref<5136x128xf32, #tpu.memory_space<vmem_shared>> -> memref<64x128xf32, #tpu.memory_space<vmem_shared>>
      %dma_wait3A_70 = arith.constant 0 : i32
      %dma_wait3A_71 = tpu.memref_slice %arg12[%add3A_3, %dma_wait3A_70] : memref<5136x128xf32, #tpu.memory_space<vmem_shared>> -> memref<64x128xf32, #tpu.memory_space<vmem_shared>>
      %dma_wait3A_72 = arith.constant 0 : i32
      %dma_wait3A_73 = arith.constant 0 : i32
      %dma_wait3A_74 = tpu.memref_slice %arg11[%dma_wait3A_72, %dma_wait3A_73] : memref<64x128xf32, #tpu.memory_space<vmem>> -> memref<64x128xf32, #tpu.memory_space<vmem>>
      tpu.wait_dma2 semaphore(%run_scoped3A : memref<!tpu.dma_semaphore, #tpu.memory_space<semaphore_mem>>) src(%dma_wait3A_74 : memref<64x128xf32, #tpu.memory_space<vmem>>) dst(%dma_wait3A_71 : memref<64x128xf32, #tpu.memory_space<vmem_shared>>)
      tpu.yield
    }) : () -> ()
    %mul3A_4 = arith.constant 320 : i32
    %mul3A_5 = arith.muli %arg1, %mul3A_4 : i32
    %add3A_6 = arith.constant 64 : i32
    %add3A_7 = arith.addi %mul3A_5, %add3A_6 : i32
    "tpu.region"() ({
      %run_scoped3A = tpu.sem_alloc : memref<!tpu.dma_semaphore, #tpu.memory_space<semaphore_mem>>
      %dma_start3A_56 = arith.constant 0 : i32
      %dma_start3A_57 = arith.constant 0 : i32
      %dma_start3A_58 = tpu.memref_slice %arg11[%dma_start3A_56, %dma_start3A_57] : memref<64x128xf32, #tpu.memory_space<vmem>> -> memref<64x128xf32, #tpu.memory_space<vmem>>
      %dma_start3A_59 = arith.constant 0 : i32
      %dma_start3A_60 = tpu.memref_slice %arg12[%add3A_7, %dma_start3A_59] : memref<5136x128xf32, #tpu.memory_space<vmem_shared>> -> memref<64x128xf32, #tpu.memory_space<vmem_shared>>
      %dma_start3A_61 = arith.constant 0 : i32
      %dma_start3A_62 = tpu.memref_slice %arg12[%add3A_7, %dma_start3A_61] : memref<5136x128xf32, #tpu.memory_space<vmem_shared>> -> memref<64x128xf32, #tpu.memory_space<vmem_shared>>
      %dma_start3A_63 = arith.constant 0 : i32
      %dma_start3A_64 = arith.constant 0 : i32
      %dma_start3A_65 = tpu.memref_slice %arg11[%dma_start3A_63, %dma_start3A_64] : memref<64x128xf32, #tpu.memory_space<vmem>> -> memref<64x128xf32, #tpu.memory_space<vmem>>
      tpu.enqueue_dma source(%dma_start3A_65 : memref<64x128xf32, #tpu.memory_space<vmem>>) target(%dma_start3A_62 : memref<64x128xf32, #tpu.memory_space<vmem_shared>>) target_semaphore(%run_scoped3A : memref<!tpu.dma_semaphore, #tpu.memory_space<semaphore_mem>>)
      %dma_wait3A = arith.constant 0 : i32
      %dma_wait3A_66 = arith.constant 0 : i32
      %dma_wait3A_67 = tpu.memref_slice %arg11[%dma_wait3A, %dma_wait3A_66] : memref<64x128xf32, #tpu.memory_space<vmem>> -> memref<64x128xf32, #tpu.memory_space<vmem>>
      %dma_wait3A_68 = arith.constant 0 : i32
      %dma_wait3A_69 = tpu.memref_slice %arg12[%add3A_7, %dma_wait3A_68] : memref<5136x128xf32, #tpu.memory_space<vmem_shared>> -> memref<64x128xf32, #tpu.memory_space<vmem_shared>>
      %dma_wait3A_70 = arith.constant 0 : i32
      %dma_wait3A_71 = tpu.memref_slice %arg12[%add3A_7, %dma_wait3A_70] : memref<5136x128xf32, #tpu.memory_space<vmem_shared>> -> memref<64x128xf32, #tpu.memory_space<vmem_shared>>
      %dma_wait3A_72 = arith.constant 0 : i32
      %dma_wait3A_73 = arith.constant 0 : i32
      %dma_wait3A_74 = tpu.memref_slice %arg11[%dma_wait3A_72, %dma_wait3A_73] : memref<64x128xf32, #tpu.memory_space<vmem>> -> memref<64x128xf32, #tpu.memory_space<vmem>>
      tpu.wait_dma2 semaphore(%run_scoped3A : memref<!tpu.dma_semaphore, #tpu.memory_space<semaphore_mem>>) src(%dma_wait3A_74 : memref<64x128xf32, #tpu.memory_space<vmem>>) dst(%dma_wait3A_71 : memref<64x128xf32, #tpu.memory_space<vmem_shared>>)
      tpu.yield
    }) : () -> ()
    %mul3A_8 = arith.constant 320 : i32
    %mul3A_9 = arith.muli %arg1, %mul3A_8 : i32
    %add3A_10 = arith.constant 128 : i32
    %add3A_11 = arith.addi %mul3A_9, %add3A_10 : i32
    "tpu.region"() ({
      %run_scoped3A = tpu.sem_alloc : memref<!tpu.dma_semaphore, #tpu.memory_space<semaphore_mem>>
      %dma_start3A_56 = arith.constant 0 : i32
      %dma_start3A_57 = arith.constant 0 : i32
      %dma_start3A_58 = tpu.memref_slice %arg11[%dma_start3A_56, %dma_start3A_57] : memref<64x128xf32, #tpu.memory_space<vmem>> -> memref<64x128xf32, #tpu.memory_space<vmem>>
      %dma_start3A_59 = arith.constant 0 : i32
      %dma_start3A_60 = tpu.memref_slice %arg12[%add3A_11, %dma_start3A_59] : memref<5136x128xf32, #tpu.memory_space<vmem_shared>> -> memref<64x128xf32, #tpu.memory_space<vmem_shared>>
      %dma_start3A_61 = arith.constant 0 : i32
      %dma_start3A_62 = tpu.memref_slice %arg12[%add3A_11, %dma_start3A_61] : memref<5136x128xf32, #tpu.memory_space<vmem_shared>> -> memref<64x128xf32, #tpu.memory_space<vmem_shared>>
      %dma_start3A_63 = arith.constant 0 : i32
      %dma_start3A_64 = arith.constant 0 : i32
      %dma_start3A_65 = tpu.memref_slice %arg11[%dma_start3A_63, %dma_start3A_64] : memref<64x128xf32, #tpu.memory_space<vmem>> -> memref<64x128xf32, #tpu.memory_space<vmem>>
      tpu.enqueue_dma source(%dma_start3A_65 : memref<64x128xf32, #tpu.memory_space<vmem>>) target(%dma_start3A_62 : memref<64x128xf32, #tpu.memory_space<vmem_shared>>) target_semaphore(%run_scoped3A : memref<!tpu.dma_semaphore, #tpu.memory_space<semaphore_mem>>)
      %dma_wait3A = arith.constant 0 : i32
      %dma_wait3A_66 = arith.constant 0 : i32
      %dma_wait3A_67 = tpu.memref_slice %arg11[%dma_wait3A, %dma_wait3A_66] : memref<64x128xf32, #tpu.memory_space<vmem>> -> memref<64x128xf32, #tpu.memory_space<vmem>>
      %dma_wait3A_68 = arith.constant 0 : i32
      %dma_wait3A_69 = tpu.memref_slice %arg12[%add3A_11, %dma_wait3A_68] : memref<5136x128xf32, #tpu.memory_space<vmem_shared>> -> memref<64x128xf32, #tpu.memory_space<vmem_shared>>
      %dma_wait3A_70 = arith.constant 0 : i32
      %dma_wait3A_71 = tpu.memref_slice %arg12[%add3A_11, %dma_wait3A_70] : memref<5136x128xf32, #tpu.memory_space<vmem_shared>> -> memref<64x128xf32, #tpu.memory_space<vmem_shared>>
      %dma_wait3A_72 = arith.constant 0 : i32
      %dma_wait3A_73 = arith.constant 0 : i32
      %dma_wait3A_74 = tpu.memref_slice %arg11[%dma_wait3A_72, %dma_wait3A_73] : memref<64x128xf32, #tpu.memory_space<vmem>> -> memref<64x128xf32, #tpu.memory_space<vmem>>
      tpu.wait_dma2 semaphore(%run_scoped3A : memref<!tpu.dma_semaphore, #tpu.memory_space<semaphore_mem>>) src(%dma_wait3A_74 : memref<64x128xf32, #tpu.memory_space<vmem>>) dst(%dma_wait3A_71 : memref<64x128xf32, #tpu.memory_space<vmem_shared>>)
      tpu.yield
    }) : () -> ()
    %mul3A_12 = arith.constant 320 : i32
    %mul3A_13 = arith.muli %arg1, %mul3A_12 : i32
    %add3A_14 = arith.constant 192 : i32
    %add3A_15 = arith.addi %mul3A_13, %add3A_14 : i32
    "tpu.region"() ({
      %run_scoped3A = tpu.sem_alloc : memref<!tpu.dma_semaphore, #tpu.memory_space<semaphore_mem>>
      %dma_start3A_56 = arith.constant 0 : i32
      %dma_start3A_57 = arith.constant 0 : i32
      %dma_start3A_58 = tpu.memref_slice %arg11[%dma_start3A_56, %dma_start3A_57] : memref<64x128xf32, #tpu.memory_space<vmem>> -> memref<64x128xf32, #tpu.memory_space<vmem>>
      %dma_start3A_59 = arith.constant 0 : i32
      %dma_start3A_60 = tpu.memref_slice %arg12[%add3A_15, %dma_start3A_59] : memref<5136x128xf32, #tpu.memory_space<vmem_shared>> -> memref<64x128xf32, #tpu.memory_space<vmem_shared>>
      %dma_start3A_61 = arith.constant 0 : i32
      %dma_start3A_62 = tpu.memref_slice %arg12[%add3A_15, %dma_start3A_61] : memref<5136x128xf32, #tpu.memory_space<vmem_shared>> -> memref<64x128xf32, #tpu.memory_space<vmem_shared>>
      %dma_start3A_63 = arith.constant 0 : i32
      %dma_start3A_64 = arith.constant 0 : i32
      %dma_start3A_65 = tpu.memref_slice %arg11[%dma_start3A_63, %dma_start3A_64] : memref<64x128xf32, #tpu.memory_space<vmem>> -> memref<64x128xf32, #tpu.memory_space<vmem>>
      tpu.enqueue_dma source(%dma_start3A_65 : memref<64x128xf32, #tpu.memory_space<vmem>>) target(%dma_start3A_62 : memref<64x128xf32, #tpu.memory_space<vmem_shared>>) target_semaphore(%run_scoped3A : memref<!tpu.dma_semaphore, #tpu.memory_space<semaphore_mem>>)
      %dma_wait3A = arith.constant 0 : i32
      %dma_wait3A_66 = arith.constant 0 : i32
      %dma_wait3A_67 = tpu.memref_slice %arg11[%dma_wait3A, %dma_wait3A_66] : memref<64x128xf32, #tpu.memory_space<vmem>> -> memref<64x128xf32, #tpu.memory_space<vmem>>
      %dma_wait3A_68 = arith.constant 0 : i32
      %dma_wait3A_69 = tpu.memref_slice %arg12[%add3A_15, %dma_wait3A_68] : memref<5136x128xf32, #tpu.memory_space<vmem_shared>> -> memref<64x128xf32, #tpu.memory_space<vmem_shared>>
      %dma_wait3A_70 = arith.constant 0 : i32
      %dma_wait3A_71 = tpu.memref_slice %arg12[%add3A_15, %dma_wait3A_70] : memref<5136x128xf32, #tpu.memory_space<vmem_shared>> -> memref<64x128xf32, #tpu.memory_space<vmem_shared>>
      %dma_wait3A_72 = arith.constant 0 : i32
      %dma_wait3A_73 = arith.constant 0 : i32
      %dma_wait3A_74 = tpu.memref_slice %arg11[%dma_wait3A_72, %dma_wait3A_73] : memref<64x128xf32, #tpu.memory_space<vmem>> -> memref<64x128xf32, #tpu.memory_space<vmem>>
      tpu.wait_dma2 semaphore(%run_scoped3A : memref<!tpu.dma_semaphore, #tpu.memory_space<semaphore_mem>>) src(%dma_wait3A_74 : memref<64x128xf32, #tpu.memory_space<vmem>>) dst(%dma_wait3A_71 : memref<64x128xf32, #tpu.memory_space<vmem_shared>>)
      tpu.yield
    }) : () -> ()
    %mul3A_16 = arith.constant 320 : i32
    %mul3A_17 = arith.muli %arg1, %mul3A_16 : i32
    %add3A_18 = arith.constant 256 : i32
    %add3A_19 = arith.addi %mul3A_17, %add3A_18 : i32
    "tpu.region"() ({
      %run_scoped3A = tpu.sem_alloc : memref<!tpu.dma_semaphore, #tpu.memory_space<semaphore_mem>>
      %dma_start3A_56 = arith.constant 0 : i32
      %dma_start3A_57 = arith.constant 0 : i32
      %dma_start3A_58 = tpu.memref_slice %arg11[%dma_start3A_56, %dma_start3A_57] : memref<64x128xf32, #tpu.memory_space<vmem>> -> memref<64x128xf32, #tpu.memory_space<vmem>>
      %dma_start3A_59 = arith.constant 0 : i32
      %dma_start3A_60 = tpu.memref_slice %arg12[%add3A_19, %dma_start3A_59] : memref<5136x128xf32, #tpu.memory_space<vmem_shared>> -> memref<64x128xf32, #tpu.memory_space<vmem_shared>>
      %dma_start3A_61 = arith.constant 0 : i32
      %dma_start3A_62 = tpu.memref_slice %arg12[%add3A_19, %dma_start3A_61] : memref<5136x128xf32, #tpu.memory_space<vmem_shared>> -> memref<64x128xf32, #tpu.memory_space<vmem_shared>>
      %dma_start3A_63 = arith.constant 0 : i32
      %dma_start3A_64 = arith.constant 0 : i32
      %dma_start3A_65 = tpu.memref_slice %arg11[%dma_start3A_63, %dma_start3A_64] : memref<64x128xf32, #tpu.memory_space<vmem>> -> memref<64x128xf32, #tpu.memory_space<vmem>>
      tpu.enqueue_dma source(%dma_start3A_65 : memref<64x128xf32, #tpu.memory_space<vmem>>) target(%dma_start3A_62 : memref<64x128xf32, #tpu.memory_space<vmem_shared>>) target_semaphore(%run_scoped3A : memref<!tpu.dma_semaphore, #tpu.memory_space<semaphore_mem>>)
      %dma_wait3A = arith.constant 0 : i32
      %dma_wait3A_66 = arith.constant 0 : i32
      %dma_wait3A_67 = tpu.memref_slice %arg11[%dma_wait3A, %dma_wait3A_66] : memref<64x128xf32, #tpu.memory_space<vmem>> -> memref<64x128xf32, #tpu.memory_space<vmem>>
      %dma_wait3A_68 = arith.constant 0 : i32
      %dma_wait3A_69 = tpu.memref_slice %arg12[%add3A_19, %dma_wait3A_68] : memref<5136x128xf32, #tpu.memory_space<vmem_shared>> -> memref<64x128xf32, #tpu.memory_space<vmem_shared>>
      %dma_wait3A_70 = arith.constant 0 : i32
      %dma_wait3A_71 = tpu.memref_slice %arg12[%add3A_19, %dma_wait3A_70] : memref<5136x128xf32, #tpu.memory_space<vmem_shared>> -> memref<64x128xf32, #tpu.memory_space<vmem_shared>>
      %dma_wait3A_72 = arith.constant 0 : i32
      %dma_wait3A_73 = arith.constant 0 : i32
      %dma_wait3A_74 = tpu.memref_slice %arg11[%dma_wait3A_72, %dma_wait3A_73] : memref<64x128xf32, #tpu.memory_space<vmem>> -> memref<64x128xf32, #tpu.memory_space<vmem>>
      tpu.wait_dma2 semaphore(%run_scoped3A : memref<!tpu.dma_semaphore, #tpu.memory_space<semaphore_mem>>) src(%dma_wait3A_74 : memref<64x128xf32, #tpu.memory_space<vmem>>) dst(%dma_wait3A_71 : memref<64x128xf32, #tpu.memory_space<vmem_shared>>)
      tpu.yield
    }) : () -> ()
    %eq3A = arith.constant 15 : i32
    %eq3A_20 = arith.cmpi eq, %arg1, %eq3A : i32
    %convert_element_type3A = arith.extui %eq3A_20 : i1 to i32
    %cond3A = arith.constant 0 : i32
    %cond3A_21 = arith.cmpi ne, %convert_element_type3A, %cond3A : i32
    scf.if %cond3A_21 {
      "tpu.region"() ({
        %run_scoped3A = tpu.sem_alloc : memref<!tpu.dma_semaphore, #tpu.memory_space<semaphore_mem>>
        %dma_start3A_56 = arith.constant 0 : i32
        %dma_start3A_57 = arith.constant 0 : i32
        %dma_start3A_58 = tpu.memref_slice %arg11[%dma_start3A_56, %dma_start3A_57] : memref<64x128xf32, #tpu.memory_space<vmem>> -> memref<16x128xf32, #tpu.memory_space<vmem>>
        %dma_start3A_59 = arith.constant 5120 : i32
        %dma_start3A_60 = arith.constant 0 : i32
        %dma_start3A_61 = tpu.memref_slice %arg12[%dma_start3A_59, %dma_start3A_60] : memref<5136x128xf32, #tpu.memory_space<vmem_shared>> -> memref<16x128xf32, #tpu.memory_space<vmem_shared>>
        %dma_start3A_62 = arith.constant 5120 : i32
        %dma_start3A_63 = arith.constant 0 : i32
        %dma_start3A_64 = tpu.memref_slice %arg12[%dma_start3A_62, %dma_start3A_63] : memref<5136x128xf32, #tpu.memory_space<vmem_shared>> -> memref<16x128xf32, #tpu.memory_space<vmem_shared>>
        %dma_start3A_65 = arith.constant 0 : i32
        %dma_start3A_66 = arith.constant 0 : i32
        %dma_start3A_67 = tpu.memref_slice %arg11[%dma_start3A_65, %dma_start3A_66] : memref<64x128xf32, #tpu.memory_space<vmem>> -> memref<16x128xf32, #tpu.memory_space<vmem>>
        tpu.enqueue_dma source(%dma_start3A_67 : memref<16x128xf32, #tpu.memory_space<vmem>>) target(%dma_start3A_64 : memref<16x128xf32, #tpu.memory_space<vmem_shared>>) target_semaphore(%run_scoped3A : memref<!tpu.dma_semaphore, #tpu.memory_space<semaphore_mem>>)
        %dma_wait3A = arith.constant 0 : i32
        %dma_wait3A_68 = arith.constant 0 : i32
        %dma_wait3A_69 = tpu.memref_slice %arg11[%dma_wait3A, %dma_wait3A_68] : memref<64x128xf32, #tpu.memory_space<vmem>> -> memref<16x128xf32, #tpu.memory_space<vmem>>
        %dma_wait3A_70 = arith.constant 5120 : i32
        %dma_wait3A_71 = arith.constant 0 : i32
        %dma_wait3A_72 = tpu.memref_slice %arg12[%dma_wait3A_70, %dma_wait3A_71] : memref<5136x128xf32, #tpu.memory_space<vmem_shared>> -> memref<16x128xf32, #tpu.memory_space<vmem_shared>>
        %dma_wait3A_73 = arith.constant 5120 : i32
        %dma_wait3A_74 = arith.constant 0 : i32
        %dma_wait3A_75 = tpu.memref_slice %arg12[%dma_wait3A_73, %dma_wait3A_74] : memref<5136x128xf32, #tpu.memory_space<vmem_shared>> -> memref<16x128xf32, #tpu.memory_space<vmem_shared>>
        %dma_wait3A_76 = arith.constant 0 : i32
        %dma_wait3A_77 = arith.constant 0 : i32
        %dma_wait3A_78 = tpu.memref_slice %arg11[%dma_wait3A_76, %dma_wait3A_77] : memref<64x128xf32, #tpu.memory_space<vmem>> -> memref<16x128xf32, #tpu.memory_space<vmem>>
        tpu.wait_dma2 semaphore(%run_scoped3A : memref<!tpu.dma_semaphore, #tpu.memory_space<semaphore_mem>>) src(%dma_wait3A_78 : memref<16x128xf32, #tpu.memory_space<vmem>>) dst(%dma_wait3A_75 : memref<16x128xf32, #tpu.memory_space<vmem_shared>>)
        tpu.yield
      }) : () -> ()
    } else {
    }
    %mul3A_22 = arith.constant 160 : i32
    %mul3A_23 = arith.muli %arg1, %mul3A_22 : i32
    "tpu.region"() ({
      %run_scoped3A = tpu.sem_alloc : memref<!tpu.dma_semaphore, #tpu.memory_space<semaphore_mem>>
      %dma_start3A_56 = arith.constant 0 : i32
      %dma_start3A_57 = tpu.memref_slice %arg3[%mul3A_23, %dma_start3A_56] : memref<2560x128xi32, #tpu.memory_space<hbm>> -> memref<160x128xi32, #tpu.memory_space<hbm>>
      %dma_start3A_58 = arith.constant 0 : i32
      %dma_start3A_59 = tpu.memref_slice %arg3[%mul3A_23, %dma_start3A_58] : memref<2560x128xi32, #tpu.memory_space<hbm>> -> memref<160x128xi32, #tpu.memory_space<hbm>>
      tpu.enqueue_dma source(%dma_start3A_59 : memref<160x128xi32, #tpu.memory_space<hbm>>) target(%arg7 : memref<160x128xi32, #tpu.memory_space<vmem>>) target_semaphore(%run_scoped3A : memref<!tpu.dma_semaphore, #tpu.memory_space<semaphore_mem>>)
      %dma_wait3A = arith.constant 0 : i32
      %dma_wait3A_60 = tpu.memref_slice %arg3[%mul3A_23, %dma_wait3A] : memref<2560x128xi32, #tpu.memory_space<hbm>> -> memref<160x128xi32, #tpu.memory_space<hbm>>
      %dma_wait3A_61 = arith.constant 0 : i32
      %dma_wait3A_62 = tpu.memref_slice %arg3[%mul3A_23, %dma_wait3A_61] : memref<2560x128xi32, #tpu.memory_space<hbm>> -> memref<160x128xi32, #tpu.memory_space<hbm>>
      tpu.wait_dma2 semaphore(%run_scoped3A : memref<!tpu.dma_semaphore, #tpu.memory_space<semaphore_mem>>) src(%dma_wait3A_62 : memref<160x128xi32, #tpu.memory_space<hbm>>) dst(%arg7 : memref<160x128xi32, #tpu.memory_space<vmem>>)
      tpu.yield
    }) : () -> ()
    %mul3A_24 = arith.constant 160 : i32
    %mul3A_25 = arith.muli %arg1, %mul3A_24 : i32
    "tpu.region"() ({
      %run_scoped3A = tpu.sem_alloc : memref<!tpu.dma_semaphore, #tpu.memory_space<semaphore_mem>>
      %dma_start3A_56 = arith.constant 0 : i32
      %dma_start3A_57 = tpu.memref_slice %arg4[%mul3A_25, %dma_start3A_56] : memref<2560x128xi32, #tpu.memory_space<hbm>> -> memref<160x128xi32, #tpu.memory_space<hbm>>
      %dma_start3A_58 = arith.constant 0 : i32
      %dma_start3A_59 = tpu.memref_slice %arg4[%mul3A_25, %dma_start3A_58] : memref<2560x128xi32, #tpu.memory_space<hbm>> -> memref<160x128xi32, #tpu.memory_space<hbm>>
      tpu.enqueue_dma source(%dma_start3A_59 : memref<160x128xi32, #tpu.memory_space<hbm>>) target(%arg8 : memref<160x128xi32, #tpu.memory_space<vmem>>) target_semaphore(%run_scoped3A : memref<!tpu.dma_semaphore, #tpu.memory_space<semaphore_mem>>)
      %dma_wait3A = arith.constant 0 : i32
      %dma_wait3A_60 = tpu.memref_slice %arg4[%mul3A_25, %dma_wait3A] : memref<2560x128xi32, #tpu.memory_space<hbm>> -> memref<160x128xi32, #tpu.memory_space<hbm>>
      %dma_wait3A_61 = arith.constant 0 : i32
      %dma_wait3A_62 = tpu.memref_slice %arg4[%mul3A_25, %dma_wait3A_61] : memref<2560x128xi32, #tpu.memory_space<hbm>> -> memref<160x128xi32, #tpu.memory_space<hbm>>
      tpu.wait_dma2 semaphore(%run_scoped3A : memref<!tpu.dma_semaphore, #tpu.memory_space<semaphore_mem>>) src(%dma_wait3A_62 : memref<160x128xi32, #tpu.memory_space<hbm>>) dst(%arg8 : memref<160x128xi32, #tpu.memory_space<vmem>>)
      tpu.yield
    }) : () -> ()
    %scan3A = arith.constant 0 : i32
    %scan3A_26 = arith.constant 0 : i32
    %scan3A_27 = arith.constant 160 : i32
    %scan3A_28 = arith.addi %scan3A_26, %scan3A_27 : i32
    %scan3A_29 = arith.constant 1 : i32
    scf.for %scan3A_56 = %scan3A_26 to %scan3A_28 step %scan3A_29  : i32 {
      %get3A = arith.index_cast %scan3A_56 : i32 to index
      %get3A_57 = arith.constant 0 : index
      %get3A_58 = tpu.vector_load %arg8[%get3A, %get3A_57] {strides = array<i32>} : memref<160x128xi32, #tpu.memory_space<vmem>>, vector<1x16xi32>,
      %get3A_59 = vector.shape_cast %get3A_58 : vector<1x16xi32> to vector<16xi32>
      %sub3A = vector.broadcast %mul3A_0 : i32 to vector<16xi32>
      %sub3A_60 = arith.subi %get3A_59, %sub3A : vector<16xi32>
      %ge3A = vector.broadcast %mul3A_0 : i32 to vector<16xi32>
      %ge3A_61 = arith.cmpi sge, %get3A_59, %ge3A : vector<16xi32>
      %lt3A = arith.constant 5120 : i32
      %lt3A_62 = vector.broadcast %lt3A : i32 to vector<16xi32>
      %lt3A_63 = arith.cmpi slt, %sub3A_60, %lt3A_62 : vector<16xi32>
      %and3A = arith.andi %ge3A_61, %lt3A_63 : vector<16xi1>
      %add3A_64 = arith.constant 5120 : i32
      %add3A_65 = arith.addi %add3A_64, %arg1 : i32
      %broadcast_in_dim3A = vector.broadcast %add3A_65 : i32 to vector<16xi32>
      %select_n3A = arith.select %and3A, %sub3A_60, %broadcast_in_dim3A : vector<16xi1>, vector<16xi32>
      %swap3A = arith.index_cast %scan3A_56 : i32 to index
      %swap3A_66 = arith.constant 0 : index
      %swap3A_67 = tpu.vector_load %arg8[%swap3A, %swap3A_66] {strides = array<i32>} : memref<160x128xi32, #tpu.memory_space<vmem>>, vector<1x16xi32>,
      %swap3A_68 = vector.shape_cast %swap3A_67 : vector<1x16xi32> to vector<16xi32>
      %swap3A_69 = vector.shape_cast %select_n3A : vector<16xi32> to vector<1x16xi32>
      tpu.vector_store %arg8[%swap3A, %swap3A_66], %swap3A_69 {strides = array<i32>} : memref<160x128xi32, #tpu.memory_space<vmem>>, vector<1x16xi32>,
      %get3A_70 = arith.index_cast %scan3A_56 : i32 to index
      %get3A_71 = arith.constant 16 : index
      %get3A_72 = tpu.vector_load %arg8[%get3A_70, %get3A_71] {strides = array<i32>} : memref<160x128xi32, #tpu.memory_space<vmem>>, vector<1x16xi32>,
      %get3A_73 = vector.shape_cast %get3A_72 : vector<1x16xi32> to vector<16xi32>
      %sub3A_74 = vector.broadcast %mul3A_0 : i32 to vector<16xi32>
      %sub3A_75 = arith.subi %get3A_73, %sub3A_74 : vector<16xi32>
      %ge3A_76 = vector.broadcast %mul3A_0 : i32 to vector<16xi32>
      %ge3A_77 = arith.cmpi sge, %get3A_73, %ge3A_76 : vector<16xi32>
      %lt3A_78 = arith.constant 5120 : i32
      %lt3A_79 = vector.broadcast %lt3A_78 : i32 to vector<16xi32>
      %lt3A_80 = arith.cmpi slt, %sub3A_75, %lt3A_79 : vector<16xi32>
      %and3A_81 = arith.andi %ge3A_77, %lt3A_80 : vector<16xi1>
      %add3A_82 = arith.constant 5120 : i32
      %add3A_83 = arith.addi %add3A_82, %arg1 : i32
      %broadcast_in_dim3A_84 = vector.broadcast %add3A_83 : i32 to vector<16xi32>
      %select_n3A_85 = arith.select %and3A_81, %sub3A_75, %broadcast_in_dim3A_84 : vector<16xi1>, vector<16xi32>
      %swap3A_86 = arith.index_cast %scan3A_56 : i32 to index
      %swap3A_87 = arith.constant 16 : index
      %swap3A_88 = tpu.vector_load %arg8[%swap3A_86, %swap3A_87] {strides = array<i32>} : memref<160x128xi32, #tpu.memory_space<vmem>>, vector<1x16xi32>,
      %swap3A_89 = vector.shape_cast %swap3A_88 : vector<1x16xi32> to vector<16xi32>
      %swap3A_90 = vector.shape_cast %select_n3A_85 : vector<16xi32> to vector<1x16xi32>
      tpu.vector_store %arg8[%swap3A_86, %swap3A_87], %swap3A_90 {strides = array<i32>} : memref<160x128xi32, #tpu.memory_space<vmem>>, vector<1x16xi32>,
      %get3A_91 = arith.index_cast %scan3A_56 : i32 to index
      %get3A_92 = arith.constant 32 : index
      %get3A_93 = tpu.vector_load %arg8[%get3A_91, %get3A_92] {strides = array<i32>} : memref<160x128xi32, #tpu.memory_space<vmem>>, vector<1x16xi32>,
      %get3A_94 = vector.shape_cast %get3A_93 : vector<1x16xi32> to vector<16xi32>
      %sub3A_95 = vector.broadcast %mul3A_0 : i32 to vector<16xi32>
      %sub3A_96 = arith.subi %get3A_94, %sub3A_95 : vector<16xi32>
      %ge3A_97 = vector.broadcast %mul3A_0 : i32 to vector<16xi32>
      %ge3A_98 = arith.cmpi sge, %get3A_94, %ge3A_97 : vector<16xi32>
      %lt3A_99 = arith.constant 5120 : i32
      %lt3A_100 = vector.broadcast %lt3A_99 : i32 to vector<16xi32>
      %lt3A_101 = arith.cmpi slt, %sub3A_96, %lt3A_100 : vector<16xi32>
      %and3A_102 = arith.andi %ge3A_98, %lt3A_101 : vector<16xi1>
      %add3A_103 = arith.constant 5120 : i32
      %add3A_104 = arith.addi %add3A_103, %arg1 : i32
      %broadcast_in_dim3A_105 = vector.broadcast %add3A_104 : i32 to vector<16xi32>
      %select_n3A_106 = arith.select %and3A_102, %sub3A_96, %broadcast_in_dim3A_105 : vector<16xi1>, vector<16xi32>
      %swap3A_107 = arith.index_cast %scan3A_56 : i32 to index
      %swap3A_108 = arith.constant 32 : index
      %swap3A_109 = tpu.vector_load %arg8[%swap3A_107, %swap3A_108] {strides = array<i32>} : memref<160x128xi32, #tpu.memory_space<vmem>>, vector<1x16xi32>,
      %swap3A_110 = vector.shape_cast %swap3A_109 : vector<1x16xi32> to vector<16xi32>
      %swap3A_111 = vector.shape_cast %select_n3A_106 : vector<16xi32> to vector<1x16xi32>
      tpu.vector_store %arg8[%swap3A_107, %swap3A_108], %swap3A_111 {strides = array<i32>} : memref<160x128xi32, #tpu.memory_space<vmem>>, vector<1x16xi32>,
      %get3A_112 = arith.index_cast %scan3A_56 : i32 to index
      %get3A_113 = arith.constant 48 : index
      %get3A_114 = tpu.vector_load %arg8[%get3A_112, %get3A_113] {strides = array<i32>} : memref<160x128xi32, #tpu.memory_space<vmem>>, vector<1x16xi32>,
      %get3A_115 = vector.shape_cast %get3A_114 : vector<1x16xi32> to vector<16xi32>
      %sub3A_116 = vector.broadcast %mul3A_0 : i32 to vector<16xi32>
      %sub3A_117 = arith.subi %get3A_115, %sub3A_116 : vector<16xi32>
      %ge3A_118 = vector.broadcast %mul3A_0 : i32 to vector<16xi32>
      %ge3A_119 = arith.cmpi sge, %get3A_115, %ge3A_118 : vector<16xi32>
      %lt3A_120 = arith.constant 5120 : i32
      %lt3A_121 = vector.broadcast %lt3A_120 : i32 to vector<16xi32>
      %lt3A_122 = arith.cmpi slt, %sub3A_117, %lt3A_121 : vector<16xi32>
      %and3A_123 = arith.andi %ge3A_119, %lt3A_122 : vector<16xi1>
      %add3A_124 = arith.constant 5120 : i32
      %add3A_125 = arith.addi %add3A_124, %arg1 : i32
      %broadcast_in_dim3A_126 = vector.broadcast %add3A_125 : i32 to vector<16xi32>
      %select_n3A_127 = arith.select %and3A_123, %sub3A_117, %broadcast_in_dim3A_126 : vector<16xi1>, vector<16xi32>
      %swap3A_128 = arith.index_cast %scan3A_56 : i32 to index
      %swap3A_129 = arith.constant 48 : index
      %swap3A_130 = tpu.vector_load %arg8[%swap3A_128, %swap3A_129] {strides = array<i32>} : memref<160x128xi32, #tpu.memory_space<vmem>>, vector<1x16xi32>,
      %swap3A_131 = vector.shape_cast %swap3A_130 : vector<1x16xi32> to vector<16xi32>
      %swap3A_132 = vector.shape_cast %select_n3A_127 : vector<16xi32> to vector<1x16xi32>
      tpu.vector_store %arg8[%swap3A_128, %swap3A_129], %swap3A_132 {strides = array<i32>} : memref<160x128xi32, #tpu.memory_space<vmem>>, vector<1x16xi32>,
      %get3A_133 = arith.index_cast %scan3A_56 : i32 to index
      %get3A_134 = arith.constant 64 : index
      %get3A_135 = tpu.vector_load %arg8[%get3A_133, %get3A_134] {strides = array<i32>} : memref<160x128xi32, #tpu.memory_space<vmem>>, vector<1x16xi32>,
      %get3A_136 = vector.shape_cast %get3A_135 : vector<1x16xi32> to vector<16xi32>
      %sub3A_137 = vector.broadcast %mul3A_0 : i32 to vector<16xi32>
      %sub3A_138 = arith.subi %get3A_136, %sub3A_137 : vector<16xi32>
      %ge3A_139 = vector.broadcast %mul3A_0 : i32 to vector<16xi32>
      %ge3A_140 = arith.cmpi sge, %get3A_136, %ge3A_139 : vector<16xi32>
      %lt3A_141 = arith.constant 5120 : i32
      %lt3A_142 = vector.broadcast %lt3A_141 : i32 to vector<16xi32>
      %lt3A_143 = arith.cmpi slt, %sub3A_138, %lt3A_142 : vector<16xi32>
      %and3A_144 = arith.andi %ge3A_140, %lt3A_143 : vector<16xi1>
      %add3A_145 = arith.constant 5120 : i32
      %add3A_146 = arith.addi %add3A_145, %arg1 : i32
      %broadcast_in_dim3A_147 = vector.broadcast %add3A_146 : i32 to vector<16xi32>
      %select_n3A_148 = arith.select %and3A_144, %sub3A_138, %broadcast_in_dim3A_147 : vector<16xi1>, vector<16xi32>
      %swap3A_149 = arith.index_cast %scan3A_56 : i32 to index
      %swap3A_150 = arith.constant 64 : index
      %swap3A_151 = tpu.vector_load %arg8[%swap3A_149, %swap3A_150] {strides = array<i32>} : memref<160x128xi32, #tpu.memory_space<vmem>>, vector<1x16xi32>,
      %swap3A_152 = vector.shape_cast %swap3A_151 : vector<1x16xi32> to vector<16xi32>
      %swap3A_153 = vector.shape_cast %select_n3A_148 : vector<16xi32> to vector<1x16xi32>
      tpu.vector_store %arg8[%swap3A_149, %swap3A_150], %swap3A_153 {strides = array<i32>} : memref<160x128xi32, #tpu.memory_space<vmem>>, vector<1x16xi32>,
      %get3A_154 = arith.index_cast %scan3A_56 : i32 to index
      %get3A_155 = arith.constant 80 : index
      %get3A_156 = tpu.vector_load %arg8[%get3A_154, %get3A_155] {strides = array<i32>} : memref<160x128xi32, #tpu.memory_space<vmem>>, vector<1x16xi32>,
      %get3A_157 = vector.shape_cast %get3A_156 : vector<1x16xi32> to vector<16xi32>
      %sub3A_158 = vector.broadcast %mul3A_0 : i32 to vector<16xi32>
      %sub3A_159 = arith.subi %get3A_157, %sub3A_158 : vector<16xi32>
      %ge3A_160 = vector.broadcast %mul3A_0 : i32 to vector<16xi32>
      %ge3A_161 = arith.cmpi sge, %get3A_157, %ge3A_160 : vector<16xi32>
      %lt3A_162 = arith.constant 5120 : i32
      %lt3A_163 = vector.broadcast %lt3A_162 : i32 to vector<16xi32>
      %lt3A_164 = arith.cmpi slt, %sub3A_159, %lt3A_163 : vector<16xi32>
      %and3A_165 = arith.andi %ge3A_161, %lt3A_164 : vector<16xi1>
      %add3A_166 = arith.constant 5120 : i32
      %add3A_167 = arith.addi %add3A_166, %arg1 : i32
      %broadcast_in_dim3A_168 = vector.broadcast %add3A_167 : i32 to vector<16xi32>
      %select_n3A_169 = arith.select %and3A_165, %sub3A_159, %broadcast_in_dim3A_168 : vector<16xi1>, vector<16xi32>
      %swap3A_170 = arith.index_cast %scan3A_56 : i32 to index
      %swap3A_171 = arith.constant 80 : index
      %swap3A_172 = tpu.vector_load %arg8[%swap3A_170, %swap3A_171] {strides = array<i32>} : memref<160x128xi32, #tpu.memory_space<vmem>>, vector<1x16xi32>,
      %swap3A_173 = vector.shape_cast %swap3A_172 : vector<1x16xi32> to vector<16xi32>
      %swap3A_174 = vector.shape_cast %select_n3A_169 : vector<16xi32> to vector<1x16xi32>
      tpu.vector_store %arg8[%swap3A_170, %swap3A_171], %swap3A_174 {strides = array<i32>} : memref<160x128xi32, #tpu.memory_space<vmem>>, vector<1x16xi32>,
      %get3A_175 = arith.index_cast %scan3A_56 : i32 to index
      %get3A_176 = arith.constant 96 : index
      %get3A_177 = tpu.vector_load %arg8[%get3A_175, %get3A_176] {strides = array<i32>} : memref<160x128xi32, #tpu.memory_space<vmem>>, vector<1x16xi32>,
      %get3A_178 = vector.shape_cast %get3A_177 : vector<1x16xi32> to vector<16xi32>
      %sub3A_179 = vector.broadcast %mul3A_0 : i32 to vector<16xi32>
      %sub3A_180 = arith.subi %get3A_178, %sub3A_179 : vector<16xi32>
      %ge3A_181 = vector.broadcast %mul3A_0 : i32 to vector<16xi32>
      %ge3A_182 = arith.cmpi sge, %get3A_178, %ge3A_181 : vector<16xi32>
      %lt3A_183 = arith.constant 5120 : i32
      %lt3A_184 = vector.broadcast %lt3A_183 : i32 to vector<16xi32>
      %lt3A_185 = arith.cmpi slt, %sub3A_180, %lt3A_184 : vector<16xi32>
      %and3A_186 = arith.andi %ge3A_182, %lt3A_185 : vector<16xi1>
      %add3A_187 = arith.constant 5120 : i32
      %add3A_188 = arith.addi %add3A_187, %arg1 : i32
      %broadcast_in_dim3A_189 = vector.broadcast %add3A_188 : i32 to vector<16xi32>
      %select_n3A_190 = arith.select %and3A_186, %sub3A_180, %broadcast_in_dim3A_189 : vector<16xi1>, vector<16xi32>
      %swap3A_191 = arith.index_cast %scan3A_56 : i32 to index
      %swap3A_192 = arith.constant 96 : index
      %swap3A_193 = tpu.vector_load %arg8[%swap3A_191, %swap3A_192] {strides = array<i32>} : memref<160x128xi32, #tpu.memory_space<vmem>>, vector<1x16xi32>,
      %swap3A_194 = vector.shape_cast %swap3A_193 : vector<1x16xi32> to vector<16xi32>
      %swap3A_195 = vector.shape_cast %select_n3A_190 : vector<16xi32> to vector<1x16xi32>
      tpu.vector_store %arg8[%swap3A_191, %swap3A_192], %swap3A_195 {strides = array<i32>} : memref<160x128xi32, #tpu.memory_space<vmem>>, vector<1x16xi32>,
      %get3A_196 = arith.index_cast %scan3A_56 : i32 to index
      %get3A_197 = arith.constant 112 : index
      %get3A_198 = tpu.vector_load %arg8[%get3A_196, %get3A_197] {strides = array<i32>} : memref<160x128xi32, #tpu.memory_space<vmem>>, vector<1x16xi32>,
      %get3A_199 = vector.shape_cast %get3A_198 : vector<1x16xi32> to vector<16xi32>
      %sub3A_200 = vector.broadcast %mul3A_0 : i32 to vector<16xi32>
      %sub3A_201 = arith.subi %get3A_199, %sub3A_200 : vector<16xi32>
      %ge3A_202 = vector.broadcast %mul3A_0 : i32 to vector<16xi32>
      %ge3A_203 = arith.cmpi sge, %get3A_199, %ge3A_202 : vector<16xi32>
      %lt3A_204 = arith.constant 5120 : i32
      %lt3A_205 = vector.broadcast %lt3A_204 : i32 to vector<16xi32>
      %lt3A_206 = arith.cmpi slt, %sub3A_201, %lt3A_205 : vector<16xi32>
      %and3A_207 = arith.andi %ge3A_203, %lt3A_206 : vector<16xi1>
      %add3A_208 = arith.constant 5120 : i32
      %add3A_209 = arith.addi %add3A_208, %arg1 : i32
      %broadcast_in_dim3A_210 = vector.broadcast %add3A_209 : i32 to vector<16xi32>
      %select_n3A_211 = arith.select %and3A_207, %sub3A_201, %broadcast_in_dim3A_210 : vector<16xi1>, vector<16xi32>
      %swap3A_212 = arith.index_cast %scan3A_56 : i32 to index
      %swap3A_213 = arith.constant 112 : index
      %swap3A_214 = tpu.vector_load %arg8[%swap3A_212, %swap3A_213] {strides = array<i32>} : memref<160x128xi32, #tpu.memory_space<vmem>>, vector<1x16xi32>,
      %swap3A_215 = vector.shape_cast %swap3A_214 : vector<1x16xi32> to vector<16xi32>
      %swap3A_216 = vector.shape_cast %select_n3A_211 : vector<16xi32> to vector<1x16xi32>
      tpu.vector_store %arg8[%swap3A_212, %swap3A_213], %swap3A_216 {strides = array<i32>} : memref<160x128xi32, #tpu.memory_space<vmem>>, vector<1x16xi32>,
    }
    %scan3A_30 = arith.constant 160 : i32
    %barrier3A = arith.constant 0 : index
    tpu.barrier barrier_id(%barrier3A)
    %dma_start3A = arith.constant 0 : i32
    %dma_start3A_31 = arith.constant 0 : i32
    %dma_start3A_32 = tpu.memref_slice %arg7[%dma_start3A, %dma_start3A_31] : memref<160x128xi32, #tpu.memory_space<vmem>> -> memref<1x128xi32, #tpu.memory_space<vmem>>
    %dma_start3A_33 = tpu.memref_squeeze %dma_start3A_32 : memref<1x128xi32, #tpu.memory_space<vmem>> -> memref<128xi32, #tpu.memory_space<vmem>>
    %dma_start3A_34 = arith.constant 0 : i32
    %dma_start3A_35 = arith.constant 0 : i32
    %dma_start3A_36 = tpu.memref_slice %arg2[%dma_start3A_34, %dma_start3A_35] : memref<10240x128xf32, #tpu.memory_space<hbm>> -> memref<10240x128xf32, #tpu.memory_space<hbm>>
    tpu.enqueue_indirect_dma source(%dma_start3A_36 : memref<10240x128xf32, #tpu.memory_space<hbm>>) target(%arg9 : memref<128x128xf32, #tpu.memory_space<vmem>>) offsets(%dma_start3A_33 : memref<128xi32, #tpu.memory_space<vmem>>) semaphore(%arg13 : memref<!tpu.dma_semaphore, #tpu.memory_space<semaphore_mem>>)
    %dma_start3A_37 = arith.constant 1 : i32
    %dma_start3A_38 = arith.constant 0 : i32
    %dma_start3A_39 = tpu.memref_slice %arg7[%dma_start3A_37, %dma_start3A_38] : memref<160x128xi32, #tpu.memory_space<vmem>> -> memref<1x128xi32, #tpu.memory_space<vmem>>
    %dma_start3A_40 = tpu.memref_squeeze %dma_start3A_39 : memref<1x128xi32, #tpu.memory_space<vmem>> -> memref<128xi32, #tpu.memory_space<vmem>>
    %dma_start3A_41 = arith.constant 0 : i32
    %dma_start3A_42 = arith.constant 0 : i32
    %dma_start3A_43 = tpu.memref_slice %arg2[%dma_start3A_41, %dma_start3A_42] : memref<10240x128xf32, #tpu.memory_space<hbm>> -> memref<10240x128xf32, #tpu.memory_space<hbm>>
    tpu.enqueue_indirect_dma source(%dma_start3A_43 : memref<10240x128xf32, #tpu.memory_space<hbm>>) target(%arg10 : memref<128x128xf32, #tpu.memory_space<vmem>>) offsets(%dma_start3A_40 : memref<128xi32, #tpu.memory_space<vmem>>) semaphore(%arg14 : memref<!tpu.dma_semaphore, #tpu.memory_space<semaphore_mem>>)
    %scan3A_44 = arith.constant 0 : i32
    %scan3A_45 = arith.constant 0 : i32
    %scan3A_46 = arith.constant 80 : i32
    %scan3A_47 = arith.addi %scan3A_45, %scan3A_46 : i32
    %scan3A_48 = arith.constant 1 : i32
    scf.for %scan3A_56 = %scan3A_45 to %scan3A_47 step %scan3A_48  : i32 {
      %mul3A_57 = arith.constant 2 : i32
      %mul3A_58 = arith.muli %scan3A_56, %mul3A_57 : i32
      %dma_wait3A = arith.constant 0 : i32
      %dma_wait3A_59 = arith.constant 0 : i32
      %dma_wait3A_60 = tpu.memref_slice %arg7[%dma_wait3A, %dma_wait3A_59] : memref<160x128xi32, #tpu.memory_space<vmem>> -> memref<1x128xi32, #tpu.memory_space<vmem>>
      %dma_wait3A_61 = tpu.memref_squeeze %dma_wait3A_60 : memref<1x128xi32, #tpu.memory_space<vmem>> -> memref<128xi32, #tpu.memory_space<vmem>>
      %dma_wait3A_62 = arith.constant 0 : i32
      %dma_wait3A_63 = arith.constant 0 : i32
      %dma_wait3A_64 = tpu.memref_slice %arg2[%dma_wait3A_62, %dma_wait3A_63] : memref<10240x128xf32, #tpu.memory_space<hbm>> -> memref<10240x128xf32, #tpu.memory_space<hbm>>
      tpu.wait_indirect_dma semaphore(%arg13 : memref<!tpu.dma_semaphore, #tpu.memory_space<semaphore_mem>>) src(%dma_wait3A_64 : memref<10240x128xf32, #tpu.memory_space<hbm>>) dst(%arg9 : memref<128x128xf32, #tpu.memory_space<vmem>>)
      "tpu.region"() ({
        %run_scoped3A = tpu.sem_alloc : memref<!tpu.dma_semaphore, #tpu.memory_space<semaphore_mem>>
        %dma_start3A_87 = arith.constant 0 : i32
        %dma_start3A_88 = tpu.memref_slice %arg8[%mul3A_58, %dma_start3A_87] : memref<160x128xi32, #tpu.memory_space<vmem>> -> memref<1x128xi32, #tpu.memory_space<vmem>>
        %dma_start3A_89 = tpu.memref_squeeze %dma_start3A_88 : memref<1x128xi32, #tpu.memory_space<vmem>> -> memref<128xi32, #tpu.memory_space<vmem>>
        %dma_start3A_90 = arith.constant 0 : i32
        %dma_start3A_91 = arith.constant 0 : i32
        %dma_start3A_92 = tpu.memref_slice %arg12[%dma_start3A_90, %dma_start3A_91] : memref<5136x128xf32, #tpu.memory_space<vmem_shared>> -> memref<5136x128xf32, #tpu.memory_space<vmem_shared>>
        tpu.enqueue_indirect_dma source(%arg9 : memref<128x128xf32, #tpu.memory_space<vmem>>) target(%dma_start3A_92 : memref<5136x128xf32, #tpu.memory_space<vmem_shared>>) offsets(%dma_start3A_89 : memref<128xi32, #tpu.memory_space<vmem>>) semaphore(%run_scoped3A : memref<!tpu.dma_semaphore, #tpu.memory_space<semaphore_mem>>) {add = true}
        %dma_wait3A_93 = arith.constant 0 : i32
        %dma_wait3A_94 = tpu.memref_slice %arg8[%mul3A_58, %dma_wait3A_93] : memref<160x128xi32, #tpu.memory_space<vmem>> -> memref<1x128xi32, #tpu.memory_space<vmem>>
        %dma_wait3A_95 = tpu.memref_squeeze %dma_wait3A_94 : memref<1x128xi32, #tpu.memory_space<vmem>> -> memref<128xi32, #tpu.memory_space<vmem>>
        %dma_wait3A_96 = arith.constant 0 : i32
        %dma_wait3A_97 = arith.constant 0 : i32
        %dma_wait3A_98 = tpu.memref_slice %arg12[%dma_wait3A_96, %dma_wait3A_97] : memref<5136x128xf32, #tpu.memory_space<vmem_shared>> -> memref<5136x128xf32, #tpu.memory_space<vmem_shared>>
        tpu.wait_indirect_dma semaphore(%run_scoped3A : memref<!tpu.dma_semaphore, #tpu.memory_space<semaphore_mem>>) src(%arg9 : memref<128x128xf32, #tpu.memory_space<vmem>>) dst(%dma_wait3A_98 : memref<5136x128xf32, #tpu.memory_space<vmem_shared>>)
        tpu.yield
      }) : () -> ()
      %add3A_65 = arith.constant 2 : i32
      %add3A_66 = arith.addi %mul3A_58, %add3A_65 : i32
      %lt3A = arith.constant 160 : i32
      %lt3A_67 = arith.cmpi slt, %add3A_66, %lt3A : i32
      %convert_element_type3A_68 = arith.extui %lt3A_67 : i1 to i32
      %cond3A_69 = arith.constant 0 : i32
      %cond3A_70 = arith.cmpi ne, %convert_element_type3A_68, %cond3A_69 : i32
      scf.if %cond3A_70 {
        %add3A_87 = arith.constant 2 : i32
        %add3A_88 = arith.addi %mul3A_58, %add3A_87 : i32
        %dma_start3A_89 = arith.constant 0 : i32
        %dma_start3A_90 = tpu.memref_slice %arg7[%add3A_88, %dma_start3A_89] : memref<160x128xi32, #tpu.memory_space<vmem>> -> memref<1x128xi32, #tpu.memory_space<vmem>>
        %dma_start3A_91 = tpu.memref_squeeze %dma_start3A_90 : memref<1x128xi32, #tpu.memory_space<vmem>> -> memref<128xi32, #tpu.memory_space<vmem>>
        %dma_start3A_92 = arith.constant 0 : i32
        %dma_start3A_93 = arith.constant 0 : i32
        %dma_start3A_94 = tpu.memref_slice %arg2[%dma_start3A_92, %dma_start3A_93] : memref<10240x128xf32, #tpu.memory_space<hbm>> -> memref<10240x128xf32, #tpu.memory_space<hbm>>
        tpu.enqueue_indirect_dma source(%dma_start3A_94 : memref<10240x128xf32, #tpu.memory_space<hbm>>) target(%arg9 : memref<128x128xf32, #tpu.memory_space<vmem>>) offsets(%dma_start3A_91 : memref<128xi32, #tpu.memory_space<vmem>>) semaphore(%arg13 : memref<!tpu.dma_semaphore, #tpu.memory_space<semaphore_mem>>)
      } else {
      }
      %dma_wait3A_71 = arith.constant 1 : i32
      %dma_wait3A_72 = arith.constant 0 : i32
      %dma_wait3A_73 = tpu.memref_slice %arg7[%dma_wait3A_71, %dma_wait3A_72] : memref<160x128xi32, #tpu.memory_space<vmem>> -> memref<1x128xi32, #tpu.memory_space<vmem>>
      %dma_wait3A_74 = tpu.memref_squeeze %dma_wait3A_73 : memref<1x128xi32, #tpu.memory_space<vmem>> -> memref<128xi32, #tpu.memory_space<vmem>>
      %dma_wait3A_75 = arith.constant 0 : i32
      %dma_wait3A_76 = arith.constant 0 : i32
      %dma_wait3A_77 = tpu.memref_slice %arg2[%dma_wait3A_75, %dma_wait3A_76] : memref<10240x128xf32, #tpu.memory_space<hbm>> -> memref<10240x128xf32, #tpu.memory_space<hbm>>
      tpu.wait_indirect_dma semaphore(%arg14 : memref<!tpu.dma_semaphore, #tpu.memory_space<semaphore_mem>>) src(%dma_wait3A_77 : memref<10240x128xf32, #tpu.memory_space<hbm>>) dst(%arg10 : memref<128x128xf32, #tpu.memory_space<vmem>>)
      %add3A_78 = arith.constant 1 : i32
      %add3A_79 = arith.addi %mul3A_58, %add3A_78 : i32
      "tpu.region"() ({
        %run_scoped3A = tpu.sem_alloc : memref<!tpu.dma_semaphore, #tpu.memory_space<semaphore_mem>>
        %dma_start3A_87 = arith.constant 0 : i32
        %dma_start3A_88 = tpu.memref_slice %arg8[%add3A_79, %dma_start3A_87] : memref<160x128xi32, #tpu.memory_space<vmem>> -> memref<1x128xi32, #tpu.memory_space<vmem>>
        %dma_start3A_89 = tpu.memref_squeeze %dma_start3A_88 : memref<1x128xi32, #tpu.memory_space<vmem>> -> memref<128xi32, #tpu.memory_space<vmem>>
        %dma_start3A_90 = arith.constant 0 : i32
        %dma_start3A_91 = arith.constant 0 : i32
        %dma_start3A_92 = tpu.memref_slice %arg12[%dma_start3A_90, %dma_start3A_91] : memref<5136x128xf32, #tpu.memory_space<vmem_shared>> -> memref<5136x128xf32, #tpu.memory_space<vmem_shared>>
        tpu.enqueue_indirect_dma source(%arg10 : memref<128x128xf32, #tpu.memory_space<vmem>>) target(%dma_start3A_92 : memref<5136x128xf32, #tpu.memory_space<vmem_shared>>) offsets(%dma_start3A_89 : memref<128xi32, #tpu.memory_space<vmem>>) semaphore(%run_scoped3A : memref<!tpu.dma_semaphore, #tpu.memory_space<semaphore_mem>>) {add = true}
        %dma_wait3A_93 = arith.constant 0 : i32
        %dma_wait3A_94 = tpu.memref_slice %arg8[%add3A_79, %dma_wait3A_93] : memref<160x128xi32, #tpu.memory_space<vmem>> -> memref<1x128xi32, #tpu.memory_space<vmem>>
        %dma_wait3A_95 = tpu.memref_squeeze %dma_wait3A_94 : memref<1x128xi32, #tpu.memory_space<vmem>> -> memref<128xi32, #tpu.memory_space<vmem>>
        %dma_wait3A_96 = arith.constant 0 : i32
        %dma_wait3A_97 = arith.constant 0 : i32
        %dma_wait3A_98 = tpu.memref_slice %arg12[%dma_wait3A_96, %dma_wait3A_97] : memref<5136x128xf32, #tpu.memory_space<vmem_shared>> -> memref<5136x128xf32, #tpu.memory_space<vmem_shared>>
        tpu.wait_indirect_dma semaphore(%run_scoped3A : memref<!tpu.dma_semaphore, #tpu.memory_space<semaphore_mem>>) src(%arg10 : memref<128x128xf32, #tpu.memory_space<vmem>>) dst(%dma_wait3A_98 : memref<5136x128xf32, #tpu.memory_space<vmem_shared>>)
        tpu.yield
      }) : () -> ()
      %add3A_80 = arith.constant 3 : i32
      %add3A_81 = arith.addi %mul3A_58, %add3A_80 : i32
      %lt3A_82 = arith.constant 160 : i32
      %lt3A_83 = arith.cmpi slt, %add3A_81, %lt3A_82 : i32
      %convert_element_type3A_84 = arith.extui %lt3A_83 : i1 to i32
      %cond3A_85 = arith.constant 0 : i32
      %cond3A_86 = arith.cmpi ne, %convert_element_type3A_84, %cond3A_85 : i32
      scf.if %cond3A_86 {
        %add3A_87 = arith.constant 3 : i32
        %add3A_88 = arith.addi %mul3A_58, %add3A_87 : i32
        %dma_start3A_89 = arith.constant 0 : i32
        %dma_start3A_90 = tpu.memref_slice %arg7[%add3A_88, %dma_start3A_89] : memref<160x128xi32, #tpu.memory_space<vmem>> -> memref<1x128xi32, #tpu.memory_space<vmem>>
        %dma_start3A_91 = tpu.memref_squeeze %dma_start3A_90 : memref<1x128xi32, #tpu.memory_space<vmem>> -> memref<128xi32, #tpu.memory_space<vmem>>
        %dma_start3A_92 = arith.constant 0 : i32
        %dma_start3A_93 = arith.constant 0 : i32
        %dma_start3A_94 = tpu.memref_slice %arg2[%dma_start3A_92, %dma_start3A_93] : memref<10240x128xf32, #tpu.memory_space<hbm>> -> memref<10240x128xf32, #tpu.memory_space<hbm>>
        tpu.enqueue_indirect_dma source(%dma_start3A_94 : memref<10240x128xf32, #tpu.memory_space<hbm>>) target(%arg10 : memref<128x128xf32, #tpu.memory_space<vmem>>) offsets(%dma_start3A_91 : memref<128xi32, #tpu.memory_space<vmem>>) semaphore(%arg14 : memref<!tpu.dma_semaphore, #tpu.memory_space<semaphore_mem>>)
      } else {
      }
    }
    %scan3A_49 = arith.constant 80 : i32
    %barrier3A_50 = arith.constant 0 : index
    tpu.barrier barrier_id(%barrier3A_50)
    %mul3A_51 = arith.constant 320 : i32
    %mul3A_52 = arith.muli %arg1, %mul3A_51 : i32
    %mul3A_53 = arith.constant 320 : i32
    %mul3A_54 = arith.muli %arg1, %mul3A_53 : i32
    %add3A_55 = arith.addi %mul3A_0, %mul3A_54 : i32
    "tpu.region"() ({
      %run_scoped3A = tpu.sem_alloc : memref<!tpu.dma_semaphore, #tpu.memory_space<semaphore_mem>>
      %dma_start3A_56 = arith.constant 0 : i32
      %dma_start3A_57 = tpu.memref_slice %arg6[%add3A_55, %dma_start3A_56] : memref<10240x128xf32, #tpu.memory_space<hbm>> -> memref<320x128xf32, #tpu.memory_space<hbm>>
      %dma_start3A_58 = arith.constant 0 : i32
      %dma_start3A_59 = tpu.memref_slice %arg12[%mul3A_52, %dma_start3A_58] : memref<5136x128xf32, #tpu.memory_space<vmem_shared>> -> memref<320x128xf32, #tpu.memory_space<vmem_shared>>
      tpu.enqueue_dma source(%dma_start3A_59 : memref<320x128xf32, #tpu.memory_space<vmem_shared>>) target(%dma_start3A_57 : memref<320x128xf32, #tpu.memory_space<hbm>>) target_semaphore(%run_scoped3A : memref<!tpu.dma_semaphore, #tpu.memory_space<semaphore_mem>>)
      %dma_wait3A = arith.constant 0 : i32
      %dma_wait3A_60 = tpu.memref_slice %arg6[%add3A_55, %dma_wait3A] : memref<10240x128xf32, #tpu.memory_space<hbm>> -> memref<320x128xf32, #tpu.memory_space<hbm>>
      %dma_wait3A_61 = arith.constant 0 : i32
      %dma_wait3A_62 = tpu.memref_slice %arg12[%mul3A_52, %dma_wait3A_61] : memref<5136x128xf32, #tpu.memory_space<vmem_shared>> -> memref<320x128xf32, #tpu.memory_space<vmem_shared>>
      tpu.wait_dma2 semaphore(%run_scoped3A : memref<!tpu.dma_semaphore, #tpu.memory_space<semaphore_mem>>) src(%dma_wait3A_62 : memref<320x128xf32, #tpu.memory_space<vmem_shared>>) dst(%dma_wait3A_60 : memref<320x128xf32, #tpu.memory_space<hbm>>)
      tpu.yield
    }) : () -> ()
    return
  }
}

#map = affine_map<(d0, d1) -> (0, 0)>
module attributes {stable_mosaic.version = 14 : i64} {
  func.func @_sc_aggr_body(%arg0: i32, %arg1: i32, %arg2: memref<10240x128xf32, #tpu.memory_space<hbm>>, %arg3: memref<2560x128xi32, #tpu.memory_space<hbm>>, %arg4: memref<2560x128xi32, #tpu.memory_space<hbm>>, %arg5: memref<64x128xf32, #tpu.memory_space<hbm>>, %arg6: memref<10240x128xf32, #tpu.memory_space<hbm>>, %arg7: memref<160x128xi32, #tpu.memory_space<vmem>>, %arg8: memref<160x128xi32, #tpu.memory_space<vmem>>, %arg9: memref<128x128xf32, #tpu.memory_space<vmem>>, %arg10: memref<128x128xf32, #tpu.memory_space<vmem>>, %arg11: memref<64x128xf32, #tpu.memory_space<vmem>>, %arg12: memref<5136x128xf32, #tpu.memory_space<vmem_shared>>, %arg13: memref<!tpu.dma_semaphore, #tpu.memory_space<semaphore_mem>>, %arg14: memref<!tpu.dma_semaphore, #tpu.memory_space<semaphore_mem>>) attributes {dimension_semantics = [#tpu.dimension_semantics<core_parallel>, #tpu.dimension_semantics<subcore_parallel>], iteration_bounds = array<i64: 2, 16>, scalar_prefetch = 0 : i64, scratch_operands = 8 : i64, tpu.core_type = #tpu.core_type<sc_vector_subcore>, window_params = [{transform_indices = #map}, {transform_indices = #map}, {transform_indices = #map}, {transform_indices = #map}, {transform_indices = #map}]} {
    %mul3A = arith.constant 5120 : i32
    %mul3A_0 = arith.muli %arg0, %mul3A : i32
    "tpu.region"() ({
      %run_scoped3A = tpu.sem_alloc : memref<!tpu.dma_semaphore, #tpu.memory_space<semaphore_mem>>
      tpu.enqueue_dma source(%arg5 : memref<64x128xf32, #tpu.memory_space<hbm>>) target(%arg11 : memref<64x128xf32, #tpu.memory_space<vmem>>) target_semaphore(%run_scoped3A : memref<!tpu.dma_semaphore, #tpu.memory_space<semaphore_mem>>)
      tpu.wait_dma2 semaphore(%run_scoped3A : memref<!tpu.dma_semaphore, #tpu.memory_space<semaphore_mem>>) src(%arg5 : memref<64x128xf32, #tpu.memory_space<hbm>>) dst(%arg11 : memref<64x128xf32, #tpu.memory_space<vmem>>)
      tpu.yield
    }) : () -> ()
    %mul3A_1 = arith.constant 320 : i32
    %mul3A_2 = arith.muli %arg1, %mul3A_1 : i32
    %add3A = arith.constant 0 : i32
    %add3A_3 = arith.addi %mul3A_2, %add3A : i32
    "tpu.region"() ({
      %run_scoped3A = tpu.sem_alloc : memref<!tpu.dma_semaphore, #tpu.memory_space<semaphore_mem>>
      %dma_start3A_56 = arith.constant 0 : i32
      %dma_start3A_57 = arith.constant 0 : i32
      %dma_start3A_58 = tpu.memref_slice %arg11[%dma_start3A_56, %dma_start3A_57] : memref<64x128xf32, #tpu.memory_space<vmem>> -> memref<64x128xf32, #tpu.memory_space<vmem>>
      %dma_start3A_59 = arith.constant 0 : i32
      %dma_start3A_60 = tpu.memref_slice %arg12[%add3A_3, %dma_start3A_59] : memref<5136x128xf32, #tpu.memory_space<vmem_shared>> -> memref<64x128xf32, #tpu.memory_space<vmem_shared>>
      %dma_start3A_61 = arith.constant 0 : i32
      %dma_start3A_62 = tpu.memref_slice %arg12[%add3A_3, %dma_start3A_61] : memref<5136x128xf32, #tpu.memory_space<vmem_shared>> -> memref<64x128xf32, #tpu.memory_space<vmem_shared>>
      %dma_start3A_63 = arith.constant 0 : i32
      %dma_start3A_64 = arith.constant 0 : i32
      %dma_start3A_65 = tpu.memref_slice %arg11[%dma_start3A_63, %dma_start3A_64] : memref<64x128xf32, #tpu.memory_space<vmem>> -> memref<64x128xf32, #tpu.memory_space<vmem>>
      tpu.enqueue_dma source(%dma_start3A_65 : memref<64x128xf32, #tpu.memory_space<vmem>>) target(%dma_start3A_62 : memref<64x128xf32, #tpu.memory_space<vmem_shared>>) target_semaphore(%run_scoped3A : memref<!tpu.dma_semaphore, #tpu.memory_space<semaphore_mem>>)
      %dma_wait3A = arith.constant 0 : i32
      %dma_wait3A_66 = arith.constant 0 : i32
      %dma_wait3A_67 = tpu.memref_slice %arg11[%dma_wait3A, %dma_wait3A_66] : memref<64x128xf32, #tpu.memory_space<vmem>> -> memref<64x128xf32, #tpu.memory_space<vmem>>
      %dma_wait3A_68 = arith.constant 0 : i32
      %dma_wait3A_69 = tpu.memref_slice %arg12[%add3A_3, %dma_wait3A_68] : memref<5136x128xf32, #tpu.memory_space<vmem_shared>> -> memref<64x128xf32, #tpu.memory_space<vmem_shared>>
      %dma_wait3A_70 = arith.constant 0 : i32
      %dma_wait3A_71 = tpu.memref_slice %arg12[%add3A_3, %dma_wait3A_70] : memref<5136x128xf32, #tpu.memory_space<vmem_shared>> -> memref<64x128xf32, #tpu.memory_space<vmem_shared>>
      %dma_wait3A_72 = arith.constant 0 : i32
      %dma_wait3A_73 = arith.constant 0 : i32
      %dma_wait3A_74 = tpu.memref_slice %arg11[%dma_wait3A_72, %dma_wait3A_73] : memref<64x128xf32, #tpu.memory_space<vmem>> -> memref<64x128xf32, #tpu.memory_space<vmem>>
      tpu.wait_dma2 semaphore(%run_scoped3A : memref<!tpu.dma_semaphore, #tpu.memory_space<semaphore_mem>>) src(%dma_wait3A_74 : memref<64x128xf32, #tpu.memory_space<vmem>>) dst(%dma_wait3A_71 : memref<64x128xf32, #tpu.memory_space<vmem_shared>>)
      tpu.yield
    }) : () -> ()
    %mul3A_4 = arith.constant 320 : i32
    %mul3A_5 = arith.muli %arg1, %mul3A_4 : i32
    %add3A_6 = arith.constant 64 : i32
    %add3A_7 = arith.addi %mul3A_5, %add3A_6 : i32
    "tpu.region"() ({
      %run_scoped3A = tpu.sem_alloc : memref<!tpu.dma_semaphore, #tpu.memory_space<semaphore_mem>>
      %dma_start3A_56 = arith.constant 0 : i32
      %dma_start3A_57 = arith.constant 0 : i32
      %dma_start3A_58 = tpu.memref_slice %arg11[%dma_start3A_56, %dma_start3A_57] : memref<64x128xf32, #tpu.memory_space<vmem>> -> memref<64x128xf32, #tpu.memory_space<vmem>>
      %dma_start3A_59 = arith.constant 0 : i32
      %dma_start3A_60 = tpu.memref_slice %arg12[%add3A_7, %dma_start3A_59] : memref<5136x128xf32, #tpu.memory_space<vmem_shared>> -> memref<64x128xf32, #tpu.memory_space<vmem_shared>>
      %dma_start3A_61 = arith.constant 0 : i32
      %dma_start3A_62 = tpu.memref_slice %arg12[%add3A_7, %dma_start3A_61] : memref<5136x128xf32, #tpu.memory_space<vmem_shared>> -> memref<64x128xf32, #tpu.memory_space<vmem_shared>>
      %dma_start3A_63 = arith.constant 0 : i32
      %dma_start3A_64 = arith.constant 0 : i32
      %dma_start3A_65 = tpu.memref_slice %arg11[%dma_start3A_63, %dma_start3A_64] : memref<64x128xf32, #tpu.memory_space<vmem>> -> memref<64x128xf32, #tpu.memory_space<vmem>>
      tpu.enqueue_dma source(%dma_start3A_65 : memref<64x128xf32, #tpu.memory_space<vmem>>) target(%dma_start3A_62 : memref<64x128xf32, #tpu.memory_space<vmem_shared>>) target_semaphore(%run_scoped3A : memref<!tpu.dma_semaphore, #tpu.memory_space<semaphore_mem>>)
      %dma_wait3A = arith.constant 0 : i32
      %dma_wait3A_66 = arith.constant 0 : i32
      %dma_wait3A_67 = tpu.memref_slice %arg11[%dma_wait3A, %dma_wait3A_66] : memref<64x128xf32, #tpu.memory_space<vmem>> -> memref<64x128xf32, #tpu.memory_space<vmem>>
      %dma_wait3A_68 = arith.constant 0 : i32
      %dma_wait3A_69 = tpu.memref_slice %arg12[%add3A_7, %dma_wait3A_68] : memref<5136x128xf32, #tpu.memory_space<vmem_shared>> -> memref<64x128xf32, #tpu.memory_space<vmem_shared>>
      %dma_wait3A_70 = arith.constant 0 : i32
      %dma_wait3A_71 = tpu.memref_slice %arg12[%add3A_7, %dma_wait3A_70] : memref<5136x128xf32, #tpu.memory_space<vmem_shared>> -> memref<64x128xf32, #tpu.memory_space<vmem_shared>>
      %dma_wait3A_72 = arith.constant 0 : i32
      %dma_wait3A_73 = arith.constant 0 : i32
      %dma_wait3A_74 = tpu.memref_slice %arg11[%dma_wait3A_72, %dma_wait3A_73] : memref<64x128xf32, #tpu.memory_space<vmem>> -> memref<64x128xf32, #tpu.memory_space<vmem>>
      tpu.wait_dma2 semaphore(%run_scoped3A : memref<!tpu.dma_semaphore, #tpu.memory_space<semaphore_mem>>) src(%dma_wait3A_74 : memref<64x128xf32, #tpu.memory_space<vmem>>) dst(%dma_wait3A_71 : memref<64x128xf32, #tpu.memory_space<vmem_shared>>)
      tpu.yield
    }) : () -> ()
    %mul3A_8 = arith.constant 320 : i32
    %mul3A_9 = arith.muli %arg1, %mul3A_8 : i32
    %add3A_10 = arith.constant 128 : i32
    %add3A_11 = arith.addi %mul3A_9, %add3A_10 : i32
    "tpu.region"() ({
      %run_scoped3A = tpu.sem_alloc : memref<!tpu.dma_semaphore, #tpu.memory_space<semaphore_mem>>
      %dma_start3A_56 = arith.constant 0 : i32
      %dma_start3A_57 = arith.constant 0 : i32
      %dma_start3A_58 = tpu.memref_slice %arg11[%dma_start3A_56, %dma_start3A_57] : memref<64x128xf32, #tpu.memory_space<vmem>> -> memref<64x128xf32, #tpu.memory_space<vmem>>
      %dma_start3A_59 = arith.constant 0 : i32
      %dma_start3A_60 = tpu.memref_slice %arg12[%add3A_11, %dma_start3A_59] : memref<5136x128xf32, #tpu.memory_space<vmem_shared>> -> memref<64x128xf32, #tpu.memory_space<vmem_shared>>
      %dma_start3A_61 = arith.constant 0 : i32
      %dma_start3A_62 = tpu.memref_slice %arg12[%add3A_11, %dma_start3A_61] : memref<5136x128xf32, #tpu.memory_space<vmem_shared>> -> memref<64x128xf32, #tpu.memory_space<vmem_shared>>
      %dma_start3A_63 = arith.constant 0 : i32
      %dma_start3A_64 = arith.constant 0 : i32
      %dma_start3A_65 = tpu.memref_slice %arg11[%dma_start3A_63, %dma_start3A_64] : memref<64x128xf32, #tpu.memory_space<vmem>> -> memref<64x128xf32, #tpu.memory_space<vmem>>
      tpu.enqueue_dma source(%dma_start3A_65 : memref<64x128xf32, #tpu.memory_space<vmem>>) target(%dma_start3A_62 : memref<64x128xf32, #tpu.memory_space<vmem_shared>>) target_semaphore(%run_scoped3A : memref<!tpu.dma_semaphore, #tpu.memory_space<semaphore_mem>>)
      %dma_wait3A = arith.constant 0 : i32
      %dma_wait3A_66 = arith.constant 0 : i32
      %dma_wait3A_67 = tpu.memref_slice %arg11[%dma_wait3A, %dma_wait3A_66] : memref<64x128xf32, #tpu.memory_space<vmem>> -> memref<64x128xf32, #tpu.memory_space<vmem>>
      %dma_wait3A_68 = arith.constant 0 : i32
      %dma_wait3A_69 = tpu.memref_slice %arg12[%add3A_11, %dma_wait3A_68] : memref<5136x128xf32, #tpu.memory_space<vmem_shared>> -> memref<64x128xf32, #tpu.memory_space<vmem_shared>>
      %dma_wait3A_70 = arith.constant 0 : i32
      %dma_wait3A_71 = tpu.memref_slice %arg12[%add3A_11, %dma_wait3A_70] : memref<5136x128xf32, #tpu.memory_space<vmem_shared>> -> memref<64x128xf32, #tpu.memory_space<vmem_shared>>
      %dma_wait3A_72 = arith.constant 0 : i32
      %dma_wait3A_73 = arith.constant 0 : i32
      %dma_wait3A_74 = tpu.memref_slice %arg11[%dma_wait3A_72, %dma_wait3A_73] : memref<64x128xf32, #tpu.memory_space<vmem>> -> memref<64x128xf32, #tpu.memory_space<vmem>>
      tpu.wait_dma2 semaphore(%run_scoped3A : memref<!tpu.dma_semaphore, #tpu.memory_space<semaphore_mem>>) src(%dma_wait3A_74 : memref<64x128xf32, #tpu.memory_space<vmem>>) dst(%dma_wait3A_71 : memref<64x128xf32, #tpu.memory_space<vmem_shared>>)
      tpu.yield
    }) : () -> ()
    %mul3A_12 = arith.constant 320 : i32
    %mul3A_13 = arith.muli %arg1, %mul3A_12 : i32
    %add3A_14 = arith.constant 192 : i32
    %add3A_15 = arith.addi %mul3A_13, %add3A_14 : i32
    "tpu.region"() ({
      %run_scoped3A = tpu.sem_alloc : memref<!tpu.dma_semaphore, #tpu.memory_space<semaphore_mem>>
      %dma_start3A_56 = arith.constant 0 : i32
      %dma_start3A_57 = arith.constant 0 : i32
      %dma_start3A_58 = tpu.memref_slice %arg11[%dma_start3A_56, %dma_start3A_57] : memref<64x128xf32, #tpu.memory_space<vmem>> -> memref<64x128xf32, #tpu.memory_space<vmem>>
      %dma_start3A_59 = arith.constant 0 : i32
      %dma_start3A_60 = tpu.memref_slice %arg12[%add3A_15, %dma_start3A_59] : memref<5136x128xf32, #tpu.memory_space<vmem_shared>> -> memref<64x128xf32, #tpu.memory_space<vmem_shared>>
      %dma_start3A_61 = arith.constant 0 : i32
      %dma_start3A_62 = tpu.memref_slice %arg12[%add3A_15, %dma_start3A_61] : memref<5136x128xf32, #tpu.memory_space<vmem_shared>> -> memref<64x128xf32, #tpu.memory_space<vmem_shared>>
      %dma_start3A_63 = arith.constant 0 : i32
      %dma_start3A_64 = arith.constant 0 : i32
      %dma_start3A_65 = tpu.memref_slice %arg11[%dma_start3A_63, %dma_start3A_64] : memref<64x128xf32, #tpu.memory_space<vmem>> -> memref<64x128xf32, #tpu.memory_space<vmem>>
      tpu.enqueue_dma source(%dma_start3A_65 : memref<64x128xf32, #tpu.memory_space<vmem>>) target(%dma_start3A_62 : memref<64x128xf32, #tpu.memory_space<vmem_shared>>) target_semaphore(%run_scoped3A : memref<!tpu.dma_semaphore, #tpu.memory_space<semaphore_mem>>)
      %dma_wait3A = arith.constant 0 : i32
      %dma_wait3A_66 = arith.constant 0 : i32
      %dma_wait3A_67 = tpu.memref_slice %arg11[%dma_wait3A, %dma_wait3A_66] : memref<64x128xf32, #tpu.memory_space<vmem>> -> memref<64x128xf32, #tpu.memory_space<vmem>>
      %dma_wait3A_68 = arith.constant 0 : i32
      %dma_wait3A_69 = tpu.memref_slice %arg12[%add3A_15, %dma_wait3A_68] : memref<5136x128xf32, #tpu.memory_space<vmem_shared>> -> memref<64x128xf32, #tpu.memory_space<vmem_shared>>
      %dma_wait3A_70 = arith.constant 0 : i32
      %dma_wait3A_71 = tpu.memref_slice %arg12[%add3A_15, %dma_wait3A_70] : memref<5136x128xf32, #tpu.memory_space<vmem_shared>> -> memref<64x128xf32, #tpu.memory_space<vmem_shared>>
      %dma_wait3A_72 = arith.constant 0 : i32
      %dma_wait3A_73 = arith.constant 0 : i32
      %dma_wait3A_74 = tpu.memref_slice %arg11[%dma_wait3A_72, %dma_wait3A_73] : memref<64x128xf32, #tpu.memory_space<vmem>> -> memref<64x128xf32, #tpu.memory_space<vmem>>
      tpu.wait_dma2 semaphore(%run_scoped3A : memref<!tpu.dma_semaphore, #tpu.memory_space<semaphore_mem>>) src(%dma_wait3A_74 : memref<64x128xf32, #tpu.memory_space<vmem>>) dst(%dma_wait3A_71 : memref<64x128xf32, #tpu.memory_space<vmem_shared>>)
      tpu.yield
    }) : () -> ()
    %mul3A_16 = arith.constant 320 : i32
    %mul3A_17 = arith.muli %arg1, %mul3A_16 : i32
    %add3A_18 = arith.constant 256 : i32
    %add3A_19 = arith.addi %mul3A_17, %add3A_18 : i32
    "tpu.region"() ({
      %run_scoped3A = tpu.sem_alloc : memref<!tpu.dma_semaphore, #tpu.memory_space<semaphore_mem>>
      %dma_start3A_56 = arith.constant 0 : i32
      %dma_start3A_57 = arith.constant 0 : i32
      %dma_start3A_58 = tpu.memref_slice %arg11[%dma_start3A_56, %dma_start3A_57] : memref<64x128xf32, #tpu.memory_space<vmem>> -> memref<64x128xf32, #tpu.memory_space<vmem>>
      %dma_start3A_59 = arith.constant 0 : i32
      %dma_start3A_60 = tpu.memref_slice %arg12[%add3A_19, %dma_start3A_59] : memref<5136x128xf32, #tpu.memory_space<vmem_shared>> -> memref<64x128xf32, #tpu.memory_space<vmem_shared>>
      %dma_start3A_61 = arith.constant 0 : i32
      %dma_start3A_62 = tpu.memref_slice %arg12[%add3A_19, %dma_start3A_61] : memref<5136x128xf32, #tpu.memory_space<vmem_shared>> -> memref<64x128xf32, #tpu.memory_space<vmem_shared>>
      %dma_start3A_63 = arith.constant 0 : i32
      %dma_start3A_64 = arith.constant 0 : i32
      %dma_start3A_65 = tpu.memref_slice %arg11[%dma_start3A_63, %dma_start3A_64] : memref<64x128xf32, #tpu.memory_space<vmem>> -> memref<64x128xf32, #tpu.memory_space<vmem>>
      tpu.enqueue_dma source(%dma_start3A_65 : memref<64x128xf32, #tpu.memory_space<vmem>>) target(%dma_start3A_62 : memref<64x128xf32, #tpu.memory_space<vmem_shared>>) target_semaphore(%run_scoped3A : memref<!tpu.dma_semaphore, #tpu.memory_space<semaphore_mem>>)
      %dma_wait3A = arith.constant 0 : i32
      %dma_wait3A_66 = arith.constant 0 : i32
      %dma_wait3A_67 = tpu.memref_slice %arg11[%dma_wait3A, %dma_wait3A_66] : memref<64x128xf32, #tpu.memory_space<vmem>> -> memref<64x128xf32, #tpu.memory_space<vmem>>
      %dma_wait3A_68 = arith.constant 0 : i32
      %dma_wait3A_69 = tpu.memref_slice %arg12[%add3A_19, %dma_wait3A_68] : memref<5136x128xf32, #tpu.memory_space<vmem_shared>> -> memref<64x128xf32, #tpu.memory_space<vmem_shared>>
      %dma_wait3A_70 = arith.constant 0 : i32
      %dma_wait3A_71 = tpu.memref_slice %arg12[%add3A_19, %dma_wait3A_70] : memref<5136x128xf32, #tpu.memory_space<vmem_shared>> -> memref<64x128xf32, #tpu.memory_space<vmem_shared>>
      %dma_wait3A_72 = arith.constant 0 : i32
      %dma_wait3A_73 = arith.constant 0 : i32
      %dma_wait3A_74 = tpu.memref_slice %arg11[%dma_wait3A_72, %dma_wait3A_73] : memref<64x128xf32, #tpu.memory_space<vmem>> -> memref<64x128xf32, #tpu.memory_space<vmem>>
      tpu.wait_dma2 semaphore(%run_scoped3A : memref<!tpu.dma_semaphore, #tpu.memory_space<semaphore_mem>>) src(%dma_wait3A_74 : memref<64x128xf32, #tpu.memory_space<vmem>>) dst(%dma_wait3A_71 : memref<64x128xf32, #tpu.memory_space<vmem_shared>>)
      tpu.yield
    }) : () -> ()
    %eq3A = arith.constant 15 : i32
    %eq3A_20 = arith.cmpi eq, %arg1, %eq3A : i32
    %convert_element_type3A = arith.extui %eq3A_20 : i1 to i32
    %cond3A = arith.constant 0 : i32
    %cond3A_21 = arith.cmpi ne, %convert_element_type3A, %cond3A : i32
    scf.if %cond3A_21 {
      "tpu.region"() ({
        %run_scoped3A = tpu.sem_alloc : memref<!tpu.dma_semaphore, #tpu.memory_space<semaphore_mem>>
        %dma_start3A_56 = arith.constant 0 : i32
        %dma_start3A_57 = arith.constant 0 : i32
        %dma_start3A_58 = tpu.memref_slice %arg11[%dma_start3A_56, %dma_start3A_57] : memref<64x128xf32, #tpu.memory_space<vmem>> -> memref<16x128xf32, #tpu.memory_space<vmem>>
        %dma_start3A_59 = arith.constant 5120 : i32
        %dma_start3A_60 = arith.constant 0 : i32
        %dma_start3A_61 = tpu.memref_slice %arg12[%dma_start3A_59, %dma_start3A_60] : memref<5136x128xf32, #tpu.memory_space<vmem_shared>> -> memref<16x128xf32, #tpu.memory_space<vmem_shared>>
        %dma_start3A_62 = arith.constant 5120 : i32
        %dma_start3A_63 = arith.constant 0 : i32
        %dma_start3A_64 = tpu.memref_slice %arg12[%dma_start3A_62, %dma_start3A_63] : memref<5136x128xf32, #tpu.memory_space<vmem_shared>> -> memref<16x128xf32, #tpu.memory_space<vmem_shared>>
        %dma_start3A_65 = arith.constant 0 : i32
        %dma_start3A_66 = arith.constant 0 : i32
        %dma_start3A_67 = tpu.memref_slice %arg11[%dma_start3A_65, %dma_start3A_66] : memref<64x128xf32, #tpu.memory_space<vmem>> -> memref<16x128xf32, #tpu.memory_space<vmem>>
        tpu.enqueue_dma source(%dma_start3A_67 : memref<16x128xf32, #tpu.memory_space<vmem>>) target(%dma_start3A_64 : memref<16x128xf32, #tpu.memory_space<vmem_shared>>) target_semaphore(%run_scoped3A : memref<!tpu.dma_semaphore, #tpu.memory_space<semaphore_mem>>)
        %dma_wait3A = arith.constant 0 : i32
        %dma_wait3A_68 = arith.constant 0 : i32
        %dma_wait3A_69 = tpu.memref_slice %arg11[%dma_wait3A, %dma_wait3A_68] : memref<64x128xf32, #tpu.memory_space<vmem>> -> memref<16x128xf32, #tpu.memory_space<vmem>>
        %dma_wait3A_70 = arith.constant 5120 : i32
        %dma_wait3A_71 = arith.constant 0 : i32
        %dma_wait3A_72 = tpu.memref_slice %arg12[%dma_wait3A_70, %dma_wait3A_71] : memref<5136x128xf32, #tpu.memory_space<vmem_shared>> -> memref<16x128xf32, #tpu.memory_space<vmem_shared>>
        %dma_wait3A_73 = arith.constant 5120 : i32
        %dma_wait3A_74 = arith.constant 0 : i32
        %dma_wait3A_75 = tpu.memref_slice %arg12[%dma_wait3A_73, %dma_wait3A_74] : memref<5136x128xf32, #tpu.memory_space<vmem_shared>> -> memref<16x128xf32, #tpu.memory_space<vmem_shared>>
        %dma_wait3A_76 = arith.constant 0 : i32
        %dma_wait3A_77 = arith.constant 0 : i32
        %dma_wait3A_78 = tpu.memref_slice %arg11[%dma_wait3A_76, %dma_wait3A_77] : memref<64x128xf32, #tpu.memory_space<vmem>> -> memref<16x128xf32, #tpu.memory_space<vmem>>
        tpu.wait_dma2 semaphore(%run_scoped3A : memref<!tpu.dma_semaphore, #tpu.memory_space<semaphore_mem>>) src(%dma_wait3A_78 : memref<16x128xf32, #tpu.memory_space<vmem>>) dst(%dma_wait3A_75 : memref<16x128xf32, #tpu.memory_space<vmem_shared>>)
        tpu.yield
      }) : () -> ()
    } else {
    }
    %mul3A_22 = arith.constant 160 : i32
    %mul3A_23 = arith.muli %arg1, %mul3A_22 : i32
    "tpu.region"() ({
      %run_scoped3A = tpu.sem_alloc : memref<!tpu.dma_semaphore, #tpu.memory_space<semaphore_mem>>
      %dma_start3A_56 = arith.constant 0 : i32
      %dma_start3A_57 = tpu.memref_slice %arg3[%mul3A_23, %dma_start3A_56] : memref<2560x128xi32, #tpu.memory_space<hbm>> -> memref<160x128xi32, #tpu.memory_space<hbm>>
      %dma_start3A_58 = arith.constant 0 : i32
      %dma_start3A_59 = tpu.memref_slice %arg3[%mul3A_23, %dma_start3A_58] : memref<2560x128xi32, #tpu.memory_space<hbm>> -> memref<160x128xi32, #tpu.memory_space<hbm>>
      tpu.enqueue_dma source(%dma_start3A_59 : memref<160x128xi32, #tpu.memory_space<hbm>>) target(%arg7 : memref<160x128xi32, #tpu.memory_space<vmem>>) target_semaphore(%run_scoped3A : memref<!tpu.dma_semaphore, #tpu.memory_space<semaphore_mem>>)
      %dma_wait3A = arith.constant 0 : i32
      %dma_wait3A_60 = tpu.memref_slice %arg3[%mul3A_23, %dma_wait3A] : memref<2560x128xi32, #tpu.memory_space<hbm>> -> memref<160x128xi32, #tpu.memory_space<hbm>>
      %dma_wait3A_61 = arith.constant 0 : i32
      %dma_wait3A_62 = tpu.memref_slice %arg3[%mul3A_23, %dma_wait3A_61] : memref<2560x128xi32, #tpu.memory_space<hbm>> -> memref<160x128xi32, #tpu.memory_space<hbm>>
      tpu.wait_dma2 semaphore(%run_scoped3A : memref<!tpu.dma_semaphore, #tpu.memory_space<semaphore_mem>>) src(%dma_wait3A_62 : memref<160x128xi32, #tpu.memory_space<hbm>>) dst(%arg7 : memref<160x128xi32, #tpu.memory_space<vmem>>)
      tpu.yield
    }) : () -> ()
    %mul3A_24 = arith.constant 160 : i32
    %mul3A_25 = arith.muli %arg1, %mul3A_24 : i32
    "tpu.region"() ({
      %run_scoped3A = tpu.sem_alloc : memref<!tpu.dma_semaphore, #tpu.memory_space<semaphore_mem>>
      %dma_start3A_56 = arith.constant 0 : i32
      %dma_start3A_57 = tpu.memref_slice %arg4[%mul3A_25, %dma_start3A_56] : memref<2560x128xi32, #tpu.memory_space<hbm>> -> memref<160x128xi32, #tpu.memory_space<hbm>>
      %dma_start3A_58 = arith.constant 0 : i32
      %dma_start3A_59 = tpu.memref_slice %arg4[%mul3A_25, %dma_start3A_58] : memref<2560x128xi32, #tpu.memory_space<hbm>> -> memref<160x128xi32, #tpu.memory_space<hbm>>
      tpu.enqueue_dma source(%dma_start3A_59 : memref<160x128xi32, #tpu.memory_space<hbm>>) target(%arg8 : memref<160x128xi32, #tpu.memory_space<vmem>>) target_semaphore(%run_scoped3A : memref<!tpu.dma_semaphore, #tpu.memory_space<semaphore_mem>>)
      %dma_wait3A = arith.constant 0 : i32
      %dma_wait3A_60 = tpu.memref_slice %arg4[%mul3A_25, %dma_wait3A] : memref<2560x128xi32, #tpu.memory_space<hbm>> -> memref<160x128xi32, #tpu.memory_space<hbm>>
      %dma_wait3A_61 = arith.constant 0 : i32
      %dma_wait3A_62 = tpu.memref_slice %arg4[%mul3A_25, %dma_wait3A_61] : memref<2560x128xi32, #tpu.memory_space<hbm>> -> memref<160x128xi32, #tpu.memory_space<hbm>>
      tpu.wait_dma2 semaphore(%run_scoped3A : memref<!tpu.dma_semaphore, #tpu.memory_space<semaphore_mem>>) src(%dma_wait3A_62 : memref<160x128xi32, #tpu.memory_space<hbm>>) dst(%arg8 : memref<160x128xi32, #tpu.memory_space<vmem>>)
      tpu.yield
    }) : () -> ()
    %scan3A = arith.constant 0 : i32
    %scan3A_26 = arith.constant 0 : i32
    %scan3A_27 = arith.constant 160 : i32
    %scan3A_28 = arith.addi %scan3A_26, %scan3A_27 : i32
    %scan3A_29 = arith.constant 1 : i32
    scf.for %scan3A_56 = %scan3A_26 to %scan3A_28 step %scan3A_29  : i32 {
      %get3A = arith.index_cast %scan3A_56 : i32 to index
      %get3A_57 = arith.constant 0 : index
      %get3A_58 = tpu.vector_load %arg8[%get3A, %get3A_57] {strides = array<i32>} : memref<160x128xi32, #tpu.memory_space<vmem>>, vector<1x16xi32>,
      %get3A_59 = vector.shape_cast %get3A_58 : vector<1x16xi32> to vector<16xi32>
      %sub3A = vector.broadcast %mul3A_0 : i32 to vector<16xi32>
      %sub3A_60 = arith.subi %get3A_59, %sub3A : vector<16xi32>
      %ge3A = vector.broadcast %mul3A_0 : i32 to vector<16xi32>
      %ge3A_61 = arith.cmpi sge, %get3A_59, %ge3A : vector<16xi32>
      %lt3A = arith.constant 5120 : i32
      %lt3A_62 = vector.broadcast %lt3A : i32 to vector<16xi32>
      %lt3A_63 = arith.cmpi slt, %sub3A_60, %lt3A_62 : vector<16xi32>
      %and3A = arith.andi %ge3A_61, %lt3A_63 : vector<16xi1>
      %add3A_64 = arith.constant 5120 : i32
      %add3A_65 = arith.addi %add3A_64, %arg1 : i32
      %broadcast_in_dim3A = vector.broadcast %add3A_65 : i32 to vector<16xi32>
      %select_n3A = arith.select %and3A, %sub3A_60, %broadcast_in_dim3A : vector<16xi1>, vector<16xi32>
      %swap3A = arith.index_cast %scan3A_56 : i32 to index
      %swap3A_66 = arith.constant 0 : index
      %swap3A_67 = tpu.vector_load %arg8[%swap3A, %swap3A_66] {strides = array<i32>} : memref<160x128xi32, #tpu.memory_space<vmem>>, vector<1x16xi32>,
      %swap3A_68 = vector.shape_cast %swap3A_67 : vector<1x16xi32> to vector<16xi32>
      %swap3A_69 = vector.shape_cast %select_n3A : vector<16xi32> to vector<1x16xi32>
      tpu.vector_store %arg8[%swap3A, %swap3A_66], %swap3A_69 {strides = array<i32>} : memref<160x128xi32, #tpu.memory_space<vmem>>, vector<1x16xi32>,
      %get3A_70 = arith.index_cast %scan3A_56 : i32 to index
      %get3A_71 = arith.constant 16 : index
      %get3A_72 = tpu.vector_load %arg8[%get3A_70, %get3A_71] {strides = array<i32>} : memref<160x128xi32, #tpu.memory_space<vmem>>, vector<1x16xi32>,
      %get3A_73 = vector.shape_cast %get3A_72 : vector<1x16xi32> to vector<16xi32>
      %sub3A_74 = vector.broadcast %mul3A_0 : i32 to vector<16xi32>
      %sub3A_75 = arith.subi %get3A_73, %sub3A_74 : vector<16xi32>
      %ge3A_76 = vector.broadcast %mul3A_0 : i32 to vector<16xi32>
      %ge3A_77 = arith.cmpi sge, %get3A_73, %ge3A_76 : vector<16xi32>
      %lt3A_78 = arith.constant 5120 : i32
      %lt3A_79 = vector.broadcast %lt3A_78 : i32 to vector<16xi32>
      %lt3A_80 = arith.cmpi slt, %sub3A_75, %lt3A_79 : vector<16xi32>
      %and3A_81 = arith.andi %ge3A_77, %lt3A_80 : vector<16xi1>
      %add3A_82 = arith.constant 5120 : i32
      %add3A_83 = arith.addi %add3A_82, %arg1 : i32
      %broadcast_in_dim3A_84 = vector.broadcast %add3A_83 : i32 to vector<16xi32>
      %select_n3A_85 = arith.select %and3A_81, %sub3A_75, %broadcast_in_dim3A_84 : vector<16xi1>, vector<16xi32>
      %swap3A_86 = arith.index_cast %scan3A_56 : i32 to index
      %swap3A_87 = arith.constant 16 : index
      %swap3A_88 = tpu.vector_load %arg8[%swap3A_86, %swap3A_87] {strides = array<i32>} : memref<160x128xi32, #tpu.memory_space<vmem>>, vector<1x16xi32>,
      %swap3A_89 = vector.shape_cast %swap3A_88 : vector<1x16xi32> to vector<16xi32>
      %swap3A_90 = vector.shape_cast %select_n3A_85 : vector<16xi32> to vector<1x16xi32>
      tpu.vector_store %arg8[%swap3A_86, %swap3A_87], %swap3A_90 {strides = array<i32>} : memref<160x128xi32, #tpu.memory_space<vmem>>, vector<1x16xi32>,
      %get3A_91 = arith.index_cast %scan3A_56 : i32 to index
      %get3A_92 = arith.constant 32 : index
      %get3A_93 = tpu.vector_load %arg8[%get3A_91, %get3A_92] {strides = array<i32>} : memref<160x128xi32, #tpu.memory_space<vmem>>, vector<1x16xi32>,
      %get3A_94 = vector.shape_cast %get3A_93 : vector<1x16xi32> to vector<16xi32>
      %sub3A_95 = vector.broadcast %mul3A_0 : i32 to vector<16xi32>
      %sub3A_96 = arith.subi %get3A_94, %sub3A_95 : vector<16xi32>
      %ge3A_97 = vector.broadcast %mul3A_0 : i32 to vector<16xi32>
      %ge3A_98 = arith.cmpi sge, %get3A_94, %ge3A_97 : vector<16xi32>
      %lt3A_99 = arith.constant 5120 : i32
      %lt3A_100 = vector.broadcast %lt3A_99 : i32 to vector<16xi32>
      %lt3A_101 = arith.cmpi slt, %sub3A_96, %lt3A_100 : vector<16xi32>
      %and3A_102 = arith.andi %ge3A_98, %lt3A_101 : vector<16xi1>
      %add3A_103 = arith.constant 5120 : i32
      %add3A_104 = arith.addi %add3A_103, %arg1 : i32
      %broadcast_in_dim3A_105 = vector.broadcast %add3A_104 : i32 to vector<16xi32>
      %select_n3A_106 = arith.select %and3A_102, %sub3A_96, %broadcast_in_dim3A_105 : vector<16xi1>, vector<16xi32>
      %swap3A_107 = arith.index_cast %scan3A_56 : i32 to index
      %swap3A_108 = arith.constant 32 : index
      %swap3A_109 = tpu.vector_load %arg8[%swap3A_107, %swap3A_108] {strides = array<i32>} : memref<160x128xi32, #tpu.memory_space<vmem>>, vector<1x16xi32>,
      %swap3A_110 = vector.shape_cast %swap3A_109 : vector<1x16xi32> to vector<16xi32>
      %swap3A_111 = vector.shape_cast %select_n3A_106 : vector<16xi32> to vector<1x16xi32>
      tpu.vector_store %arg8[%swap3A_107, %swap3A_108], %swap3A_111 {strides = array<i32>} : memref<160x128xi32, #tpu.memory_space<vmem>>, vector<1x16xi32>,
      %get3A_112 = arith.index_cast %scan3A_56 : i32 to index
      %get3A_113 = arith.constant 48 : index
      %get3A_114 = tpu.vector_load %arg8[%get3A_112, %get3A_113] {strides = array<i32>} : memref<160x128xi32, #tpu.memory_space<vmem>>, vector<1x16xi32>,
      %get3A_115 = vector.shape_cast %get3A_114 : vector<1x16xi32> to vector<16xi32>
      %sub3A_116 = vector.broadcast %mul3A_0 : i32 to vector<16xi32>
      %sub3A_117 = arith.subi %get3A_115, %sub3A_116 : vector<16xi32>
      %ge3A_118 = vector.broadcast %mul3A_0 : i32 to vector<16xi32>
      %ge3A_119 = arith.cmpi sge, %get3A_115, %ge3A_118 : vector<16xi32>
      %lt3A_120 = arith.constant 5120 : i32
      %lt3A_121 = vector.broadcast %lt3A_120 : i32 to vector<16xi32>
      %lt3A_122 = arith.cmpi slt, %sub3A_117, %lt3A_121 : vector<16xi32>
      %and3A_123 = arith.andi %ge3A_119, %lt3A_122 : vector<16xi1>
      %add3A_124 = arith.constant 5120 : i32
      %add3A_125 = arith.addi %add3A_124, %arg1 : i32
      %broadcast_in_dim3A_126 = vector.broadcast %add3A_125 : i32 to vector<16xi32>
      %select_n3A_127 = arith.select %and3A_123, %sub3A_117, %broadcast_in_dim3A_126 : vector<16xi1>, vector<16xi32>
      %swap3A_128 = arith.index_cast %scan3A_56 : i32 to index
      %swap3A_129 = arith.constant 48 : index
      %swap3A_130 = tpu.vector_load %arg8[%swap3A_128, %swap3A_129] {strides = array<i32>} : memref<160x128xi32, #tpu.memory_space<vmem>>, vector<1x16xi32>,
      %swap3A_131 = vector.shape_cast %swap3A_130 : vector<1x16xi32> to vector<16xi32>
      %swap3A_132 = vector.shape_cast %select_n3A_127 : vector<16xi32> to vector<1x16xi32>
      tpu.vector_store %arg8[%swap3A_128, %swap3A_129], %swap3A_132 {strides = array<i32>} : memref<160x128xi32, #tpu.memory_space<vmem>>, vector<1x16xi32>,
      %get3A_133 = arith.index_cast %scan3A_56 : i32 to index
      %get3A_134 = arith.constant 64 : index
      %get3A_135 = tpu.vector_load %arg8[%get3A_133, %get3A_134] {strides = array<i32>} : memref<160x128xi32, #tpu.memory_space<vmem>>, vector<1x16xi32>,
      %get3A_136 = vector.shape_cast %get3A_135 : vector<1x16xi32> to vector<16xi32>
      %sub3A_137 = vector.broadcast %mul3A_0 : i32 to vector<16xi32>
      %sub3A_138 = arith.subi %get3A_136, %sub3A_137 : vector<16xi32>
      %ge3A_139 = vector.broadcast %mul3A_0 : i32 to vector<16xi32>
      %ge3A_140 = arith.cmpi sge, %get3A_136, %ge3A_139 : vector<16xi32>
      %lt3A_141 = arith.constant 5120 : i32
      %lt3A_142 = vector.broadcast %lt3A_141 : i32 to vector<16xi32>
      %lt3A_143 = arith.cmpi slt, %sub3A_138, %lt3A_142 : vector<16xi32>
      %and3A_144 = arith.andi %ge3A_140, %lt3A_143 : vector<16xi1>
      %add3A_145 = arith.constant 5120 : i32
      %add3A_146 = arith.addi %add3A_145, %arg1 : i32
      %broadcast_in_dim3A_147 = vector.broadcast %add3A_146 : i32 to vector<16xi32>
      %select_n3A_148 = arith.select %and3A_144, %sub3A_138, %broadcast_in_dim3A_147 : vector<16xi1>, vector<16xi32>
      %swap3A_149 = arith.index_cast %scan3A_56 : i32 to index
      %swap3A_150 = arith.constant 64 : index
      %swap3A_151 = tpu.vector_load %arg8[%swap3A_149, %swap3A_150] {strides = array<i32>} : memref<160x128xi32, #tpu.memory_space<vmem>>, vector<1x16xi32>,
      %swap3A_152 = vector.shape_cast %swap3A_151 : vector<1x16xi32> to vector<16xi32>
      %swap3A_153 = vector.shape_cast %select_n3A_148 : vector<16xi32> to vector<1x16xi32>
      tpu.vector_store %arg8[%swap3A_149, %swap3A_150], %swap3A_153 {strides = array<i32>} : memref<160x128xi32, #tpu.memory_space<vmem>>, vector<1x16xi32>,
      %get3A_154 = arith.index_cast %scan3A_56 : i32 to index
      %get3A_155 = arith.constant 80 : index
      %get3A_156 = tpu.vector_load %arg8[%get3A_154, %get3A_155] {strides = array<i32>} : memref<160x128xi32, #tpu.memory_space<vmem>>, vector<1x16xi32>,
      %get3A_157 = vector.shape_cast %get3A_156 : vector<1x16xi32> to vector<16xi32>
      %sub3A_158 = vector.broadcast %mul3A_0 : i32 to vector<16xi32>
      %sub3A_159 = arith.subi %get3A_157, %sub3A_158 : vector<16xi32>
      %ge3A_160 = vector.broadcast %mul3A_0 : i32 to vector<16xi32>
      %ge3A_161 = arith.cmpi sge, %get3A_157, %ge3A_160 : vector<16xi32>
      %lt3A_162 = arith.constant 5120 : i32
      %lt3A_163 = vector.broadcast %lt3A_162 : i32 to vector<16xi32>
      %lt3A_164 = arith.cmpi slt, %sub3A_159, %lt3A_163 : vector<16xi32>
      %and3A_165 = arith.andi %ge3A_161, %lt3A_164 : vector<16xi1>
      %add3A_166 = arith.constant 5120 : i32
      %add3A_167 = arith.addi %add3A_166, %arg1 : i32
      %broadcast_in_dim3A_168 = vector.broadcast %add3A_167 : i32 to vector<16xi32>
      %select_n3A_169 = arith.select %and3A_165, %sub3A_159, %broadcast_in_dim3A_168 : vector<16xi1>, vector<16xi32>
      %swap3A_170 = arith.index_cast %scan3A_56 : i32 to index
      %swap3A_171 = arith.constant 80 : index
      %swap3A_172 = tpu.vector_load %arg8[%swap3A_170, %swap3A_171] {strides = array<i32>} : memref<160x128xi32, #tpu.memory_space<vmem>>, vector<1x16xi32>,
      %swap3A_173 = vector.shape_cast %swap3A_172 : vector<1x16xi32> to vector<16xi32>
      %swap3A_174 = vector.shape_cast %select_n3A_169 : vector<16xi32> to vector<1x16xi32>
      tpu.vector_store %arg8[%swap3A_170, %swap3A_171], %swap3A_174 {strides = array<i32>} : memref<160x128xi32, #tpu.memory_space<vmem>>, vector<1x16xi32>,
      %get3A_175 = arith.index_cast %scan3A_56 : i32 to index
      %get3A_176 = arith.constant 96 : index
      %get3A_177 = tpu.vector_load %arg8[%get3A_175, %get3A_176] {strides = array<i32>} : memref<160x128xi32, #tpu.memory_space<vmem>>, vector<1x16xi32>,
      %get3A_178 = vector.shape_cast %get3A_177 : vector<1x16xi32> to vector<16xi32>
      %sub3A_179 = vector.broadcast %mul3A_0 : i32 to vector<16xi32>
      %sub3A_180 = arith.subi %get3A_178, %sub3A_179 : vector<16xi32>
      %ge3A_181 = vector.broadcast %mul3A_0 : i32 to vector<16xi32>
      %ge3A_182 = arith.cmpi sge, %get3A_178, %ge3A_181 : vector<16xi32>
      %lt3A_183 = arith.constant 5120 : i32
      %lt3A_184 = vector.broadcast %lt3A_183 : i32 to vector<16xi32>
      %lt3A_185 = arith.cmpi slt, %sub3A_180, %lt3A_184 : vector<16xi32>
      %and3A_186 = arith.andi %ge3A_182, %lt3A_185 : vector<16xi1>
      %add3A_187 = arith.constant 5120 : i32
      %add3A_188 = arith.addi %add3A_187, %arg1 : i32
      %broadcast_in_dim3A_189 = vector.broadcast %add3A_188 : i32 to vector<16xi32>
      %select_n3A_190 = arith.select %and3A_186, %sub3A_180, %broadcast_in_dim3A_189 : vector<16xi1>, vector<16xi32>
      %swap3A_191 = arith.index_cast %scan3A_56 : i32 to index
      %swap3A_192 = arith.constant 96 : index
      %swap3A_193 = tpu.vector_load %arg8[%swap3A_191, %swap3A_192] {strides = array<i32>} : memref<160x128xi32, #tpu.memory_space<vmem>>, vector<1x16xi32>,
      %swap3A_194 = vector.shape_cast %swap3A_193 : vector<1x16xi32> to vector<16xi32>
      %swap3A_195 = vector.shape_cast %select_n3A_190 : vector<16xi32> to vector<1x16xi32>
      tpu.vector_store %arg8[%swap3A_191, %swap3A_192], %swap3A_195 {strides = array<i32>} : memref<160x128xi32, #tpu.memory_space<vmem>>, vector<1x16xi32>,
      %get3A_196 = arith.index_cast %scan3A_56 : i32 to index
      %get3A_197 = arith.constant 112 : index
      %get3A_198 = tpu.vector_load %arg8[%get3A_196, %get3A_197] {strides = array<i32>} : memref<160x128xi32, #tpu.memory_space<vmem>>, vector<1x16xi32>,
      %get3A_199 = vector.shape_cast %get3A_198 : vector<1x16xi32> to vector<16xi32>
      %sub3A_200 = vector.broadcast %mul3A_0 : i32 to vector<16xi32>
      %sub3A_201 = arith.subi %get3A_199, %sub3A_200 : vector<16xi32>
      %ge3A_202 = vector.broadcast %mul3A_0 : i32 to vector<16xi32>
      %ge3A_203 = arith.cmpi sge, %get3A_199, %ge3A_202 : vector<16xi32>
      %lt3A_204 = arith.constant 5120 : i32
      %lt3A_205 = vector.broadcast %lt3A_204 : i32 to vector<16xi32>
      %lt3A_206 = arith.cmpi slt, %sub3A_201, %lt3A_205 : vector<16xi32>
      %and3A_207 = arith.andi %ge3A_203, %lt3A_206 : vector<16xi1>
      %add3A_208 = arith.constant 5120 : i32
      %add3A_209 = arith.addi %add3A_208, %arg1 : i32
      %broadcast_in_dim3A_210 = vector.broadcast %add3A_209 : i32 to vector<16xi32>
      %select_n3A_211 = arith.select %and3A_207, %sub3A_201, %broadcast_in_dim3A_210 : vector<16xi1>, vector<16xi32>
      %swap3A_212 = arith.index_cast %scan3A_56 : i32 to index
      %swap3A_213 = arith.constant 112 : index
      %swap3A_214 = tpu.vector_load %arg8[%swap3A_212, %swap3A_213] {strides = array<i32>} : memref<160x128xi32, #tpu.memory_space<vmem>>, vector<1x16xi32>,
      %swap3A_215 = vector.shape_cast %swap3A_214 : vector<1x16xi32> to vector<16xi32>
      %swap3A_216 = vector.shape_cast %select_n3A_211 : vector<16xi32> to vector<1x16xi32>
      tpu.vector_store %arg8[%swap3A_212, %swap3A_213], %swap3A_216 {strides = array<i32>} : memref<160x128xi32, #tpu.memory_space<vmem>>, vector<1x16xi32>,
    }
    %scan3A_30 = arith.constant 160 : i32
    %barrier3A = arith.constant 0 : index
    tpu.barrier barrier_id(%barrier3A)
    %dma_start3A = arith.constant 0 : i32
    %dma_start3A_31 = arith.constant 0 : i32
    %dma_start3A_32 = tpu.memref_slice %arg7[%dma_start3A, %dma_start3A_31] : memref<160x128xi32, #tpu.memory_space<vmem>> -> memref<1x128xi32, #tpu.memory_space<vmem>>
    %dma_start3A_33 = tpu.memref_squeeze %dma_start3A_32 : memref<1x128xi32, #tpu.memory_space<vmem>> -> memref<128xi32, #tpu.memory_space<vmem>>
    %dma_start3A_34 = arith.constant 0 : i32
    %dma_start3A_35 = arith.constant 0 : i32
    %dma_start3A_36 = tpu.memref_slice %arg2[%dma_start3A_34, %dma_start3A_35] : memref<10240x128xf32, #tpu.memory_space<hbm>> -> memref<10240x128xf32, #tpu.memory_space<hbm>>
    tpu.enqueue_indirect_dma source(%dma_start3A_36 : memref<10240x128xf32, #tpu.memory_space<hbm>>) target(%arg9 : memref<128x128xf32, #tpu.memory_space<vmem>>) offsets(%dma_start3A_33 : memref<128xi32, #tpu.memory_space<vmem>>) semaphore(%arg13 : memref<!tpu.dma_semaphore, #tpu.memory_space<semaphore_mem>>)
    %dma_start3A_37 = arith.constant 1 : i32
    %dma_start3A_38 = arith.constant 0 : i32
    %dma_start3A_39 = tpu.memref_slice %arg7[%dma_start3A_37, %dma_start3A_38] : memref<160x128xi32, #tpu.memory_space<vmem>> -> memref<1x128xi32, #tpu.memory_space<vmem>>
    %dma_start3A_40 = tpu.memref_squeeze %dma_start3A_39 : memref<1x128xi32, #tpu.memory_space<vmem>> -> memref<128xi32, #tpu.memory_space<vmem>>
    %dma_start3A_41 = arith.constant 0 : i32
    %dma_start3A_42 = arith.constant 0 : i32
    %dma_start3A_43 = tpu.memref_slice %arg2[%dma_start3A_41, %dma_start3A_42] : memref<10240x128xf32, #tpu.memory_space<hbm>> -> memref<10240x128xf32, #tpu.memory_space<hbm>>
    tpu.enqueue_indirect_dma source(%dma_start3A_43 : memref<10240x128xf32, #tpu.memory_space<hbm>>) target(%arg10 : memref<128x128xf32, #tpu.memory_space<vmem>>) offsets(%dma_start3A_40 : memref<128xi32, #tpu.memory_space<vmem>>) semaphore(%arg14 : memref<!tpu.dma_semaphore, #tpu.memory_space<semaphore_mem>>)
    %scan3A_44 = arith.constant 0 : i32
    %scan3A_45 = arith.constant 0 : i32
    %scan3A_46 = arith.constant 80 : i32
    %scan3A_47 = arith.addi %scan3A_45, %scan3A_46 : i32
    %scan3A_48 = arith.constant 1 : i32
    scf.for %scan3A_56 = %scan3A_45 to %scan3A_47 step %scan3A_48  : i32 {
      %mul3A_57 = arith.constant 2 : i32
      %mul3A_58 = arith.muli %scan3A_56, %mul3A_57 : i32
      %dma_wait3A = arith.constant 0 : i32
      %dma_wait3A_59 = arith.constant 0 : i32
      %dma_wait3A_60 = tpu.memref_slice %arg7[%dma_wait3A, %dma_wait3A_59] : memref<160x128xi32, #tpu.memory_space<vmem>> -> memref<1x128xi32, #tpu.memory_space<vmem>>
      %dma_wait3A_61 = tpu.memref_squeeze %dma_wait3A_60 : memref<1x128xi32, #tpu.memory_space<vmem>> -> memref<128xi32, #tpu.memory_space<vmem>>
      %dma_wait3A_62 = arith.constant 0 : i32
      %dma_wait3A_63 = arith.constant 0 : i32
      %dma_wait3A_64 = tpu.memref_slice %arg2[%dma_wait3A_62, %dma_wait3A_63] : memref<10240x128xf32, #tpu.memory_space<hbm>> -> memref<10240x128xf32, #tpu.memory_space<hbm>>
      tpu.wait_indirect_dma semaphore(%arg13 : memref<!tpu.dma_semaphore, #tpu.memory_space<semaphore_mem>>) src(%dma_wait3A_64 : memref<10240x128xf32, #tpu.memory_space<hbm>>) dst(%arg9 : memref<128x128xf32, #tpu.memory_space<vmem>>)
      "tpu.region"() ({
        %run_scoped3A = tpu.sem_alloc : memref<!tpu.dma_semaphore, #tpu.memory_space<semaphore_mem>>
        %dma_start3A_87 = arith.constant 0 : i32
        %dma_start3A_88 = tpu.memref_slice %arg8[%mul3A_58, %dma_start3A_87] : memref<160x128xi32, #tpu.memory_space<vmem>> -> memref<1x128xi32, #tpu.memory_space<vmem>>
        %dma_start3A_89 = tpu.memref_squeeze %dma_start3A_88 : memref<1x128xi32, #tpu.memory_space<vmem>> -> memref<128xi32, #tpu.memory_space<vmem>>
        %dma_start3A_90 = arith.constant 0 : i32
        %dma_start3A_91 = arith.constant 0 : i32
        %dma_start3A_92 = tpu.memref_slice %arg12[%dma_start3A_90, %dma_start3A_91] : memref<5136x128xf32, #tpu.memory_space<vmem_shared>> -> memref<5136x128xf32, #tpu.memory_space<vmem_shared>>
        tpu.enqueue_indirect_dma source(%arg9 : memref<128x128xf32, #tpu.memory_space<vmem>>) target(%dma_start3A_92 : memref<5136x128xf32, #tpu.memory_space<vmem_shared>>) offsets(%dma_start3A_89 : memref<128xi32, #tpu.memory_space<vmem>>) semaphore(%run_scoped3A : memref<!tpu.dma_semaphore, #tpu.memory_space<semaphore_mem>>) {add = true}
        %dma_wait3A_93 = arith.constant 0 : i32
        %dma_wait3A_94 = tpu.memref_slice %arg8[%mul3A_58, %dma_wait3A_93] : memref<160x128xi32, #tpu.memory_space<vmem>> -> memref<1x128xi32, #tpu.memory_space<vmem>>
        %dma_wait3A_95 = tpu.memref_squeeze %dma_wait3A_94 : memref<1x128xi32, #tpu.memory_space<vmem>> -> memref<128xi32, #tpu.memory_space<vmem>>
        %dma_wait3A_96 = arith.constant 0 : i32
        %dma_wait3A_97 = arith.constant 0 : i32
        %dma_wait3A_98 = tpu.memref_slice %arg12[%dma_wait3A_96, %dma_wait3A_97] : memref<5136x128xf32, #tpu.memory_space<vmem_shared>> -> memref<5136x128xf32, #tpu.memory_space<vmem_shared>>
        tpu.wait_indirect_dma semaphore(%run_scoped3A : memref<!tpu.dma_semaphore, #tpu.memory_space<semaphore_mem>>) src(%arg9 : memref<128x128xf32, #tpu.memory_space<vmem>>) dst(%dma_wait3A_98 : memref<5136x128xf32, #tpu.memory_space<vmem_shared>>)
        tpu.yield
      }) : () -> ()
      %add3A_65 = arith.constant 2 : i32
      %add3A_66 = arith.addi %mul3A_58, %add3A_65 : i32
      %lt3A = arith.constant 160 : i32
      %lt3A_67 = arith.cmpi slt, %add3A_66, %lt3A : i32
      %convert_element_type3A_68 = arith.extui %lt3A_67 : i1 to i32
      %cond3A_69 = arith.constant 0 : i32
      %cond3A_70 = arith.cmpi ne, %convert_element_type3A_68, %cond3A_69 : i32
      scf.if %cond3A_70 {
        %add3A_87 = arith.constant 2 : i32
        %add3A_88 = arith.addi %mul3A_58, %add3A_87 : i32
        %dma_start3A_89 = arith.constant 0 : i32
        %dma_start3A_90 = tpu.memref_slice %arg7[%add3A_88, %dma_start3A_89] : memref<160x128xi32, #tpu.memory_space<vmem>> -> memref<1x128xi32, #tpu.memory_space<vmem>>
        %dma_start3A_91 = tpu.memref_squeeze %dma_start3A_90 : memref<1x128xi32, #tpu.memory_space<vmem>> -> memref<128xi32, #tpu.memory_space<vmem>>
        %dma_start3A_92 = arith.constant 0 : i32
        %dma_start3A_93 = arith.constant 0 : i32
        %dma_start3A_94 = tpu.memref_slice %arg2[%dma_start3A_92, %dma_start3A_93] : memref<10240x128xf32, #tpu.memory_space<hbm>> -> memref<10240x128xf32, #tpu.memory_space<hbm>>
        tpu.enqueue_indirect_dma source(%dma_start3A_94 : memref<10240x128xf32, #tpu.memory_space<hbm>>) target(%arg9 : memref<128x128xf32, #tpu.memory_space<vmem>>) offsets(%dma_start3A_91 : memref<128xi32, #tpu.memory_space<vmem>>) semaphore(%arg13 : memref<!tpu.dma_semaphore, #tpu.memory_space<semaphore_mem>>)
      } else {
      }
      %dma_wait3A_71 = arith.constant 1 : i32
      %dma_wait3A_72 = arith.constant 0 : i32
      %dma_wait3A_73 = tpu.memref_slice %arg7[%dma_wait3A_71, %dma_wait3A_72] : memref<160x128xi32, #tpu.memory_space<vmem>> -> memref<1x128xi32, #tpu.memory_space<vmem>>
      %dma_wait3A_74 = tpu.memref_squeeze %dma_wait3A_73 : memref<1x128xi32, #tpu.memory_space<vmem>> -> memref<128xi32, #tpu.memory_space<vmem>>
      %dma_wait3A_75 = arith.constant 0 : i32
      %dma_wait3A_76 = arith.constant 0 : i32
      %dma_wait3A_77 = tpu.memref_slice %arg2[%dma_wait3A_75, %dma_wait3A_76] : memref<10240x128xf32, #tpu.memory_space<hbm>> -> memref<10240x128xf32, #tpu.memory_space<hbm>>
      tpu.wait_indirect_dma semaphore(%arg14 : memref<!tpu.dma_semaphore, #tpu.memory_space<semaphore_mem>>) src(%dma_wait3A_77 : memref<10240x128xf32, #tpu.memory_space<hbm>>) dst(%arg10 : memref<128x128xf32, #tpu.memory_space<vmem>>)
      %add3A_78 = arith.constant 1 : i32
      %add3A_79 = arith.addi %mul3A_58, %add3A_78 : i32
      "tpu.region"() ({
        %run_scoped3A = tpu.sem_alloc : memref<!tpu.dma_semaphore, #tpu.memory_space<semaphore_mem>>
        %dma_start3A_87 = arith.constant 0 : i32
        %dma_start3A_88 = tpu.memref_slice %arg8[%add3A_79, %dma_start3A_87] : memref<160x128xi32, #tpu.memory_space<vmem>> -> memref<1x128xi32, #tpu.memory_space<vmem>>
        %dma_start3A_89 = tpu.memref_squeeze %dma_start3A_88 : memref<1x128xi32, #tpu.memory_space<vmem>> -> memref<128xi32, #tpu.memory_space<vmem>>
        %dma_start3A_90 = arith.constant 0 : i32
        %dma_start3A_91 = arith.constant 0 : i32
        %dma_start3A_92 = tpu.memref_slice %arg12[%dma_start3A_90, %dma_start3A_91] : memref<5136x128xf32, #tpu.memory_space<vmem_shared>> -> memref<5136x128xf32, #tpu.memory_space<vmem_shared>>
        tpu.enqueue_indirect_dma source(%arg10 : memref<128x128xf32, #tpu.memory_space<vmem>>) target(%dma_start3A_92 : memref<5136x128xf32, #tpu.memory_space<vmem_shared>>) offsets(%dma_start3A_89 : memref<128xi32, #tpu.memory_space<vmem>>) semaphore(%run_scoped3A : memref<!tpu.dma_semaphore, #tpu.memory_space<semaphore_mem>>) {add = true}
        %dma_wait3A_93 = arith.constant 0 : i32
        %dma_wait3A_94 = tpu.memref_slice %arg8[%add3A_79, %dma_wait3A_93] : memref<160x128xi32, #tpu.memory_space<vmem>> -> memref<1x128xi32, #tpu.memory_space<vmem>>
        %dma_wait3A_95 = tpu.memref_squeeze %dma_wait3A_94 : memref<1x128xi32, #tpu.memory_space<vmem>> -> memref<128xi32, #tpu.memory_space<vmem>>
        %dma_wait3A_96 = arith.constant 0 : i32
        %dma_wait3A_97 = arith.constant 0 : i32
        %dma_wait3A_98 = tpu.memref_slice %arg12[%dma_wait3A_96, %dma_wait3A_97] : memref<5136x128xf32, #tpu.memory_space<vmem_shared>> -> memref<5136x128xf32, #tpu.memory_space<vmem_shared>>
        tpu.wait_indirect_dma semaphore(%run_scoped3A : memref<!tpu.dma_semaphore, #tpu.memory_space<semaphore_mem>>) src(%arg10 : memref<128x128xf32, #tpu.memory_space<vmem>>) dst(%dma_wait3A_98 : memref<5136x128xf32, #tpu.memory_space<vmem_shared>>)
        tpu.yield
      }) : () -> ()
      %add3A_80 = arith.constant 3 : i32
      %add3A_81 = arith.addi %mul3A_58, %add3A_80 : i32
      %lt3A_82 = arith.constant 160 : i32
      %lt3A_83 = arith.cmpi slt, %add3A_81, %lt3A_82 : i32
      %convert_element_type3A_84 = arith.extui %lt3A_83 : i1 to i32
      %cond3A_85 = arith.constant 0 : i32
      %cond3A_86 = arith.cmpi ne, %convert_element_type3A_84, %cond3A_85 : i32
      scf.if %cond3A_86 {
        %add3A_87 = arith.constant 3 : i32
        %add3A_88 = arith.addi %mul3A_58, %add3A_87 : i32
        %dma_start3A_89 = arith.constant 0 : i32
        %dma_start3A_90 = tpu.memref_slice %arg7[%add3A_88, %dma_start3A_89] : memref<160x128xi32, #tpu.memory_space<vmem>> -> memref<1x128xi32, #tpu.memory_space<vmem>>
        %dma_start3A_91 = tpu.memref_squeeze %dma_start3A_90 : memref<1x128xi32, #tpu.memory_space<vmem>> -> memref<128xi32, #tpu.memory_space<vmem>>
        %dma_start3A_92 = arith.constant 0 : i32
        %dma_start3A_93 = arith.constant 0 : i32
        %dma_start3A_94 = tpu.memref_slice %arg2[%dma_start3A_92, %dma_start3A_93] : memref<10240x128xf32, #tpu.memory_space<hbm>> -> memref<10240x128xf32, #tpu.memory_space<hbm>>
        tpu.enqueue_indirect_dma source(%dma_start3A_94 : memref<10240x128xf32, #tpu.memory_space<hbm>>) target(%arg10 : memref<128x128xf32, #tpu.memory_space<vmem>>) offsets(%dma_start3A_91 : memref<128xi32, #tpu.memory_space<vmem>>) semaphore(%arg14 : memref<!tpu.dma_semaphore, #tpu.memory_space<semaphore_mem>>)
      } else {
      }
    }
    %scan3A_49 = arith.constant 80 : i32
    %barrier3A_50 = arith.constant 0 : index
    tpu.barrier barrier_id(%barrier3A_50)
    %mul3A_51 = arith.constant 320 : i32
    %mul3A_52 = arith.muli %arg1, %mul3A_51 : i32
    %mul3A_53 = arith.constant 320 : i32
    %mul3A_54 = arith.muli %arg1, %mul3A_53 : i32
    %add3A_55 = arith.addi %mul3A_0, %mul3A_54 : i32
    "tpu.region"() ({
      %run_scoped3A = tpu.sem_alloc : memref<!tpu.dma_semaphore, #tpu.memory_space<semaphore_mem>>
      %dma_start3A_56 = arith.constant 0 : i32
      %dma_start3A_57 = tpu.memref_slice %arg6[%add3A_55, %dma_start3A_56] : memref<10240x128xf32, #tpu.memory_space<hbm>> -> memref<320x128xf32, #tpu.memory_space<hbm>>
      %dma_start3A_58 = arith.constant 0 : i32
      %dma_start3A_59 = tpu.memref_slice %arg12[%mul3A_52, %dma_start3A_58] : memref<5136x128xf32, #tpu.memory_space<vmem_shared>> -> memref<320x128xf32, #tpu.memory_space<vmem_shared>>
      tpu.enqueue_dma source(%dma_start3A_59 : memref<320x128xf32, #tpu.memory_space<vmem_shared>>) target(%dma_start3A_57 : memref<320x128xf32, #tpu.memory_space<hbm>>) target_semaphore(%run_scoped3A : memref<!tpu.dma_semaphore, #tpu.memory_space<semaphore_mem>>)
      %dma_wait3A = arith.constant 0 : i32
      %dma_wait3A_60 = tpu.memref_slice %arg6[%add3A_55, %dma_wait3A] : memref<10240x128xf32, #tpu.memory_space<hbm>> -> memref<320x128xf32, #tpu.memory_space<hbm>>
      %dma_wait3A_61 = arith.constant 0 : i32
      %dma_wait3A_62 = tpu.memref_slice %arg12[%mul3A_52, %dma_wait3A_61] : memref<5136x128xf32, #tpu.memory_space<vmem_shared>> -> memref<320x128xf32, #tpu.memory_space<vmem_shared>>
      tpu.wait_dma2 semaphore(%run_scoped3A : memref<!tpu.dma_semaphore, #tpu.memory_space<semaphore_mem>>) src(%dma_wait3A_62 : memref<320x128xf32, #tpu.memory_space<vmem_shared>>) dst(%dma_wait3A_60 : memref<320x128xf32, #tpu.memory_space<hbm>>)
      tpu.yield
    }) : () -> ()
    return
  }
}

#map = affine_map<(d0, d1) -> (0, 0)>
module attributes {stable_mosaic.version = 14 : i64} {
  func.func @_sc_aggr_body(%arg0: i32, %arg1: i32, %arg2: memref<10240x128xf32, #tpu.memory_space<hbm>>, %arg3: memref<2560x128xi32, #tpu.memory_space<hbm>>, %arg4: memref<2560x128xi32, #tpu.memory_space<hbm>>, %arg5: memref<64x128xf32, #tpu.memory_space<hbm>>, %arg6: memref<10240x128xf32, #tpu.memory_space<hbm>>, %arg7: memref<160x128xi32, #tpu.memory_space<vmem>>, %arg8: memref<160x128xi32, #tpu.memory_space<vmem>>, %arg9: memref<128x128xf32, #tpu.memory_space<vmem>>, %arg10: memref<128x128xf32, #tpu.memory_space<vmem>>, %arg11: memref<64x128xf32, #tpu.memory_space<vmem>>, %arg12: memref<5136x128xf32, #tpu.memory_space<vmem_shared>>, %arg13: memref<!tpu.dma_semaphore, #tpu.memory_space<semaphore_mem>>, %arg14: memref<!tpu.dma_semaphore, #tpu.memory_space<semaphore_mem>>) attributes {dimension_semantics = [#tpu.dimension_semantics<core_parallel>, #tpu.dimension_semantics<subcore_parallel>], iteration_bounds = array<i64: 2, 16>, scalar_prefetch = 0 : i64, scratch_operands = 8 : i64, tpu.core_type = #tpu.core_type<sc_vector_subcore>, window_params = [{transform_indices = #map}, {transform_indices = #map}, {transform_indices = #map}, {transform_indices = #map}, {transform_indices = #map}]} {
    %mul3A = arith.constant 5120 : i32
    %mul3A_0 = arith.muli %arg0, %mul3A : i32
    "tpu.region"() ({
      %run_scoped3A = tpu.sem_alloc : memref<!tpu.dma_semaphore, #tpu.memory_space<semaphore_mem>>
      tpu.enqueue_dma source(%arg5 : memref<64x128xf32, #tpu.memory_space<hbm>>) target(%arg11 : memref<64x128xf32, #tpu.memory_space<vmem>>) target_semaphore(%run_scoped3A : memref<!tpu.dma_semaphore, #tpu.memory_space<semaphore_mem>>)
      tpu.wait_dma2 semaphore(%run_scoped3A : memref<!tpu.dma_semaphore, #tpu.memory_space<semaphore_mem>>) src(%arg5 : memref<64x128xf32, #tpu.memory_space<hbm>>) dst(%arg11 : memref<64x128xf32, #tpu.memory_space<vmem>>)
      tpu.yield
    }) : () -> ()
    %mul3A_1 = arith.constant 320 : i32
    %mul3A_2 = arith.muli %arg1, %mul3A_1 : i32
    %add3A = arith.constant 0 : i32
    %add3A_3 = arith.addi %mul3A_2, %add3A : i32
    "tpu.region"() ({
      %run_scoped3A = tpu.sem_alloc : memref<!tpu.dma_semaphore, #tpu.memory_space<semaphore_mem>>
      %dma_start3A_56 = arith.constant 0 : i32
      %dma_start3A_57 = arith.constant 0 : i32
      %dma_start3A_58 = tpu.memref_slice %arg11[%dma_start3A_56, %dma_start3A_57] : memref<64x128xf32, #tpu.memory_space<vmem>> -> memref<64x128xf32, #tpu.memory_space<vmem>>
      %dma_start3A_59 = arith.constant 0 : i32
      %dma_start3A_60 = tpu.memref_slice %arg12[%add3A_3, %dma_start3A_59] : memref<5136x128xf32, #tpu.memory_space<vmem_shared>> -> memref<64x128xf32, #tpu.memory_space<vmem_shared>>
      %dma_start3A_61 = arith.constant 0 : i32
      %dma_start3A_62 = tpu.memref_slice %arg12[%add3A_3, %dma_start3A_61] : memref<5136x128xf32, #tpu.memory_space<vmem_shared>> -> memref<64x128xf32, #tpu.memory_space<vmem_shared>>
      %dma_start3A_63 = arith.constant 0 : i32
      %dma_start3A_64 = arith.constant 0 : i32
      %dma_start3A_65 = tpu.memref_slice %arg11[%dma_start3A_63, %dma_start3A_64] : memref<64x128xf32, #tpu.memory_space<vmem>> -> memref<64x128xf32, #tpu.memory_space<vmem>>
      tpu.enqueue_dma source(%dma_start3A_65 : memref<64x128xf32, #tpu.memory_space<vmem>>) target(%dma_start3A_62 : memref<64x128xf32, #tpu.memory_space<vmem_shared>>) target_semaphore(%run_scoped3A : memref<!tpu.dma_semaphore, #tpu.memory_space<semaphore_mem>>)
      %dma_wait3A = arith.constant 0 : i32
      %dma_wait3A_66 = arith.constant 0 : i32
      %dma_wait3A_67 = tpu.memref_slice %arg11[%dma_wait3A, %dma_wait3A_66] : memref<64x128xf32, #tpu.memory_space<vmem>> -> memref<64x128xf32, #tpu.memory_space<vmem>>
      %dma_wait3A_68 = arith.constant 0 : i32
      %dma_wait3A_69 = tpu.memref_slice %arg12[%add3A_3, %dma_wait3A_68] : memref<5136x128xf32, #tpu.memory_space<vmem_shared>> -> memref<64x128xf32, #tpu.memory_space<vmem_shared>>
      %dma_wait3A_70 = arith.constant 0 : i32
      %dma_wait3A_71 = tpu.memref_slice %arg12[%add3A_3, %dma_wait3A_70] : memref<5136x128xf32, #tpu.memory_space<vmem_shared>> -> memref<64x128xf32, #tpu.memory_space<vmem_shared>>
      %dma_wait3A_72 = arith.constant 0 : i32
      %dma_wait3A_73 = arith.constant 0 : i32
      %dma_wait3A_74 = tpu.memref_slice %arg11[%dma_wait3A_72, %dma_wait3A_73] : memref<64x128xf32, #tpu.memory_space<vmem>> -> memref<64x128xf32, #tpu.memory_space<vmem>>
      tpu.wait_dma2 semaphore(%run_scoped3A : memref<!tpu.dma_semaphore, #tpu.memory_space<semaphore_mem>>) src(%dma_wait3A_74 : memref<64x128xf32, #tpu.memory_space<vmem>>) dst(%dma_wait3A_71 : memref<64x128xf32, #tpu.memory_space<vmem_shared>>)
      tpu.yield
    }) : () -> ()
    %mul3A_4 = arith.constant 320 : i32
    %mul3A_5 = arith.muli %arg1, %mul3A_4 : i32
    %add3A_6 = arith.constant 64 : i32
    %add3A_7 = arith.addi %mul3A_5, %add3A_6 : i32
    "tpu.region"() ({
      %run_scoped3A = tpu.sem_alloc : memref<!tpu.dma_semaphore, #tpu.memory_space<semaphore_mem>>
      %dma_start3A_56 = arith.constant 0 : i32
      %dma_start3A_57 = arith.constant 0 : i32
      %dma_start3A_58 = tpu.memref_slice %arg11[%dma_start3A_56, %dma_start3A_57] : memref<64x128xf32, #tpu.memory_space<vmem>> -> memref<64x128xf32, #tpu.memory_space<vmem>>
      %dma_start3A_59 = arith.constant 0 : i32
      %dma_start3A_60 = tpu.memref_slice %arg12[%add3A_7, %dma_start3A_59] : memref<5136x128xf32, #tpu.memory_space<vmem_shared>> -> memref<64x128xf32, #tpu.memory_space<vmem_shared>>
      %dma_start3A_61 = arith.constant 0 : i32
      %dma_start3A_62 = tpu.memref_slice %arg12[%add3A_7, %dma_start3A_61] : memref<5136x128xf32, #tpu.memory_space<vmem_shared>> -> memref<64x128xf32, #tpu.memory_space<vmem_shared>>
      %dma_start3A_63 = arith.constant 0 : i32
      %dma_start3A_64 = arith.constant 0 : i32
      %dma_start3A_65 = tpu.memref_slice %arg11[%dma_start3A_63, %dma_start3A_64] : memref<64x128xf32, #tpu.memory_space<vmem>> -> memref<64x128xf32, #tpu.memory_space<vmem>>
      tpu.enqueue_dma source(%dma_start3A_65 : memref<64x128xf32, #tpu.memory_space<vmem>>) target(%dma_start3A_62 : memref<64x128xf32, #tpu.memory_space<vmem_shared>>) target_semaphore(%run_scoped3A : memref<!tpu.dma_semaphore, #tpu.memory_space<semaphore_mem>>)
      %dma_wait3A = arith.constant 0 : i32
      %dma_wait3A_66 = arith.constant 0 : i32
      %dma_wait3A_67 = tpu.memref_slice %arg11[%dma_wait3A, %dma_wait3A_66] : memref<64x128xf32, #tpu.memory_space<vmem>> -> memref<64x128xf32, #tpu.memory_space<vmem>>
      %dma_wait3A_68 = arith.constant 0 : i32
      %dma_wait3A_69 = tpu.memref_slice %arg12[%add3A_7, %dma_wait3A_68] : memref<5136x128xf32, #tpu.memory_space<vmem_shared>> -> memref<64x128xf32, #tpu.memory_space<vmem_shared>>
      %dma_wait3A_70 = arith.constant 0 : i32
      %dma_wait3A_71 = tpu.memref_slice %arg12[%add3A_7, %dma_wait3A_70] : memref<5136x128xf32, #tpu.memory_space<vmem_shared>> -> memref<64x128xf32, #tpu.memory_space<vmem_shared>>
      %dma_wait3A_72 = arith.constant 0 : i32
      %dma_wait3A_73 = arith.constant 0 : i32
      %dma_wait3A_74 = tpu.memref_slice %arg11[%dma_wait3A_72, %dma_wait3A_73] : memref<64x128xf32, #tpu.memory_space<vmem>> -> memref<64x128xf32, #tpu.memory_space<vmem>>
      tpu.wait_dma2 semaphore(%run_scoped3A : memref<!tpu.dma_semaphore, #tpu.memory_space<semaphore_mem>>) src(%dma_wait3A_74 : memref<64x128xf32, #tpu.memory_space<vmem>>) dst(%dma_wait3A_71 : memref<64x128xf32, #tpu.memory_space<vmem_shared>>)
      tpu.yield
    }) : () -> ()
    %mul3A_8 = arith.constant 320 : i32
    %mul3A_9 = arith.muli %arg1, %mul3A_8 : i32
    %add3A_10 = arith.constant 128 : i32
    %add3A_11 = arith.addi %mul3A_9, %add3A_10 : i32
    "tpu.region"() ({
      %run_scoped3A = tpu.sem_alloc : memref<!tpu.dma_semaphore, #tpu.memory_space<semaphore_mem>>
      %dma_start3A_56 = arith.constant 0 : i32
      %dma_start3A_57 = arith.constant 0 : i32
      %dma_start3A_58 = tpu.memref_slice %arg11[%dma_start3A_56, %dma_start3A_57] : memref<64x128xf32, #tpu.memory_space<vmem>> -> memref<64x128xf32, #tpu.memory_space<vmem>>
      %dma_start3A_59 = arith.constant 0 : i32
      %dma_start3A_60 = tpu.memref_slice %arg12[%add3A_11, %dma_start3A_59] : memref<5136x128xf32, #tpu.memory_space<vmem_shared>> -> memref<64x128xf32, #tpu.memory_space<vmem_shared>>
      %dma_start3A_61 = arith.constant 0 : i32
      %dma_start3A_62 = tpu.memref_slice %arg12[%add3A_11, %dma_start3A_61] : memref<5136x128xf32, #tpu.memory_space<vmem_shared>> -> memref<64x128xf32, #tpu.memory_space<vmem_shared>>
      %dma_start3A_63 = arith.constant 0 : i32
      %dma_start3A_64 = arith.constant 0 : i32
      %dma_start3A_65 = tpu.memref_slice %arg11[%dma_start3A_63, %dma_start3A_64] : memref<64x128xf32, #tpu.memory_space<vmem>> -> memref<64x128xf32, #tpu.memory_space<vmem>>
      tpu.enqueue_dma source(%dma_start3A_65 : memref<64x128xf32, #tpu.memory_space<vmem>>) target(%dma_start3A_62 : memref<64x128xf32, #tpu.memory_space<vmem_shared>>) target_semaphore(%run_scoped3A : memref<!tpu.dma_semaphore, #tpu.memory_space<semaphore_mem>>)
      %dma_wait3A = arith.constant 0 : i32
      %dma_wait3A_66 = arith.constant 0 : i32
      %dma_wait3A_67 = tpu.memref_slice %arg11[%dma_wait3A, %dma_wait3A_66] : memref<64x128xf32, #tpu.memory_space<vmem>> -> memref<64x128xf32, #tpu.memory_space<vmem>>
      %dma_wait3A_68 = arith.constant 0 : i32
      %dma_wait3A_69 = tpu.memref_slice %arg12[%add3A_11, %dma_wait3A_68] : memref<5136x128xf32, #tpu.memory_space<vmem_shared>> -> memref<64x128xf32, #tpu.memory_space<vmem_shared>>
      %dma_wait3A_70 = arith.constant 0 : i32
      %dma_wait3A_71 = tpu.memref_slice %arg12[%add3A_11, %dma_wait3A_70] : memref<5136x128xf32, #tpu.memory_space<vmem_shared>> -> memref<64x128xf32, #tpu.memory_space<vmem_shared>>
      %dma_wait3A_72 = arith.constant 0 : i32
      %dma_wait3A_73 = arith.constant 0 : i32
      %dma_wait3A_74 = tpu.memref_slice %arg11[%dma_wait3A_72, %dma_wait3A_73] : memref<64x128xf32, #tpu.memory_space<vmem>> -> memref<64x128xf32, #tpu.memory_space<vmem>>
      tpu.wait_dma2 semaphore(%run_scoped3A : memref<!tpu.dma_semaphore, #tpu.memory_space<semaphore_mem>>) src(%dma_wait3A_74 : memref<64x128xf32, #tpu.memory_space<vmem>>) dst(%dma_wait3A_71 : memref<64x128xf32, #tpu.memory_space<vmem_shared>>)
      tpu.yield
    }) : () -> ()
    %mul3A_12 = arith.constant 320 : i32
    %mul3A_13 = arith.muli %arg1, %mul3A_12 : i32
    %add3A_14 = arith.constant 192 : i32
    %add3A_15 = arith.addi %mul3A_13, %add3A_14 : i32
    "tpu.region"() ({
      %run_scoped3A = tpu.sem_alloc : memref<!tpu.dma_semaphore, #tpu.memory_space<semaphore_mem>>
      %dma_start3A_56 = arith.constant 0 : i32
      %dma_start3A_57 = arith.constant 0 : i32
      %dma_start3A_58 = tpu.memref_slice %arg11[%dma_start3A_56, %dma_start3A_57] : memref<64x128xf32, #tpu.memory_space<vmem>> -> memref<64x128xf32, #tpu.memory_space<vmem>>
      %dma_start3A_59 = arith.constant 0 : i32
      %dma_start3A_60 = tpu.memref_slice %arg12[%add3A_15, %dma_start3A_59] : memref<5136x128xf32, #tpu.memory_space<vmem_shared>> -> memref<64x128xf32, #tpu.memory_space<vmem_shared>>
      %dma_start3A_61 = arith.constant 0 : i32
      %dma_start3A_62 = tpu.memref_slice %arg12[%add3A_15, %dma_start3A_61] : memref<5136x128xf32, #tpu.memory_space<vmem_shared>> -> memref<64x128xf32, #tpu.memory_space<vmem_shared>>
      %dma_start3A_63 = arith.constant 0 : i32
      %dma_start3A_64 = arith.constant 0 : i32
      %dma_start3A_65 = tpu.memref_slice %arg11[%dma_start3A_63, %dma_start3A_64] : memref<64x128xf32, #tpu.memory_space<vmem>> -> memref<64x128xf32, #tpu.memory_space<vmem>>
      tpu.enqueue_dma source(%dma_start3A_65 : memref<64x128xf32, #tpu.memory_space<vmem>>) target(%dma_start3A_62 : memref<64x128xf32, #tpu.memory_space<vmem_shared>>) target_semaphore(%run_scoped3A : memref<!tpu.dma_semaphore, #tpu.memory_space<semaphore_mem>>)
      %dma_wait3A = arith.constant 0 : i32
      %dma_wait3A_66 = arith.constant 0 : i32
      %dma_wait3A_67 = tpu.memref_slice %arg11[%dma_wait3A, %dma_wait3A_66] : memref<64x128xf32, #tpu.memory_space<vmem>> -> memref<64x128xf32, #tpu.memory_space<vmem>>
      %dma_wait3A_68 = arith.constant 0 : i32
      %dma_wait3A_69 = tpu.memref_slice %arg12[%add3A_15, %dma_wait3A_68] : memref<5136x128xf32, #tpu.memory_space<vmem_shared>> -> memref<64x128xf32, #tpu.memory_space<vmem_shared>>
      %dma_wait3A_70 = arith.constant 0 : i32
      %dma_wait3A_71 = tpu.memref_slice %arg12[%add3A_15, %dma_wait3A_70] : memref<5136x128xf32, #tpu.memory_space<vmem_shared>> -> memref<64x128xf32, #tpu.memory_space<vmem_shared>>
      %dma_wait3A_72 = arith.constant 0 : i32
      %dma_wait3A_73 = arith.constant 0 : i32
      %dma_wait3A_74 = tpu.memref_slice %arg11[%dma_wait3A_72, %dma_wait3A_73] : memref<64x128xf32, #tpu.memory_space<vmem>> -> memref<64x128xf32, #tpu.memory_space<vmem>>
      tpu.wait_dma2 semaphore(%run_scoped3A : memref<!tpu.dma_semaphore, #tpu.memory_space<semaphore_mem>>) src(%dma_wait3A_74 : memref<64x128xf32, #tpu.memory_space<vmem>>) dst(%dma_wait3A_71 : memref<64x128xf32, #tpu.memory_space<vmem_shared>>)
      tpu.yield
    }) : () -> ()
    %mul3A_16 = arith.constant 320 : i32
    %mul3A_17 = arith.muli %arg1, %mul3A_16 : i32
    %add3A_18 = arith.constant 256 : i32
    %add3A_19 = arith.addi %mul3A_17, %add3A_18 : i32
    "tpu.region"() ({
      %run_scoped3A = tpu.sem_alloc : memref<!tpu.dma_semaphore, #tpu.memory_space<semaphore_mem>>
      %dma_start3A_56 = arith.constant 0 : i32
      %dma_start3A_57 = arith.constant 0 : i32
      %dma_start3A_58 = tpu.memref_slice %arg11[%dma_start3A_56, %dma_start3A_57] : memref<64x128xf32, #tpu.memory_space<vmem>> -> memref<64x128xf32, #tpu.memory_space<vmem>>
      %dma_start3A_59 = arith.constant 0 : i32
      %dma_start3A_60 = tpu.memref_slice %arg12[%add3A_19, %dma_start3A_59] : memref<5136x128xf32, #tpu.memory_space<vmem_shared>> -> memref<64x128xf32, #tpu.memory_space<vmem_shared>>
      %dma_start3A_61 = arith.constant 0 : i32
      %dma_start3A_62 = tpu.memref_slice %arg12[%add3A_19, %dma_start3A_61] : memref<5136x128xf32, #tpu.memory_space<vmem_shared>> -> memref<64x128xf32, #tpu.memory_space<vmem_shared>>
      %dma_start3A_63 = arith.constant 0 : i32
      %dma_start3A_64 = arith.constant 0 : i32
      %dma_start3A_65 = tpu.memref_slice %arg11[%dma_start3A_63, %dma_start3A_64] : memref<64x128xf32, #tpu.memory_space<vmem>> -> memref<64x128xf32, #tpu.memory_space<vmem>>
      tpu.enqueue_dma source(%dma_start3A_65 : memref<64x128xf32, #tpu.memory_space<vmem>>) target(%dma_start3A_62 : memref<64x128xf32, #tpu.memory_space<vmem_shared>>) target_semaphore(%run_scoped3A : memref<!tpu.dma_semaphore, #tpu.memory_space<semaphore_mem>>)
      %dma_wait3A = arith.constant 0 : i32
      %dma_wait3A_66 = arith.constant 0 : i32
      %dma_wait3A_67 = tpu.memref_slice %arg11[%dma_wait3A, %dma_wait3A_66] : memref<64x128xf32, #tpu.memory_space<vmem>> -> memref<64x128xf32, #tpu.memory_space<vmem>>
      %dma_wait3A_68 = arith.constant 0 : i32
      %dma_wait3A_69 = tpu.memref_slice %arg12[%add3A_19, %dma_wait3A_68] : memref<5136x128xf32, #tpu.memory_space<vmem_shared>> -> memref<64x128xf32, #tpu.memory_space<vmem_shared>>
      %dma_wait3A_70 = arith.constant 0 : i32
      %dma_wait3A_71 = tpu.memref_slice %arg12[%add3A_19, %dma_wait3A_70] : memref<5136x128xf32, #tpu.memory_space<vmem_shared>> -> memref<64x128xf32, #tpu.memory_space<vmem_shared>>
      %dma_wait3A_72 = arith.constant 0 : i32
      %dma_wait3A_73 = arith.constant 0 : i32
      %dma_wait3A_74 = tpu.memref_slice %arg11[%dma_wait3A_72, %dma_wait3A_73] : memref<64x128xf32, #tpu.memory_space<vmem>> -> memref<64x128xf32, #tpu.memory_space<vmem>>
      tpu.wait_dma2 semaphore(%run_scoped3A : memref<!tpu.dma_semaphore, #tpu.memory_space<semaphore_mem>>) src(%dma_wait3A_74 : memref<64x128xf32, #tpu.memory_space<vmem>>) dst(%dma_wait3A_71 : memref<64x128xf32, #tpu.memory_space<vmem_shared>>)
      tpu.yield
    }) : () -> ()
    %eq3A = arith.constant 15 : i32
    %eq3A_20 = arith.cmpi eq, %arg1, %eq3A : i32
    %convert_element_type3A = arith.extui %eq3A_20 : i1 to i32
    %cond3A = arith.constant 0 : i32
    %cond3A_21 = arith.cmpi ne, %convert_element_type3A, %cond3A : i32
    scf.if %cond3A_21 {
      "tpu.region"() ({
        %run_scoped3A = tpu.sem_alloc : memref<!tpu.dma_semaphore, #tpu.memory_space<semaphore_mem>>
        %dma_start3A_56 = arith.constant 0 : i32
        %dma_start3A_57 = arith.constant 0 : i32
        %dma_start3A_58 = tpu.memref_slice %arg11[%dma_start3A_56, %dma_start3A_57] : memref<64x128xf32, #tpu.memory_space<vmem>> -> memref<16x128xf32, #tpu.memory_space<vmem>>
        %dma_start3A_59 = arith.constant 5120 : i32
        %dma_start3A_60 = arith.constant 0 : i32
        %dma_start3A_61 = tpu.memref_slice %arg12[%dma_start3A_59, %dma_start3A_60] : memref<5136x128xf32, #tpu.memory_space<vmem_shared>> -> memref<16x128xf32, #tpu.memory_space<vmem_shared>>
        %dma_start3A_62 = arith.constant 5120 : i32
        %dma_start3A_63 = arith.constant 0 : i32
        %dma_start3A_64 = tpu.memref_slice %arg12[%dma_start3A_62, %dma_start3A_63] : memref<5136x128xf32, #tpu.memory_space<vmem_shared>> -> memref<16x128xf32, #tpu.memory_space<vmem_shared>>
        %dma_start3A_65 = arith.constant 0 : i32
        %dma_start3A_66 = arith.constant 0 : i32
        %dma_start3A_67 = tpu.memref_slice %arg11[%dma_start3A_65, %dma_start3A_66] : memref<64x128xf32, #tpu.memory_space<vmem>> -> memref<16x128xf32, #tpu.memory_space<vmem>>
        tpu.enqueue_dma source(%dma_start3A_67 : memref<16x128xf32, #tpu.memory_space<vmem>>) target(%dma_start3A_64 : memref<16x128xf32, #tpu.memory_space<vmem_shared>>) target_semaphore(%run_scoped3A : memref<!tpu.dma_semaphore, #tpu.memory_space<semaphore_mem>>)
        %dma_wait3A = arith.constant 0 : i32
        %dma_wait3A_68 = arith.constant 0 : i32
        %dma_wait3A_69 = tpu.memref_slice %arg11[%dma_wait3A, %dma_wait3A_68] : memref<64x128xf32, #tpu.memory_space<vmem>> -> memref<16x128xf32, #tpu.memory_space<vmem>>
        %dma_wait3A_70 = arith.constant 5120 : i32
        %dma_wait3A_71 = arith.constant 0 : i32
        %dma_wait3A_72 = tpu.memref_slice %arg12[%dma_wait3A_70, %dma_wait3A_71] : memref<5136x128xf32, #tpu.memory_space<vmem_shared>> -> memref<16x128xf32, #tpu.memory_space<vmem_shared>>
        %dma_wait3A_73 = arith.constant 5120 : i32
        %dma_wait3A_74 = arith.constant 0 : i32
        %dma_wait3A_75 = tpu.memref_slice %arg12[%dma_wait3A_73, %dma_wait3A_74] : memref<5136x128xf32, #tpu.memory_space<vmem_shared>> -> memref<16x128xf32, #tpu.memory_space<vmem_shared>>
        %dma_wait3A_76 = arith.constant 0 : i32
        %dma_wait3A_77 = arith.constant 0 : i32
        %dma_wait3A_78 = tpu.memref_slice %arg11[%dma_wait3A_76, %dma_wait3A_77] : memref<64x128xf32, #tpu.memory_space<vmem>> -> memref<16x128xf32, #tpu.memory_space<vmem>>
        tpu.wait_dma2 semaphore(%run_scoped3A : memref<!tpu.dma_semaphore, #tpu.memory_space<semaphore_mem>>) src(%dma_wait3A_78 : memref<16x128xf32, #tpu.memory_space<vmem>>) dst(%dma_wait3A_75 : memref<16x128xf32, #tpu.memory_space<vmem_shared>>)
        tpu.yield
      }) : () -> ()
    } else {
    }
    %mul3A_22 = arith.constant 160 : i32
    %mul3A_23 = arith.muli %arg1, %mul3A_22 : i32
    "tpu.region"() ({
      %run_scoped3A = tpu.sem_alloc : memref<!tpu.dma_semaphore, #tpu.memory_space<semaphore_mem>>
      %dma_start3A_56 = arith.constant 0 : i32
      %dma_start3A_57 = tpu.memref_slice %arg3[%mul3A_23, %dma_start3A_56] : memref<2560x128xi32, #tpu.memory_space<hbm>> -> memref<160x128xi32, #tpu.memory_space<hbm>>
      %dma_start3A_58 = arith.constant 0 : i32
      %dma_start3A_59 = tpu.memref_slice %arg3[%mul3A_23, %dma_start3A_58] : memref<2560x128xi32, #tpu.memory_space<hbm>> -> memref<160x128xi32, #tpu.memory_space<hbm>>
      tpu.enqueue_dma source(%dma_start3A_59 : memref<160x128xi32, #tpu.memory_space<hbm>>) target(%arg7 : memref<160x128xi32, #tpu.memory_space<vmem>>) target_semaphore(%run_scoped3A : memref<!tpu.dma_semaphore, #tpu.memory_space<semaphore_mem>>)
      %dma_wait3A = arith.constant 0 : i32
      %dma_wait3A_60 = tpu.memref_slice %arg3[%mul3A_23, %dma_wait3A] : memref<2560x128xi32, #tpu.memory_space<hbm>> -> memref<160x128xi32, #tpu.memory_space<hbm>>
      %dma_wait3A_61 = arith.constant 0 : i32
      %dma_wait3A_62 = tpu.memref_slice %arg3[%mul3A_23, %dma_wait3A_61] : memref<2560x128xi32, #tpu.memory_space<hbm>> -> memref<160x128xi32, #tpu.memory_space<hbm>>
      tpu.wait_dma2 semaphore(%run_scoped3A : memref<!tpu.dma_semaphore, #tpu.memory_space<semaphore_mem>>) src(%dma_wait3A_62 : memref<160x128xi32, #tpu.memory_space<hbm>>) dst(%arg7 : memref<160x128xi32, #tpu.memory_space<vmem>>)
      tpu.yield
    }) : () -> ()
    %mul3A_24 = arith.constant 160 : i32
    %mul3A_25 = arith.muli %arg1, %mul3A_24 : i32
    "tpu.region"() ({
      %run_scoped3A = tpu.sem_alloc : memref<!tpu.dma_semaphore, #tpu.memory_space<semaphore_mem>>
      %dma_start3A_56 = arith.constant 0 : i32
      %dma_start3A_57 = tpu.memref_slice %arg4[%mul3A_25, %dma_start3A_56] : memref<2560x128xi32, #tpu.memory_space<hbm>> -> memref<160x128xi32, #tpu.memory_space<hbm>>
      %dma_start3A_58 = arith.constant 0 : i32
      %dma_start3A_59 = tpu.memref_slice %arg4[%mul3A_25, %dma_start3A_58] : memref<2560x128xi32, #tpu.memory_space<hbm>> -> memref<160x128xi32, #tpu.memory_space<hbm>>
      tpu.enqueue_dma source(%dma_start3A_59 : memref<160x128xi32, #tpu.memory_space<hbm>>) target(%arg8 : memref<160x128xi32, #tpu.memory_space<vmem>>) target_semaphore(%run_scoped3A : memref<!tpu.dma_semaphore, #tpu.memory_space<semaphore_mem>>)
      %dma_wait3A = arith.constant 0 : i32
      %dma_wait3A_60 = tpu.memref_slice %arg4[%mul3A_25, %dma_wait3A] : memref<2560x128xi32, #tpu.memory_space<hbm>> -> memref<160x128xi32, #tpu.memory_space<hbm>>
      %dma_wait3A_61 = arith.constant 0 : i32
      %dma_wait3A_62 = tpu.memref_slice %arg4[%mul3A_25, %dma_wait3A_61] : memref<2560x128xi32, #tpu.memory_space<hbm>> -> memref<160x128xi32, #tpu.memory_space<hbm>>
      tpu.wait_dma2 semaphore(%run_scoped3A : memref<!tpu.dma_semaphore, #tpu.memory_space<semaphore_mem>>) src(%dma_wait3A_62 : memref<160x128xi32, #tpu.memory_space<hbm>>) dst(%arg8 : memref<160x128xi32, #tpu.memory_space<vmem>>)
      tpu.yield
    }) : () -> ()
    %scan3A = arith.constant 0 : i32
    %scan3A_26 = arith.constant 0 : i32
    %scan3A_27 = arith.constant 160 : i32
    %scan3A_28 = arith.addi %scan3A_26, %scan3A_27 : i32
    %scan3A_29 = arith.constant 1 : i32
    scf.for %scan3A_56 = %scan3A_26 to %scan3A_28 step %scan3A_29  : i32 {
      %get3A = arith.index_cast %scan3A_56 : i32 to index
      %get3A_57 = arith.constant 0 : index
      %get3A_58 = tpu.vector_load %arg8[%get3A, %get3A_57] {strides = array<i32>} : memref<160x128xi32, #tpu.memory_space<vmem>>, vector<1x16xi32>,
      %get3A_59 = vector.shape_cast %get3A_58 : vector<1x16xi32> to vector<16xi32>
      %sub3A = vector.broadcast %mul3A_0 : i32 to vector<16xi32>
      %sub3A_60 = arith.subi %get3A_59, %sub3A : vector<16xi32>
      %ge3A = vector.broadcast %mul3A_0 : i32 to vector<16xi32>
      %ge3A_61 = arith.cmpi sge, %get3A_59, %ge3A : vector<16xi32>
      %lt3A = arith.constant 5120 : i32
      %lt3A_62 = vector.broadcast %lt3A : i32 to vector<16xi32>
      %lt3A_63 = arith.cmpi slt, %sub3A_60, %lt3A_62 : vector<16xi32>
      %and3A = arith.andi %ge3A_61, %lt3A_63 : vector<16xi1>
      %add3A_64 = arith.constant 5120 : i32
      %add3A_65 = arith.addi %add3A_64, %arg1 : i32
      %broadcast_in_dim3A = vector.broadcast %add3A_65 : i32 to vector<16xi32>
      %select_n3A = arith.select %and3A, %sub3A_60, %broadcast_in_dim3A : vector<16xi1>, vector<16xi32>
      %swap3A = arith.index_cast %scan3A_56 : i32 to index
      %swap3A_66 = arith.constant 0 : index
      %swap3A_67 = tpu.vector_load %arg8[%swap3A, %swap3A_66] {strides = array<i32>} : memref<160x128xi32, #tpu.memory_space<vmem>>, vector<1x16xi32>,
      %swap3A_68 = vector.shape_cast %swap3A_67 : vector<1x16xi32> to vector<16xi32>
      %swap3A_69 = vector.shape_cast %select_n3A : vector<16xi32> to vector<1x16xi32>
      tpu.vector_store %arg8[%swap3A, %swap3A_66], %swap3A_69 {strides = array<i32>} : memref<160x128xi32, #tpu.memory_space<vmem>>, vector<1x16xi32>,
      %get3A_70 = arith.index_cast %scan3A_56 : i32 to index
      %get3A_71 = arith.constant 16 : index
      %get3A_72 = tpu.vector_load %arg8[%get3A_70, %get3A_71] {strides = array<i32>} : memref<160x128xi32, #tpu.memory_space<vmem>>, vector<1x16xi32>,
      %get3A_73 = vector.shape_cast %get3A_72 : vector<1x16xi32> to vector<16xi32>
      %sub3A_74 = vector.broadcast %mul3A_0 : i32 to vector<16xi32>
      %sub3A_75 = arith.subi %get3A_73, %sub3A_74 : vector<16xi32>
      %ge3A_76 = vector.broadcast %mul3A_0 : i32 to vector<16xi32>
      %ge3A_77 = arith.cmpi sge, %get3A_73, %ge3A_76 : vector<16xi32>
      %lt3A_78 = arith.constant 5120 : i32
      %lt3A_79 = vector.broadcast %lt3A_78 : i32 to vector<16xi32>
      %lt3A_80 = arith.cmpi slt, %sub3A_75, %lt3A_79 : vector<16xi32>
      %and3A_81 = arith.andi %ge3A_77, %lt3A_80 : vector<16xi1>
      %add3A_82 = arith.constant 5120 : i32
      %add3A_83 = arith.addi %add3A_82, %arg1 : i32
      %broadcast_in_dim3A_84 = vector.broadcast %add3A_83 : i32 to vector<16xi32>
      %select_n3A_85 = arith.select %and3A_81, %sub3A_75, %broadcast_in_dim3A_84 : vector<16xi1>, vector<16xi32>
      %swap3A_86 = arith.index_cast %scan3A_56 : i32 to index
      %swap3A_87 = arith.constant 16 : index
      %swap3A_88 = tpu.vector_load %arg8[%swap3A_86, %swap3A_87] {strides = array<i32>} : memref<160x128xi32, #tpu.memory_space<vmem>>, vector<1x16xi32>,
      %swap3A_89 = vector.shape_cast %swap3A_88 : vector<1x16xi32> to vector<16xi32>
      %swap3A_90 = vector.shape_cast %select_n3A_85 : vector<16xi32> to vector<1x16xi32>
      tpu.vector_store %arg8[%swap3A_86, %swap3A_87], %swap3A_90 {strides = array<i32>} : memref<160x128xi32, #tpu.memory_space<vmem>>, vector<1x16xi32>,
      %get3A_91 = arith.index_cast %scan3A_56 : i32 to index
      %get3A_92 = arith.constant 32 : index
      %get3A_93 = tpu.vector_load %arg8[%get3A_91, %get3A_92] {strides = array<i32>} : memref<160x128xi32, #tpu.memory_space<vmem>>, vector<1x16xi32>,
      %get3A_94 = vector.shape_cast %get3A_93 : vector<1x16xi32> to vector<16xi32>
      %sub3A_95 = vector.broadcast %mul3A_0 : i32 to vector<16xi32>
      %sub3A_96 = arith.subi %get3A_94, %sub3A_95 : vector<16xi32>
      %ge3A_97 = vector.broadcast %mul3A_0 : i32 to vector<16xi32>
      %ge3A_98 = arith.cmpi sge, %get3A_94, %ge3A_97 : vector<16xi32>
      %lt3A_99 = arith.constant 5120 : i32
      %lt3A_100 = vector.broadcast %lt3A_99 : i32 to vector<16xi32>
      %lt3A_101 = arith.cmpi slt, %sub3A_96, %lt3A_100 : vector<16xi32>
      %and3A_102 = arith.andi %ge3A_98, %lt3A_101 : vector<16xi1>
      %add3A_103 = arith.constant 5120 : i32
      %add3A_104 = arith.addi %add3A_103, %arg1 : i32
      %broadcast_in_dim3A_105 = vector.broadcast %add3A_104 : i32 to vector<16xi32>
      %select_n3A_106 = arith.select %and3A_102, %sub3A_96, %broadcast_in_dim3A_105 : vector<16xi1>, vector<16xi32>
      %swap3A_107 = arith.index_cast %scan3A_56 : i32 to index
      %swap3A_108 = arith.constant 32 : index
      %swap3A_109 = tpu.vector_load %arg8[%swap3A_107, %swap3A_108] {strides = array<i32>} : memref<160x128xi32, #tpu.memory_space<vmem>>, vector<1x16xi32>,
      %swap3A_110 = vector.shape_cast %swap3A_109 : vector<1x16xi32> to vector<16xi32>
      %swap3A_111 = vector.shape_cast %select_n3A_106 : vector<16xi32> to vector<1x16xi32>
      tpu.vector_store %arg8[%swap3A_107, %swap3A_108], %swap3A_111 {strides = array<i32>} : memref<160x128xi32, #tpu.memory_space<vmem>>, vector<1x16xi32>,
      %get3A_112 = arith.index_cast %scan3A_56 : i32 to index
      %get3A_113 = arith.constant 48 : index
      %get3A_114 = tpu.vector_load %arg8[%get3A_112, %get3A_113] {strides = array<i32>} : memref<160x128xi32, #tpu.memory_space<vmem>>, vector<1x16xi32>,
      %get3A_115 = vector.shape_cast %get3A_114 : vector<1x16xi32> to vector<16xi32>
      %sub3A_116 = vector.broadcast %mul3A_0 : i32 to vector<16xi32>
      %sub3A_117 = arith.subi %get3A_115, %sub3A_116 : vector<16xi32>
      %ge3A_118 = vector.broadcast %mul3A_0 : i32 to vector<16xi32>
      %ge3A_119 = arith.cmpi sge, %get3A_115, %ge3A_118 : vector<16xi32>
      %lt3A_120 = arith.constant 5120 : i32
      %lt3A_121 = vector.broadcast %lt3A_120 : i32 to vector<16xi32>
      %lt3A_122 = arith.cmpi slt, %sub3A_117, %lt3A_121 : vector<16xi32>
      %and3A_123 = arith.andi %ge3A_119, %lt3A_122 : vector<16xi1>
      %add3A_124 = arith.constant 5120 : i32
      %add3A_125 = arith.addi %add3A_124, %arg1 : i32
      %broadcast_in_dim3A_126 = vector.broadcast %add3A_125 : i32 to vector<16xi32>
      %select_n3A_127 = arith.select %and3A_123, %sub3A_117, %broadcast_in_dim3A_126 : vector<16xi1>, vector<16xi32>
      %swap3A_128 = arith.index_cast %scan3A_56 : i32 to index
      %swap3A_129 = arith.constant 48 : index
      %swap3A_130 = tpu.vector_load %arg8[%swap3A_128, %swap3A_129] {strides = array<i32>} : memref<160x128xi32, #tpu.memory_space<vmem>>, vector<1x16xi32>,
      %swap3A_131 = vector.shape_cast %swap3A_130 : vector<1x16xi32> to vector<16xi32>
      %swap3A_132 = vector.shape_cast %select_n3A_127 : vector<16xi32> to vector<1x16xi32>
      tpu.vector_store %arg8[%swap3A_128, %swap3A_129], %swap3A_132 {strides = array<i32>} : memref<160x128xi32, #tpu.memory_space<vmem>>, vector<1x16xi32>,
      %get3A_133 = arith.index_cast %scan3A_56 : i32 to index
      %get3A_134 = arith.constant 64 : index
      %get3A_135 = tpu.vector_load %arg8[%get3A_133, %get3A_134] {strides = array<i32>} : memref<160x128xi32, #tpu.memory_space<vmem>>, vector<1x16xi32>,
      %get3A_136 = vector.shape_cast %get3A_135 : vector<1x16xi32> to vector<16xi32>
      %sub3A_137 = vector.broadcast %mul3A_0 : i32 to vector<16xi32>
      %sub3A_138 = arith.subi %get3A_136, %sub3A_137 : vector<16xi32>
      %ge3A_139 = vector.broadcast %mul3A_0 : i32 to vector<16xi32>
      %ge3A_140 = arith.cmpi sge, %get3A_136, %ge3A_139 : vector<16xi32>
      %lt3A_141 = arith.constant 5120 : i32
      %lt3A_142 = vector.broadcast %lt3A_141 : i32 to vector<16xi32>
      %lt3A_143 = arith.cmpi slt, %sub3A_138, %lt3A_142 : vector<16xi32>
      %and3A_144 = arith.andi %ge3A_140, %lt3A_143 : vector<16xi1>
      %add3A_145 = arith.constant 5120 : i32
      %add3A_146 = arith.addi %add3A_145, %arg1 : i32
      %broadcast_in_dim3A_147 = vector.broadcast %add3A_146 : i32 to vector<16xi32>
      %select_n3A_148 = arith.select %and3A_144, %sub3A_138, %broadcast_in_dim3A_147 : vector<16xi1>, vector<16xi32>
      %swap3A_149 = arith.index_cast %scan3A_56 : i32 to index
      %swap3A_150 = arith.constant 64 : index
      %swap3A_151 = tpu.vector_load %arg8[%swap3A_149, %swap3A_150] {strides = array<i32>} : memref<160x128xi32, #tpu.memory_space<vmem>>, vector<1x16xi32>,
      %swap3A_152 = vector.shape_cast %swap3A_151 : vector<1x16xi32> to vector<16xi32>
      %swap3A_153 = vector.shape_cast %select_n3A_148 : vector<16xi32> to vector<1x16xi32>
      tpu.vector_store %arg8[%swap3A_149, %swap3A_150], %swap3A_153 {strides = array<i32>} : memref<160x128xi32, #tpu.memory_space<vmem>>, vector<1x16xi32>,
      %get3A_154 = arith.index_cast %scan3A_56 : i32 to index
      %get3A_155 = arith.constant 80 : index
      %get3A_156 = tpu.vector_load %arg8[%get3A_154, %get3A_155] {strides = array<i32>} : memref<160x128xi32, #tpu.memory_space<vmem>>, vector<1x16xi32>,
      %get3A_157 = vector.shape_cast %get3A_156 : vector<1x16xi32> to vector<16xi32>
      %sub3A_158 = vector.broadcast %mul3A_0 : i32 to vector<16xi32>
      %sub3A_159 = arith.subi %get3A_157, %sub3A_158 : vector<16xi32>
      %ge3A_160 = vector.broadcast %mul3A_0 : i32 to vector<16xi32>
      %ge3A_161 = arith.cmpi sge, %get3A_157, %ge3A_160 : vector<16xi32>
      %lt3A_162 = arith.constant 5120 : i32
      %lt3A_163 = vector.broadcast %lt3A_162 : i32 to vector<16xi32>
      %lt3A_164 = arith.cmpi slt, %sub3A_159, %lt3A_163 : vector<16xi32>
      %and3A_165 = arith.andi %ge3A_161, %lt3A_164 : vector<16xi1>
      %add3A_166 = arith.constant 5120 : i32
      %add3A_167 = arith.addi %add3A_166, %arg1 : i32
      %broadcast_in_dim3A_168 = vector.broadcast %add3A_167 : i32 to vector<16xi32>
      %select_n3A_169 = arith.select %and3A_165, %sub3A_159, %broadcast_in_dim3A_168 : vector<16xi1>, vector<16xi32>
      %swap3A_170 = arith.index_cast %scan3A_56 : i32 to index
      %swap3A_171 = arith.constant 80 : index
      %swap3A_172 = tpu.vector_load %arg8[%swap3A_170, %swap3A_171] {strides = array<i32>} : memref<160x128xi32, #tpu.memory_space<vmem>>, vector<1x16xi32>,
      %swap3A_173 = vector.shape_cast %swap3A_172 : vector<1x16xi32> to vector<16xi32>
      %swap3A_174 = vector.shape_cast %select_n3A_169 : vector<16xi32> to vector<1x16xi32>
      tpu.vector_store %arg8[%swap3A_170, %swap3A_171], %swap3A_174 {strides = array<i32>} : memref<160x128xi32, #tpu.memory_space<vmem>>, vector<1x16xi32>,
      %get3A_175 = arith.index_cast %scan3A_56 : i32 to index
      %get3A_176 = arith.constant 96 : index
      %get3A_177 = tpu.vector_load %arg8[%get3A_175, %get3A_176] {strides = array<i32>} : memref<160x128xi32, #tpu.memory_space<vmem>>, vector<1x16xi32>,
      %get3A_178 = vector.shape_cast %get3A_177 : vector<1x16xi32> to vector<16xi32>
      %sub3A_179 = vector.broadcast %mul3A_0 : i32 to vector<16xi32>
      %sub3A_180 = arith.subi %get3A_178, %sub3A_179 : vector<16xi32>
      %ge3A_181 = vector.broadcast %mul3A_0 : i32 to vector<16xi32>
      %ge3A_182 = arith.cmpi sge, %get3A_178, %ge3A_181 : vector<16xi32>
      %lt3A_183 = arith.constant 5120 : i32
      %lt3A_184 = vector.broadcast %lt3A_183 : i32 to vector<16xi32>
      %lt3A_185 = arith.cmpi slt, %sub3A_180, %lt3A_184 : vector<16xi32>
      %and3A_186 = arith.andi %ge3A_182, %lt3A_185 : vector<16xi1>
      %add3A_187 = arith.constant 5120 : i32
      %add3A_188 = arith.addi %add3A_187, %arg1 : i32
      %broadcast_in_dim3A_189 = vector.broadcast %add3A_188 : i32 to vector<16xi32>
      %select_n3A_190 = arith.select %and3A_186, %sub3A_180, %broadcast_in_dim3A_189 : vector<16xi1>, vector<16xi32>
      %swap3A_191 = arith.index_cast %scan3A_56 : i32 to index
      %swap3A_192 = arith.constant 96 : index
      %swap3A_193 = tpu.vector_load %arg8[%swap3A_191, %swap3A_192] {strides = array<i32>} : memref<160x128xi32, #tpu.memory_space<vmem>>, vector<1x16xi32>,
      %swap3A_194 = vector.shape_cast %swap3A_193 : vector<1x16xi32> to vector<16xi32>
      %swap3A_195 = vector.shape_cast %select_n3A_190 : vector<16xi32> to vector<1x16xi32>
      tpu.vector_store %arg8[%swap3A_191, %swap3A_192], %swap3A_195 {strides = array<i32>} : memref<160x128xi32, #tpu.memory_space<vmem>>, vector<1x16xi32>,
      %get3A_196 = arith.index_cast %scan3A_56 : i32 to index
      %get3A_197 = arith.constant 112 : index
      %get3A_198 = tpu.vector_load %arg8[%get3A_196, %get3A_197] {strides = array<i32>} : memref<160x128xi32, #tpu.memory_space<vmem>>, vector<1x16xi32>,
      %get3A_199 = vector.shape_cast %get3A_198 : vector<1x16xi32> to vector<16xi32>
      %sub3A_200 = vector.broadcast %mul3A_0 : i32 to vector<16xi32>
      %sub3A_201 = arith.subi %get3A_199, %sub3A_200 : vector<16xi32>
      %ge3A_202 = vector.broadcast %mul3A_0 : i32 to vector<16xi32>
      %ge3A_203 = arith.cmpi sge, %get3A_199, %ge3A_202 : vector<16xi32>
      %lt3A_204 = arith.constant 5120 : i32
      %lt3A_205 = vector.broadcast %lt3A_204 : i32 to vector<16xi32>
      %lt3A_206 = arith.cmpi slt, %sub3A_201, %lt3A_205 : vector<16xi32>
      %and3A_207 = arith.andi %ge3A_203, %lt3A_206 : vector<16xi1>
      %add3A_208 = arith.constant 5120 : i32
      %add3A_209 = arith.addi %add3A_208, %arg1 : i32
      %broadcast_in_dim3A_210 = vector.broadcast %add3A_209 : i32 to vector<16xi32>
      %select_n3A_211 = arith.select %and3A_207, %sub3A_201, %broadcast_in_dim3A_210 : vector<16xi1>, vector<16xi32>
      %swap3A_212 = arith.index_cast %scan3A_56 : i32 to index
      %swap3A_213 = arith.constant 112 : index
      %swap3A_214 = tpu.vector_load %arg8[%swap3A_212, %swap3A_213] {strides = array<i32>} : memref<160x128xi32, #tpu.memory_space<vmem>>, vector<1x16xi32>,
      %swap3A_215 = vector.shape_cast %swap3A_214 : vector<1x16xi32> to vector<16xi32>
      %swap3A_216 = vector.shape_cast %select_n3A_211 : vector<16xi32> to vector<1x16xi32>
      tpu.vector_store %arg8[%swap3A_212, %swap3A_213], %swap3A_216 {strides = array<i32>} : memref<160x128xi32, #tpu.memory_space<vmem>>, vector<1x16xi32>,
    }
    %scan3A_30 = arith.constant 160 : i32
    %barrier3A = arith.constant 0 : index
    tpu.barrier barrier_id(%barrier3A)
    %dma_start3A = arith.constant 0 : i32
    %dma_start3A_31 = arith.constant 0 : i32
    %dma_start3A_32 = tpu.memref_slice %arg7[%dma_start3A, %dma_start3A_31] : memref<160x128xi32, #tpu.memory_space<vmem>> -> memref<1x128xi32, #tpu.memory_space<vmem>>
    %dma_start3A_33 = tpu.memref_squeeze %dma_start3A_32 : memref<1x128xi32, #tpu.memory_space<vmem>> -> memref<128xi32, #tpu.memory_space<vmem>>
    %dma_start3A_34 = arith.constant 0 : i32
    %dma_start3A_35 = arith.constant 0 : i32
    %dma_start3A_36 = tpu.memref_slice %arg2[%dma_start3A_34, %dma_start3A_35] : memref<10240x128xf32, #tpu.memory_space<hbm>> -> memref<10240x128xf32, #tpu.memory_space<hbm>>
    tpu.enqueue_indirect_dma source(%dma_start3A_36 : memref<10240x128xf32, #tpu.memory_space<hbm>>) target(%arg9 : memref<128x128xf32, #tpu.memory_space<vmem>>) offsets(%dma_start3A_33 : memref<128xi32, #tpu.memory_space<vmem>>) semaphore(%arg13 : memref<!tpu.dma_semaphore, #tpu.memory_space<semaphore_mem>>)
    %dma_start3A_37 = arith.constant 1 : i32
    %dma_start3A_38 = arith.constant 0 : i32
    %dma_start3A_39 = tpu.memref_slice %arg7[%dma_start3A_37, %dma_start3A_38] : memref<160x128xi32, #tpu.memory_space<vmem>> -> memref<1x128xi32, #tpu.memory_space<vmem>>
    %dma_start3A_40 = tpu.memref_squeeze %dma_start3A_39 : memref<1x128xi32, #tpu.memory_space<vmem>> -> memref<128xi32, #tpu.memory_space<vmem>>
    %dma_start3A_41 = arith.constant 0 : i32
    %dma_start3A_42 = arith.constant 0 : i32
    %dma_start3A_43 = tpu.memref_slice %arg2[%dma_start3A_41, %dma_start3A_42] : memref<10240x128xf32, #tpu.memory_space<hbm>> -> memref<10240x128xf32, #tpu.memory_space<hbm>>
    tpu.enqueue_indirect_dma source(%dma_start3A_43 : memref<10240x128xf32, #tpu.memory_space<hbm>>) target(%arg10 : memref<128x128xf32, #tpu.memory_space<vmem>>) offsets(%dma_start3A_40 : memref<128xi32, #tpu.memory_space<vmem>>) semaphore(%arg14 : memref<!tpu.dma_semaphore, #tpu.memory_space<semaphore_mem>>)
    %scan3A_44 = arith.constant 0 : i32
    %scan3A_45 = arith.constant 0 : i32
    %scan3A_46 = arith.constant 80 : i32
    %scan3A_47 = arith.addi %scan3A_45, %scan3A_46 : i32
    %scan3A_48 = arith.constant 1 : i32
    scf.for %scan3A_56 = %scan3A_45 to %scan3A_47 step %scan3A_48  : i32 {
      %mul3A_57 = arith.constant 2 : i32
      %mul3A_58 = arith.muli %scan3A_56, %mul3A_57 : i32
      %dma_wait3A = arith.constant 0 : i32
      %dma_wait3A_59 = arith.constant 0 : i32
      %dma_wait3A_60 = tpu.memref_slice %arg7[%dma_wait3A, %dma_wait3A_59] : memref<160x128xi32, #tpu.memory_space<vmem>> -> memref<1x128xi32, #tpu.memory_space<vmem>>
      %dma_wait3A_61 = tpu.memref_squeeze %dma_wait3A_60 : memref<1x128xi32, #tpu.memory_space<vmem>> -> memref<128xi32, #tpu.memory_space<vmem>>
      %dma_wait3A_62 = arith.constant 0 : i32
      %dma_wait3A_63 = arith.constant 0 : i32
      %dma_wait3A_64 = tpu.memref_slice %arg2[%dma_wait3A_62, %dma_wait3A_63] : memref<10240x128xf32, #tpu.memory_space<hbm>> -> memref<10240x128xf32, #tpu.memory_space<hbm>>
      tpu.wait_indirect_dma semaphore(%arg13 : memref<!tpu.dma_semaphore, #tpu.memory_space<semaphore_mem>>) src(%dma_wait3A_64 : memref<10240x128xf32, #tpu.memory_space<hbm>>) dst(%arg9 : memref<128x128xf32, #tpu.memory_space<vmem>>)
      "tpu.region"() ({
        %run_scoped3A = tpu.sem_alloc : memref<!tpu.dma_semaphore, #tpu.memory_space<semaphore_mem>>
        %dma_start3A_87 = arith.constant 0 : i32
        %dma_start3A_88 = tpu.memref_slice %arg8[%mul3A_58, %dma_start3A_87] : memref<160x128xi32, #tpu.memory_space<vmem>> -> memref<1x128xi32, #tpu.memory_space<vmem>>
        %dma_start3A_89 = tpu.memref_squeeze %dma_start3A_88 : memref<1x128xi32, #tpu.memory_space<vmem>> -> memref<128xi32, #tpu.memory_space<vmem>>
        %dma_start3A_90 = arith.constant 0 : i32
        %dma_start3A_91 = arith.constant 0 : i32
        %dma_start3A_92 = tpu.memref_slice %arg12[%dma_start3A_90, %dma_start3A_91] : memref<5136x128xf32, #tpu.memory_space<vmem_shared>> -> memref<5136x128xf32, #tpu.memory_space<vmem_shared>>
        tpu.enqueue_indirect_dma source(%arg9 : memref<128x128xf32, #tpu.memory_space<vmem>>) target(%dma_start3A_92 : memref<5136x128xf32, #tpu.memory_space<vmem_shared>>) offsets(%dma_start3A_89 : memref<128xi32, #tpu.memory_space<vmem>>) semaphore(%run_scoped3A : memref<!tpu.dma_semaphore, #tpu.memory_space<semaphore_mem>>) {add = true}
        %dma_wait3A_93 = arith.constant 0 : i32
        %dma_wait3A_94 = tpu.memref_slice %arg8[%mul3A_58, %dma_wait3A_93] : memref<160x128xi32, #tpu.memory_space<vmem>> -> memref<1x128xi32, #tpu.memory_space<vmem>>
        %dma_wait3A_95 = tpu.memref_squeeze %dma_wait3A_94 : memref<1x128xi32, #tpu.memory_space<vmem>> -> memref<128xi32, #tpu.memory_space<vmem>>
        %dma_wait3A_96 = arith.constant 0 : i32
        %dma_wait3A_97 = arith.constant 0 : i32
        %dma_wait3A_98 = tpu.memref_slice %arg12[%dma_wait3A_96, %dma_wait3A_97] : memref<5136x128xf32, #tpu.memory_space<vmem_shared>> -> memref<5136x128xf32, #tpu.memory_space<vmem_shared>>
        tpu.wait_indirect_dma semaphore(%run_scoped3A : memref<!tpu.dma_semaphore, #tpu.memory_space<semaphore_mem>>) src(%arg9 : memref<128x128xf32, #tpu.memory_space<vmem>>) dst(%dma_wait3A_98 : memref<5136x128xf32, #tpu.memory_space<vmem_shared>>)
        tpu.yield
      }) : () -> ()
      %add3A_65 = arith.constant 2 : i32
      %add3A_66 = arith.addi %mul3A_58, %add3A_65 : i32
      %lt3A = arith.constant 160 : i32
      %lt3A_67 = arith.cmpi slt, %add3A_66, %lt3A : i32
      %convert_element_type3A_68 = arith.extui %lt3A_67 : i1 to i32
      %cond3A_69 = arith.constant 0 : i32
      %cond3A_70 = arith.cmpi ne, %convert_element_type3A_68, %cond3A_69 : i32
      scf.if %cond3A_70 {
        %add3A_87 = arith.constant 2 : i32
        %add3A_88 = arith.addi %mul3A_58, %add3A_87 : i32
        %dma_start3A_89 = arith.constant 0 : i32
        %dma_start3A_90 = tpu.memref_slice %arg7[%add3A_88, %dma_start3A_89] : memref<160x128xi32, #tpu.memory_space<vmem>> -> memref<1x128xi32, #tpu.memory_space<vmem>>
        %dma_start3A_91 = tpu.memref_squeeze %dma_start3A_90 : memref<1x128xi32, #tpu.memory_space<vmem>> -> memref<128xi32, #tpu.memory_space<vmem>>
        %dma_start3A_92 = arith.constant 0 : i32
        %dma_start3A_93 = arith.constant 0 : i32
        %dma_start3A_94 = tpu.memref_slice %arg2[%dma_start3A_92, %dma_start3A_93] : memref<10240x128xf32, #tpu.memory_space<hbm>> -> memref<10240x128xf32, #tpu.memory_space<hbm>>
        tpu.enqueue_indirect_dma source(%dma_start3A_94 : memref<10240x128xf32, #tpu.memory_space<hbm>>) target(%arg9 : memref<128x128xf32, #tpu.memory_space<vmem>>) offsets(%dma_start3A_91 : memref<128xi32, #tpu.memory_space<vmem>>) semaphore(%arg13 : memref<!tpu.dma_semaphore, #tpu.memory_space<semaphore_mem>>)
      } else {
      }
      %dma_wait3A_71 = arith.constant 1 : i32
      %dma_wait3A_72 = arith.constant 0 : i32
      %dma_wait3A_73 = tpu.memref_slice %arg7[%dma_wait3A_71, %dma_wait3A_72] : memref<160x128xi32, #tpu.memory_space<vmem>> -> memref<1x128xi32, #tpu.memory_space<vmem>>
      %dma_wait3A_74 = tpu.memref_squeeze %dma_wait3A_73 : memref<1x128xi32, #tpu.memory_space<vmem>> -> memref<128xi32, #tpu.memory_space<vmem>>
      %dma_wait3A_75 = arith.constant 0 : i32
      %dma_wait3A_76 = arith.constant 0 : i32
      %dma_wait3A_77 = tpu.memref_slice %arg2[%dma_wait3A_75, %dma_wait3A_76] : memref<10240x128xf32, #tpu.memory_space<hbm>> -> memref<10240x128xf32, #tpu.memory_space<hbm>>
      tpu.wait_indirect_dma semaphore(%arg14 : memref<!tpu.dma_semaphore, #tpu.memory_space<semaphore_mem>>) src(%dma_wait3A_77 : memref<10240x128xf32, #tpu.memory_space<hbm>>) dst(%arg10 : memref<128x128xf32, #tpu.memory_space<vmem>>)
      %add3A_78 = arith.constant 1 : i32
      %add3A_79 = arith.addi %mul3A_58, %add3A_78 : i32
      "tpu.region"() ({
        %run_scoped3A = tpu.sem_alloc : memref<!tpu.dma_semaphore, #tpu.memory_space<semaphore_mem>>
        %dma_start3A_87 = arith.constant 0 : i32
        %dma_start3A_88 = tpu.memref_slice %arg8[%add3A_79, %dma_start3A_87] : memref<160x128xi32, #tpu.memory_space<vmem>> -> memref<1x128xi32, #tpu.memory_space<vmem>>
        %dma_start3A_89 = tpu.memref_squeeze %dma_start3A_88 : memref<1x128xi32, #tpu.memory_space<vmem>> -> memref<128xi32, #tpu.memory_space<vmem>>
        %dma_start3A_90 = arith.constant 0 : i32
        %dma_start3A_91 = arith.constant 0 : i32
        %dma_start3A_92 = tpu.memref_slice %arg12[%dma_start3A_90, %dma_start3A_91] : memref<5136x128xf32, #tpu.memory_space<vmem_shared>> -> memref<5136x128xf32, #tpu.memory_space<vmem_shared>>
        tpu.enqueue_indirect_dma source(%arg10 : memref<128x128xf32, #tpu.memory_space<vmem>>) target(%dma_start3A_92 : memref<5136x128xf32, #tpu.memory_space<vmem_shared>>) offsets(%dma_start3A_89 : memref<128xi32, #tpu.memory_space<vmem>>) semaphore(%run_scoped3A : memref<!tpu.dma_semaphore, #tpu.memory_space<semaphore_mem>>) {add = true}
        %dma_wait3A_93 = arith.constant 0 : i32
        %dma_wait3A_94 = tpu.memref_slice %arg8[%add3A_79, %dma_wait3A_93] : memref<160x128xi32, #tpu.memory_space<vmem>> -> memref<1x128xi32, #tpu.memory_space<vmem>>
        %dma_wait3A_95 = tpu.memref_squeeze %dma_wait3A_94 : memref<1x128xi32, #tpu.memory_space<vmem>> -> memref<128xi32, #tpu.memory_space<vmem>>
        %dma_wait3A_96 = arith.constant 0 : i32
        %dma_wait3A_97 = arith.constant 0 : i32
        %dma_wait3A_98 = tpu.memref_slice %arg12[%dma_wait3A_96, %dma_wait3A_97] : memref<5136x128xf32, #tpu.memory_space<vmem_shared>> -> memref<5136x128xf32, #tpu.memory_space<vmem_shared>>
        tpu.wait_indirect_dma semaphore(%run_scoped3A : memref<!tpu.dma_semaphore, #tpu.memory_space<semaphore_mem>>) src(%arg10 : memref<128x128xf32, #tpu.memory_space<vmem>>) dst(%dma_wait3A_98 : memref<5136x128xf32, #tpu.memory_space<vmem_shared>>)
        tpu.yield
      }) : () -> ()
      %add3A_80 = arith.constant 3 : i32
      %add3A_81 = arith.addi %mul3A_58, %add3A_80 : i32
      %lt3A_82 = arith.constant 160 : i32
      %lt3A_83 = arith.cmpi slt, %add3A_81, %lt3A_82 : i32
      %convert_element_type3A_84 = arith.extui %lt3A_83 : i1 to i32
      %cond3A_85 = arith.constant 0 : i32
      %cond3A_86 = arith.cmpi ne, %convert_element_type3A_84, %cond3A_85 : i32
      scf.if %cond3A_86 {
        %add3A_87 = arith.constant 3 : i32
        %add3A_88 = arith.addi %mul3A_58, %add3A_87 : i32
        %dma_start3A_89 = arith.constant 0 : i32
        %dma_start3A_90 = tpu.memref_slice %arg7[%add3A_88, %dma_start3A_89] : memref<160x128xi32, #tpu.memory_space<vmem>> -> memref<1x128xi32, #tpu.memory_space<vmem>>
        %dma_start3A_91 = tpu.memref_squeeze %dma_start3A_90 : memref<1x128xi32, #tpu.memory_space<vmem>> -> memref<128xi32, #tpu.memory_space<vmem>>
        %dma_start3A_92 = arith.constant 0 : i32
        %dma_start3A_93 = arith.constant 0 : i32
        %dma_start3A_94 = tpu.memref_slice %arg2[%dma_start3A_92, %dma_start3A_93] : memref<10240x128xf32, #tpu.memory_space<hbm>> -> memref<10240x128xf32, #tpu.memory_space<hbm>>
        tpu.enqueue_indirect_dma source(%dma_start3A_94 : memref<10240x128xf32, #tpu.memory_space<hbm>>) target(%arg10 : memref<128x128xf32, #tpu.memory_space<vmem>>) offsets(%dma_start3A_91 : memref<128xi32, #tpu.memory_space<vmem>>) semaphore(%arg14 : memref<!tpu.dma_semaphore, #tpu.memory_space<semaphore_mem>>)
      } else {
      }
    }
    %scan3A_49 = arith.constant 80 : i32
    %barrier3A_50 = arith.constant 0 : index
    tpu.barrier barrier_id(%barrier3A_50)
    %mul3A_51 = arith.constant 320 : i32
    %mul3A_52 = arith.muli %arg1, %mul3A_51 : i32
    %mul3A_53 = arith.constant 320 : i32
    %mul3A_54 = arith.muli %arg1, %mul3A_53 : i32
    %add3A_55 = arith.addi %mul3A_0, %mul3A_54 : i32
    "tpu.region"() ({
      %run_scoped3A = tpu.sem_alloc : memref<!tpu.dma_semaphore, #tpu.memory_space<semaphore_mem>>
      %dma_start3A_56 = arith.constant 0 : i32
      %dma_start3A_57 = tpu.memref_slice %arg6[%add3A_55, %dma_start3A_56] : memref<10240x128xf32, #tpu.memory_space<hbm>> -> memref<320x128xf32, #tpu.memory_space<hbm>>
      %dma_start3A_58 = arith.constant 0 : i32
      %dma_start3A_59 = tpu.memref_slice %arg12[%mul3A_52, %dma_start3A_58] : memref<5136x128xf32, #tpu.memory_space<vmem_shared>> -> memref<320x128xf32, #tpu.memory_space<vmem_shared>>
      tpu.enqueue_dma source(%dma_start3A_59 : memref<320x128xf32, #tpu.memory_space<vmem_shared>>) target(%dma_start3A_57 : memref<320x128xf32, #tpu.memory_space<hbm>>) target_semaphore(%run_scoped3A : memref<!tpu.dma_semaphore, #tpu.memory_space<semaphore_mem>>)
      %dma_wait3A = arith.constant 0 : i32
      %dma_wait3A_60 = tpu.memref_slice %arg6[%add3A_55, %dma_wait3A] : memref<10240x128xf32, #tpu.memory_space<hbm>> -> memref<320x128xf32, #tpu.memory_space<hbm>>
      %dma_wait3A_61 = arith.constant 0 : i32
      %dma_wait3A_62 = tpu.memref_slice %arg12[%mul3A_52, %dma_wait3A_61] : memref<5136x128xf32, #tpu.memory_space<vmem_shared>> -> memref<320x128xf32, #tpu.memory_space<vmem_shared>>
      tpu.wait_dma2 semaphore(%run_scoped3A : memref<!tpu.dma_semaphore, #tpu.memory_space<semaphore_mem>>) src(%dma_wait3A_62 : memref<320x128xf32, #tpu.memory_space<vmem_shared>>) dst(%dma_wait3A_60 : memref<320x128xf32, #tpu.memory_space<hbm>>)
      tpu.yield
    }) : () -> ()
    return
  }
}

#map = affine_map<(d0, d1) -> (0, 0)>
module attributes {stable_mosaic.version = 14 : i64} {
  func.func @_sc_aggr_body(%arg0: i32, %arg1: i32, %arg2: memref<10240x128xf32, #tpu.memory_space<hbm>>, %arg3: memref<2560x128xi32, #tpu.memory_space<hbm>>, %arg4: memref<2560x128xi32, #tpu.memory_space<hbm>>, %arg5: memref<64x128xf32, #tpu.memory_space<hbm>>, %arg6: memref<10240x128xf32, #tpu.memory_space<hbm>>, %arg7: memref<160x128xi32, #tpu.memory_space<vmem>>, %arg8: memref<160x128xi32, #tpu.memory_space<vmem>>, %arg9: memref<128x128xf32, #tpu.memory_space<vmem>>, %arg10: memref<128x128xf32, #tpu.memory_space<vmem>>, %arg11: memref<64x128xf32, #tpu.memory_space<vmem>>, %arg12: memref<5136x128xf32, #tpu.memory_space<vmem_shared>>, %arg13: memref<!tpu.dma_semaphore, #tpu.memory_space<semaphore_mem>>, %arg14: memref<!tpu.dma_semaphore, #tpu.memory_space<semaphore_mem>>) attributes {dimension_semantics = [#tpu.dimension_semantics<core_parallel>, #tpu.dimension_semantics<subcore_parallel>], iteration_bounds = array<i64: 2, 16>, scalar_prefetch = 0 : i64, scratch_operands = 8 : i64, tpu.core_type = #tpu.core_type<sc_vector_subcore>, window_params = [{transform_indices = #map}, {transform_indices = #map}, {transform_indices = #map}, {transform_indices = #map}, {transform_indices = #map}]} {
    %mul3A = arith.constant 5120 : i32
    %mul3A_0 = arith.muli %arg0, %mul3A : i32
    "tpu.region"() ({
      %run_scoped3A = tpu.sem_alloc : memref<!tpu.dma_semaphore, #tpu.memory_space<semaphore_mem>>
      tpu.enqueue_dma source(%arg5 : memref<64x128xf32, #tpu.memory_space<hbm>>) target(%arg11 : memref<64x128xf32, #tpu.memory_space<vmem>>) target_semaphore(%run_scoped3A : memref<!tpu.dma_semaphore, #tpu.memory_space<semaphore_mem>>)
      tpu.wait_dma2 semaphore(%run_scoped3A : memref<!tpu.dma_semaphore, #tpu.memory_space<semaphore_mem>>) src(%arg5 : memref<64x128xf32, #tpu.memory_space<hbm>>) dst(%arg11 : memref<64x128xf32, #tpu.memory_space<vmem>>)
      tpu.yield
    }) : () -> ()
    %mul3A_1 = arith.constant 320 : i32
    %mul3A_2 = arith.muli %arg1, %mul3A_1 : i32
    %add3A = arith.constant 0 : i32
    %add3A_3 = arith.addi %mul3A_2, %add3A : i32
    "tpu.region"() ({
      %run_scoped3A = tpu.sem_alloc : memref<!tpu.dma_semaphore, #tpu.memory_space<semaphore_mem>>
      %dma_start3A_56 = arith.constant 0 : i32
      %dma_start3A_57 = arith.constant 0 : i32
      %dma_start3A_58 = tpu.memref_slice %arg11[%dma_start3A_56, %dma_start3A_57] : memref<64x128xf32, #tpu.memory_space<vmem>> -> memref<64x128xf32, #tpu.memory_space<vmem>>
      %dma_start3A_59 = arith.constant 0 : i32
      %dma_start3A_60 = tpu.memref_slice %arg12[%add3A_3, %dma_start3A_59] : memref<5136x128xf32, #tpu.memory_space<vmem_shared>> -> memref<64x128xf32, #tpu.memory_space<vmem_shared>>
      %dma_start3A_61 = arith.constant 0 : i32
      %dma_start3A_62 = tpu.memref_slice %arg12[%add3A_3, %dma_start3A_61] : memref<5136x128xf32, #tpu.memory_space<vmem_shared>> -> memref<64x128xf32, #tpu.memory_space<vmem_shared>>
      %dma_start3A_63 = arith.constant 0 : i32
      %dma_start3A_64 = arith.constant 0 : i32
      %dma_start3A_65 = tpu.memref_slice %arg11[%dma_start3A_63, %dma_start3A_64] : memref<64x128xf32, #tpu.memory_space<vmem>> -> memref<64x128xf32, #tpu.memory_space<vmem>>
      tpu.enqueue_dma source(%dma_start3A_65 : memref<64x128xf32, #tpu.memory_space<vmem>>) target(%dma_start3A_62 : memref<64x128xf32, #tpu.memory_space<vmem_shared>>) target_semaphore(%run_scoped3A : memref<!tpu.dma_semaphore, #tpu.memory_space<semaphore_mem>>)
      %dma_wait3A = arith.constant 0 : i32
      %dma_wait3A_66 = arith.constant 0 : i32
      %dma_wait3A_67 = tpu.memref_slice %arg11[%dma_wait3A, %dma_wait3A_66] : memref<64x128xf32, #tpu.memory_space<vmem>> -> memref<64x128xf32, #tpu.memory_space<vmem>>
      %dma_wait3A_68 = arith.constant 0 : i32
      %dma_wait3A_69 = tpu.memref_slice %arg12[%add3A_3, %dma_wait3A_68] : memref<5136x128xf32, #tpu.memory_space<vmem_shared>> -> memref<64x128xf32, #tpu.memory_space<vmem_shared>>
      %dma_wait3A_70 = arith.constant 0 : i32
      %dma_wait3A_71 = tpu.memref_slice %arg12[%add3A_3, %dma_wait3A_70] : memref<5136x128xf32, #tpu.memory_space<vmem_shared>> -> memref<64x128xf32, #tpu.memory_space<vmem_shared>>
      %dma_wait3A_72 = arith.constant 0 : i32
      %dma_wait3A_73 = arith.constant 0 : i32
      %dma_wait3A_74 = tpu.memref_slice %arg11[%dma_wait3A_72, %dma_wait3A_73] : memref<64x128xf32, #tpu.memory_space<vmem>> -> memref<64x128xf32, #tpu.memory_space<vmem>>
      tpu.wait_dma2 semaphore(%run_scoped3A : memref<!tpu.dma_semaphore, #tpu.memory_space<semaphore_mem>>) src(%dma_wait3A_74 : memref<64x128xf32, #tpu.memory_space<vmem>>) dst(%dma_wait3A_71 : memref<64x128xf32, #tpu.memory_space<vmem_shared>>)
      tpu.yield
    }) : () -> ()
    %mul3A_4 = arith.constant 320 : i32
    %mul3A_5 = arith.muli %arg1, %mul3A_4 : i32
    %add3A_6 = arith.constant 64 : i32
    %add3A_7 = arith.addi %mul3A_5, %add3A_6 : i32
    "tpu.region"() ({
      %run_scoped3A = tpu.sem_alloc : memref<!tpu.dma_semaphore, #tpu.memory_space<semaphore_mem>>
      %dma_start3A_56 = arith.constant 0 : i32
      %dma_start3A_57 = arith.constant 0 : i32
      %dma_start3A_58 = tpu.memref_slice %arg11[%dma_start3A_56, %dma_start3A_57] : memref<64x128xf32, #tpu.memory_space<vmem>> -> memref<64x128xf32, #tpu.memory_space<vmem>>
      %dma_start3A_59 = arith.constant 0 : i32
      %dma_start3A_60 = tpu.memref_slice %arg12[%add3A_7, %dma_start3A_59] : memref<5136x128xf32, #tpu.memory_space<vmem_shared>> -> memref<64x128xf32, #tpu.memory_space<vmem_shared>>
      %dma_start3A_61 = arith.constant 0 : i32
      %dma_start3A_62 = tpu.memref_slice %arg12[%add3A_7, %dma_start3A_61] : memref<5136x128xf32, #tpu.memory_space<vmem_shared>> -> memref<64x128xf32, #tpu.memory_space<vmem_shared>>
      %dma_start3A_63 = arith.constant 0 : i32
      %dma_start3A_64 = arith.constant 0 : i32
      %dma_start3A_65 = tpu.memref_slice %arg11[%dma_start3A_63, %dma_start3A_64] : memref<64x128xf32, #tpu.memory_space<vmem>> -> memref<64x128xf32, #tpu.memory_space<vmem>>
      tpu.enqueue_dma source(%dma_start3A_65 : memref<64x128xf32, #tpu.memory_space<vmem>>) target(%dma_start3A_62 : memref<64x128xf32, #tpu.memory_space<vmem_shared>>) target_semaphore(%run_scoped3A : memref<!tpu.dma_semaphore, #tpu.memory_space<semaphore_mem>>)
      %dma_wait3A = arith.constant 0 : i32
      %dma_wait3A_66 = arith.constant 0 : i32
      %dma_wait3A_67 = tpu.memref_slice %arg11[%dma_wait3A, %dma_wait3A_66] : memref<64x128xf32, #tpu.memory_space<vmem>> -> memref<64x128xf32, #tpu.memory_space<vmem>>
      %dma_wait3A_68 = arith.constant 0 : i32
      %dma_wait3A_69 = tpu.memref_slice %arg12[%add3A_7, %dma_wait3A_68] : memref<5136x128xf32, #tpu.memory_space<vmem_shared>> -> memref<64x128xf32, #tpu.memory_space<vmem_shared>>
      %dma_wait3A_70 = arith.constant 0 : i32
      %dma_wait3A_71 = tpu.memref_slice %arg12[%add3A_7, %dma_wait3A_70] : memref<5136x128xf32, #tpu.memory_space<vmem_shared>> -> memref<64x128xf32, #tpu.memory_space<vmem_shared>>
      %dma_wait3A_72 = arith.constant 0 : i32
      %dma_wait3A_73 = arith.constant 0 : i32
      %dma_wait3A_74 = tpu.memref_slice %arg11[%dma_wait3A_72, %dma_wait3A_73] : memref<64x128xf32, #tpu.memory_space<vmem>> -> memref<64x128xf32, #tpu.memory_space<vmem>>
      tpu.wait_dma2 semaphore(%run_scoped3A : memref<!tpu.dma_semaphore, #tpu.memory_space<semaphore_mem>>) src(%dma_wait3A_74 : memref<64x128xf32, #tpu.memory_space<vmem>>) dst(%dma_wait3A_71 : memref<64x128xf32, #tpu.memory_space<vmem_shared>>)
      tpu.yield
    }) : () -> ()
    %mul3A_8 = arith.constant 320 : i32
    %mul3A_9 = arith.muli %arg1, %mul3A_8 : i32
    %add3A_10 = arith.constant 128 : i32
    %add3A_11 = arith.addi %mul3A_9, %add3A_10 : i32
    "tpu.region"() ({
      %run_scoped3A = tpu.sem_alloc : memref<!tpu.dma_semaphore, #tpu.memory_space<semaphore_mem>>
      %dma_start3A_56 = arith.constant 0 : i32
      %dma_start3A_57 = arith.constant 0 : i32
      %dma_start3A_58 = tpu.memref_slice %arg11[%dma_start3A_56, %dma_start3A_57] : memref<64x128xf32, #tpu.memory_space<vmem>> -> memref<64x128xf32, #tpu.memory_space<vmem>>
      %dma_start3A_59 = arith.constant 0 : i32
      %dma_start3A_60 = tpu.memref_slice %arg12[%add3A_11, %dma_start3A_59] : memref<5136x128xf32, #tpu.memory_space<vmem_shared>> -> memref<64x128xf32, #tpu.memory_space<vmem_shared>>
      %dma_start3A_61 = arith.constant 0 : i32
      %dma_start3A_62 = tpu.memref_slice %arg12[%add3A_11, %dma_start3A_61] : memref<5136x128xf32, #tpu.memory_space<vmem_shared>> -> memref<64x128xf32, #tpu.memory_space<vmem_shared>>
      %dma_start3A_63 = arith.constant 0 : i32
      %dma_start3A_64 = arith.constant 0 : i32
      %dma_start3A_65 = tpu.memref_slice %arg11[%dma_start3A_63, %dma_start3A_64] : memref<64x128xf32, #tpu.memory_space<vmem>> -> memref<64x128xf32, #tpu.memory_space<vmem>>
      tpu.enqueue_dma source(%dma_start3A_65 : memref<64x128xf32, #tpu.memory_space<vmem>>) target(%dma_start3A_62 : memref<64x128xf32, #tpu.memory_space<vmem_shared>>) target_semaphore(%run_scoped3A : memref<!tpu.dma_semaphore, #tpu.memory_space<semaphore_mem>>)
      %dma_wait3A = arith.constant 0 : i32
      %dma_wait3A_66 = arith.constant 0 : i32
      %dma_wait3A_67 = tpu.memref_slice %arg11[%dma_wait3A, %dma_wait3A_66] : memref<64x128xf32, #tpu.memory_space<vmem>> -> memref<64x128xf32, #tpu.memory_space<vmem>>
      %dma_wait3A_68 = arith.constant 0 : i32
      %dma_wait3A_69 = tpu.memref_slice %arg12[%add3A_11, %dma_wait3A_68] : memref<5136x128xf32, #tpu.memory_space<vmem_shared>> -> memref<64x128xf32, #tpu.memory_space<vmem_shared>>
      %dma_wait3A_70 = arith.constant 0 : i32
      %dma_wait3A_71 = tpu.memref_slice %arg12[%add3A_11, %dma_wait3A_70] : memref<5136x128xf32, #tpu.memory_space<vmem_shared>> -> memref<64x128xf32, #tpu.memory_space<vmem_shared>>
      %dma_wait3A_72 = arith.constant 0 : i32
      %dma_wait3A_73 = arith.constant 0 : i32
      %dma_wait3A_74 = tpu.memref_slice %arg11[%dma_wait3A_72, %dma_wait3A_73] : memref<64x128xf32, #tpu.memory_space<vmem>> -> memref<64x128xf32, #tpu.memory_space<vmem>>
      tpu.wait_dma2 semaphore(%run_scoped3A : memref<!tpu.dma_semaphore, #tpu.memory_space<semaphore_mem>>) src(%dma_wait3A_74 : memref<64x128xf32, #tpu.memory_space<vmem>>) dst(%dma_wait3A_71 : memref<64x128xf32, #tpu.memory_space<vmem_shared>>)
      tpu.yield
    }) : () -> ()
    %mul3A_12 = arith.constant 320 : i32
    %mul3A_13 = arith.muli %arg1, %mul3A_12 : i32
    %add3A_14 = arith.constant 192 : i32
    %add3A_15 = arith.addi %mul3A_13, %add3A_14 : i32
    "tpu.region"() ({
      %run_scoped3A = tpu.sem_alloc : memref<!tpu.dma_semaphore, #tpu.memory_space<semaphore_mem>>
      %dma_start3A_56 = arith.constant 0 : i32
      %dma_start3A_57 = arith.constant 0 : i32
      %dma_start3A_58 = tpu.memref_slice %arg11[%dma_start3A_56, %dma_start3A_57] : memref<64x128xf32, #tpu.memory_space<vmem>> -> memref<64x128xf32, #tpu.memory_space<vmem>>
      %dma_start3A_59 = arith.constant 0 : i32
      %dma_start3A_60 = tpu.memref_slice %arg12[%add3A_15, %dma_start3A_59] : memref<5136x128xf32, #tpu.memory_space<vmem_shared>> -> memref<64x128xf32, #tpu.memory_space<vmem_shared>>
      %dma_start3A_61 = arith.constant 0 : i32
      %dma_start3A_62 = tpu.memref_slice %arg12[%add3A_15, %dma_start3A_61] : memref<5136x128xf32, #tpu.memory_space<vmem_shared>> -> memref<64x128xf32, #tpu.memory_space<vmem_shared>>
      %dma_start3A_63 = arith.constant 0 : i32
      %dma_start3A_64 = arith.constant 0 : i32
      %dma_start3A_65 = tpu.memref_slice %arg11[%dma_start3A_63, %dma_start3A_64] : memref<64x128xf32, #tpu.memory_space<vmem>> -> memref<64x128xf32, #tpu.memory_space<vmem>>
      tpu.enqueue_dma source(%dma_start3A_65 : memref<64x128xf32, #tpu.memory_space<vmem>>) target(%dma_start3A_62 : memref<64x128xf32, #tpu.memory_space<vmem_shared>>) target_semaphore(%run_scoped3A : memref<!tpu.dma_semaphore, #tpu.memory_space<semaphore_mem>>)
      %dma_wait3A = arith.constant 0 : i32
      %dma_wait3A_66 = arith.constant 0 : i32
      %dma_wait3A_67 = tpu.memref_slice %arg11[%dma_wait3A, %dma_wait3A_66] : memref<64x128xf32, #tpu.memory_space<vmem>> -> memref<64x128xf32, #tpu.memory_space<vmem>>
      %dma_wait3A_68 = arith.constant 0 : i32
      %dma_wait3A_69 = tpu.memref_slice %arg12[%add3A_15, %dma_wait3A_68] : memref<5136x128xf32, #tpu.memory_space<vmem_shared>> -> memref<64x128xf32, #tpu.memory_space<vmem_shared>>
      %dma_wait3A_70 = arith.constant 0 : i32
      %dma_wait3A_71 = tpu.memref_slice %arg12[%add3A_15, %dma_wait3A_70] : memref<5136x128xf32, #tpu.memory_space<vmem_shared>> -> memref<64x128xf32, #tpu.memory_space<vmem_shared>>
      %dma_wait3A_72 = arith.constant 0 : i32
      %dma_wait3A_73 = arith.constant 0 : i32
      %dma_wait3A_74 = tpu.memref_slice %arg11[%dma_wait3A_72, %dma_wait3A_73] : memref<64x128xf32, #tpu.memory_space<vmem>> -> memref<64x128xf32, #tpu.memory_space<vmem>>
      tpu.wait_dma2 semaphore(%run_scoped3A : memref<!tpu.dma_semaphore, #tpu.memory_space<semaphore_mem>>) src(%dma_wait3A_74 : memref<64x128xf32, #tpu.memory_space<vmem>>) dst(%dma_wait3A_71 : memref<64x128xf32, #tpu.memory_space<vmem_shared>>)
      tpu.yield
    }) : () -> ()
    %mul3A_16 = arith.constant 320 : i32
    %mul3A_17 = arith.muli %arg1, %mul3A_16 : i32
    %add3A_18 = arith.constant 256 : i32
    %add3A_19 = arith.addi %mul3A_17, %add3A_18 : i32
    "tpu.region"() ({
      %run_scoped3A = tpu.sem_alloc : memref<!tpu.dma_semaphore, #tpu.memory_space<semaphore_mem>>
      %dma_start3A_56 = arith.constant 0 : i32
      %dma_start3A_57 = arith.constant 0 : i32
      %dma_start3A_58 = tpu.memref_slice %arg11[%dma_start3A_56, %dma_start3A_57] : memref<64x128xf32, #tpu.memory_space<vmem>> -> memref<64x128xf32, #tpu.memory_space<vmem>>
      %dma_start3A_59 = arith.constant 0 : i32
      %dma_start3A_60 = tpu.memref_slice %arg12[%add3A_19, %dma_start3A_59] : memref<5136x128xf32, #tpu.memory_space<vmem_shared>> -> memref<64x128xf32, #tpu.memory_space<vmem_shared>>
      %dma_start3A_61 = arith.constant 0 : i32
      %dma_start3A_62 = tpu.memref_slice %arg12[%add3A_19, %dma_start3A_61] : memref<5136x128xf32, #tpu.memory_space<vmem_shared>> -> memref<64x128xf32, #tpu.memory_space<vmem_shared>>
      %dma_start3A_63 = arith.constant 0 : i32
      %dma_start3A_64 = arith.constant 0 : i32
      %dma_start3A_65 = tpu.memref_slice %arg11[%dma_start3A_63, %dma_start3A_64] : memref<64x128xf32, #tpu.memory_space<vmem>> -> memref<64x128xf32, #tpu.memory_space<vmem>>
      tpu.enqueue_dma source(%dma_start3A_65 : memref<64x128xf32, #tpu.memory_space<vmem>>) target(%dma_start3A_62 : memref<64x128xf32, #tpu.memory_space<vmem_shared>>) target_semaphore(%run_scoped3A : memref<!tpu.dma_semaphore, #tpu.memory_space<semaphore_mem>>)
      %dma_wait3A = arith.constant 0 : i32
      %dma_wait3A_66 = arith.constant 0 : i32
      %dma_wait3A_67 = tpu.memref_slice %arg11[%dma_wait3A, %dma_wait3A_66] : memref<64x128xf32, #tpu.memory_space<vmem>> -> memref<64x128xf32, #tpu.memory_space<vmem>>
      %dma_wait3A_68 = arith.constant 0 : i32
      %dma_wait3A_69 = tpu.memref_slice %arg12[%add3A_19, %dma_wait3A_68] : memref<5136x128xf32, #tpu.memory_space<vmem_shared>> -> memref<64x128xf32, #tpu.memory_space<vmem_shared>>
      %dma_wait3A_70 = arith.constant 0 : i32
      %dma_wait3A_71 = tpu.memref_slice %arg12[%add3A_19, %dma_wait3A_70] : memref<5136x128xf32, #tpu.memory_space<vmem_shared>> -> memref<64x128xf32, #tpu.memory_space<vmem_shared>>
      %dma_wait3A_72 = arith.constant 0 : i32
      %dma_wait3A_73 = arith.constant 0 : i32
      %dma_wait3A_74 = tpu.memref_slice %arg11[%dma_wait3A_72, %dma_wait3A_73] : memref<64x128xf32, #tpu.memory_space<vmem>> -> memref<64x128xf32, #tpu.memory_space<vmem>>
      tpu.wait_dma2 semaphore(%run_scoped3A : memref<!tpu.dma_semaphore, #tpu.memory_space<semaphore_mem>>) src(%dma_wait3A_74 : memref<64x128xf32, #tpu.memory_space<vmem>>) dst(%dma_wait3A_71 : memref<64x128xf32, #tpu.memory_space<vmem_shared>>)
      tpu.yield
    }) : () -> ()
    %eq3A = arith.constant 15 : i32
    %eq3A_20 = arith.cmpi eq, %arg1, %eq3A : i32
    %convert_element_type3A = arith.extui %eq3A_20 : i1 to i32
    %cond3A = arith.constant 0 : i32
    %cond3A_21 = arith.cmpi ne, %convert_element_type3A, %cond3A : i32
    scf.if %cond3A_21 {
      "tpu.region"() ({
        %run_scoped3A = tpu.sem_alloc : memref<!tpu.dma_semaphore, #tpu.memory_space<semaphore_mem>>
        %dma_start3A_56 = arith.constant 0 : i32
        %dma_start3A_57 = arith.constant 0 : i32
        %dma_start3A_58 = tpu.memref_slice %arg11[%dma_start3A_56, %dma_start3A_57] : memref<64x128xf32, #tpu.memory_space<vmem>> -> memref<16x128xf32, #tpu.memory_space<vmem>>
        %dma_start3A_59 = arith.constant 5120 : i32
        %dma_start3A_60 = arith.constant 0 : i32
        %dma_start3A_61 = tpu.memref_slice %arg12[%dma_start3A_59, %dma_start3A_60] : memref<5136x128xf32, #tpu.memory_space<vmem_shared>> -> memref<16x128xf32, #tpu.memory_space<vmem_shared>>
        %dma_start3A_62 = arith.constant 5120 : i32
        %dma_start3A_63 = arith.constant 0 : i32
        %dma_start3A_64 = tpu.memref_slice %arg12[%dma_start3A_62, %dma_start3A_63] : memref<5136x128xf32, #tpu.memory_space<vmem_shared>> -> memref<16x128xf32, #tpu.memory_space<vmem_shared>>
        %dma_start3A_65 = arith.constant 0 : i32
        %dma_start3A_66 = arith.constant 0 : i32
        %dma_start3A_67 = tpu.memref_slice %arg11[%dma_start3A_65, %dma_start3A_66] : memref<64x128xf32, #tpu.memory_space<vmem>> -> memref<16x128xf32, #tpu.memory_space<vmem>>
        tpu.enqueue_dma source(%dma_start3A_67 : memref<16x128xf32, #tpu.memory_space<vmem>>) target(%dma_start3A_64 : memref<16x128xf32, #tpu.memory_space<vmem_shared>>) target_semaphore(%run_scoped3A : memref<!tpu.dma_semaphore, #tpu.memory_space<semaphore_mem>>)
        %dma_wait3A = arith.constant 0 : i32
        %dma_wait3A_68 = arith.constant 0 : i32
        %dma_wait3A_69 = tpu.memref_slice %arg11[%dma_wait3A, %dma_wait3A_68] : memref<64x128xf32, #tpu.memory_space<vmem>> -> memref<16x128xf32, #tpu.memory_space<vmem>>
        %dma_wait3A_70 = arith.constant 5120 : i32
        %dma_wait3A_71 = arith.constant 0 : i32
        %dma_wait3A_72 = tpu.memref_slice %arg12[%dma_wait3A_70, %dma_wait3A_71] : memref<5136x128xf32, #tpu.memory_space<vmem_shared>> -> memref<16x128xf32, #tpu.memory_space<vmem_shared>>
        %dma_wait3A_73 = arith.constant 5120 : i32
        %dma_wait3A_74 = arith.constant 0 : i32
        %dma_wait3A_75 = tpu.memref_slice %arg12[%dma_wait3A_73, %dma_wait3A_74] : memref<5136x128xf32, #tpu.memory_space<vmem_shared>> -> memref<16x128xf32, #tpu.memory_space<vmem_shared>>
        %dma_wait3A_76 = arith.constant 0 : i32
        %dma_wait3A_77 = arith.constant 0 : i32
        %dma_wait3A_78 = tpu.memref_slice %arg11[%dma_wait3A_76, %dma_wait3A_77] : memref<64x128xf32, #tpu.memory_space<vmem>> -> memref<16x128xf32, #tpu.memory_space<vmem>>
        tpu.wait_dma2 semaphore(%run_scoped3A : memref<!tpu.dma_semaphore, #tpu.memory_space<semaphore_mem>>) src(%dma_wait3A_78 : memref<16x128xf32, #tpu.memory_space<vmem>>) dst(%dma_wait3A_75 : memref<16x128xf32, #tpu.memory_space<vmem_shared>>)
        tpu.yield
      }) : () -> ()
    } else {
    }
    %mul3A_22 = arith.constant 160 : i32
    %mul3A_23 = arith.muli %arg1, %mul3A_22 : i32
    "tpu.region"() ({
      %run_scoped3A = tpu.sem_alloc : memref<!tpu.dma_semaphore, #tpu.memory_space<semaphore_mem>>
      %dma_start3A_56 = arith.constant 0 : i32
      %dma_start3A_57 = tpu.memref_slice %arg3[%mul3A_23, %dma_start3A_56] : memref<2560x128xi32, #tpu.memory_space<hbm>> -> memref<160x128xi32, #tpu.memory_space<hbm>>
      %dma_start3A_58 = arith.constant 0 : i32
      %dma_start3A_59 = tpu.memref_slice %arg3[%mul3A_23, %dma_start3A_58] : memref<2560x128xi32, #tpu.memory_space<hbm>> -> memref<160x128xi32, #tpu.memory_space<hbm>>
      tpu.enqueue_dma source(%dma_start3A_59 : memref<160x128xi32, #tpu.memory_space<hbm>>) target(%arg7 : memref<160x128xi32, #tpu.memory_space<vmem>>) target_semaphore(%run_scoped3A : memref<!tpu.dma_semaphore, #tpu.memory_space<semaphore_mem>>)
      %dma_wait3A = arith.constant 0 : i32
      %dma_wait3A_60 = tpu.memref_slice %arg3[%mul3A_23, %dma_wait3A] : memref<2560x128xi32, #tpu.memory_space<hbm>> -> memref<160x128xi32, #tpu.memory_space<hbm>>
      %dma_wait3A_61 = arith.constant 0 : i32
      %dma_wait3A_62 = tpu.memref_slice %arg3[%mul3A_23, %dma_wait3A_61] : memref<2560x128xi32, #tpu.memory_space<hbm>> -> memref<160x128xi32, #tpu.memory_space<hbm>>
      tpu.wait_dma2 semaphore(%run_scoped3A : memref<!tpu.dma_semaphore, #tpu.memory_space<semaphore_mem>>) src(%dma_wait3A_62 : memref<160x128xi32, #tpu.memory_space<hbm>>) dst(%arg7 : memref<160x128xi32, #tpu.memory_space<vmem>>)
      tpu.yield
    }) : () -> ()
    %mul3A_24 = arith.constant 160 : i32
    %mul3A_25 = arith.muli %arg1, %mul3A_24 : i32
    "tpu.region"() ({
      %run_scoped3A = tpu.sem_alloc : memref<!tpu.dma_semaphore, #tpu.memory_space<semaphore_mem>>
      %dma_start3A_56 = arith.constant 0 : i32
      %dma_start3A_57 = tpu.memref_slice %arg4[%mul3A_25, %dma_start3A_56] : memref<2560x128xi32, #tpu.memory_space<hbm>> -> memref<160x128xi32, #tpu.memory_space<hbm>>
      %dma_start3A_58 = arith.constant 0 : i32
      %dma_start3A_59 = tpu.memref_slice %arg4[%mul3A_25, %dma_start3A_58] : memref<2560x128xi32, #tpu.memory_space<hbm>> -> memref<160x128xi32, #tpu.memory_space<hbm>>
      tpu.enqueue_dma source(%dma_start3A_59 : memref<160x128xi32, #tpu.memory_space<hbm>>) target(%arg8 : memref<160x128xi32, #tpu.memory_space<vmem>>) target_semaphore(%run_scoped3A : memref<!tpu.dma_semaphore, #tpu.memory_space<semaphore_mem>>)
      %dma_wait3A = arith.constant 0 : i32
      %dma_wait3A_60 = tpu.memref_slice %arg4[%mul3A_25, %dma_wait3A] : memref<2560x128xi32, #tpu.memory_space<hbm>> -> memref<160x128xi32, #tpu.memory_space<hbm>>
      %dma_wait3A_61 = arith.constant 0 : i32
      %dma_wait3A_62 = tpu.memref_slice %arg4[%mul3A_25, %dma_wait3A_61] : memref<2560x128xi32, #tpu.memory_space<hbm>> -> memref<160x128xi32, #tpu.memory_space<hbm>>
      tpu.wait_dma2 semaphore(%run_scoped3A : memref<!tpu.dma_semaphore, #tpu.memory_space<semaphore_mem>>) src(%dma_wait3A_62 : memref<160x128xi32, #tpu.memory_space<hbm>>) dst(%arg8 : memref<160x128xi32, #tpu.memory_space<vmem>>)
      tpu.yield
    }) : () -> ()
    %scan3A = arith.constant 0 : i32
    %scan3A_26 = arith.constant 0 : i32
    %scan3A_27 = arith.constant 160 : i32
    %scan3A_28 = arith.addi %scan3A_26, %scan3A_27 : i32
    %scan3A_29 = arith.constant 1 : i32
    scf.for %scan3A_56 = %scan3A_26 to %scan3A_28 step %scan3A_29  : i32 {
      %get3A = arith.index_cast %scan3A_56 : i32 to index
      %get3A_57 = arith.constant 0 : index
      %get3A_58 = tpu.vector_load %arg8[%get3A, %get3A_57] {strides = array<i32>} : memref<160x128xi32, #tpu.memory_space<vmem>>, vector<1x16xi32>,
      %get3A_59 = vector.shape_cast %get3A_58 : vector<1x16xi32> to vector<16xi32>
      %sub3A = vector.broadcast %mul3A_0 : i32 to vector<16xi32>
      %sub3A_60 = arith.subi %get3A_59, %sub3A : vector<16xi32>
      %ge3A = vector.broadcast %mul3A_0 : i32 to vector<16xi32>
      %ge3A_61 = arith.cmpi sge, %get3A_59, %ge3A : vector<16xi32>
      %lt3A = arith.constant 5120 : i32
      %lt3A_62 = vector.broadcast %lt3A : i32 to vector<16xi32>
      %lt3A_63 = arith.cmpi slt, %sub3A_60, %lt3A_62 : vector<16xi32>
      %and3A = arith.andi %ge3A_61, %lt3A_63 : vector<16xi1>
      %add3A_64 = arith.constant 5120 : i32
      %add3A_65 = arith.addi %add3A_64, %arg1 : i32
      %broadcast_in_dim3A = vector.broadcast %add3A_65 : i32 to vector<16xi32>
      %select_n3A = arith.select %and3A, %sub3A_60, %broadcast_in_dim3A : vector<16xi1>, vector<16xi32>
      %swap3A = arith.index_cast %scan3A_56 : i32 to index
      %swap3A_66 = arith.constant 0 : index
      %swap3A_67 = tpu.vector_load %arg8[%swap3A, %swap3A_66] {strides = array<i32>} : memref<160x128xi32, #tpu.memory_space<vmem>>, vector<1x16xi32>,
      %swap3A_68 = vector.shape_cast %swap3A_67 : vector<1x16xi32> to vector<16xi32>
      %swap3A_69 = vector.shape_cast %select_n3A : vector<16xi32> to vector<1x16xi32>
      tpu.vector_store %arg8[%swap3A, %swap3A_66], %swap3A_69 {strides = array<i32>} : memref<160x128xi32, #tpu.memory_space<vmem>>, vector<1x16xi32>,
      %get3A_70 = arith.index_cast %scan3A_56 : i32 to index
      %get3A_71 = arith.constant 16 : index
      %get3A_72 = tpu.vector_load %arg8[%get3A_70, %get3A_71] {strides = array<i32>} : memref<160x128xi32, #tpu.memory_space<vmem>>, vector<1x16xi32>,
      %get3A_73 = vector.shape_cast %get3A_72 : vector<1x16xi32> to vector<16xi32>
      %sub3A_74 = vector.broadcast %mul3A_0 : i32 to vector<16xi32>
      %sub3A_75 = arith.subi %get3A_73, %sub3A_74 : vector<16xi32>
      %ge3A_76 = vector.broadcast %mul3A_0 : i32 to vector<16xi32>
      %ge3A_77 = arith.cmpi sge, %get3A_73, %ge3A_76 : vector<16xi32>
      %lt3A_78 = arith.constant 5120 : i32
      %lt3A_79 = vector.broadcast %lt3A_78 : i32 to vector<16xi32>
      %lt3A_80 = arith.cmpi slt, %sub3A_75, %lt3A_79 : vector<16xi32>
      %and3A_81 = arith.andi %ge3A_77, %lt3A_80 : vector<16xi1>
      %add3A_82 = arith.constant 5120 : i32
      %add3A_83 = arith.addi %add3A_82, %arg1 : i32
      %broadcast_in_dim3A_84 = vector.broadcast %add3A_83 : i32 to vector<16xi32>
      %select_n3A_85 = arith.select %and3A_81, %sub3A_75, %broadcast_in_dim3A_84 : vector<16xi1>, vector<16xi32>
      %swap3A_86 = arith.index_cast %scan3A_56 : i32 to index
      %swap3A_87 = arith.constant 16 : index
      %swap3A_88 = tpu.vector_load %arg8[%swap3A_86, %swap3A_87] {strides = array<i32>} : memref<160x128xi32, #tpu.memory_space<vmem>>, vector<1x16xi32>,
      %swap3A_89 = vector.shape_cast %swap3A_88 : vector<1x16xi32> to vector<16xi32>
      %swap3A_90 = vector.shape_cast %select_n3A_85 : vector<16xi32> to vector<1x16xi32>
      tpu.vector_store %arg8[%swap3A_86, %swap3A_87], %swap3A_90 {strides = array<i32>} : memref<160x128xi32, #tpu.memory_space<vmem>>, vector<1x16xi32>,
      %get3A_91 = arith.index_cast %scan3A_56 : i32 to index
      %get3A_92 = arith.constant 32 : index
      %get3A_93 = tpu.vector_load %arg8[%get3A_91, %get3A_92] {strides = array<i32>} : memref<160x128xi32, #tpu.memory_space<vmem>>, vector<1x16xi32>,
      %get3A_94 = vector.shape_cast %get3A_93 : vector<1x16xi32> to vector<16xi32>
      %sub3A_95 = vector.broadcast %mul3A_0 : i32 to vector<16xi32>
      %sub3A_96 = arith.subi %get3A_94, %sub3A_95 : vector<16xi32>
      %ge3A_97 = vector.broadcast %mul3A_0 : i32 to vector<16xi32>
      %ge3A_98 = arith.cmpi sge, %get3A_94, %ge3A_97 : vector<16xi32>
      %lt3A_99 = arith.constant 5120 : i32
      %lt3A_100 = vector.broadcast %lt3A_99 : i32 to vector<16xi32>
      %lt3A_101 = arith.cmpi slt, %sub3A_96, %lt3A_100 : vector<16xi32>
      %and3A_102 = arith.andi %ge3A_98, %lt3A_101 : vector<16xi1>
      %add3A_103 = arith.constant 5120 : i32
      %add3A_104 = arith.addi %add3A_103, %arg1 : i32
      %broadcast_in_dim3A_105 = vector.broadcast %add3A_104 : i32 to vector<16xi32>
      %select_n3A_106 = arith.select %and3A_102, %sub3A_96, %broadcast_in_dim3A_105 : vector<16xi1>, vector<16xi32>
      %swap3A_107 = arith.index_cast %scan3A_56 : i32 to index
      %swap3A_108 = arith.constant 32 : index
      %swap3A_109 = tpu.vector_load %arg8[%swap3A_107, %swap3A_108] {strides = array<i32>} : memref<160x128xi32, #tpu.memory_space<vmem>>, vector<1x16xi32>,
      %swap3A_110 = vector.shape_cast %swap3A_109 : vector<1x16xi32> to vector<16xi32>
      %swap3A_111 = vector.shape_cast %select_n3A_106 : vector<16xi32> to vector<1x16xi32>
      tpu.vector_store %arg8[%swap3A_107, %swap3A_108], %swap3A_111 {strides = array<i32>} : memref<160x128xi32, #tpu.memory_space<vmem>>, vector<1x16xi32>,
      %get3A_112 = arith.index_cast %scan3A_56 : i32 to index
      %get3A_113 = arith.constant 48 : index
      %get3A_114 = tpu.vector_load %arg8[%get3A_112, %get3A_113] {strides = array<i32>} : memref<160x128xi32, #tpu.memory_space<vmem>>, vector<1x16xi32>,
      %get3A_115 = vector.shape_cast %get3A_114 : vector<1x16xi32> to vector<16xi32>
      %sub3A_116 = vector.broadcast %mul3A_0 : i32 to vector<16xi32>
      %sub3A_117 = arith.subi %get3A_115, %sub3A_116 : vector<16xi32>
      %ge3A_118 = vector.broadcast %mul3A_0 : i32 to vector<16xi32>
      %ge3A_119 = arith.cmpi sge, %get3A_115, %ge3A_118 : vector<16xi32>
      %lt3A_120 = arith.constant 5120 : i32
      %lt3A_121 = vector.broadcast %lt3A_120 : i32 to vector<16xi32>
      %lt3A_122 = arith.cmpi slt, %sub3A_117, %lt3A_121 : vector<16xi32>
      %and3A_123 = arith.andi %ge3A_119, %lt3A_122 : vector<16xi1>
      %add3A_124 = arith.constant 5120 : i32
      %add3A_125 = arith.addi %add3A_124, %arg1 : i32
      %broadcast_in_dim3A_126 = vector.broadcast %add3A_125 : i32 to vector<16xi32>
      %select_n3A_127 = arith.select %and3A_123, %sub3A_117, %broadcast_in_dim3A_126 : vector<16xi1>, vector<16xi32>
      %swap3A_128 = arith.index_cast %scan3A_56 : i32 to index
      %swap3A_129 = arith.constant 48 : index
      %swap3A_130 = tpu.vector_load %arg8[%swap3A_128, %swap3A_129] {strides = array<i32>} : memref<160x128xi32, #tpu.memory_space<vmem>>, vector<1x16xi32>,
      %swap3A_131 = vector.shape_cast %swap3A_130 : vector<1x16xi32> to vector<16xi32>
      %swap3A_132 = vector.shape_cast %select_n3A_127 : vector<16xi32> to vector<1x16xi32>
      tpu.vector_store %arg8[%swap3A_128, %swap3A_129], %swap3A_132 {strides = array<i32>} : memref<160x128xi32, #tpu.memory_space<vmem>>, vector<1x16xi32>,
      %get3A_133 = arith.index_cast %scan3A_56 : i32 to index
      %get3A_134 = arith.constant 64 : index
      %get3A_135 = tpu.vector_load %arg8[%get3A_133, %get3A_134] {strides = array<i32>} : memref<160x128xi32, #tpu.memory_space<vmem>>, vector<1x16xi32>,
      %get3A_136 = vector.shape_cast %get3A_135 : vector<1x16xi32> to vector<16xi32>
      %sub3A_137 = vector.broadcast %mul3A_0 : i32 to vector<16xi32>
      %sub3A_138 = arith.subi %get3A_136, %sub3A_137 : vector<16xi32>
      %ge3A_139 = vector.broadcast %mul3A_0 : i32 to vector<16xi32>
      %ge3A_140 = arith.cmpi sge, %get3A_136, %ge3A_139 : vector<16xi32>
      %lt3A_141 = arith.constant 5120 : i32
      %lt3A_142 = vector.broadcast %lt3A_141 : i32 to vector<16xi32>
      %lt3A_143 = arith.cmpi slt, %sub3A_138, %lt3A_142 : vector<16xi32>
      %and3A_144 = arith.andi %ge3A_140, %lt3A_143 : vector<16xi1>
      %add3A_145 = arith.constant 5120 : i32
      %add3A_146 = arith.addi %add3A_145, %arg1 : i32
      %broadcast_in_dim3A_147 = vector.broadcast %add3A_146 : i32 to vector<16xi32>
      %select_n3A_148 = arith.select %and3A_144, %sub3A_138, %broadcast_in_dim3A_147 : vector<16xi1>, vector<16xi32>
      %swap3A_149 = arith.index_cast %scan3A_56 : i32 to index
      %swap3A_150 = arith.constant 64 : index
      %swap3A_151 = tpu.vector_load %arg8[%swap3A_149, %swap3A_150] {strides = array<i32>} : memref<160x128xi32, #tpu.memory_space<vmem>>, vector<1x16xi32>,
      %swap3A_152 = vector.shape_cast %swap3A_151 : vector<1x16xi32> to vector<16xi32>
      %swap3A_153 = vector.shape_cast %select_n3A_148 : vector<16xi32> to vector<1x16xi32>
      tpu.vector_store %arg8[%swap3A_149, %swap3A_150], %swap3A_153 {strides = array<i32>} : memref<160x128xi32, #tpu.memory_space<vmem>>, vector<1x16xi32>,
      %get3A_154 = arith.index_cast %scan3A_56 : i32 to index
      %get3A_155 = arith.constant 80 : index
      %get3A_156 = tpu.vector_load %arg8[%get3A_154, %get3A_155] {strides = array<i32>} : memref<160x128xi32, #tpu.memory_space<vmem>>, vector<1x16xi32>,
      %get3A_157 = vector.shape_cast %get3A_156 : vector<1x16xi32> to vector<16xi32>
      %sub3A_158 = vector.broadcast %mul3A_0 : i32 to vector<16xi32>
      %sub3A_159 = arith.subi %get3A_157, %sub3A_158 : vector<16xi32>
      %ge3A_160 = vector.broadcast %mul3A_0 : i32 to vector<16xi32>
      %ge3A_161 = arith.cmpi sge, %get3A_157, %ge3A_160 : vector<16xi32>
      %lt3A_162 = arith.constant 5120 : i32
      %lt3A_163 = vector.broadcast %lt3A_162 : i32 to vector<16xi32>
      %lt3A_164 = arith.cmpi slt, %sub3A_159, %lt3A_163 : vector<16xi32>
      %and3A_165 = arith.andi %ge3A_161, %lt3A_164 : vector<16xi1>
      %add3A_166 = arith.constant 5120 : i32
      %add3A_167 = arith.addi %add3A_166, %arg1 : i32
      %broadcast_in_dim3A_168 = vector.broadcast %add3A_167 : i32 to vector<16xi32>
      %select_n3A_169 = arith.select %and3A_165, %sub3A_159, %broadcast_in_dim3A_168 : vector<16xi1>, vector<16xi32>
      %swap3A_170 = arith.index_cast %scan3A_56 : i32 to index
      %swap3A_171 = arith.constant 80 : index
      %swap3A_172 = tpu.vector_load %arg8[%swap3A_170, %swap3A_171] {strides = array<i32>} : memref<160x128xi32, #tpu.memory_space<vmem>>, vector<1x16xi32>,
      %swap3A_173 = vector.shape_cast %swap3A_172 : vector<1x16xi32> to vector<16xi32>
      %swap3A_174 = vector.shape_cast %select_n3A_169 : vector<16xi32> to vector<1x16xi32>
      tpu.vector_store %arg8[%swap3A_170, %swap3A_171], %swap3A_174 {strides = array<i32>} : memref<160x128xi32, #tpu.memory_space<vmem>>, vector<1x16xi32>,
      %get3A_175 = arith.index_cast %scan3A_56 : i32 to index
      %get3A_176 = arith.constant 96 : index
      %get3A_177 = tpu.vector_load %arg8[%get3A_175, %get3A_176] {strides = array<i32>} : memref<160x128xi32, #tpu.memory_space<vmem>>, vector<1x16xi32>,
      %get3A_178 = vector.shape_cast %get3A_177 : vector<1x16xi32> to vector<16xi32>
      %sub3A_179 = vector.broadcast %mul3A_0 : i32 to vector<16xi32>
      %sub3A_180 = arith.subi %get3A_178, %sub3A_179 : vector<16xi32>
      %ge3A_181 = vector.broadcast %mul3A_0 : i32 to vector<16xi32>
      %ge3A_182 = arith.cmpi sge, %get3A_178, %ge3A_181 : vector<16xi32>
      %lt3A_183 = arith.constant 5120 : i32
      %lt3A_184 = vector.broadcast %lt3A_183 : i32 to vector<16xi32>
      %lt3A_185 = arith.cmpi slt, %sub3A_180, %lt3A_184 : vector<16xi32>
      %and3A_186 = arith.andi %ge3A_182, %lt3A_185 : vector<16xi1>
      %add3A_187 = arith.constant 5120 : i32
      %add3A_188 = arith.addi %add3A_187, %arg1 : i32
      %broadcast_in_dim3A_189 = vector.broadcast %add3A_188 : i32 to vector<16xi32>
      %select_n3A_190 = arith.select %and3A_186, %sub3A_180, %broadcast_in_dim3A_189 : vector<16xi1>, vector<16xi32>
      %swap3A_191 = arith.index_cast %scan3A_56 : i32 to index
      %swap3A_192 = arith.constant 96 : index
      %swap3A_193 = tpu.vector_load %arg8[%swap3A_191, %swap3A_192] {strides = array<i32>} : memref<160x128xi32, #tpu.memory_space<vmem>>, vector<1x16xi32>,
      %swap3A_194 = vector.shape_cast %swap3A_193 : vector<1x16xi32> to vector<16xi32>
      %swap3A_195 = vector.shape_cast %select_n3A_190 : vector<16xi32> to vector<1x16xi32>
      tpu.vector_store %arg8[%swap3A_191, %swap3A_192], %swap3A_195 {strides = array<i32>} : memref<160x128xi32, #tpu.memory_space<vmem>>, vector<1x16xi32>,
      %get3A_196 = arith.index_cast %scan3A_56 : i32 to index
      %get3A_197 = arith.constant 112 : index
      %get3A_198 = tpu.vector_load %arg8[%get3A_196, %get3A_197] {strides = array<i32>} : memref<160x128xi32, #tpu.memory_space<vmem>>, vector<1x16xi32>,
      %get3A_199 = vector.shape_cast %get3A_198 : vector<1x16xi32> to vector<16xi32>
      %sub3A_200 = vector.broadcast %mul3A_0 : i32 to vector<16xi32>
      %sub3A_201 = arith.subi %get3A_199, %sub3A_200 : vector<16xi32>
      %ge3A_202 = vector.broadcast %mul3A_0 : i32 to vector<16xi32>
      %ge3A_203 = arith.cmpi sge, %get3A_199, %ge3A_202 : vector<16xi32>
      %lt3A_204 = arith.constant 5120 : i32
      %lt3A_205 = vector.broadcast %lt3A_204 : i32 to vector<16xi32>
      %lt3A_206 = arith.cmpi slt, %sub3A_201, %lt3A_205 : vector<16xi32>
      %and3A_207 = arith.andi %ge3A_203, %lt3A_206 : vector<16xi1>
      %add3A_208 = arith.constant 5120 : i32
      %add3A_209 = arith.addi %add3A_208, %arg1 : i32
      %broadcast_in_dim3A_210 = vector.broadcast %add3A_209 : i32 to vector<16xi32>
      %select_n3A_211 = arith.select %and3A_207, %sub3A_201, %broadcast_in_dim3A_210 : vector<16xi1>, vector<16xi32>
      %swap3A_212 = arith.index_cast %scan3A_56 : i32 to index
      %swap3A_213 = arith.constant 112 : index
      %swap3A_214 = tpu.vector_load %arg8[%swap3A_212, %swap3A_213] {strides = array<i32>} : memref<160x128xi32, #tpu.memory_space<vmem>>, vector<1x16xi32>,
      %swap3A_215 = vector.shape_cast %swap3A_214 : vector<1x16xi32> to vector<16xi32>
      %swap3A_216 = vector.shape_cast %select_n3A_211 : vector<16xi32> to vector<1x16xi32>
      tpu.vector_store %arg8[%swap3A_212, %swap3A_213], %swap3A_216 {strides = array<i32>} : memref<160x128xi32, #tpu.memory_space<vmem>>, vector<1x16xi32>,
    }
    %scan3A_30 = arith.constant 160 : i32
    %barrier3A = arith.constant 0 : index
    tpu.barrier barrier_id(%barrier3A)
    %dma_start3A = arith.constant 0 : i32
    %dma_start3A_31 = arith.constant 0 : i32
    %dma_start3A_32 = tpu.memref_slice %arg7[%dma_start3A, %dma_start3A_31] : memref<160x128xi32, #tpu.memory_space<vmem>> -> memref<1x128xi32, #tpu.memory_space<vmem>>
    %dma_start3A_33 = tpu.memref_squeeze %dma_start3A_32 : memref<1x128xi32, #tpu.memory_space<vmem>> -> memref<128xi32, #tpu.memory_space<vmem>>
    %dma_start3A_34 = arith.constant 0 : i32
    %dma_start3A_35 = arith.constant 0 : i32
    %dma_start3A_36 = tpu.memref_slice %arg2[%dma_start3A_34, %dma_start3A_35] : memref<10240x128xf32, #tpu.memory_space<hbm>> -> memref<10240x128xf32, #tpu.memory_space<hbm>>
    tpu.enqueue_indirect_dma source(%dma_start3A_36 : memref<10240x128xf32, #tpu.memory_space<hbm>>) target(%arg9 : memref<128x128xf32, #tpu.memory_space<vmem>>) offsets(%dma_start3A_33 : memref<128xi32, #tpu.memory_space<vmem>>) semaphore(%arg13 : memref<!tpu.dma_semaphore, #tpu.memory_space<semaphore_mem>>)
    %dma_start3A_37 = arith.constant 1 : i32
    %dma_start3A_38 = arith.constant 0 : i32
    %dma_start3A_39 = tpu.memref_slice %arg7[%dma_start3A_37, %dma_start3A_38] : memref<160x128xi32, #tpu.memory_space<vmem>> -> memref<1x128xi32, #tpu.memory_space<vmem>>
    %dma_start3A_40 = tpu.memref_squeeze %dma_start3A_39 : memref<1x128xi32, #tpu.memory_space<vmem>> -> memref<128xi32, #tpu.memory_space<vmem>>
    %dma_start3A_41 = arith.constant 0 : i32
    %dma_start3A_42 = arith.constant 0 : i32
    %dma_start3A_43 = tpu.memref_slice %arg2[%dma_start3A_41, %dma_start3A_42] : memref<10240x128xf32, #tpu.memory_space<hbm>> -> memref<10240x128xf32, #tpu.memory_space<hbm>>
    tpu.enqueue_indirect_dma source(%dma_start3A_43 : memref<10240x128xf32, #tpu.memory_space<hbm>>) target(%arg10 : memref<128x128xf32, #tpu.memory_space<vmem>>) offsets(%dma_start3A_40 : memref<128xi32, #tpu.memory_space<vmem>>) semaphore(%arg14 : memref<!tpu.dma_semaphore, #tpu.memory_space<semaphore_mem>>)
    %scan3A_44 = arith.constant 0 : i32
    %scan3A_45 = arith.constant 0 : i32
    %scan3A_46 = arith.constant 80 : i32
    %scan3A_47 = arith.addi %scan3A_45, %scan3A_46 : i32
    %scan3A_48 = arith.constant 1 : i32
    scf.for %scan3A_56 = %scan3A_45 to %scan3A_47 step %scan3A_48  : i32 {
      %mul3A_57 = arith.constant 2 : i32
      %mul3A_58 = arith.muli %scan3A_56, %mul3A_57 : i32
      %dma_wait3A = arith.constant 0 : i32
      %dma_wait3A_59 = arith.constant 0 : i32
      %dma_wait3A_60 = tpu.memref_slice %arg7[%dma_wait3A, %dma_wait3A_59] : memref<160x128xi32, #tpu.memory_space<vmem>> -> memref<1x128xi32, #tpu.memory_space<vmem>>
      %dma_wait3A_61 = tpu.memref_squeeze %dma_wait3A_60 : memref<1x128xi32, #tpu.memory_space<vmem>> -> memref<128xi32, #tpu.memory_space<vmem>>
      %dma_wait3A_62 = arith.constant 0 : i32
      %dma_wait3A_63 = arith.constant 0 : i32
      %dma_wait3A_64 = tpu.memref_slice %arg2[%dma_wait3A_62, %dma_wait3A_63] : memref<10240x128xf32, #tpu.memory_space<hbm>> -> memref<10240x128xf32, #tpu.memory_space<hbm>>
      tpu.wait_indirect_dma semaphore(%arg13 : memref<!tpu.dma_semaphore, #tpu.memory_space<semaphore_mem>>) src(%dma_wait3A_64 : memref<10240x128xf32, #tpu.memory_space<hbm>>) dst(%arg9 : memref<128x128xf32, #tpu.memory_space<vmem>>)
      "tpu.region"() ({
        %run_scoped3A = tpu.sem_alloc : memref<!tpu.dma_semaphore, #tpu.memory_space<semaphore_mem>>
        %dma_start3A_87 = arith.constant 0 : i32
        %dma_start3A_88 = tpu.memref_slice %arg8[%mul3A_58, %dma_start3A_87] : memref<160x128xi32, #tpu.memory_space<vmem>> -> memref<1x128xi32, #tpu.memory_space<vmem>>
        %dma_start3A_89 = tpu.memref_squeeze %dma_start3A_88 : memref<1x128xi32, #tpu.memory_space<vmem>> -> memref<128xi32, #tpu.memory_space<vmem>>
        %dma_start3A_90 = arith.constant 0 : i32
        %dma_start3A_91 = arith.constant 0 : i32
        %dma_start3A_92 = tpu.memref_slice %arg12[%dma_start3A_90, %dma_start3A_91] : memref<5136x128xf32, #tpu.memory_space<vmem_shared>> -> memref<5136x128xf32, #tpu.memory_space<vmem_shared>>
        tpu.enqueue_indirect_dma source(%arg9 : memref<128x128xf32, #tpu.memory_space<vmem>>) target(%dma_start3A_92 : memref<5136x128xf32, #tpu.memory_space<vmem_shared>>) offsets(%dma_start3A_89 : memref<128xi32, #tpu.memory_space<vmem>>) semaphore(%run_scoped3A : memref<!tpu.dma_semaphore, #tpu.memory_space<semaphore_mem>>) {add = true}
        %dma_wait3A_93 = arith.constant 0 : i32
        %dma_wait3A_94 = tpu.memref_slice %arg8[%mul3A_58, %dma_wait3A_93] : memref<160x128xi32, #tpu.memory_space<vmem>> -> memref<1x128xi32, #tpu.memory_space<vmem>>
        %dma_wait3A_95 = tpu.memref_squeeze %dma_wait3A_94 : memref<1x128xi32, #tpu.memory_space<vmem>> -> memref<128xi32, #tpu.memory_space<vmem>>
        %dma_wait3A_96 = arith.constant 0 : i32
        %dma_wait3A_97 = arith.constant 0 : i32
        %dma_wait3A_98 = tpu.memref_slice %arg12[%dma_wait3A_96, %dma_wait3A_97] : memref<5136x128xf32, #tpu.memory_space<vmem_shared>> -> memref<5136x128xf32, #tpu.memory_space<vmem_shared>>
        tpu.wait_indirect_dma semaphore(%run_scoped3A : memref<!tpu.dma_semaphore, #tpu.memory_space<semaphore_mem>>) src(%arg9 : memref<128x128xf32, #tpu.memory_space<vmem>>) dst(%dma_wait3A_98 : memref<5136x128xf32, #tpu.memory_space<vmem_shared>>)
        tpu.yield
      }) : () -> ()
      %add3A_65 = arith.constant 2 : i32
      %add3A_66 = arith.addi %mul3A_58, %add3A_65 : i32
      %lt3A = arith.constant 160 : i32
      %lt3A_67 = arith.cmpi slt, %add3A_66, %lt3A : i32
      %convert_element_type3A_68 = arith.extui %lt3A_67 : i1 to i32
      %cond3A_69 = arith.constant 0 : i32
      %cond3A_70 = arith.cmpi ne, %convert_element_type3A_68, %cond3A_69 : i32
      scf.if %cond3A_70 {
        %add3A_87 = arith.constant 2 : i32
        %add3A_88 = arith.addi %mul3A_58, %add3A_87 : i32
        %dma_start3A_89 = arith.constant 0 : i32
        %dma_start3A_90 = tpu.memref_slice %arg7[%add3A_88, %dma_start3A_89] : memref<160x128xi32, #tpu.memory_space<vmem>> -> memref<1x128xi32, #tpu.memory_space<vmem>>
        %dma_start3A_91 = tpu.memref_squeeze %dma_start3A_90 : memref<1x128xi32, #tpu.memory_space<vmem>> -> memref<128xi32, #tpu.memory_space<vmem>>
        %dma_start3A_92 = arith.constant 0 : i32
        %dma_start3A_93 = arith.constant 0 : i32
        %dma_start3A_94 = tpu.memref_slice %arg2[%dma_start3A_92, %dma_start3A_93] : memref<10240x128xf32, #tpu.memory_space<hbm>> -> memref<10240x128xf32, #tpu.memory_space<hbm>>
        tpu.enqueue_indirect_dma source(%dma_start3A_94 : memref<10240x128xf32, #tpu.memory_space<hbm>>) target(%arg9 : memref<128x128xf32, #tpu.memory_space<vmem>>) offsets(%dma_start3A_91 : memref<128xi32, #tpu.memory_space<vmem>>) semaphore(%arg13 : memref<!tpu.dma_semaphore, #tpu.memory_space<semaphore_mem>>)
      } else {
      }
      %dma_wait3A_71 = arith.constant 1 : i32
      %dma_wait3A_72 = arith.constant 0 : i32
      %dma_wait3A_73 = tpu.memref_slice %arg7[%dma_wait3A_71, %dma_wait3A_72] : memref<160x128xi32, #tpu.memory_space<vmem>> -> memref<1x128xi32, #tpu.memory_space<vmem>>
      %dma_wait3A_74 = tpu.memref_squeeze %dma_wait3A_73 : memref<1x128xi32, #tpu.memory_space<vmem>> -> memref<128xi32, #tpu.memory_space<vmem>>
      %dma_wait3A_75 = arith.constant 0 : i32
      %dma_wait3A_76 = arith.constant 0 : i32
      %dma_wait3A_77 = tpu.memref_slice %arg2[%dma_wait3A_75, %dma_wait3A_76] : memref<10240x128xf32, #tpu.memory_space<hbm>> -> memref<10240x128xf32, #tpu.memory_space<hbm>>
      tpu.wait_indirect_dma semaphore(%arg14 : memref<!tpu.dma_semaphore, #tpu.memory_space<semaphore_mem>>) src(%dma_wait3A_77 : memref<10240x128xf32, #tpu.memory_space<hbm>>) dst(%arg10 : memref<128x128xf32, #tpu.memory_space<vmem>>)
      %add3A_78 = arith.constant 1 : i32
      %add3A_79 = arith.addi %mul3A_58, %add3A_78 : i32
      "tpu.region"() ({
        %run_scoped3A = tpu.sem_alloc : memref<!tpu.dma_semaphore, #tpu.memory_space<semaphore_mem>>
        %dma_start3A_87 = arith.constant 0 : i32
        %dma_start3A_88 = tpu.memref_slice %arg8[%add3A_79, %dma_start3A_87] : memref<160x128xi32, #tpu.memory_space<vmem>> -> memref<1x128xi32, #tpu.memory_space<vmem>>
        %dma_start3A_89 = tpu.memref_squeeze %dma_start3A_88 : memref<1x128xi32, #tpu.memory_space<vmem>> -> memref<128xi32, #tpu.memory_space<vmem>>
        %dma_start3A_90 = arith.constant 0 : i32
        %dma_start3A_91 = arith.constant 0 : i32
        %dma_start3A_92 = tpu.memref_slice %arg12[%dma_start3A_90, %dma_start3A_91] : memref<5136x128xf32, #tpu.memory_space<vmem_shared>> -> memref<5136x128xf32, #tpu.memory_space<vmem_shared>>
        tpu.enqueue_indirect_dma source(%arg10 : memref<128x128xf32, #tpu.memory_space<vmem>>) target(%dma_start3A_92 : memref<5136x128xf32, #tpu.memory_space<vmem_shared>>) offsets(%dma_start3A_89 : memref<128xi32, #tpu.memory_space<vmem>>) semaphore(%run_scoped3A : memref<!tpu.dma_semaphore, #tpu.memory_space<semaphore_mem>>) {add = true}
        %dma_wait3A_93 = arith.constant 0 : i32
        %dma_wait3A_94 = tpu.memref_slice %arg8[%add3A_79, %dma_wait3A_93] : memref<160x128xi32, #tpu.memory_space<vmem>> -> memref<1x128xi32, #tpu.memory_space<vmem>>
        %dma_wait3A_95 = tpu.memref_squeeze %dma_wait3A_94 : memref<1x128xi32, #tpu.memory_space<vmem>> -> memref<128xi32, #tpu.memory_space<vmem>>
        %dma_wait3A_96 = arith.constant 0 : i32
        %dma_wait3A_97 = arith.constant 0 : i32
        %dma_wait3A_98 = tpu.memref_slice %arg12[%dma_wait3A_96, %dma_wait3A_97] : memref<5136x128xf32, #tpu.memory_space<vmem_shared>> -> memref<5136x128xf32, #tpu.memory_space<vmem_shared>>
        tpu.wait_indirect_dma semaphore(%run_scoped3A : memref<!tpu.dma_semaphore, #tpu.memory_space<semaphore_mem>>) src(%arg10 : memref<128x128xf32, #tpu.memory_space<vmem>>) dst(%dma_wait3A_98 : memref<5136x128xf32, #tpu.memory_space<vmem_shared>>)
        tpu.yield
      }) : () -> ()
      %add3A_80 = arith.constant 3 : i32
      %add3A_81 = arith.addi %mul3A_58, %add3A_80 : i32
      %lt3A_82 = arith.constant 160 : i32
      %lt3A_83 = arith.cmpi slt, %add3A_81, %lt3A_82 : i32
      %convert_element_type3A_84 = arith.extui %lt3A_83 : i1 to i32
      %cond3A_85 = arith.constant 0 : i32
      %cond3A_86 = arith.cmpi ne, %convert_element_type3A_84, %cond3A_85 : i32
      scf.if %cond3A_86 {
        %add3A_87 = arith.constant 3 : i32
        %add3A_88 = arith.addi %mul3A_58, %add3A_87 : i32
        %dma_start3A_89 = arith.constant 0 : i32
        %dma_start3A_90 = tpu.memref_slice %arg7[%add3A_88, %dma_start3A_89] : memref<160x128xi32, #tpu.memory_space<vmem>> -> memref<1x128xi32, #tpu.memory_space<vmem>>
        %dma_start3A_91 = tpu.memref_squeeze %dma_start3A_90 : memref<1x128xi32, #tpu.memory_space<vmem>> -> memref<128xi32, #tpu.memory_space<vmem>>
        %dma_start3A_92 = arith.constant 0 : i32
        %dma_start3A_93 = arith.constant 0 : i32
        %dma_start3A_94 = tpu.memref_slice %arg2[%dma_start3A_92, %dma_start3A_93] : memref<10240x128xf32, #tpu.memory_space<hbm>> -> memref<10240x128xf32, #tpu.memory_space<hbm>>
        tpu.enqueue_indirect_dma source(%dma_start3A_94 : memref<10240x128xf32, #tpu.memory_space<hbm>>) target(%arg10 : memref<128x128xf32, #tpu.memory_space<vmem>>) offsets(%dma_start3A_91 : memref<128xi32, #tpu.memory_space<vmem>>) semaphore(%arg14 : memref<!tpu.dma_semaphore, #tpu.memory_space<semaphore_mem>>)
      } else {
      }
    }
    %scan3A_49 = arith.constant 80 : i32
    %barrier3A_50 = arith.constant 0 : index
    tpu.barrier barrier_id(%barrier3A_50)
    %mul3A_51 = arith.constant 320 : i32
    %mul3A_52 = arith.muli %arg1, %mul3A_51 : i32
    %mul3A_53 = arith.constant 320 : i32
    %mul3A_54 = arith.muli %arg1, %mul3A_53 : i32
    %add3A_55 = arith.addi %mul3A_0, %mul3A_54 : i32
    "tpu.region"() ({
      %run_scoped3A = tpu.sem_alloc : memref<!tpu.dma_semaphore, #tpu.memory_space<semaphore_mem>>
      %dma_start3A_56 = arith.constant 0 : i32
      %dma_start3A_57 = tpu.memref_slice %arg6[%add3A_55, %dma_start3A_56] : memref<10240x128xf32, #tpu.memory_space<hbm>> -> memref<320x128xf32, #tpu.memory_space<hbm>>
      %dma_start3A_58 = arith.constant 0 : i32
      %dma_start3A_59 = tpu.memref_slice %arg12[%mul3A_52, %dma_start3A_58] : memref<5136x128xf32, #tpu.memory_space<vmem_shared>> -> memref<320x128xf32, #tpu.memory_space<vmem_shared>>
      tpu.enqueue_dma source(%dma_start3A_59 : memref<320x128xf32, #tpu.memory_space<vmem_shared>>) target(%dma_start3A_57 : memref<320x128xf32, #tpu.memory_space<hbm>>) target_semaphore(%run_scoped3A : memref<!tpu.dma_semaphore, #tpu.memory_space<semaphore_mem>>)
      %dma_wait3A = arith.constant 0 : i32
      %dma_wait3A_60 = tpu.memref_slice %arg6[%add3A_55, %dma_wait3A] : memref<10240x128xf32, #tpu.memory_space<hbm>> -> memref<320x128xf32, #tpu.memory_space<hbm>>
      %dma_wait3A_61 = arith.constant 0 : i32
      %dma_wait3A_62 = tpu.memref_slice %arg12[%mul3A_52, %dma_wait3A_61] : memref<5136x128xf32, #tpu.memory_space<vmem_shared>> -> memref<320x128xf32, #tpu.memory_space<vmem_shared>>
      tpu.wait_dma2 semaphore(%run_scoped3A : memref<!tpu.dma_semaphore, #tpu.memory_space<semaphore_mem>>) src(%dma_wait3A_62 : memref<320x128xf32, #tpu.memory_space<vmem_shared>>) dst(%dma_wait3A_60 : memref<320x128xf32, #tpu.memory_space<hbm>>)
      tpu.yield
    }) : () -> ()
    return
  }
}

#map = affine_map<(d0, d1) -> (0, 0)>
module attributes {stable_mosaic.version = 14 : i64} {
  func.func @_sc_aggr_body(%arg0: i32, %arg1: i32, %arg2: memref<10240x128xf32, #tpu.memory_space<hbm>>, %arg3: memref<2560x128xi32, #tpu.memory_space<hbm>>, %arg4: memref<2560x128xi32, #tpu.memory_space<hbm>>, %arg5: memref<64x128xf32, #tpu.memory_space<hbm>>, %arg6: memref<10240x128xf32, #tpu.memory_space<hbm>>, %arg7: memref<160x128xi32, #tpu.memory_space<vmem>>, %arg8: memref<160x128xi32, #tpu.memory_space<vmem>>, %arg9: memref<128x128xf32, #tpu.memory_space<vmem>>, %arg10: memref<128x128xf32, #tpu.memory_space<vmem>>, %arg11: memref<64x128xf32, #tpu.memory_space<vmem>>, %arg12: memref<5136x128xf32, #tpu.memory_space<vmem_shared>>, %arg13: memref<!tpu.dma_semaphore, #tpu.memory_space<semaphore_mem>>, %arg14: memref<!tpu.dma_semaphore, #tpu.memory_space<semaphore_mem>>) attributes {dimension_semantics = [#tpu.dimension_semantics<core_parallel>, #tpu.dimension_semantics<subcore_parallel>], iteration_bounds = array<i64: 2, 16>, scalar_prefetch = 0 : i64, scratch_operands = 8 : i64, tpu.core_type = #tpu.core_type<sc_vector_subcore>, window_params = [{transform_indices = #map}, {transform_indices = #map}, {transform_indices = #map}, {transform_indices = #map}, {transform_indices = #map}]} {
    %mul3A = arith.constant 5120 : i32
    %mul3A_0 = arith.muli %arg0, %mul3A : i32
    "tpu.region"() ({
      %run_scoped3A = tpu.sem_alloc : memref<!tpu.dma_semaphore, #tpu.memory_space<semaphore_mem>>
      tpu.enqueue_dma source(%arg5 : memref<64x128xf32, #tpu.memory_space<hbm>>) target(%arg11 : memref<64x128xf32, #tpu.memory_space<vmem>>) target_semaphore(%run_scoped3A : memref<!tpu.dma_semaphore, #tpu.memory_space<semaphore_mem>>)
      tpu.wait_dma2 semaphore(%run_scoped3A : memref<!tpu.dma_semaphore, #tpu.memory_space<semaphore_mem>>) src(%arg5 : memref<64x128xf32, #tpu.memory_space<hbm>>) dst(%arg11 : memref<64x128xf32, #tpu.memory_space<vmem>>)
      tpu.yield
    }) : () -> ()
    %mul3A_1 = arith.constant 320 : i32
    %mul3A_2 = arith.muli %arg1, %mul3A_1 : i32
    %add3A = arith.constant 0 : i32
    %add3A_3 = arith.addi %mul3A_2, %add3A : i32
    "tpu.region"() ({
      %run_scoped3A = tpu.sem_alloc : memref<!tpu.dma_semaphore, #tpu.memory_space<semaphore_mem>>
      %dma_start3A_56 = arith.constant 0 : i32
      %dma_start3A_57 = arith.constant 0 : i32
      %dma_start3A_58 = tpu.memref_slice %arg11[%dma_start3A_56, %dma_start3A_57] : memref<64x128xf32, #tpu.memory_space<vmem>> -> memref<64x128xf32, #tpu.memory_space<vmem>>
      %dma_start3A_59 = arith.constant 0 : i32
      %dma_start3A_60 = tpu.memref_slice %arg12[%add3A_3, %dma_start3A_59] : memref<5136x128xf32, #tpu.memory_space<vmem_shared>> -> memref<64x128xf32, #tpu.memory_space<vmem_shared>>
      %dma_start3A_61 = arith.constant 0 : i32
      %dma_start3A_62 = tpu.memref_slice %arg12[%add3A_3, %dma_start3A_61] : memref<5136x128xf32, #tpu.memory_space<vmem_shared>> -> memref<64x128xf32, #tpu.memory_space<vmem_shared>>
      %dma_start3A_63 = arith.constant 0 : i32
      %dma_start3A_64 = arith.constant 0 : i32
      %dma_start3A_65 = tpu.memref_slice %arg11[%dma_start3A_63, %dma_start3A_64] : memref<64x128xf32, #tpu.memory_space<vmem>> -> memref<64x128xf32, #tpu.memory_space<vmem>>
      tpu.enqueue_dma source(%dma_start3A_65 : memref<64x128xf32, #tpu.memory_space<vmem>>) target(%dma_start3A_62 : memref<64x128xf32, #tpu.memory_space<vmem_shared>>) target_semaphore(%run_scoped3A : memref<!tpu.dma_semaphore, #tpu.memory_space<semaphore_mem>>)
      %dma_wait3A = arith.constant 0 : i32
      %dma_wait3A_66 = arith.constant 0 : i32
      %dma_wait3A_67 = tpu.memref_slice %arg11[%dma_wait3A, %dma_wait3A_66] : memref<64x128xf32, #tpu.memory_space<vmem>> -> memref<64x128xf32, #tpu.memory_space<vmem>>
      %dma_wait3A_68 = arith.constant 0 : i32
      %dma_wait3A_69 = tpu.memref_slice %arg12[%add3A_3, %dma_wait3A_68] : memref<5136x128xf32, #tpu.memory_space<vmem_shared>> -> memref<64x128xf32, #tpu.memory_space<vmem_shared>>
      %dma_wait3A_70 = arith.constant 0 : i32
      %dma_wait3A_71 = tpu.memref_slice %arg12[%add3A_3, %dma_wait3A_70] : memref<5136x128xf32, #tpu.memory_space<vmem_shared>> -> memref<64x128xf32, #tpu.memory_space<vmem_shared>>
      %dma_wait3A_72 = arith.constant 0 : i32
      %dma_wait3A_73 = arith.constant 0 : i32
      %dma_wait3A_74 = tpu.memref_slice %arg11[%dma_wait3A_72, %dma_wait3A_73] : memref<64x128xf32, #tpu.memory_space<vmem>> -> memref<64x128xf32, #tpu.memory_space<vmem>>
      tpu.wait_dma2 semaphore(%run_scoped3A : memref<!tpu.dma_semaphore, #tpu.memory_space<semaphore_mem>>) src(%dma_wait3A_74 : memref<64x128xf32, #tpu.memory_space<vmem>>) dst(%dma_wait3A_71 : memref<64x128xf32, #tpu.memory_space<vmem_shared>>)
      tpu.yield
    }) : () -> ()
    %mul3A_4 = arith.constant 320 : i32
    %mul3A_5 = arith.muli %arg1, %mul3A_4 : i32
    %add3A_6 = arith.constant 64 : i32
    %add3A_7 = arith.addi %mul3A_5, %add3A_6 : i32
    "tpu.region"() ({
      %run_scoped3A = tpu.sem_alloc : memref<!tpu.dma_semaphore, #tpu.memory_space<semaphore_mem>>
      %dma_start3A_56 = arith.constant 0 : i32
      %dma_start3A_57 = arith.constant 0 : i32
      %dma_start3A_58 = tpu.memref_slice %arg11[%dma_start3A_56, %dma_start3A_57] : memref<64x128xf32, #tpu.memory_space<vmem>> -> memref<64x128xf32, #tpu.memory_space<vmem>>
      %dma_start3A_59 = arith.constant 0 : i32
      %dma_start3A_60 = tpu.memref_slice %arg12[%add3A_7, %dma_start3A_59] : memref<5136x128xf32, #tpu.memory_space<vmem_shared>> -> memref<64x128xf32, #tpu.memory_space<vmem_shared>>
      %dma_start3A_61 = arith.constant 0 : i32
      %dma_start3A_62 = tpu.memref_slice %arg12[%add3A_7, %dma_start3A_61] : memref<5136x128xf32, #tpu.memory_space<vmem_shared>> -> memref<64x128xf32, #tpu.memory_space<vmem_shared>>
      %dma_start3A_63 = arith.constant 0 : i32
      %dma_start3A_64 = arith.constant 0 : i32
      %dma_start3A_65 = tpu.memref_slice %arg11[%dma_start3A_63, %dma_start3A_64] : memref<64x128xf32, #tpu.memory_space<vmem>> -> memref<64x128xf32, #tpu.memory_space<vmem>>
      tpu.enqueue_dma source(%dma_start3A_65 : memref<64x128xf32, #tpu.memory_space<vmem>>) target(%dma_start3A_62 : memref<64x128xf32, #tpu.memory_space<vmem_shared>>) target_semaphore(%run_scoped3A : memref<!tpu.dma_semaphore, #tpu.memory_space<semaphore_mem>>)
      %dma_wait3A = arith.constant 0 : i32
      %dma_wait3A_66 = arith.constant 0 : i32
      %dma_wait3A_67 = tpu.memref_slice %arg11[%dma_wait3A, %dma_wait3A_66] : memref<64x128xf32, #tpu.memory_space<vmem>> -> memref<64x128xf32, #tpu.memory_space<vmem>>
      %dma_wait3A_68 = arith.constant 0 : i32
      %dma_wait3A_69 = tpu.memref_slice %arg12[%add3A_7, %dma_wait3A_68] : memref<5136x128xf32, #tpu.memory_space<vmem_shared>> -> memref<64x128xf32, #tpu.memory_space<vmem_shared>>
      %dma_wait3A_70 = arith.constant 0 : i32
      %dma_wait3A_71 = tpu.memref_slice %arg12[%add3A_7, %dma_wait3A_70] : memref<5136x128xf32, #tpu.memory_space<vmem_shared>> -> memref<64x128xf32, #tpu.memory_space<vmem_shared>>
      %dma_wait3A_72 = arith.constant 0 : i32
      %dma_wait3A_73 = arith.constant 0 : i32
      %dma_wait3A_74 = tpu.memref_slice %arg11[%dma_wait3A_72, %dma_wait3A_73] : memref<64x128xf32, #tpu.memory_space<vmem>> -> memref<64x128xf32, #tpu.memory_space<vmem>>
      tpu.wait_dma2 semaphore(%run_scoped3A : memref<!tpu.dma_semaphore, #tpu.memory_space<semaphore_mem>>) src(%dma_wait3A_74 : memref<64x128xf32, #tpu.memory_space<vmem>>) dst(%dma_wait3A_71 : memref<64x128xf32, #tpu.memory_space<vmem_shared>>)
      tpu.yield
    }) : () -> ()
    %mul3A_8 = arith.constant 320 : i32
    %mul3A_9 = arith.muli %arg1, %mul3A_8 : i32
    %add3A_10 = arith.constant 128 : i32
    %add3A_11 = arith.addi %mul3A_9, %add3A_10 : i32
    "tpu.region"() ({
      %run_scoped3A = tpu.sem_alloc : memref<!tpu.dma_semaphore, #tpu.memory_space<semaphore_mem>>
      %dma_start3A_56 = arith.constant 0 : i32
      %dma_start3A_57 = arith.constant 0 : i32
      %dma_start3A_58 = tpu.memref_slice %arg11[%dma_start3A_56, %dma_start3A_57] : memref<64x128xf32, #tpu.memory_space<vmem>> -> memref<64x128xf32, #tpu.memory_space<vmem>>
      %dma_start3A_59 = arith.constant 0 : i32
      %dma_start3A_60 = tpu.memref_slice %arg12[%add3A_11, %dma_start3A_59] : memref<5136x128xf32, #tpu.memory_space<vmem_shared>> -> memref<64x128xf32, #tpu.memory_space<vmem_shared>>
      %dma_start3A_61 = arith.constant 0 : i32
      %dma_start3A_62 = tpu.memref_slice %arg12[%add3A_11, %dma_start3A_61] : memref<5136x128xf32, #tpu.memory_space<vmem_shared>> -> memref<64x128xf32, #tpu.memory_space<vmem_shared>>
      %dma_start3A_63 = arith.constant 0 : i32
      %dma_start3A_64 = arith.constant 0 : i32
      %dma_start3A_65 = tpu.memref_slice %arg11[%dma_start3A_63, %dma_start3A_64] : memref<64x128xf32, #tpu.memory_space<vmem>> -> memref<64x128xf32, #tpu.memory_space<vmem>>
      tpu.enqueue_dma source(%dma_start3A_65 : memref<64x128xf32, #tpu.memory_space<vmem>>) target(%dma_start3A_62 : memref<64x128xf32, #tpu.memory_space<vmem_shared>>) target_semaphore(%run_scoped3A : memref<!tpu.dma_semaphore, #tpu.memory_space<semaphore_mem>>)
      %dma_wait3A = arith.constant 0 : i32
      %dma_wait3A_66 = arith.constant 0 : i32
      %dma_wait3A_67 = tpu.memref_slice %arg11[%dma_wait3A, %dma_wait3A_66] : memref<64x128xf32, #tpu.memory_space<vmem>> -> memref<64x128xf32, #tpu.memory_space<vmem>>
      %dma_wait3A_68 = arith.constant 0 : i32
      %dma_wait3A_69 = tpu.memref_slice %arg12[%add3A_11, %dma_wait3A_68] : memref<5136x128xf32, #tpu.memory_space<vmem_shared>> -> memref<64x128xf32, #tpu.memory_space<vmem_shared>>
      %dma_wait3A_70 = arith.constant 0 : i32
      %dma_wait3A_71 = tpu.memref_slice %arg12[%add3A_11, %dma_wait3A_70] : memref<5136x128xf32, #tpu.memory_space<vmem_shared>> -> memref<64x128xf32, #tpu.memory_space<vmem_shared>>
      %dma_wait3A_72 = arith.constant 0 : i32
      %dma_wait3A_73 = arith.constant 0 : i32
      %dma_wait3A_74 = tpu.memref_slice %arg11[%dma_wait3A_72, %dma_wait3A_73] : memref<64x128xf32, #tpu.memory_space<vmem>> -> memref<64x128xf32, #tpu.memory_space<vmem>>
      tpu.wait_dma2 semaphore(%run_scoped3A : memref<!tpu.dma_semaphore, #tpu.memory_space<semaphore_mem>>) src(%dma_wait3A_74 : memref<64x128xf32, #tpu.memory_space<vmem>>) dst(%dma_wait3A_71 : memref<64x128xf32, #tpu.memory_space<vmem_shared>>)
      tpu.yield
    }) : () -> ()
    %mul3A_12 = arith.constant 320 : i32
    %mul3A_13 = arith.muli %arg1, %mul3A_12 : i32
    %add3A_14 = arith.constant 192 : i32
    %add3A_15 = arith.addi %mul3A_13, %add3A_14 : i32
    "tpu.region"() ({
      %run_scoped3A = tpu.sem_alloc : memref<!tpu.dma_semaphore, #tpu.memory_space<semaphore_mem>>
      %dma_start3A_56 = arith.constant 0 : i32
      %dma_start3A_57 = arith.constant 0 : i32
      %dma_start3A_58 = tpu.memref_slice %arg11[%dma_start3A_56, %dma_start3A_57] : memref<64x128xf32, #tpu.memory_space<vmem>> -> memref<64x128xf32, #tpu.memory_space<vmem>>
      %dma_start3A_59 = arith.constant 0 : i32
      %dma_start3A_60 = tpu.memref_slice %arg12[%add3A_15, %dma_start3A_59] : memref<5136x128xf32, #tpu.memory_space<vmem_shared>> -> memref<64x128xf32, #tpu.memory_space<vmem_shared>>
      %dma_start3A_61 = arith.constant 0 : i32
      %dma_start3A_62 = tpu.memref_slice %arg12[%add3A_15, %dma_start3A_61] : memref<5136x128xf32, #tpu.memory_space<vmem_shared>> -> memref<64x128xf32, #tpu.memory_space<vmem_shared>>
      %dma_start3A_63 = arith.constant 0 : i32
      %dma_start3A_64 = arith.constant 0 : i32
      %dma_start3A_65 = tpu.memref_slice %arg11[%dma_start3A_63, %dma_start3A_64] : memref<64x128xf32, #tpu.memory_space<vmem>> -> memref<64x128xf32, #tpu.memory_space<vmem>>
      tpu.enqueue_dma source(%dma_start3A_65 : memref<64x128xf32, #tpu.memory_space<vmem>>) target(%dma_start3A_62 : memref<64x128xf32, #tpu.memory_space<vmem_shared>>) target_semaphore(%run_scoped3A : memref<!tpu.dma_semaphore, #tpu.memory_space<semaphore_mem>>)
      %dma_wait3A = arith.constant 0 : i32
      %dma_wait3A_66 = arith.constant 0 : i32
      %dma_wait3A_67 = tpu.memref_slice %arg11[%dma_wait3A, %dma_wait3A_66] : memref<64x128xf32, #tpu.memory_space<vmem>> -> memref<64x128xf32, #tpu.memory_space<vmem>>
      %dma_wait3A_68 = arith.constant 0 : i32
      %dma_wait3A_69 = tpu.memref_slice %arg12[%add3A_15, %dma_wait3A_68] : memref<5136x128xf32, #tpu.memory_space<vmem_shared>> -> memref<64x128xf32, #tpu.memory_space<vmem_shared>>
      %dma_wait3A_70 = arith.constant 0 : i32
      %dma_wait3A_71 = tpu.memref_slice %arg12[%add3A_15, %dma_wait3A_70] : memref<5136x128xf32, #tpu.memory_space<vmem_shared>> -> memref<64x128xf32, #tpu.memory_space<vmem_shared>>
      %dma_wait3A_72 = arith.constant 0 : i32
      %dma_wait3A_73 = arith.constant 0 : i32
      %dma_wait3A_74 = tpu.memref_slice %arg11[%dma_wait3A_72, %dma_wait3A_73] : memref<64x128xf32, #tpu.memory_space<vmem>> -> memref<64x128xf32, #tpu.memory_space<vmem>>
      tpu.wait_dma2 semaphore(%run_scoped3A : memref<!tpu.dma_semaphore, #tpu.memory_space<semaphore_mem>>) src(%dma_wait3A_74 : memref<64x128xf32, #tpu.memory_space<vmem>>) dst(%dma_wait3A_71 : memref<64x128xf32, #tpu.memory_space<vmem_shared>>)
      tpu.yield
    }) : () -> ()
    %mul3A_16 = arith.constant 320 : i32
    %mul3A_17 = arith.muli %arg1, %mul3A_16 : i32
    %add3A_18 = arith.constant 256 : i32
    %add3A_19 = arith.addi %mul3A_17, %add3A_18 : i32
    "tpu.region"() ({
      %run_scoped3A = tpu.sem_alloc : memref<!tpu.dma_semaphore, #tpu.memory_space<semaphore_mem>>
      %dma_start3A_56 = arith.constant 0 : i32
      %dma_start3A_57 = arith.constant 0 : i32
      %dma_start3A_58 = tpu.memref_slice %arg11[%dma_start3A_56, %dma_start3A_57] : memref<64x128xf32, #tpu.memory_space<vmem>> -> memref<64x128xf32, #tpu.memory_space<vmem>>
      %dma_start3A_59 = arith.constant 0 : i32
      %dma_start3A_60 = tpu.memref_slice %arg12[%add3A_19, %dma_start3A_59] : memref<5136x128xf32, #tpu.memory_space<vmem_shared>> -> memref<64x128xf32, #tpu.memory_space<vmem_shared>>
      %dma_start3A_61 = arith.constant 0 : i32
      %dma_start3A_62 = tpu.memref_slice %arg12[%add3A_19, %dma_start3A_61] : memref<5136x128xf32, #tpu.memory_space<vmem_shared>> -> memref<64x128xf32, #tpu.memory_space<vmem_shared>>
      %dma_start3A_63 = arith.constant 0 : i32
      %dma_start3A_64 = arith.constant 0 : i32
      %dma_start3A_65 = tpu.memref_slice %arg11[%dma_start3A_63, %dma_start3A_64] : memref<64x128xf32, #tpu.memory_space<vmem>> -> memref<64x128xf32, #tpu.memory_space<vmem>>
      tpu.enqueue_dma source(%dma_start3A_65 : memref<64x128xf32, #tpu.memory_space<vmem>>) target(%dma_start3A_62 : memref<64x128xf32, #tpu.memory_space<vmem_shared>>) target_semaphore(%run_scoped3A : memref<!tpu.dma_semaphore, #tpu.memory_space<semaphore_mem>>)
      %dma_wait3A = arith.constant 0 : i32
      %dma_wait3A_66 = arith.constant 0 : i32
      %dma_wait3A_67 = tpu.memref_slice %arg11[%dma_wait3A, %dma_wait3A_66] : memref<64x128xf32, #tpu.memory_space<vmem>> -> memref<64x128xf32, #tpu.memory_space<vmem>>
      %dma_wait3A_68 = arith.constant 0 : i32
      %dma_wait3A_69 = tpu.memref_slice %arg12[%add3A_19, %dma_wait3A_68] : memref<5136x128xf32, #tpu.memory_space<vmem_shared>> -> memref<64x128xf32, #tpu.memory_space<vmem_shared>>
      %dma_wait3A_70 = arith.constant 0 : i32
      %dma_wait3A_71 = tpu.memref_slice %arg12[%add3A_19, %dma_wait3A_70] : memref<5136x128xf32, #tpu.memory_space<vmem_shared>> -> memref<64x128xf32, #tpu.memory_space<vmem_shared>>
      %dma_wait3A_72 = arith.constant 0 : i32
      %dma_wait3A_73 = arith.constant 0 : i32
      %dma_wait3A_74 = tpu.memref_slice %arg11[%dma_wait3A_72, %dma_wait3A_73] : memref<64x128xf32, #tpu.memory_space<vmem>> -> memref<64x128xf32, #tpu.memory_space<vmem>>
      tpu.wait_dma2 semaphore(%run_scoped3A : memref<!tpu.dma_semaphore, #tpu.memory_space<semaphore_mem>>) src(%dma_wait3A_74 : memref<64x128xf32, #tpu.memory_space<vmem>>) dst(%dma_wait3A_71 : memref<64x128xf32, #tpu.memory_space<vmem_shared>>)
      tpu.yield
    }) : () -> ()
    %eq3A = arith.constant 15 : i32
    %eq3A_20 = arith.cmpi eq, %arg1, %eq3A : i32
    %convert_element_type3A = arith.extui %eq3A_20 : i1 to i32
    %cond3A = arith.constant 0 : i32
    %cond3A_21 = arith.cmpi ne, %convert_element_type3A, %cond3A : i32
    scf.if %cond3A_21 {
      "tpu.region"() ({
        %run_scoped3A = tpu.sem_alloc : memref<!tpu.dma_semaphore, #tpu.memory_space<semaphore_mem>>
        %dma_start3A_56 = arith.constant 0 : i32
        %dma_start3A_57 = arith.constant 0 : i32
        %dma_start3A_58 = tpu.memref_slice %arg11[%dma_start3A_56, %dma_start3A_57] : memref<64x128xf32, #tpu.memory_space<vmem>> -> memref<16x128xf32, #tpu.memory_space<vmem>>
        %dma_start3A_59 = arith.constant 5120 : i32
        %dma_start3A_60 = arith.constant 0 : i32
        %dma_start3A_61 = tpu.memref_slice %arg12[%dma_start3A_59, %dma_start3A_60] : memref<5136x128xf32, #tpu.memory_space<vmem_shared>> -> memref<16x128xf32, #tpu.memory_space<vmem_shared>>
        %dma_start3A_62 = arith.constant 5120 : i32
        %dma_start3A_63 = arith.constant 0 : i32
        %dma_start3A_64 = tpu.memref_slice %arg12[%dma_start3A_62, %dma_start3A_63] : memref<5136x128xf32, #tpu.memory_space<vmem_shared>> -> memref<16x128xf32, #tpu.memory_space<vmem_shared>>
        %dma_start3A_65 = arith.constant 0 : i32
        %dma_start3A_66 = arith.constant 0 : i32
        %dma_start3A_67 = tpu.memref_slice %arg11[%dma_start3A_65, %dma_start3A_66] : memref<64x128xf32, #tpu.memory_space<vmem>> -> memref<16x128xf32, #tpu.memory_space<vmem>>
        tpu.enqueue_dma source(%dma_start3A_67 : memref<16x128xf32, #tpu.memory_space<vmem>>) target(%dma_start3A_64 : memref<16x128xf32, #tpu.memory_space<vmem_shared>>) target_semaphore(%run_scoped3A : memref<!tpu.dma_semaphore, #tpu.memory_space<semaphore_mem>>)
        %dma_wait3A = arith.constant 0 : i32
        %dma_wait3A_68 = arith.constant 0 : i32
        %dma_wait3A_69 = tpu.memref_slice %arg11[%dma_wait3A, %dma_wait3A_68] : memref<64x128xf32, #tpu.memory_space<vmem>> -> memref<16x128xf32, #tpu.memory_space<vmem>>
        %dma_wait3A_70 = arith.constant 5120 : i32
        %dma_wait3A_71 = arith.constant 0 : i32
        %dma_wait3A_72 = tpu.memref_slice %arg12[%dma_wait3A_70, %dma_wait3A_71] : memref<5136x128xf32, #tpu.memory_space<vmem_shared>> -> memref<16x128xf32, #tpu.memory_space<vmem_shared>>
        %dma_wait3A_73 = arith.constant 5120 : i32
        %dma_wait3A_74 = arith.constant 0 : i32
        %dma_wait3A_75 = tpu.memref_slice %arg12[%dma_wait3A_73, %dma_wait3A_74] : memref<5136x128xf32, #tpu.memory_space<vmem_shared>> -> memref<16x128xf32, #tpu.memory_space<vmem_shared>>
        %dma_wait3A_76 = arith.constant 0 : i32
        %dma_wait3A_77 = arith.constant 0 : i32
        %dma_wait3A_78 = tpu.memref_slice %arg11[%dma_wait3A_76, %dma_wait3A_77] : memref<64x128xf32, #tpu.memory_space<vmem>> -> memref<16x128xf32, #tpu.memory_space<vmem>>
        tpu.wait_dma2 semaphore(%run_scoped3A : memref<!tpu.dma_semaphore, #tpu.memory_space<semaphore_mem>>) src(%dma_wait3A_78 : memref<16x128xf32, #tpu.memory_space<vmem>>) dst(%dma_wait3A_75 : memref<16x128xf32, #tpu.memory_space<vmem_shared>>)
        tpu.yield
      }) : () -> ()
    } else {
    }
    %mul3A_22 = arith.constant 160 : i32
    %mul3A_23 = arith.muli %arg1, %mul3A_22 : i32
    "tpu.region"() ({
      %run_scoped3A = tpu.sem_alloc : memref<!tpu.dma_semaphore, #tpu.memory_space<semaphore_mem>>
      %dma_start3A_56 = arith.constant 0 : i32
      %dma_start3A_57 = tpu.memref_slice %arg3[%mul3A_23, %dma_start3A_56] : memref<2560x128xi32, #tpu.memory_space<hbm>> -> memref<160x128xi32, #tpu.memory_space<hbm>>
      %dma_start3A_58 = arith.constant 0 : i32
      %dma_start3A_59 = tpu.memref_slice %arg3[%mul3A_23, %dma_start3A_58] : memref<2560x128xi32, #tpu.memory_space<hbm>> -> memref<160x128xi32, #tpu.memory_space<hbm>>
      tpu.enqueue_dma source(%dma_start3A_59 : memref<160x128xi32, #tpu.memory_space<hbm>>) target(%arg7 : memref<160x128xi32, #tpu.memory_space<vmem>>) target_semaphore(%run_scoped3A : memref<!tpu.dma_semaphore, #tpu.memory_space<semaphore_mem>>)
      %dma_wait3A = arith.constant 0 : i32
      %dma_wait3A_60 = tpu.memref_slice %arg3[%mul3A_23, %dma_wait3A] : memref<2560x128xi32, #tpu.memory_space<hbm>> -> memref<160x128xi32, #tpu.memory_space<hbm>>
      %dma_wait3A_61 = arith.constant 0 : i32
      %dma_wait3A_62 = tpu.memref_slice %arg3[%mul3A_23, %dma_wait3A_61] : memref<2560x128xi32, #tpu.memory_space<hbm>> -> memref<160x128xi32, #tpu.memory_space<hbm>>
      tpu.wait_dma2 semaphore(%run_scoped3A : memref<!tpu.dma_semaphore, #tpu.memory_space<semaphore_mem>>) src(%dma_wait3A_62 : memref<160x128xi32, #tpu.memory_space<hbm>>) dst(%arg7 : memref<160x128xi32, #tpu.memory_space<vmem>>)
      tpu.yield
    }) : () -> ()
    %mul3A_24 = arith.constant 160 : i32
    %mul3A_25 = arith.muli %arg1, %mul3A_24 : i32
    "tpu.region"() ({
      %run_scoped3A = tpu.sem_alloc : memref<!tpu.dma_semaphore, #tpu.memory_space<semaphore_mem>>
      %dma_start3A_56 = arith.constant 0 : i32
      %dma_start3A_57 = tpu.memref_slice %arg4[%mul3A_25, %dma_start3A_56] : memref<2560x128xi32, #tpu.memory_space<hbm>> -> memref<160x128xi32, #tpu.memory_space<hbm>>
      %dma_start3A_58 = arith.constant 0 : i32
      %dma_start3A_59 = tpu.memref_slice %arg4[%mul3A_25, %dma_start3A_58] : memref<2560x128xi32, #tpu.memory_space<hbm>> -> memref<160x128xi32, #tpu.memory_space<hbm>>
      tpu.enqueue_dma source(%dma_start3A_59 : memref<160x128xi32, #tpu.memory_space<hbm>>) target(%arg8 : memref<160x128xi32, #tpu.memory_space<vmem>>) target_semaphore(%run_scoped3A : memref<!tpu.dma_semaphore, #tpu.memory_space<semaphore_mem>>)
      %dma_wait3A = arith.constant 0 : i32
      %dma_wait3A_60 = tpu.memref_slice %arg4[%mul3A_25, %dma_wait3A] : memref<2560x128xi32, #tpu.memory_space<hbm>> -> memref<160x128xi32, #tpu.memory_space<hbm>>
      %dma_wait3A_61 = arith.constant 0 : i32
      %dma_wait3A_62 = tpu.memref_slice %arg4[%mul3A_25, %dma_wait3A_61] : memref<2560x128xi32, #tpu.memory_space<hbm>> -> memref<160x128xi32, #tpu.memory_space<hbm>>
      tpu.wait_dma2 semaphore(%run_scoped3A : memref<!tpu.dma_semaphore, #tpu.memory_space<semaphore_mem>>) src(%dma_wait3A_62 : memref<160x128xi32, #tpu.memory_space<hbm>>) dst(%arg8 : memref<160x128xi32, #tpu.memory_space<vmem>>)
      tpu.yield
    }) : () -> ()
    %scan3A = arith.constant 0 : i32
    %scan3A_26 = arith.constant 0 : i32
    %scan3A_27 = arith.constant 160 : i32
    %scan3A_28 = arith.addi %scan3A_26, %scan3A_27 : i32
    %scan3A_29 = arith.constant 1 : i32
    scf.for %scan3A_56 = %scan3A_26 to %scan3A_28 step %scan3A_29  : i32 {
      %get3A = arith.index_cast %scan3A_56 : i32 to index
      %get3A_57 = arith.constant 0 : index
      %get3A_58 = tpu.vector_load %arg8[%get3A, %get3A_57] {strides = array<i32>} : memref<160x128xi32, #tpu.memory_space<vmem>>, vector<1x16xi32>,
      %get3A_59 = vector.shape_cast %get3A_58 : vector<1x16xi32> to vector<16xi32>
      %sub3A = vector.broadcast %mul3A_0 : i32 to vector<16xi32>
      %sub3A_60 = arith.subi %get3A_59, %sub3A : vector<16xi32>
      %ge3A = vector.broadcast %mul3A_0 : i32 to vector<16xi32>
      %ge3A_61 = arith.cmpi sge, %get3A_59, %ge3A : vector<16xi32>
      %lt3A = arith.constant 5120 : i32
      %lt3A_62 = vector.broadcast %lt3A : i32 to vector<16xi32>
      %lt3A_63 = arith.cmpi slt, %sub3A_60, %lt3A_62 : vector<16xi32>
      %and3A = arith.andi %ge3A_61, %lt3A_63 : vector<16xi1>
      %add3A_64 = arith.constant 5120 : i32
      %add3A_65 = arith.addi %add3A_64, %arg1 : i32
      %broadcast_in_dim3A = vector.broadcast %add3A_65 : i32 to vector<16xi32>
      %select_n3A = arith.select %and3A, %sub3A_60, %broadcast_in_dim3A : vector<16xi1>, vector<16xi32>
      %swap3A = arith.index_cast %scan3A_56 : i32 to index
      %swap3A_66 = arith.constant 0 : index
      %swap3A_67 = tpu.vector_load %arg8[%swap3A, %swap3A_66] {strides = array<i32>} : memref<160x128xi32, #tpu.memory_space<vmem>>, vector<1x16xi32>,
      %swap3A_68 = vector.shape_cast %swap3A_67 : vector<1x16xi32> to vector<16xi32>
      %swap3A_69 = vector.shape_cast %select_n3A : vector<16xi32> to vector<1x16xi32>
      tpu.vector_store %arg8[%swap3A, %swap3A_66], %swap3A_69 {strides = array<i32>} : memref<160x128xi32, #tpu.memory_space<vmem>>, vector<1x16xi32>,
      %get3A_70 = arith.index_cast %scan3A_56 : i32 to index
      %get3A_71 = arith.constant 16 : index
      %get3A_72 = tpu.vector_load %arg8[%get3A_70, %get3A_71] {strides = array<i32>} : memref<160x128xi32, #tpu.memory_space<vmem>>, vector<1x16xi32>,
      %get3A_73 = vector.shape_cast %get3A_72 : vector<1x16xi32> to vector<16xi32>
      %sub3A_74 = vector.broadcast %mul3A_0 : i32 to vector<16xi32>
      %sub3A_75 = arith.subi %get3A_73, %sub3A_74 : vector<16xi32>
      %ge3A_76 = vector.broadcast %mul3A_0 : i32 to vector<16xi32>
      %ge3A_77 = arith.cmpi sge, %get3A_73, %ge3A_76 : vector<16xi32>
      %lt3A_78 = arith.constant 5120 : i32
      %lt3A_79 = vector.broadcast %lt3A_78 : i32 to vector<16xi32>
      %lt3A_80 = arith.cmpi slt, %sub3A_75, %lt3A_79 : vector<16xi32>
      %and3A_81 = arith.andi %ge3A_77, %lt3A_80 : vector<16xi1>
      %add3A_82 = arith.constant 5120 : i32
      %add3A_83 = arith.addi %add3A_82, %arg1 : i32
      %broadcast_in_dim3A_84 = vector.broadcast %add3A_83 : i32 to vector<16xi32>
      %select_n3A_85 = arith.select %and3A_81, %sub3A_75, %broadcast_in_dim3A_84 : vector<16xi1>, vector<16xi32>
      %swap3A_86 = arith.index_cast %scan3A_56 : i32 to index
      %swap3A_87 = arith.constant 16 : index
      %swap3A_88 = tpu.vector_load %arg8[%swap3A_86, %swap3A_87] {strides = array<i32>} : memref<160x128xi32, #tpu.memory_space<vmem>>, vector<1x16xi32>,
      %swap3A_89 = vector.shape_cast %swap3A_88 : vector<1x16xi32> to vector<16xi32>
      %swap3A_90 = vector.shape_cast %select_n3A_85 : vector<16xi32> to vector<1x16xi32>
      tpu.vector_store %arg8[%swap3A_86, %swap3A_87], %swap3A_90 {strides = array<i32>} : memref<160x128xi32, #tpu.memory_space<vmem>>, vector<1x16xi32>,
      %get3A_91 = arith.index_cast %scan3A_56 : i32 to index
      %get3A_92 = arith.constant 32 : index
      %get3A_93 = tpu.vector_load %arg8[%get3A_91, %get3A_92] {strides = array<i32>} : memref<160x128xi32, #tpu.memory_space<vmem>>, vector<1x16xi32>,
      %get3A_94 = vector.shape_cast %get3A_93 : vector<1x16xi32> to vector<16xi32>
      %sub3A_95 = vector.broadcast %mul3A_0 : i32 to vector<16xi32>
      %sub3A_96 = arith.subi %get3A_94, %sub3A_95 : vector<16xi32>
      %ge3A_97 = vector.broadcast %mul3A_0 : i32 to vector<16xi32>
      %ge3A_98 = arith.cmpi sge, %get3A_94, %ge3A_97 : vector<16xi32>
      %lt3A_99 = arith.constant 5120 : i32
      %lt3A_100 = vector.broadcast %lt3A_99 : i32 to vector<16xi32>
      %lt3A_101 = arith.cmpi slt, %sub3A_96, %lt3A_100 : vector<16xi32>
      %and3A_102 = arith.andi %ge3A_98, %lt3A_101 : vector<16xi1>
      %add3A_103 = arith.constant 5120 : i32
      %add3A_104 = arith.addi %add3A_103, %arg1 : i32
      %broadcast_in_dim3A_105 = vector.broadcast %add3A_104 : i32 to vector<16xi32>
      %select_n3A_106 = arith.select %and3A_102, %sub3A_96, %broadcast_in_dim3A_105 : vector<16xi1>, vector<16xi32>
      %swap3A_107 = arith.index_cast %scan3A_56 : i32 to index
      %swap3A_108 = arith.constant 32 : index
      %swap3A_109 = tpu.vector_load %arg8[%swap3A_107, %swap3A_108] {strides = array<i32>} : memref<160x128xi32, #tpu.memory_space<vmem>>, vector<1x16xi32>,
      %swap3A_110 = vector.shape_cast %swap3A_109 : vector<1x16xi32> to vector<16xi32>
      %swap3A_111 = vector.shape_cast %select_n3A_106 : vector<16xi32> to vector<1x16xi32>
      tpu.vector_store %arg8[%swap3A_107, %swap3A_108], %swap3A_111 {strides = array<i32>} : memref<160x128xi32, #tpu.memory_space<vmem>>, vector<1x16xi32>,
      %get3A_112 = arith.index_cast %scan3A_56 : i32 to index
      %get3A_113 = arith.constant 48 : index
      %get3A_114 = tpu.vector_load %arg8[%get3A_112, %get3A_113] {strides = array<i32>} : memref<160x128xi32, #tpu.memory_space<vmem>>, vector<1x16xi32>,
      %get3A_115 = vector.shape_cast %get3A_114 : vector<1x16xi32> to vector<16xi32>
      %sub3A_116 = vector.broadcast %mul3A_0 : i32 to vector<16xi32>
      %sub3A_117 = arith.subi %get3A_115, %sub3A_116 : vector<16xi32>
      %ge3A_118 = vector.broadcast %mul3A_0 : i32 to vector<16xi32>
      %ge3A_119 = arith.cmpi sge, %get3A_115, %ge3A_118 : vector<16xi32>
      %lt3A_120 = arith.constant 5120 : i32
      %lt3A_121 = vector.broadcast %lt3A_120 : i32 to vector<16xi32>
      %lt3A_122 = arith.cmpi slt, %sub3A_117, %lt3A_121 : vector<16xi32>
      %and3A_123 = arith.andi %ge3A_119, %lt3A_122 : vector<16xi1>
      %add3A_124 = arith.constant 5120 : i32
      %add3A_125 = arith.addi %add3A_124, %arg1 : i32
      %broadcast_in_dim3A_126 = vector.broadcast %add3A_125 : i32 to vector<16xi32>
      %select_n3A_127 = arith.select %and3A_123, %sub3A_117, %broadcast_in_dim3A_126 : vector<16xi1>, vector<16xi32>
      %swap3A_128 = arith.index_cast %scan3A_56 : i32 to index
      %swap3A_129 = arith.constant 48 : index
      %swap3A_130 = tpu.vector_load %arg8[%swap3A_128, %swap3A_129] {strides = array<i32>} : memref<160x128xi32, #tpu.memory_space<vmem>>, vector<1x16xi32>,
      %swap3A_131 = vector.shape_cast %swap3A_130 : vector<1x16xi32> to vector<16xi32>
      %swap3A_132 = vector.shape_cast %select_n3A_127 : vector<16xi32> to vector<1x16xi32>
      tpu.vector_store %arg8[%swap3A_128, %swap3A_129], %swap3A_132 {strides = array<i32>} : memref<160x128xi32, #tpu.memory_space<vmem>>, vector<1x16xi32>,
      %get3A_133 = arith.index_cast %scan3A_56 : i32 to index
      %get3A_134 = arith.constant 64 : index
      %get3A_135 = tpu.vector_load %arg8[%get3A_133, %get3A_134] {strides = array<i32>} : memref<160x128xi32, #tpu.memory_space<vmem>>, vector<1x16xi32>,
      %get3A_136 = vector.shape_cast %get3A_135 : vector<1x16xi32> to vector<16xi32>
      %sub3A_137 = vector.broadcast %mul3A_0 : i32 to vector<16xi32>
      %sub3A_138 = arith.subi %get3A_136, %sub3A_137 : vector<16xi32>
      %ge3A_139 = vector.broadcast %mul3A_0 : i32 to vector<16xi32>
      %ge3A_140 = arith.cmpi sge, %get3A_136, %ge3A_139 : vector<16xi32>
      %lt3A_141 = arith.constant 5120 : i32
      %lt3A_142 = vector.broadcast %lt3A_141 : i32 to vector<16xi32>
      %lt3A_143 = arith.cmpi slt, %sub3A_138, %lt3A_142 : vector<16xi32>
      %and3A_144 = arith.andi %ge3A_140, %lt3A_143 : vector<16xi1>
      %add3A_145 = arith.constant 5120 : i32
      %add3A_146 = arith.addi %add3A_145, %arg1 : i32
      %broadcast_in_dim3A_147 = vector.broadcast %add3A_146 : i32 to vector<16xi32>
      %select_n3A_148 = arith.select %and3A_144, %sub3A_138, %broadcast_in_dim3A_147 : vector<16xi1>, vector<16xi32>
      %swap3A_149 = arith.index_cast %scan3A_56 : i32 to index
      %swap3A_150 = arith.constant 64 : index
      %swap3A_151 = tpu.vector_load %arg8[%swap3A_149, %swap3A_150] {strides = array<i32>} : memref<160x128xi32, #tpu.memory_space<vmem>>, vector<1x16xi32>,
      %swap3A_152 = vector.shape_cast %swap3A_151 : vector<1x16xi32> to vector<16xi32>
      %swap3A_153 = vector.shape_cast %select_n3A_148 : vector<16xi32> to vector<1x16xi32>
      tpu.vector_store %arg8[%swap3A_149, %swap3A_150], %swap3A_153 {strides = array<i32>} : memref<160x128xi32, #tpu.memory_space<vmem>>, vector<1x16xi32>,
      %get3A_154 = arith.index_cast %scan3A_56 : i32 to index
      %get3A_155 = arith.constant 80 : index
      %get3A_156 = tpu.vector_load %arg8[%get3A_154, %get3A_155] {strides = array<i32>} : memref<160x128xi32, #tpu.memory_space<vmem>>, vector<1x16xi32>,
      %get3A_157 = vector.shape_cast %get3A_156 : vector<1x16xi32> to vector<16xi32>
      %sub3A_158 = vector.broadcast %mul3A_0 : i32 to vector<16xi32>
      %sub3A_159 = arith.subi %get3A_157, %sub3A_158 : vector<16xi32>
      %ge3A_160 = vector.broadcast %mul3A_0 : i32 to vector<16xi32>
      %ge3A_161 = arith.cmpi sge, %get3A_157, %ge3A_160 : vector<16xi32>
      %lt3A_162 = arith.constant 5120 : i32
      %lt3A_163 = vector.broadcast %lt3A_162 : i32 to vector<16xi32>
      %lt3A_164 = arith.cmpi slt, %sub3A_159, %lt3A_163 : vector<16xi32>
      %and3A_165 = arith.andi %ge3A_161, %lt3A_164 : vector<16xi1>
      %add3A_166 = arith.constant 5120 : i32
      %add3A_167 = arith.addi %add3A_166, %arg1 : i32
      %broadcast_in_dim3A_168 = vector.broadcast %add3A_167 : i32 to vector<16xi32>
      %select_n3A_169 = arith.select %and3A_165, %sub3A_159, %broadcast_in_dim3A_168 : vector<16xi1>, vector<16xi32>
      %swap3A_170 = arith.index_cast %scan3A_56 : i32 to index
      %swap3A_171 = arith.constant 80 : index
      %swap3A_172 = tpu.vector_load %arg8[%swap3A_170, %swap3A_171] {strides = array<i32>} : memref<160x128xi32, #tpu.memory_space<vmem>>, vector<1x16xi32>,
      %swap3A_173 = vector.shape_cast %swap3A_172 : vector<1x16xi32> to vector<16xi32>
      %swap3A_174 = vector.shape_cast %select_n3A_169 : vector<16xi32> to vector<1x16xi32>
      tpu.vector_store %arg8[%swap3A_170, %swap3A_171], %swap3A_174 {strides = array<i32>} : memref<160x128xi32, #tpu.memory_space<vmem>>, vector<1x16xi32>,
      %get3A_175 = arith.index_cast %scan3A_56 : i32 to index
      %get3A_176 = arith.constant 96 : index
      %get3A_177 = tpu.vector_load %arg8[%get3A_175, %get3A_176] {strides = array<i32>} : memref<160x128xi32, #tpu.memory_space<vmem>>, vector<1x16xi32>,
      %get3A_178 = vector.shape_cast %get3A_177 : vector<1x16xi32> to vector<16xi32>
      %sub3A_179 = vector.broadcast %mul3A_0 : i32 to vector<16xi32>
      %sub3A_180 = arith.subi %get3A_178, %sub3A_179 : vector<16xi32>
      %ge3A_181 = vector.broadcast %mul3A_0 : i32 to vector<16xi32>
      %ge3A_182 = arith.cmpi sge, %get3A_178, %ge3A_181 : vector<16xi32>
      %lt3A_183 = arith.constant 5120 : i32
      %lt3A_184 = vector.broadcast %lt3A_183 : i32 to vector<16xi32>
      %lt3A_185 = arith.cmpi slt, %sub3A_180, %lt3A_184 : vector<16xi32>
      %and3A_186 = arith.andi %ge3A_182, %lt3A_185 : vector<16xi1>
      %add3A_187 = arith.constant 5120 : i32
      %add3A_188 = arith.addi %add3A_187, %arg1 : i32
      %broadcast_in_dim3A_189 = vector.broadcast %add3A_188 : i32 to vector<16xi32>
      %select_n3A_190 = arith.select %and3A_186, %sub3A_180, %broadcast_in_dim3A_189 : vector<16xi1>, vector<16xi32>
      %swap3A_191 = arith.index_cast %scan3A_56 : i32 to index
      %swap3A_192 = arith.constant 96 : index
      %swap3A_193 = tpu.vector_load %arg8[%swap3A_191, %swap3A_192] {strides = array<i32>} : memref<160x128xi32, #tpu.memory_space<vmem>>, vector<1x16xi32>,
      %swap3A_194 = vector.shape_cast %swap3A_193 : vector<1x16xi32> to vector<16xi32>
      %swap3A_195 = vector.shape_cast %select_n3A_190 : vector<16xi32> to vector<1x16xi32>
      tpu.vector_store %arg8[%swap3A_191, %swap3A_192], %swap3A_195 {strides = array<i32>} : memref<160x128xi32, #tpu.memory_space<vmem>>, vector<1x16xi32>,
      %get3A_196 = arith.index_cast %scan3A_56 : i32 to index
      %get3A_197 = arith.constant 112 : index
      %get3A_198 = tpu.vector_load %arg8[%get3A_196, %get3A_197] {strides = array<i32>} : memref<160x128xi32, #tpu.memory_space<vmem>>, vector<1x16xi32>,
      %get3A_199 = vector.shape_cast %get3A_198 : vector<1x16xi32> to vector<16xi32>
      %sub3A_200 = vector.broadcast %mul3A_0 : i32 to vector<16xi32>
      %sub3A_201 = arith.subi %get3A_199, %sub3A_200 : vector<16xi32>
      %ge3A_202 = vector.broadcast %mul3A_0 : i32 to vector<16xi32>
      %ge3A_203 = arith.cmpi sge, %get3A_199, %ge3A_202 : vector<16xi32>
      %lt3A_204 = arith.constant 5120 : i32
      %lt3A_205 = vector.broadcast %lt3A_204 : i32 to vector<16xi32>
      %lt3A_206 = arith.cmpi slt, %sub3A_201, %lt3A_205 : vector<16xi32>
      %and3A_207 = arith.andi %ge3A_203, %lt3A_206 : vector<16xi1>
      %add3A_208 = arith.constant 5120 : i32
      %add3A_209 = arith.addi %add3A_208, %arg1 : i32
      %broadcast_in_dim3A_210 = vector.broadcast %add3A_209 : i32 to vector<16xi32>
      %select_n3A_211 = arith.select %and3A_207, %sub3A_201, %broadcast_in_dim3A_210 : vector<16xi1>, vector<16xi32>
      %swap3A_212 = arith.index_cast %scan3A_56 : i32 to index
      %swap3A_213 = arith.constant 112 : index
      %swap3A_214 = tpu.vector_load %arg8[%swap3A_212, %swap3A_213] {strides = array<i32>} : memref<160x128xi32, #tpu.memory_space<vmem>>, vector<1x16xi32>,
      %swap3A_215 = vector.shape_cast %swap3A_214 : vector<1x16xi32> to vector<16xi32>
      %swap3A_216 = vector.shape_cast %select_n3A_211 : vector<16xi32> to vector<1x16xi32>
      tpu.vector_store %arg8[%swap3A_212, %swap3A_213], %swap3A_216 {strides = array<i32>} : memref<160x128xi32, #tpu.memory_space<vmem>>, vector<1x16xi32>,
    }
    %scan3A_30 = arith.constant 160 : i32
    %barrier3A = arith.constant 0 : index
    tpu.barrier barrier_id(%barrier3A)
    %dma_start3A = arith.constant 0 : i32
    %dma_start3A_31 = arith.constant 0 : i32
    %dma_start3A_32 = tpu.memref_slice %arg7[%dma_start3A, %dma_start3A_31] : memref<160x128xi32, #tpu.memory_space<vmem>> -> memref<1x128xi32, #tpu.memory_space<vmem>>
    %dma_start3A_33 = tpu.memref_squeeze %dma_start3A_32 : memref<1x128xi32, #tpu.memory_space<vmem>> -> memref<128xi32, #tpu.memory_space<vmem>>
    %dma_start3A_34 = arith.constant 0 : i32
    %dma_start3A_35 = arith.constant 0 : i32
    %dma_start3A_36 = tpu.memref_slice %arg2[%dma_start3A_34, %dma_start3A_35] : memref<10240x128xf32, #tpu.memory_space<hbm>> -> memref<10240x128xf32, #tpu.memory_space<hbm>>
    tpu.enqueue_indirect_dma source(%dma_start3A_36 : memref<10240x128xf32, #tpu.memory_space<hbm>>) target(%arg9 : memref<128x128xf32, #tpu.memory_space<vmem>>) offsets(%dma_start3A_33 : memref<128xi32, #tpu.memory_space<vmem>>) semaphore(%arg13 : memref<!tpu.dma_semaphore, #tpu.memory_space<semaphore_mem>>)
    %dma_start3A_37 = arith.constant 1 : i32
    %dma_start3A_38 = arith.constant 0 : i32
    %dma_start3A_39 = tpu.memref_slice %arg7[%dma_start3A_37, %dma_start3A_38] : memref<160x128xi32, #tpu.memory_space<vmem>> -> memref<1x128xi32, #tpu.memory_space<vmem>>
    %dma_start3A_40 = tpu.memref_squeeze %dma_start3A_39 : memref<1x128xi32, #tpu.memory_space<vmem>> -> memref<128xi32, #tpu.memory_space<vmem>>
    %dma_start3A_41 = arith.constant 0 : i32
    %dma_start3A_42 = arith.constant 0 : i32
    %dma_start3A_43 = tpu.memref_slice %arg2[%dma_start3A_41, %dma_start3A_42] : memref<10240x128xf32, #tpu.memory_space<hbm>> -> memref<10240x128xf32, #tpu.memory_space<hbm>>
    tpu.enqueue_indirect_dma source(%dma_start3A_43 : memref<10240x128xf32, #tpu.memory_space<hbm>>) target(%arg10 : memref<128x128xf32, #tpu.memory_space<vmem>>) offsets(%dma_start3A_40 : memref<128xi32, #tpu.memory_space<vmem>>) semaphore(%arg14 : memref<!tpu.dma_semaphore, #tpu.memory_space<semaphore_mem>>)
    %scan3A_44 = arith.constant 0 : i32
    %scan3A_45 = arith.constant 0 : i32
    %scan3A_46 = arith.constant 80 : i32
    %scan3A_47 = arith.addi %scan3A_45, %scan3A_46 : i32
    %scan3A_48 = arith.constant 1 : i32
    scf.for %scan3A_56 = %scan3A_45 to %scan3A_47 step %scan3A_48  : i32 {
      %mul3A_57 = arith.constant 2 : i32
      %mul3A_58 = arith.muli %scan3A_56, %mul3A_57 : i32
      %dma_wait3A = arith.constant 0 : i32
      %dma_wait3A_59 = arith.constant 0 : i32
      %dma_wait3A_60 = tpu.memref_slice %arg7[%dma_wait3A, %dma_wait3A_59] : memref<160x128xi32, #tpu.memory_space<vmem>> -> memref<1x128xi32, #tpu.memory_space<vmem>>
      %dma_wait3A_61 = tpu.memref_squeeze %dma_wait3A_60 : memref<1x128xi32, #tpu.memory_space<vmem>> -> memref<128xi32, #tpu.memory_space<vmem>>
      %dma_wait3A_62 = arith.constant 0 : i32
      %dma_wait3A_63 = arith.constant 0 : i32
      %dma_wait3A_64 = tpu.memref_slice %arg2[%dma_wait3A_62, %dma_wait3A_63] : memref<10240x128xf32, #tpu.memory_space<hbm>> -> memref<10240x128xf32, #tpu.memory_space<hbm>>
      tpu.wait_indirect_dma semaphore(%arg13 : memref<!tpu.dma_semaphore, #tpu.memory_space<semaphore_mem>>) src(%dma_wait3A_64 : memref<10240x128xf32, #tpu.memory_space<hbm>>) dst(%arg9 : memref<128x128xf32, #tpu.memory_space<vmem>>)
      "tpu.region"() ({
        %run_scoped3A = tpu.sem_alloc : memref<!tpu.dma_semaphore, #tpu.memory_space<semaphore_mem>>
        %dma_start3A_87 = arith.constant 0 : i32
        %dma_start3A_88 = tpu.memref_slice %arg8[%mul3A_58, %dma_start3A_87] : memref<160x128xi32, #tpu.memory_space<vmem>> -> memref<1x128xi32, #tpu.memory_space<vmem>>
        %dma_start3A_89 = tpu.memref_squeeze %dma_start3A_88 : memref<1x128xi32, #tpu.memory_space<vmem>> -> memref<128xi32, #tpu.memory_space<vmem>>
        %dma_start3A_90 = arith.constant 0 : i32
        %dma_start3A_91 = arith.constant 0 : i32
        %dma_start3A_92 = tpu.memref_slice %arg12[%dma_start3A_90, %dma_start3A_91] : memref<5136x128xf32, #tpu.memory_space<vmem_shared>> -> memref<5136x128xf32, #tpu.memory_space<vmem_shared>>
        tpu.enqueue_indirect_dma source(%arg9 : memref<128x128xf32, #tpu.memory_space<vmem>>) target(%dma_start3A_92 : memref<5136x128xf32, #tpu.memory_space<vmem_shared>>) offsets(%dma_start3A_89 : memref<128xi32, #tpu.memory_space<vmem>>) semaphore(%run_scoped3A : memref<!tpu.dma_semaphore, #tpu.memory_space<semaphore_mem>>) {add = true}
        %dma_wait3A_93 = arith.constant 0 : i32
        %dma_wait3A_94 = tpu.memref_slice %arg8[%mul3A_58, %dma_wait3A_93] : memref<160x128xi32, #tpu.memory_space<vmem>> -> memref<1x128xi32, #tpu.memory_space<vmem>>
        %dma_wait3A_95 = tpu.memref_squeeze %dma_wait3A_94 : memref<1x128xi32, #tpu.memory_space<vmem>> -> memref<128xi32, #tpu.memory_space<vmem>>
        %dma_wait3A_96 = arith.constant 0 : i32
        %dma_wait3A_97 = arith.constant 0 : i32
        %dma_wait3A_98 = tpu.memref_slice %arg12[%dma_wait3A_96, %dma_wait3A_97] : memref<5136x128xf32, #tpu.memory_space<vmem_shared>> -> memref<5136x128xf32, #tpu.memory_space<vmem_shared>>
        tpu.wait_indirect_dma semaphore(%run_scoped3A : memref<!tpu.dma_semaphore, #tpu.memory_space<semaphore_mem>>) src(%arg9 : memref<128x128xf32, #tpu.memory_space<vmem>>) dst(%dma_wait3A_98 : memref<5136x128xf32, #tpu.memory_space<vmem_shared>>)
        tpu.yield
      }) : () -> ()
      %add3A_65 = arith.constant 2 : i32
      %add3A_66 = arith.addi %mul3A_58, %add3A_65 : i32
      %lt3A = arith.constant 160 : i32
      %lt3A_67 = arith.cmpi slt, %add3A_66, %lt3A : i32
      %convert_element_type3A_68 = arith.extui %lt3A_67 : i1 to i32
      %cond3A_69 = arith.constant 0 : i32
      %cond3A_70 = arith.cmpi ne, %convert_element_type3A_68, %cond3A_69 : i32
      scf.if %cond3A_70 {
        %add3A_87 = arith.constant 2 : i32
        %add3A_88 = arith.addi %mul3A_58, %add3A_87 : i32
        %dma_start3A_89 = arith.constant 0 : i32
        %dma_start3A_90 = tpu.memref_slice %arg7[%add3A_88, %dma_start3A_89] : memref<160x128xi32, #tpu.memory_space<vmem>> -> memref<1x128xi32, #tpu.memory_space<vmem>>
        %dma_start3A_91 = tpu.memref_squeeze %dma_start3A_90 : memref<1x128xi32, #tpu.memory_space<vmem>> -> memref<128xi32, #tpu.memory_space<vmem>>
        %dma_start3A_92 = arith.constant 0 : i32
        %dma_start3A_93 = arith.constant 0 : i32
        %dma_start3A_94 = tpu.memref_slice %arg2[%dma_start3A_92, %dma_start3A_93] : memref<10240x128xf32, #tpu.memory_space<hbm>> -> memref<10240x128xf32, #tpu.memory_space<hbm>>
        tpu.enqueue_indirect_dma source(%dma_start3A_94 : memref<10240x128xf32, #tpu.memory_space<hbm>>) target(%arg9 : memref<128x128xf32, #tpu.memory_space<vmem>>) offsets(%dma_start3A_91 : memref<128xi32, #tpu.memory_space<vmem>>) semaphore(%arg13 : memref<!tpu.dma_semaphore, #tpu.memory_space<semaphore_mem>>)
      } else {
      }
      %dma_wait3A_71 = arith.constant 1 : i32
      %dma_wait3A_72 = arith.constant 0 : i32
      %dma_wait3A_73 = tpu.memref_slice %arg7[%dma_wait3A_71, %dma_wait3A_72] : memref<160x128xi32, #tpu.memory_space<vmem>> -> memref<1x128xi32, #tpu.memory_space<vmem>>
      %dma_wait3A_74 = tpu.memref_squeeze %dma_wait3A_73 : memref<1x128xi32, #tpu.memory_space<vmem>> -> memref<128xi32, #tpu.memory_space<vmem>>
      %dma_wait3A_75 = arith.constant 0 : i32
      %dma_wait3A_76 = arith.constant 0 : i32
      %dma_wait3A_77 = tpu.memref_slice %arg2[%dma_wait3A_75, %dma_wait3A_76] : memref<10240x128xf32, #tpu.memory_space<hbm>> -> memref<10240x128xf32, #tpu.memory_space<hbm>>
      tpu.wait_indirect_dma semaphore(%arg14 : memref<!tpu.dma_semaphore, #tpu.memory_space<semaphore_mem>>) src(%dma_wait3A_77 : memref<10240x128xf32, #tpu.memory_space<hbm>>) dst(%arg10 : memref<128x128xf32, #tpu.memory_space<vmem>>)
      %add3A_78 = arith.constant 1 : i32
      %add3A_79 = arith.addi %mul3A_58, %add3A_78 : i32
      "tpu.region"() ({
        %run_scoped3A = tpu.sem_alloc : memref<!tpu.dma_semaphore, #tpu.memory_space<semaphore_mem>>
        %dma_start3A_87 = arith.constant 0 : i32
        %dma_start3A_88 = tpu.memref_slice %arg8[%add3A_79, %dma_start3A_87] : memref<160x128xi32, #tpu.memory_space<vmem>> -> memref<1x128xi32, #tpu.memory_space<vmem>>
        %dma_start3A_89 = tpu.memref_squeeze %dma_start3A_88 : memref<1x128xi32, #tpu.memory_space<vmem>> -> memref<128xi32, #tpu.memory_space<vmem>>
        %dma_start3A_90 = arith.constant 0 : i32
        %dma_start3A_91 = arith.constant 0 : i32
        %dma_start3A_92 = tpu.memref_slice %arg12[%dma_start3A_90, %dma_start3A_91] : memref<5136x128xf32, #tpu.memory_space<vmem_shared>> -> memref<5136x128xf32, #tpu.memory_space<vmem_shared>>
        tpu.enqueue_indirect_dma source(%arg10 : memref<128x128xf32, #tpu.memory_space<vmem>>) target(%dma_start3A_92 : memref<5136x128xf32, #tpu.memory_space<vmem_shared>>) offsets(%dma_start3A_89 : memref<128xi32, #tpu.memory_space<vmem>>) semaphore(%run_scoped3A : memref<!tpu.dma_semaphore, #tpu.memory_space<semaphore_mem>>) {add = true}
        %dma_wait3A_93 = arith.constant 0 : i32
        %dma_wait3A_94 = tpu.memref_slice %arg8[%add3A_79, %dma_wait3A_93] : memref<160x128xi32, #tpu.memory_space<vmem>> -> memref<1x128xi32, #tpu.memory_space<vmem>>
        %dma_wait3A_95 = tpu.memref_squeeze %dma_wait3A_94 : memref<1x128xi32, #tpu.memory_space<vmem>> -> memref<128xi32, #tpu.memory_space<vmem>>
        %dma_wait3A_96 = arith.constant 0 : i32
        %dma_wait3A_97 = arith.constant 0 : i32
        %dma_wait3A_98 = tpu.memref_slice %arg12[%dma_wait3A_96, %dma_wait3A_97] : memref<5136x128xf32, #tpu.memory_space<vmem_shared>> -> memref<5136x128xf32, #tpu.memory_space<vmem_shared>>
        tpu.wait_indirect_dma semaphore(%run_scoped3A : memref<!tpu.dma_semaphore, #tpu.memory_space<semaphore_mem>>) src(%arg10 : memref<128x128xf32, #tpu.memory_space<vmem>>) dst(%dma_wait3A_98 : memref<5136x128xf32, #tpu.memory_space<vmem_shared>>)
        tpu.yield
      }) : () -> ()
      %add3A_80 = arith.constant 3 : i32
      %add3A_81 = arith.addi %mul3A_58, %add3A_80 : i32
      %lt3A_82 = arith.constant 160 : i32
      %lt3A_83 = arith.cmpi slt, %add3A_81, %lt3A_82 : i32
      %convert_element_type3A_84 = arith.extui %lt3A_83 : i1 to i32
      %cond3A_85 = arith.constant 0 : i32
      %cond3A_86 = arith.cmpi ne, %convert_element_type3A_84, %cond3A_85 : i32
      scf.if %cond3A_86 {
        %add3A_87 = arith.constant 3 : i32
        %add3A_88 = arith.addi %mul3A_58, %add3A_87 : i32
        %dma_start3A_89 = arith.constant 0 : i32
        %dma_start3A_90 = tpu.memref_slice %arg7[%add3A_88, %dma_start3A_89] : memref<160x128xi32, #tpu.memory_space<vmem>> -> memref<1x128xi32, #tpu.memory_space<vmem>>
        %dma_start3A_91 = tpu.memref_squeeze %dma_start3A_90 : memref<1x128xi32, #tpu.memory_space<vmem>> -> memref<128xi32, #tpu.memory_space<vmem>>
        %dma_start3A_92 = arith.constant 0 : i32
        %dma_start3A_93 = arith.constant 0 : i32
        %dma_start3A_94 = tpu.memref_slice %arg2[%dma_start3A_92, %dma_start3A_93] : memref<10240x128xf32, #tpu.memory_space<hbm>> -> memref<10240x128xf32, #tpu.memory_space<hbm>>
        tpu.enqueue_indirect_dma source(%dma_start3A_94 : memref<10240x128xf32, #tpu.memory_space<hbm>>) target(%arg10 : memref<128x128xf32, #tpu.memory_space<vmem>>) offsets(%dma_start3A_91 : memref<128xi32, #tpu.memory_space<vmem>>) semaphore(%arg14 : memref<!tpu.dma_semaphore, #tpu.memory_space<semaphore_mem>>)
      } else {
      }
    }
    %scan3A_49 = arith.constant 80 : i32
    %barrier3A_50 = arith.constant 0 : index
    tpu.barrier barrier_id(%barrier3A_50)
    %mul3A_51 = arith.constant 320 : i32
    %mul3A_52 = arith.muli %arg1, %mul3A_51 : i32
    %mul3A_53 = arith.constant 320 : i32
    %mul3A_54 = arith.muli %arg1, %mul3A_53 : i32
    %add3A_55 = arith.addi %mul3A_0, %mul3A_54 : i32
    "tpu.region"() ({
      %run_scoped3A = tpu.sem_alloc : memref<!tpu.dma_semaphore, #tpu.memory_space<semaphore_mem>>
      %dma_start3A_56 = arith.constant 0 : i32
      %dma_start3A_57 = tpu.memref_slice %arg6[%add3A_55, %dma_start3A_56] : memref<10240x128xf32, #tpu.memory_space<hbm>> -> memref<320x128xf32, #tpu.memory_space<hbm>>
      %dma_start3A_58 = arith.constant 0 : i32
      %dma_start3A_59 = tpu.memref_slice %arg12[%mul3A_52, %dma_start3A_58] : memref<5136x128xf32, #tpu.memory_space<vmem_shared>> -> memref<320x128xf32, #tpu.memory_space<vmem_shared>>
      tpu.enqueue_dma source(%dma_start3A_59 : memref<320x128xf32, #tpu.memory_space<vmem_shared>>) target(%dma_start3A_57 : memref<320x128xf32, #tpu.memory_space<hbm>>) target_semaphore(%run_scoped3A : memref<!tpu.dma_semaphore, #tpu.memory_space<semaphore_mem>>)
      %dma_wait3A = arith.constant 0 : i32
      %dma_wait3A_60 = tpu.memref_slice %arg6[%add3A_55, %dma_wait3A] : memref<10240x128xf32, #tpu.memory_space<hbm>> -> memref<320x128xf32, #tpu.memory_space<hbm>>
      %dma_wait3A_61 = arith.constant 0 : i32
      %dma_wait3A_62 = tpu.memref_slice %arg12[%mul3A_52, %dma_wait3A_61] : memref<5136x128xf32, #tpu.memory_space<vmem_shared>> -> memref<320x128xf32, #tpu.memory_space<vmem_shared>>
      tpu.wait_dma2 semaphore(%run_scoped3A : memref<!tpu.dma_semaphore, #tpu.memory_space<semaphore_mem>>) src(%dma_wait3A_62 : memref<320x128xf32, #tpu.memory_space<vmem_shared>>) dst(%dma_wait3A_60 : memref<320x128xf32, #tpu.memory_space<hbm>>)
      tpu.yield
    }) : () -> ()
    return
  }
}

module attributes {stable_mosaic.version = 14 : i64} {
  func.func @body(%arg0: i32, %arg1: memref<512x128xf32, #tpu.memory_space<vmem>>, %arg2: memref<512x128xf32, #tpu.memory_space<vmem>>, %arg3: memref<512x128xf32, #tpu.memory_space<vmem>>, %arg4: memref<512x128xf32, #tpu.memory_space<vmem>>, %arg5: memref<128x256xf32, #tpu.memory_space<vmem>>, %arg6: memref<128x256xf32, #tpu.memory_space<vmem>>, %arg7: memref<1x256xf32, #tpu.memory_space<vmem>>, %arg8: memref<256x128xf32, #tpu.memory_space<vmem>>, %arg9: memref<1x128xf32, #tpu.memory_space<vmem>>, %arg10: memref<1x1xf32, #tpu.memory_space<vmem>>, %arg11: memref<512x128xf32, #tpu.memory_space<vmem>>, %arg12: memref<2x128xf32, #tpu.memory_space<vmem>>, %arg13: memref<2x128xf32, #tpu.memory_space<vmem>>) attributes {dimension_semantics = [#tpu.dimension_semantics<arbitrary>], iteration_bounds = array<i64: 20>, scalar_prefetch = 0 : i64, scratch_operands = 1 : i64, tpu.core_type = #tpu.core_type<tc>, window_params = [{transform_indices = @transform_0, window_bounds = array<i64: 512, 128>}, {transform_indices = @transform_1, window_bounds = array<i64: 512, 128>}, {transform_indices = @transform_2, window_bounds = array<i64: 512, 128>}, {transform_indices = @transform_3, window_bounds = array<i64: 512, 128>}, {pipeline_mode = #tpu.pipeline_mode<synchronous>, transform_indices = @transform_4, window_bounds = array<i64: 128, 256>}, {pipeline_mode = #tpu.pipeline_mode<synchronous>, transform_indices = @transform_5, window_bounds = array<i64: 128, 256>}, {pipeline_mode = #tpu.pipeline_mode<synchronous>, transform_indices = @transform_6, window_bounds = array<i64: 1, 256>}, {pipeline_mode = #tpu.pipeline_mode<synchronous>, transform_indices = @transform_7, window_bounds = array<i64: 256, 128>}, {pipeline_mode = #tpu.pipeline_mode<synchronous>, transform_indices = @transform_8, window_bounds = array<i64: 1, 128>}, {pipeline_mode = #tpu.pipeline_mode<synchronous>, transform_indices = @transform_9, window_bounds = array<i64: 1, 1>}, {transform_indices = @transform_10, window_bounds = array<i64: 512, 128>}, {pipeline_mode = #tpu.pipeline_mode<synchronous>, transform_indices = @transform_11, window_bounds = array<i64: 2, 128>}]} {
    %broadcast_in_dim3A = arith.constant 0.000000e+00 : f32
    %broadcast_in_dim3A_0 = vector.broadcast %broadcast_in_dim3A : f32 to vector<512x256xf32>
    %get3A = arith.constant 0 : index
    %get3A_1 = arith.constant 0 : index
    %get3A_2 = vector.load %arg7[%get3A, %get3A_1] : memref<1x256xf32, #tpu.memory_space<vmem>>, vector<1x256xf32>
    %add3A = vector.broadcast %get3A_2 : vector<1x256xf32> to vector<512x256xf32>
    %add3A_3 = arith.addf %broadcast_in_dim3A_0, %add3A : vector<512x256xf32>
    %get3A_4 = arith.constant 0 : index
    %get3A_5 = arith.constant 0 : index
    %get3A_6 = vector.load %arg1[%get3A_4, %get3A_5] : memref<512x128xf32, #tpu.memory_space<vmem>>, vector<512x128xf32>
    %get3A_7 = arith.constant 0 : index
    %get3A_8 = arith.constant 0 : index
    %get3A_9 = vector.load %arg10[%get3A_7, %get3A_8] : memref<1x1xf32, #tpu.memory_space<vmem>>, vector<1x1xf32>
    %get3A_10 = vector.extract %get3A_9[0, 0] : f32 from vector<1x1xf32>
    %mul3A = vector.broadcast %get3A_10 : f32 to vector<512x128xf32>
    %mul3A_11 = arith.mulf %get3A_6, %mul3A : vector<512x128xf32>
    %get3A_12 = arith.constant 0 : index
    %get3A_13 = arith.constant 0 : index
    %get3A_14 = vector.load %arg3[%get3A_12, %get3A_13] : memref<512x128xf32, #tpu.memory_space<vmem>>, vector<512x128xf32>
    %add3A_15 = arith.addf %mul3A_11, %get3A_14 : vector<512x128xf32>
    %get3A_16 = arith.constant 0 : index
    %get3A_17 = arith.constant 0 : index
    %get3A_18 = vector.load %arg5[%get3A_16, %get3A_17] : memref<128x256xf32, #tpu.memory_space<vmem>>, vector<128x256xf32>
    %dot_general3A = arith.constant dense<0.000000e+00> : vector<512x256xf32>
    %dot_general3A_19 = tpu.matmul %add3A_15, %get3A_18, %dot_general3A {dimension_numbers = #tpu.dot_dimension_numbers<[1], [0], [0], [1], [0, 0, 1, 1], [], []>, precision = #tpu.contract_precision<fp32>, transpose_lhs_hint = false} : vector<512x128xf32>, vector<128x256xf32>, vector<512x256xf32> -> vector<512x256xf32>
    %add3A_20 = arith.addf %add3A_3, %dot_general3A_19 : vector<512x256xf32>
    %get3A_21 = arith.constant 0 : index
    %get3A_22 = arith.constant 0 : index
    %get3A_23 = vector.load %arg2[%get3A_21, %get3A_22] : memref<512x128xf32, #tpu.memory_space<vmem>>, vector<512x128xf32>
    %get3A_24 = arith.constant 0 : index
    %get3A_25 = arith.constant 0 : index
    %get3A_26 = vector.load %arg10[%get3A_24, %get3A_25] : memref<1x1xf32, #tpu.memory_space<vmem>>, vector<1x1xf32>
    %get3A_27 = vector.extract %get3A_26[0, 0] : f32 from vector<1x1xf32>
    %mul3A_28 = vector.broadcast %get3A_27 : f32 to vector<512x128xf32>
    %mul3A_29 = arith.mulf %get3A_23, %mul3A_28 : vector<512x128xf32>
    %get3A_30 = arith.constant 0 : index
    %get3A_31 = arith.constant 0 : index
    %get3A_32 = vector.load %arg4[%get3A_30, %get3A_31] : memref<512x128xf32, #tpu.memory_space<vmem>>, vector<512x128xf32>
    %add3A_33 = arith.addf %mul3A_29, %get3A_32 : vector<512x128xf32>
    %get3A_34 = arith.constant 0 : index
    %get3A_35 = arith.constant 0 : index
    %get3A_36 = vector.load %arg6[%get3A_34, %get3A_35] : memref<128x256xf32, #tpu.memory_space<vmem>>, vector<128x256xf32>
    %dot_general3A_37 = arith.constant dense<0.000000e+00> : vector<512x256xf32>
    %dot_general3A_38 = tpu.matmul %add3A_33, %get3A_36, %dot_general3A_37 {dimension_numbers = #tpu.dot_dimension_numbers<[1], [0], [0], [1], [0, 0, 1, 1], [], []>, precision = #tpu.contract_precision<fp32>, transpose_lhs_hint = false} : vector<512x128xf32>, vector<128x256xf32>, vector<512x256xf32> -> vector<512x256xf32>
    %add3A_39 = arith.addf %add3A_20, %dot_general3A_38 : vector<512x256xf32>
    %max3A = arith.constant 0.000000e+00 : f32
    %max3A_40 = vector.broadcast %max3A : f32 to vector<512x256xf32>
    %max3A_41 = arith.maximumf %add3A_39, %max3A_40 : vector<512x256xf32>
    %get3A_42 = arith.constant 0 : index
    %get3A_43 = arith.constant 0 : index
    %get3A_44 = vector.load %arg8[%get3A_42, %get3A_43] : memref<256x128xf32, #tpu.memory_space<vmem>>, vector<256x128xf32>
    %dot_general3A_45 = arith.constant dense<0.000000e+00> : vector<512x128xf32>
    %dot_general3A_46 = tpu.matmul %max3A_41, %get3A_44, %dot_general3A_45 {dimension_numbers = #tpu.dot_dimension_numbers<[1], [0], [0], [1], [0, 0, 1, 1], [], []>, precision = #tpu.contract_precision<fp32>, transpose_lhs_hint = false} : vector<512x256xf32>, vector<256x128xf32>, vector<512x128xf32> -> vector<512x128xf32>
    %get3A_47 = arith.constant 0 : index
    %get3A_48 = arith.constant 0 : index
    %get3A_49 = vector.load %arg9[%get3A_47, %get3A_48] : memref<1x128xf32, #tpu.memory_space<vmem>>, vector<1x128xf32>
    %add3A_50 = vector.broadcast %get3A_49 : vector<1x128xf32> to vector<512x128xf32>
    %add3A_51 = arith.addf %dot_general3A_46, %add3A_50 : vector<512x128xf32>
    %swap3A = arith.constant 0 : index
    %swap3A_52 = arith.constant 0 : index
    %swap3A_53 = vector.load %arg11[%swap3A, %swap3A_52] : memref<512x128xf32, #tpu.memory_space<vmem>>, vector<512x128xf32>
    tpu.vector_store %arg11[%swap3A, %swap3A_52], %add3A_51 {strides = array<i32>} : memref<512x128xf32, #tpu.memory_space<vmem>>, vector<512x128xf32>,
    %mul3A_54 = arith.constant 512 : i32
    %mul3A_55 = arith.muli %arg0, %mul3A_54 : i32
    %iota3A = tpu.iota {dimensions = array<i32: 0>} : vector<512x1xi32>
    %add3A_56 = vector.broadcast %mul3A_55 : i32 to vector<512x1xi32>
    %add3A_57 = arith.addi %add3A_56, %iota3A : vector<512x1xi32>
    %lt3A = arith.constant 10000 : i32
    %lt3A_58 = vector.broadcast %lt3A : i32 to vector<512x1xi32>
    %lt3A_59 = arith.cmpi slt, %add3A_57, %lt3A_58 : vector<512x1xi32>
    %convert_element_type3A = arith.extui %lt3A_59 : vector<512x1xi1> to vector<512x1xi32>
    %convert_element_type3A_60 = arith.sitofp %convert_element_type3A : vector<512x1xi32> to vector<512x1xf32>
    %mul3A_61 = vector.broadcast %convert_element_type3A_60 : vector<512x1xf32> to vector<512x128xf32>
    %mul3A_62 = arith.mulf %add3A_51, %mul3A_61 : vector<512x128xf32>
    %eq3A = arith.constant 0 : i32
    %eq3A_63 = arith.cmpi eq, %arg0, %eq3A : i32
    %convert_element_type3A_64 = arith.extui %eq3A_63 : i1 to i32
    %cond3A = arith.constant 0 : i32
    %cond3A_65 = arith.cmpi ne, %convert_element_type3A_64, %cond3A : i32
    scf.if %cond3A_65 {
      %broadcast_in_dim3A_91 = arith.constant 0.000000e+00 : f32
      %broadcast_in_dim3A_92 = vector.broadcast %broadcast_in_dim3A_91 : f32 to vector<2x128xf32>
      %swap3A_93 = arith.constant 0 : index
      %swap3A_94 = arith.constant 0 : index
      %swap3A_95 = vector.load %arg13[%swap3A_93, %swap3A_94] : memref<2x128xf32, #tpu.memory_space<vmem>>, vector<2x128xf32>
      tpu.vector_store %arg13[%swap3A_93, %swap3A_94], %broadcast_in_dim3A_92 {strides = array<i32>} : memref<2x128xf32, #tpu.memory_space<vmem>>, vector<2x128xf32>,
    } else {
    }
    %get3A_66 = arith.constant 0 : index
    %get3A_67 = arith.constant 0 : index
    %get3A_68 = vector.load %arg13[%get3A_66, %get3A_67] : memref<2x128xf32, #tpu.memory_space<vmem>>, vector<1x128xf32>
    %reduce_sum3A = arith.constant dense<0.000000e+00> : vector<128xf32>
    %reduce_sum3A_69 = vector.multi_reduction <add>, %mul3A_62, %reduce_sum3A [0] : vector<512x128xf32> to vector<128xf32>
    %broadcast_in_dim3A_70 = vector.shape_cast %reduce_sum3A_69 : vector<128xf32> to vector<1x128xf32>
    %add3A_71 = arith.addf %get3A_68, %broadcast_in_dim3A_70 : vector<1x128xf32>
    %swap3A_72 = arith.constant 0 : index
    %swap3A_73 = arith.constant 0 : index
    %swap3A_74 = vector.load %arg13[%swap3A_72, %swap3A_73] : memref<2x128xf32, #tpu.memory_space<vmem>>, vector<1x128xf32>
    tpu.vector_store %arg13[%swap3A_72, %swap3A_73], %add3A_71 {strides = array<i32>} : memref<2x128xf32, #tpu.memory_space<vmem>>, vector<1x128xf32>,
    %get3A_75 = arith.constant 1 : index
    %get3A_76 = arith.constant 0 : index
    %get3A_77 = vector.load %arg13[%get3A_75, %get3A_76] : memref<2x128xf32, #tpu.memory_space<vmem>>, vector<1x128xf32>
    %mul3A_78 = arith.mulf %mul3A_62, %mul3A_62 : vector<512x128xf32>
    %reduce_sum3A_79 = arith.constant dense<0.000000e+00> : vector<128xf32>
    %reduce_sum3A_80 = vector.multi_reduction <add>, %mul3A_78, %reduce_sum3A_79 [0] : vector<512x128xf32> to vector<128xf32>
    %broadcast_in_dim3A_81 = vector.shape_cast %reduce_sum3A_80 : vector<128xf32> to vector<1x128xf32>
    %add3A_82 = arith.addf %get3A_77, %broadcast_in_dim3A_81 : vector<1x128xf32>
    %swap3A_83 = arith.constant 1 : index
    %swap3A_84 = arith.constant 0 : index
    %swap3A_85 = vector.load %arg13[%swap3A_83, %swap3A_84] : memref<2x128xf32, #tpu.memory_space<vmem>>, vector<1x128xf32>
    tpu.vector_store %arg13[%swap3A_83, %swap3A_84], %add3A_82 {strides = array<i32>} : memref<2x128xf32, #tpu.memory_space<vmem>>, vector<1x128xf32>,
    %eq3A_86 = arith.constant 19 : i32
    %eq3A_87 = arith.cmpi eq, %arg0, %eq3A_86 : i32
    %convert_element_type3A_88 = arith.extui %eq3A_87 : i1 to i32
    %cond3A_89 = arith.constant 0 : i32
    %cond3A_90 = arith.cmpi ne, %convert_element_type3A_88, %cond3A_89 : i32
    scf.if %cond3A_90 {
      %get3A_91 = arith.constant 0 : index
      %get3A_92 = arith.constant 0 : index
      %get3A_93 = vector.load %arg13[%get3A_91, %get3A_92] : memref<2x128xf32, #tpu.memory_space<vmem>>, vector<1x128xf32>
      %mul3A_94 = arith.constant 9.99999974E-5 : f32
      %mul3A_95 = vector.broadcast %mul3A_94 : f32 to vector<1x128xf32>
      %mul3A_96 = arith.mulf %get3A_93, %mul3A_95 : vector<1x128xf32>
      %get3A_97 = arith.constant 1 : index
      %get3A_98 = arith.constant 0 : index
      %get3A_99 = vector.load %arg13[%get3A_97, %get3A_98] : memref<2x128xf32, #tpu.memory_space<vmem>>, vector<1x128xf32>
      %mul3A_100 = arith.constant 9.99999974E-5 : f32
      %mul3A_101 = vector.broadcast %mul3A_100 : f32 to vector<1x128xf32>
      %mul3A_102 = arith.mulf %get3A_99, %mul3A_101 : vector<1x128xf32>
      %mul3A_103 = arith.mulf %mul3A_96, %mul3A_96 : vector<1x128xf32>
      %sub3A = arith.subf %mul3A_102, %mul3A_103 : vector<1x128xf32>
      %swap3A_104 = arith.constant 0 : index
      %swap3A_105 = arith.constant 0 : index
      %swap3A_106 = vector.load %arg12[%swap3A_104, %swap3A_105] : memref<2x128xf32, #tpu.memory_space<vmem>>, vector<1x128xf32>
      tpu.vector_store %arg12[%swap3A_104, %swap3A_105], %mul3A_96 {strides = array<i32>} : memref<2x128xf32, #tpu.memory_space<vmem>>, vector<1x128xf32>,
      %add3A_107 = arith.constant 9.99999974E-6 : f32
      %add3A_108 = vector.broadcast %add3A_107 : f32 to vector<1x128xf32>
      %add3A_109 = arith.addf %sub3A, %add3A_108 : vector<1x128xf32>
      %rsqrt3A = math.rsqrt %add3A_109 : vector<1x128xf32>
      %swap3A_110 = arith.constant 1 : index
      %swap3A_111 = arith.constant 0 : index
      %swap3A_112 = vector.load %arg12[%swap3A_110, %swap3A_111] : memref<2x128xf32, #tpu.memory_space<vmem>>, vector<1x128xf32>
      tpu.vector_store %arg12[%swap3A_110, %swap3A_111], %rsqrt3A {strides = array<i32>} : memref<2x128xf32, #tpu.memory_space<vmem>>, vector<1x128xf32>,
    } else {
    }
    return
  }
  func.func @transform_0(%arg0: i32) -> (i32, i32) {
    %c0_i32 = arith.constant 0 : i32
    %c0_i32_0 = arith.constant 0 : i32
    return %arg0, %c0_i32 : i32, i32
  }
  func.func @transform_1(%arg0: i32) -> (i32, i32) {
    %c0_i32 = arith.constant 0 : i32
    %c0_i32_0 = arith.constant 0 : i32
    return %arg0, %c0_i32 : i32, i32
  }
  func.func @transform_2(%arg0: i32) -> (i32, i32) {
    %c0_i32 = arith.constant 0 : i32
    %c0_i32_0 = arith.constant 0 : i32
    return %arg0, %c0_i32 : i32, i32
  }
  func.func @transform_3(%arg0: i32) -> (i32, i32) {
    %c0_i32 = arith.constant 0 : i32
    %c0_i32_0 = arith.constant 0 : i32
    return %arg0, %c0_i32 : i32, i32
  }
  func.func @transform_4(%arg0: i32) -> (i32, i32) {
    %c0_i32 = arith.constant 0 : i32
    %c0_i32_0 = arith.constant 0 : i32
    %c0_i32_1 = arith.constant 0 : i32
    return %c0_i32, %c0_i32_0 : i32, i32
  }
  func.func @transform_5(%arg0: i32) -> (i32, i32) {
    %c0_i32 = arith.constant 0 : i32
    %c0_i32_0 = arith.constant 0 : i32
    %c0_i32_1 = arith.constant 0 : i32
    return %c0_i32, %c0_i32_0 : i32, i32
  }
  func.func @transform_6(%arg0: i32) -> (i32, i32) {
    %c0_i32 = arith.constant 0 : i32
    %c0_i32_0 = arith.constant 0 : i32
    %c0_i32_1 = arith.constant 0 : i32
    return %c0_i32, %c0_i32_0 : i32, i32
  }
  func.func @transform_7(%arg0: i32) -> (i32, i32) {
    %c0_i32 = arith.constant 0 : i32
    %c0_i32_0 = arith.constant 0 : i32
    %c0_i32_1 = arith.constant 0 : i32
    return %c0_i32, %c0_i32_0 : i32, i32
  }
  func.func @transform_8(%arg0: i32) -> (i32, i32) {
    %c0_i32 = arith.constant 0 : i32
    %c0_i32_0 = arith.constant 0 : i32
    %c0_i32_1 = arith.constant 0 : i32
    return %c0_i32, %c0_i32_0 : i32, i32
  }
  func.func @transform_9(%arg0: i32) -> (i32, i32) {
    %c0_i32 = arith.constant 0 : i32
    %c0_i32_0 = arith.constant 0 : i32
    %c0_i32_1 = arith.constant 0 : i32
    return %c0_i32, %c0_i32_0 : i32, i32
  }
  func.func @transform_10(%arg0: i32) -> (i32, i32) {
    %c0_i32 = arith.constant 0 : i32
    %c0_i32_0 = arith.constant 0 : i32
    return %arg0, %c0_i32 : i32, i32
  }
  func.func @transform_11(%arg0: i32) -> (i32, i32) {
    %c0_i32 = arith.constant 0 : i32
    %c0_i32_0 = arith.constant 0 : i32
    %c0_i32_1 = arith.constant 0 : i32
    return %c0_i32, %c0_i32_0 : i32, i32
  }
}

module attributes {stable_mosaic.version = 14 : i64} {
  func.func @_norm_body(%arg0: i32, %arg1: memref<512x128xf32, #tpu.memory_space<vmem>>, %arg2: memref<2x128xf32, #tpu.memory_space<vmem>>, %arg3: memref<1x128xf32, #tpu.memory_space<vmem>>, %arg4: memref<1x128xf32, #tpu.memory_space<vmem>>, %arg5: memref<512x128xf32, #tpu.memory_space<vmem>>) attributes {dimension_semantics = [#tpu.dimension_semantics<arbitrary>], iteration_bounds = array<i64: 20>, scalar_prefetch = 0 : i64, scratch_operands = 0 : i64, tpu.core_type = #tpu.core_type<tc>, window_params = [{transform_indices = @transform_0, window_bounds = array<i64: 512, 128>}, {pipeline_mode = #tpu.pipeline_mode<synchronous>, transform_indices = @transform_1, window_bounds = array<i64: 2, 128>}, {pipeline_mode = #tpu.pipeline_mode<synchronous>, transform_indices = @transform_2, window_bounds = array<i64: 1, 128>}, {pipeline_mode = #tpu.pipeline_mode<synchronous>, transform_indices = @transform_3, window_bounds = array<i64: 1, 128>}, {transform_indices = @transform_4, window_bounds = array<i64: 512, 128>}]} {
    %get3A = arith.constant 0 : index
    %get3A_0 = arith.constant 0 : index
    %get3A_1 = vector.load %arg1[%get3A, %get3A_0] : memref<512x128xf32, #tpu.memory_space<vmem>>, vector<512x128xf32>
    %get3A_2 = arith.constant 0 : index
    %get3A_3 = arith.constant 0 : index
    %get3A_4 = vector.load %arg2[%get3A_2, %get3A_3] : memref<2x128xf32, #tpu.memory_space<vmem>>, vector<1x128xf32>
    %sub3A = vector.broadcast %get3A_4 : vector<1x128xf32> to vector<512x128xf32>
    %sub3A_5 = arith.subf %get3A_1, %sub3A : vector<512x128xf32>
    %get3A_6 = arith.constant 1 : index
    %get3A_7 = arith.constant 0 : index
    %get3A_8 = vector.load %arg2[%get3A_6, %get3A_7] : memref<2x128xf32, #tpu.memory_space<vmem>>, vector<1x128xf32>
    %mul3A = vector.broadcast %get3A_8 : vector<1x128xf32> to vector<512x128xf32>
    %mul3A_9 = arith.mulf %sub3A_5, %mul3A : vector<512x128xf32>
    %get3A_10 = arith.constant 0 : index
    %get3A_11 = arith.constant 0 : index
    %get3A_12 = vector.load %arg3[%get3A_10, %get3A_11] : memref<1x128xf32, #tpu.memory_space<vmem>>, vector<1x128xf32>
    %mul3A_13 = vector.broadcast %get3A_12 : vector<1x128xf32> to vector<512x128xf32>
    %mul3A_14 = arith.mulf %mul3A_9, %mul3A_13 : vector<512x128xf32>
    %get3A_15 = arith.constant 0 : index
    %get3A_16 = arith.constant 0 : index
    %get3A_17 = vector.load %arg4[%get3A_15, %get3A_16] : memref<1x128xf32, #tpu.memory_space<vmem>>, vector<1x128xf32>
    %add3A = vector.broadcast %get3A_17 : vector<1x128xf32> to vector<512x128xf32>
    %add3A_18 = arith.addf %mul3A_14, %add3A : vector<512x128xf32>
    %max3A = arith.constant 0.000000e+00 : f32
    %max3A_19 = vector.broadcast %max3A : f32 to vector<512x128xf32>
    %max3A_20 = arith.maximumf %add3A_18, %max3A_19 : vector<512x128xf32>
    %mul3A_21 = arith.constant 512 : i32
    %mul3A_22 = arith.muli %arg0, %mul3A_21 : i32
    %iota3A = tpu.iota {dimensions = array<i32: 0>} : vector<512x1xi32>
    %add3A_23 = vector.broadcast %mul3A_22 : i32 to vector<512x1xi32>
    %add3A_24 = arith.addi %add3A_23, %iota3A : vector<512x1xi32>
    %lt3A = arith.constant 10000 : i32
    %lt3A_25 = vector.broadcast %lt3A : i32 to vector<512x1xi32>
    %lt3A_26 = arith.cmpi slt, %add3A_24, %lt3A_25 : vector<512x1xi32>
    %jit3A = arith.constant 0.000000e+00 : f32
    %broadcast_in_dim3A = vector.shape_cast %lt3A_26 : vector<512x1xi1> to vector<512x1xi1>
    %broadcast_in_dim3A_27 = vector.broadcast %broadcast_in_dim3A : vector<512x1xi1> to vector<512x128xi1>
    %broadcast_in_dim3A_28 = vector.broadcast %jit3A : f32 to vector<512x128xf32>
    %select_n3A = arith.select %broadcast_in_dim3A_27, %max3A_20, %broadcast_in_dim3A_28 : vector<512x128xi1>, vector<512x128xf32>
    %swap3A = arith.constant 0 : index
    %swap3A_29 = arith.constant 0 : index
    %swap3A_30 = vector.load %arg5[%swap3A, %swap3A_29] : memref<512x128xf32, #tpu.memory_space<vmem>>, vector<512x128xf32>
    tpu.vector_store %arg5[%swap3A, %swap3A_29], %select_n3A {strides = array<i32>} : memref<512x128xf32, #tpu.memory_space<vmem>>, vector<512x128xf32>,
    return
  }
  func.func @transform_0(%arg0: i32) -> (i32, i32) {
    %c0_i32 = arith.constant 0 : i32
    %c0_i32_0 = arith.constant 0 : i32
    return %arg0, %c0_i32 : i32, i32
  }
  func.func @transform_1(%arg0: i32) -> (i32, i32) {
    %c0_i32 = arith.constant 0 : i32
    %c0_i32_0 = arith.constant 0 : i32
    %c0_i32_1 = arith.constant 0 : i32
    return %c0_i32, %c0_i32_0 : i32, i32
  }
  func.func @transform_2(%arg0: i32) -> (i32, i32) {
    %c0_i32 = arith.constant 0 : i32
    %c0_i32_0 = arith.constant 0 : i32
    %c0_i32_1 = arith.constant 0 : i32
    return %c0_i32, %c0_i32_0 : i32, i32
  }
  func.func @transform_3(%arg0: i32) -> (i32, i32) {
    %c0_i32 = arith.constant 0 : i32
    %c0_i32_0 = arith.constant 0 : i32
    %c0_i32_1 = arith.constant 0 : i32
    return %c0_i32, %c0_i32_0 : i32, i32
  }
  func.func @transform_4(%arg0: i32) -> (i32, i32) {
    %c0_i32 = arith.constant 0 : i32
    %c0_i32_0 = arith.constant 0 : i32
    return %arg0, %c0_i32 : i32, i32
  }
}

module attributes {stable_mosaic.version = 14 : i64} {
  func.func @body(%arg0: i32, %arg1: memref<512x128xf32, #tpu.memory_space<vmem>>, %arg2: memref<512x128xf32, #tpu.memory_space<vmem>>, %arg3: memref<128x256xf32, #tpu.memory_space<vmem>>, %arg4: memref<1x256xf32, #tpu.memory_space<vmem>>, %arg5: memref<256x128xf32, #tpu.memory_space<vmem>>, %arg6: memref<1x128xf32, #tpu.memory_space<vmem>>, %arg7: memref<1x1xf32, #tpu.memory_space<vmem>>, %arg8: memref<512x128xf32, #tpu.memory_space<vmem>>, %arg9: memref<2x128xf32, #tpu.memory_space<vmem>>, %arg10: memref<2x128xf32, #tpu.memory_space<vmem>>) attributes {dimension_semantics = [#tpu.dimension_semantics<arbitrary>], iteration_bounds = array<i64: 20>, scalar_prefetch = 0 : i64, scratch_operands = 1 : i64, tpu.core_type = #tpu.core_type<tc>, window_params = [{transform_indices = @transform_0, window_bounds = array<i64: 512, 128>}, {transform_indices = @transform_1, window_bounds = array<i64: 512, 128>}, {pipeline_mode = #tpu.pipeline_mode<synchronous>, transform_indices = @transform_2, window_bounds = array<i64: 128, 256>}, {pipeline_mode = #tpu.pipeline_mode<synchronous>, transform_indices = @transform_3, window_bounds = array<i64: 1, 256>}, {pipeline_mode = #tpu.pipeline_mode<synchronous>, transform_indices = @transform_4, window_bounds = array<i64: 256, 128>}, {pipeline_mode = #tpu.pipeline_mode<synchronous>, transform_indices = @transform_5, window_bounds = array<i64: 1, 128>}, {pipeline_mode = #tpu.pipeline_mode<synchronous>, transform_indices = @transform_6, window_bounds = array<i64: 1, 1>}, {transform_indices = @transform_7, window_bounds = array<i64: 512, 128>}, {pipeline_mode = #tpu.pipeline_mode<synchronous>, transform_indices = @transform_8, window_bounds = array<i64: 2, 128>}]} {
    %broadcast_in_dim3A = arith.constant 0.000000e+00 : f32
    %broadcast_in_dim3A_0 = vector.broadcast %broadcast_in_dim3A : f32 to vector<512x256xf32>
    %get3A = arith.constant 0 : index
    %get3A_1 = arith.constant 0 : index
    %get3A_2 = vector.load %arg4[%get3A, %get3A_1] : memref<1x256xf32, #tpu.memory_space<vmem>>, vector<1x256xf32>
    %add3A = vector.broadcast %get3A_2 : vector<1x256xf32> to vector<512x256xf32>
    %add3A_3 = arith.addf %broadcast_in_dim3A_0, %add3A : vector<512x256xf32>
    %get3A_4 = arith.constant 0 : index
    %get3A_5 = arith.constant 0 : index
    %get3A_6 = vector.load %arg1[%get3A_4, %get3A_5] : memref<512x128xf32, #tpu.memory_space<vmem>>, vector<512x128xf32>
    %get3A_7 = arith.constant 0 : index
    %get3A_8 = arith.constant 0 : index
    %get3A_9 = vector.load %arg7[%get3A_7, %get3A_8] : memref<1x1xf32, #tpu.memory_space<vmem>>, vector<1x1xf32>
    %get3A_10 = vector.extract %get3A_9[0, 0] : f32 from vector<1x1xf32>
    %mul3A = vector.broadcast %get3A_10 : f32 to vector<512x128xf32>
    %mul3A_11 = arith.mulf %get3A_6, %mul3A : vector<512x128xf32>
    %get3A_12 = arith.constant 0 : index
    %get3A_13 = arith.constant 0 : index
    %get3A_14 = vector.load %arg2[%get3A_12, %get3A_13] : memref<512x128xf32, #tpu.memory_space<vmem>>, vector<512x128xf32>
    %add3A_15 = arith.addf %mul3A_11, %get3A_14 : vector<512x128xf32>
    %get3A_16 = arith.constant 0 : index
    %get3A_17 = arith.constant 0 : index
    %get3A_18 = vector.load %arg3[%get3A_16, %get3A_17] : memref<128x256xf32, #tpu.memory_space<vmem>>, vector<128x256xf32>
    %dot_general3A = arith.constant dense<0.000000e+00> : vector<512x256xf32>
    %dot_general3A_19 = tpu.matmul %add3A_15, %get3A_18, %dot_general3A {dimension_numbers = #tpu.dot_dimension_numbers<[1], [0], [0], [1], [0, 0, 1, 1], [], []>, precision = #tpu.contract_precision<fp32>, transpose_lhs_hint = false} : vector<512x128xf32>, vector<128x256xf32>, vector<512x256xf32> -> vector<512x256xf32>
    %add3A_20 = arith.addf %add3A_3, %dot_general3A_19 : vector<512x256xf32>
    %max3A = arith.constant 0.000000e+00 : f32
    %max3A_21 = vector.broadcast %max3A : f32 to vector<512x256xf32>
    %max3A_22 = arith.maximumf %add3A_20, %max3A_21 : vector<512x256xf32>
    %get3A_23 = arith.constant 0 : index
    %get3A_24 = arith.constant 0 : index
    %get3A_25 = vector.load %arg5[%get3A_23, %get3A_24] : memref<256x128xf32, #tpu.memory_space<vmem>>, vector<256x128xf32>
    %dot_general3A_26 = arith.constant dense<0.000000e+00> : vector<512x128xf32>
    %dot_general3A_27 = tpu.matmul %max3A_22, %get3A_25, %dot_general3A_26 {dimension_numbers = #tpu.dot_dimension_numbers<[1], [0], [0], [1], [0, 0, 1, 1], [], []>, precision = #tpu.contract_precision<fp32>, transpose_lhs_hint = false} : vector<512x256xf32>, vector<256x128xf32>, vector<512x128xf32> -> vector<512x128xf32>
    %get3A_28 = arith.constant 0 : index
    %get3A_29 = arith.constant 0 : index
    %get3A_30 = vector.load %arg6[%get3A_28, %get3A_29] : memref<1x128xf32, #tpu.memory_space<vmem>>, vector<1x128xf32>
    %add3A_31 = vector.broadcast %get3A_30 : vector<1x128xf32> to vector<512x128xf32>
    %add3A_32 = arith.addf %dot_general3A_27, %add3A_31 : vector<512x128xf32>
    %swap3A = arith.constant 0 : index
    %swap3A_33 = arith.constant 0 : index
    %swap3A_34 = vector.load %arg8[%swap3A, %swap3A_33] : memref<512x128xf32, #tpu.memory_space<vmem>>, vector<512x128xf32>
    tpu.vector_store %arg8[%swap3A, %swap3A_33], %add3A_32 {strides = array<i32>} : memref<512x128xf32, #tpu.memory_space<vmem>>, vector<512x128xf32>,
    %mul3A_35 = arith.constant 512 : i32
    %mul3A_36 = arith.muli %arg0, %mul3A_35 : i32
    %iota3A = tpu.iota {dimensions = array<i32: 0>} : vector<512x1xi32>
    %add3A_37 = vector.broadcast %mul3A_36 : i32 to vector<512x1xi32>
    %add3A_38 = arith.addi %add3A_37, %iota3A : vector<512x1xi32>
    %lt3A = arith.constant 10000 : i32
    %lt3A_39 = vector.broadcast %lt3A : i32 to vector<512x1xi32>
    %lt3A_40 = arith.cmpi slt, %add3A_38, %lt3A_39 : vector<512x1xi32>
    %convert_element_type3A = arith.extui %lt3A_40 : vector<512x1xi1> to vector<512x1xi32>
    %convert_element_type3A_41 = arith.sitofp %convert_element_type3A : vector<512x1xi32> to vector<512x1xf32>
    %mul3A_42 = vector.broadcast %convert_element_type3A_41 : vector<512x1xf32> to vector<512x128xf32>
    %mul3A_43 = arith.mulf %add3A_32, %mul3A_42 : vector<512x128xf32>
    %eq3A = arith.constant 0 : i32
    %eq3A_44 = arith.cmpi eq, %arg0, %eq3A : i32
    %convert_element_type3A_45 = arith.extui %eq3A_44 : i1 to i32
    %cond3A = arith.constant 0 : i32
    %cond3A_46 = arith.cmpi ne, %convert_element_type3A_45, %cond3A : i32
    scf.if %cond3A_46 {
      %broadcast_in_dim3A_72 = arith.constant 0.000000e+00 : f32
      %broadcast_in_dim3A_73 = vector.broadcast %broadcast_in_dim3A_72 : f32 to vector<2x128xf32>
      %swap3A_74 = arith.constant 0 : index
      %swap3A_75 = arith.constant 0 : index
      %swap3A_76 = vector.load %arg10[%swap3A_74, %swap3A_75] : memref<2x128xf32, #tpu.memory_space<vmem>>, vector<2x128xf32>
      tpu.vector_store %arg10[%swap3A_74, %swap3A_75], %broadcast_in_dim3A_73 {strides = array<i32>} : memref<2x128xf32, #tpu.memory_space<vmem>>, vector<2x128xf32>,
    } else {
    }
    %get3A_47 = arith.constant 0 : index
    %get3A_48 = arith.constant 0 : index
    %get3A_49 = vector.load %arg10[%get3A_47, %get3A_48] : memref<2x128xf32, #tpu.memory_space<vmem>>, vector<1x128xf32>
    %reduce_sum3A = arith.constant dense<0.000000e+00> : vector<128xf32>
    %reduce_sum3A_50 = vector.multi_reduction <add>, %mul3A_43, %reduce_sum3A [0] : vector<512x128xf32> to vector<128xf32>
    %broadcast_in_dim3A_51 = vector.shape_cast %reduce_sum3A_50 : vector<128xf32> to vector<1x128xf32>
    %add3A_52 = arith.addf %get3A_49, %broadcast_in_dim3A_51 : vector<1x128xf32>
    %swap3A_53 = arith.constant 0 : index
    %swap3A_54 = arith.constant 0 : index
    %swap3A_55 = vector.load %arg10[%swap3A_53, %swap3A_54] : memref<2x128xf32, #tpu.memory_space<vmem>>, vector<1x128xf32>
    tpu.vector_store %arg10[%swap3A_53, %swap3A_54], %add3A_52 {strides = array<i32>} : memref<2x128xf32, #tpu.memory_space<vmem>>, vector<1x128xf32>,
    %get3A_56 = arith.constant 1 : index
    %get3A_57 = arith.constant 0 : index
    %get3A_58 = vector.load %arg10[%get3A_56, %get3A_57] : memref<2x128xf32, #tpu.memory_space<vmem>>, vector<1x128xf32>
    %mul3A_59 = arith.mulf %mul3A_43, %mul3A_43 : vector<512x128xf32>
    %reduce_sum3A_60 = arith.constant dense<0.000000e+00> : vector<128xf32>
    %reduce_sum3A_61 = vector.multi_reduction <add>, %mul3A_59, %reduce_sum3A_60 [0] : vector<512x128xf32> to vector<128xf32>
    %broadcast_in_dim3A_62 = vector.shape_cast %reduce_sum3A_61 : vector<128xf32> to vector<1x128xf32>
    %add3A_63 = arith.addf %get3A_58, %broadcast_in_dim3A_62 : vector<1x128xf32>
    %swap3A_64 = arith.constant 1 : index
    %swap3A_65 = arith.constant 0 : index
    %swap3A_66 = vector.load %arg10[%swap3A_64, %swap3A_65] : memref<2x128xf32, #tpu.memory_space<vmem>>, vector<1x128xf32>
    tpu.vector_store %arg10[%swap3A_64, %swap3A_65], %add3A_63 {strides = array<i32>} : memref<2x128xf32, #tpu.memory_space<vmem>>, vector<1x128xf32>,
    %eq3A_67 = arith.constant 19 : i32
    %eq3A_68 = arith.cmpi eq, %arg0, %eq3A_67 : i32
    %convert_element_type3A_69 = arith.extui %eq3A_68 : i1 to i32
    %cond3A_70 = arith.constant 0 : i32
    %cond3A_71 = arith.cmpi ne, %convert_element_type3A_69, %cond3A_70 : i32
    scf.if %cond3A_71 {
      %get3A_72 = arith.constant 0 : index
      %get3A_73 = arith.constant 0 : index
      %get3A_74 = vector.load %arg10[%get3A_72, %get3A_73] : memref<2x128xf32, #tpu.memory_space<vmem>>, vector<1x128xf32>
      %mul3A_75 = arith.constant 9.99999974E-5 : f32
      %mul3A_76 = vector.broadcast %mul3A_75 : f32 to vector<1x128xf32>
      %mul3A_77 = arith.mulf %get3A_74, %mul3A_76 : vector<1x128xf32>
      %get3A_78 = arith.constant 1 : index
      %get3A_79 = arith.constant 0 : index
      %get3A_80 = vector.load %arg10[%get3A_78, %get3A_79] : memref<2x128xf32, #tpu.memory_space<vmem>>, vector<1x128xf32>
      %mul3A_81 = arith.constant 9.99999974E-5 : f32
      %mul3A_82 = vector.broadcast %mul3A_81 : f32 to vector<1x128xf32>
      %mul3A_83 = arith.mulf %get3A_80, %mul3A_82 : vector<1x128xf32>
      %mul3A_84 = arith.mulf %mul3A_77, %mul3A_77 : vector<1x128xf32>
      %sub3A = arith.subf %mul3A_83, %mul3A_84 : vector<1x128xf32>
      %swap3A_85 = arith.constant 0 : index
      %swap3A_86 = arith.constant 0 : index
      %swap3A_87 = vector.load %arg9[%swap3A_85, %swap3A_86] : memref<2x128xf32, #tpu.memory_space<vmem>>, vector<1x128xf32>
      tpu.vector_store %arg9[%swap3A_85, %swap3A_86], %mul3A_77 {strides = array<i32>} : memref<2x128xf32, #tpu.memory_space<vmem>>, vector<1x128xf32>,
      %add3A_88 = arith.constant 9.99999974E-6 : f32
      %add3A_89 = vector.broadcast %add3A_88 : f32 to vector<1x128xf32>
      %add3A_90 = arith.addf %sub3A, %add3A_89 : vector<1x128xf32>
      %rsqrt3A = math.rsqrt %add3A_90 : vector<1x128xf32>
      %swap3A_91 = arith.constant 1 : index
      %swap3A_92 = arith.constant 0 : index
      %swap3A_93 = vector.load %arg9[%swap3A_91, %swap3A_92] : memref<2x128xf32, #tpu.memory_space<vmem>>, vector<1x128xf32>
      tpu.vector_store %arg9[%swap3A_91, %swap3A_92], %rsqrt3A {strides = array<i32>} : memref<2x128xf32, #tpu.memory_space<vmem>>, vector<1x128xf32>,
    } else {
    }
    return
  }
  func.func @transform_0(%arg0: i32) -> (i32, i32) {
    %c0_i32 = arith.constant 0 : i32
    %c0_i32_0 = arith.constant 0 : i32
    return %arg0, %c0_i32 : i32, i32
  }
  func.func @transform_1(%arg0: i32) -> (i32, i32) {
    %c0_i32 = arith.constant 0 : i32
    %c0_i32_0 = arith.constant 0 : i32
    return %arg0, %c0_i32 : i32, i32
  }
  func.func @transform_2(%arg0: i32) -> (i32, i32) {
    %c0_i32 = arith.constant 0 : i32
    %c0_i32_0 = arith.constant 0 : i32
    %c0_i32_1 = arith.constant 0 : i32
    return %c0_i32, %c0_i32_0 : i32, i32
  }
  func.func @transform_3(%arg0: i32) -> (i32, i32) {
    %c0_i32 = arith.constant 0 : i32
    %c0_i32_0 = arith.constant 0 : i32
    %c0_i32_1 = arith.constant 0 : i32
    return %c0_i32, %c0_i32_0 : i32, i32
  }
  func.func @transform_4(%arg0: i32) -> (i32, i32) {
    %c0_i32 = arith.constant 0 : i32
    %c0_i32_0 = arith.constant 0 : i32
    %c0_i32_1 = arith.constant 0 : i32
    return %c0_i32, %c0_i32_0 : i32, i32
  }
  func.func @transform_5(%arg0: i32) -> (i32, i32) {
    %c0_i32 = arith.constant 0 : i32
    %c0_i32_0 = arith.constant 0 : i32
    %c0_i32_1 = arith.constant 0 : i32
    return %c0_i32, %c0_i32_0 : i32, i32
  }
  func.func @transform_6(%arg0: i32) -> (i32, i32) {
    %c0_i32 = arith.constant 0 : i32
    %c0_i32_0 = arith.constant 0 : i32
    %c0_i32_1 = arith.constant 0 : i32
    return %c0_i32, %c0_i32_0 : i32, i32
  }
  func.func @transform_7(%arg0: i32) -> (i32, i32) {
    %c0_i32 = arith.constant 0 : i32
    %c0_i32_0 = arith.constant 0 : i32
    return %arg0, %c0_i32 : i32, i32
  }
  func.func @transform_8(%arg0: i32) -> (i32, i32) {
    %c0_i32 = arith.constant 0 : i32
    %c0_i32_0 = arith.constant 0 : i32
    %c0_i32_1 = arith.constant 0 : i32
    return %c0_i32, %c0_i32_0 : i32, i32
  }
}

module attributes {stable_mosaic.version = 14 : i64} {
  func.func @_pool_body(%arg0: i32, %arg1: memref<512x128xf32, #tpu.memory_space<vmem>>, %arg2: memref<1x1x512xi32, #tpu.memory_space<vmem>>, %arg3: memref<64x128xf32, #tpu.memory_space<vmem>>, %arg4: memref<64x128xf32, #tpu.memory_space<vmem>>) attributes {dimension_semantics = [#tpu.dimension_semantics<arbitrary>], iteration_bounds = array<i64: 20>, scalar_prefetch = 0 : i64, scratch_operands = 1 : i64, tpu.core_type = #tpu.core_type<tc>, window_params = [{transform_indices = @transform_0, window_bounds = array<i64: 512, 128>}, {transform_indices = @transform_1, window_bounds = array<i64: 1, 1, 512>}, {pipeline_mode = #tpu.pipeline_mode<synchronous>, transform_indices = @transform_2, window_bounds = array<i64: 64, 128>}]} {
    %eq3A = arith.constant 0 : i32
    %eq3A_0 = arith.cmpi eq, %arg0, %eq3A : i32
    %convert_element_type3A = arith.extui %eq3A_0 : i1 to i32
    %cond3A = arith.constant 0 : i32
    %cond3A_1 = arith.cmpi ne, %convert_element_type3A, %cond3A : i32
    scf.if %cond3A_1 {
      %broadcast_in_dim3A = arith.constant 0.000000e+00 : f32
      %broadcast_in_dim3A_23 = vector.broadcast %broadcast_in_dim3A : f32 to vector<64x128xf32>
      %swap3A_24 = arith.constant 0 : index
      %swap3A_25 = arith.constant 0 : index
      %swap3A_26 = vector.load %arg4[%swap3A_24, %swap3A_25] : memref<64x128xf32, #tpu.memory_space<vmem>>, vector<64x128xf32>
      tpu.vector_store %arg4[%swap3A_24, %swap3A_25], %broadcast_in_dim3A_23 {strides = array<i32>} : memref<64x128xf32, #tpu.memory_space<vmem>>, vector<64x128xf32>,
    } else {
    }
    %get3A = arith.constant 0 : index
    %get3A_2 = arith.constant 0 : index
    %get3A_3 = arith.constant 0 : index
    %get3A_4 = vector.load %arg2[%get3A, %get3A_2, %get3A_3] : memref<1x1x512xi32, #tpu.memory_space<vmem>>, vector<1x1x512xi32>
    %reshape3A = vector.shape_cast %get3A_4 : vector<1x1x512xi32> to vector<1x512xi32>
    %iota3A = tpu.iota {dimensions = array<i32: 0>} : vector<64x512xi32>
    %eq3A_5 = vector.broadcast %reshape3A : vector<1x512xi32> to vector<64x512xi32>
    %eq3A_6 = arith.cmpi eq, %eq3A_5, %iota3A : vector<64x512xi32>
    %get3A_7 = arith.constant 0 : index
    %get3A_8 = arith.constant 0 : index
    %get3A_9 = vector.load %arg4[%get3A_7, %get3A_8] : memref<64x128xf32, #tpu.memory_space<vmem>>, vector<64x128xf32>
    %convert_element_type3A_10 = arith.extui %eq3A_6 : vector<64x512xi1> to vector<64x512xi32>
    %convert_element_type3A_11 = arith.sitofp %convert_element_type3A_10 : vector<64x512xi32> to vector<64x512xf32>
    %get3A_12 = arith.constant 0 : index
    %get3A_13 = arith.constant 0 : index
    %get3A_14 = vector.load %arg1[%get3A_12, %get3A_13] : memref<512x128xf32, #tpu.memory_space<vmem>>, vector<512x128xf32>
    %dot_general3A = arith.constant dense<0.000000e+00> : vector<64x128xf32>
    %dot_general3A_15 = tpu.matmul %convert_element_type3A_11, %get3A_14, %dot_general3A {dimension_numbers = #tpu.dot_dimension_numbers<[1], [0], [0], [1], [0, 0, 1, 1], [], []>, precision = #tpu.contract_precision<fp32>, transpose_lhs_hint = false} : vector<64x512xf32>, vector<512x128xf32>, vector<64x128xf32> -> vector<64x128xf32>
    %add3A = arith.addf %get3A_9, %dot_general3A_15 : vector<64x128xf32>
    %swap3A = arith.constant 0 : index
    %swap3A_16 = arith.constant 0 : index
    %swap3A_17 = vector.load %arg4[%swap3A, %swap3A_16] : memref<64x128xf32, #tpu.memory_space<vmem>>, vector<64x128xf32>
    tpu.vector_store %arg4[%swap3A, %swap3A_16], %add3A {strides = array<i32>} : memref<64x128xf32, #tpu.memory_space<vmem>>, vector<64x128xf32>,
    %eq3A_18 = arith.constant 19 : i32
    %eq3A_19 = arith.cmpi eq, %arg0, %eq3A_18 : i32
    %convert_element_type3A_20 = arith.extui %eq3A_19 : i1 to i32
    %cond3A_21 = arith.constant 0 : i32
    %cond3A_22 = arith.cmpi ne, %convert_element_type3A_20, %cond3A_21 : i32
    scf.if %cond3A_22 {
      %get3A_23 = arith.constant 0 : index
      %get3A_24 = arith.constant 0 : index
      %get3A_25 = vector.load %arg4[%get3A_23, %get3A_24] : memref<64x128xf32, #tpu.memory_space<vmem>>, vector<64x128xf32>
      %swap3A_26 = arith.constant 0 : index
      %swap3A_27 = arith.constant 0 : index
      %swap3A_28 = vector.load %arg3[%swap3A_26, %swap3A_27] : memref<64x128xf32, #tpu.memory_space<vmem>>, vector<64x128xf32>
      tpu.vector_store %arg3[%swap3A_26, %swap3A_27], %get3A_25 {strides = array<i32>} : memref<64x128xf32, #tpu.memory_space<vmem>>, vector<64x128xf32>,
    } else {
    }
    return
  }
  func.func @transform_0(%arg0: i32) -> (i32, i32) {
    %c0_i32 = arith.constant 0 : i32
    %c0_i32_0 = arith.constant 0 : i32
    return %arg0, %c0_i32 : i32, i32
  }
  func.func @transform_1(%arg0: i32) -> (i32, i32, i32) {
    %c0_i32 = arith.constant 0 : i32
    %c0_i32_0 = arith.constant 0 : i32
    %c0_i32_1 = arith.constant 0 : i32
    return %arg0, %c0_i32, %c0_i32_0 : i32, i32, i32
  }
  func.func @transform_2(%arg0: i32) -> (i32, i32) {
    %c0_i32 = arith.constant 0 : i32
    %c0_i32_0 = arith.constant 0 : i32
    %c0_i32_1 = arith.constant 0 : i32
    return %c0_i32, %c0_i32_0 : i32, i32
  }
}

</mosaic_0001>

<sc_bundles>
// kernel: kernel.16.cloned.1.call-start
scs
__scs_entry_jumppad:
0x0: {  	(pc) =	sbr.rel $0x88, $3  }
0x1: {  	(tag) =	ssettag $0x0;
	lr =	simm.s32 $0x1  }
0x2: {  	[smem:$0x3F82] =	sst lr;
	_ =	strace $0xD0000000  }
0x3: {  	_ = 	snop  }
0x4: {  	_ = 	snop  }
0x5: {  	_ = 	snop  }
0x6: {  	_ = 	snop  }
0x7: {  	_ = 	snop  }
__scs_overlays_trampoline_lowered:
0x8: {  	[smem:$0x3F91] =	sst s0  }
0x9: {  	[smem:$0x3F92] =	sst s1  }
0xa: {  	[smem:$0x3F93] =	sst s2  }
0xb: {  	[smem:$0x3F94] =	sst s3  }
0xc: {  	[smem:$0x3F95] =	sst s4  }
0xd: {  	[smem:$0x3F96] =	sst s5  }
0xe: {  	[smem:$0x3F97] =	sst s6  }
0xf: {  	[smem:$0x3F98] =	sst s7  }
0x10: {  	[smem:$0x3F99] =	sst s8  }
0x11: {  	[smem:$0x3F9A] =	sst s9;
	s0 =	simm.s32 @!p0 $0x0  }
0x12: {  	s1 =	sld [smem:$0x3F80];
	s0 =	simm.s32 @p0 $0x1  }
0x13: {  	[smem:$0x3F9B] =	sst s0;
	s0 =	simm.s32 @!p1 $0x0  }
0x14: {  	s2 =	sld [smem:$0x3F7F];
	s0 =	simm.s32 @p1 $0x1  }
0x15: {  	[smem:$0x3F9C] =	sst s0;
	s0 =	simm.s32 @!p2 $0x0  }
0x16: {  	s3 =	sld [smem:$0x3FDB];
	s0 =	simm.s32 @p2 $0x1  }
0x17: {  	s4 =	simm.s32 $0x1BF5;
	[smem:$0x3F9E] =	sst s0  }
0x18: {  	s0 =	sld [smem:$0x3F81];
	_ =	swait.ge [sflag:s4], $0x0  }
0x19: {  	s7 =	sld [smem:$0x3F82]  }
0x1a: {  	s8 =	sadd.s32 $0xFFFFE003, lr  }
0x1b: {  	s9 =	sadd.s32 $0xFFFFFEF7, lr;
	s5 =	simm.s32 $0xFFFFFFFF;
	p2 =	slt.u32 s8, $0xFFFFF086  }
0x1c: {  	p1 =	slt.u32 s9, $0xF7A;
	s5 =	simm.s32 @!p2 $0x0  }
0x1d: {  	s5 =	simm.s32 @p1 $0x1;
	p0 =	seq.s32 s7, s2  }
0x1e: {  	s7 =	smul.u32 @!p0 $0xF7A, s2;
	p2 =	seq.s32 @!p0 s5, $0x0  }
0x1f: {  	s9 =	smul.u32 $0xF7A, s1;
	s8 =	simm.s32 @!p0 $0x1BF5;
	p2 =	por !p2, p0  }
0x20: {  	[sflag:s8] =	ssyncset.s32 @!p0 $0xFFFFF086;
	s6 =	sadd.s32 @!p0 s3, s7;
	s7 =	simm.s32 @!p0 $0x108  }
0x21: {  	s3 =	sadd.s32 s3, s9;
	s6 =	sadd.s32 @!p0 $0x88, s6;
	s7 =	simm.s32 @p2 $0x1082  }
0x22: {  	[simem:s7], [sflag:s8] =	dma.local @!p0 [hbm:s6], $0xF7A  }
0x23: {  	s9 =	sor.u32 $0xD0000000, s2;
	s6 =	simm.s32 $0x108;
	_ =	swait.ge @!p0 [sflag:s8], $0x0  }
0x24: {  	s3 =	sadd.s32 $0x88, s3;
	s6 =	simm.s32 @!p1 $0x1082;
	[sflag:s4] =	ssyncset.s32 $0xFFFFF086  }
0x25: {  	[simem:s6], [sflag:s4] =	dma.local [hbm:s3], $0xF7A  }
0x26: {  	[smem:$0x3F82] =	sst s1;
	(tag) =	ssettag s2;
	_ =	strace s9  }
0x27: {  	s1 =	sld [smem:$0x3F92]  }
0x28: {  	s2 =	sld [smem:$0x3F93]  }
0x29: {  	s4 =	sld [smem:$0x3F95]  }
0x2a: {  	p0 =	seq.s32 s5, $0x0;
	s5 =	sld [smem:$0x3F96]  }
0x2b: {  	s6 =	sld [smem:$0x3F97]  }
0x2c: {  	s7 =	sld [smem:$0x3F98]  }
0x2d: {  	s3 =	simm.s32 $0x108;
	s8 =	sld [smem:$0x3F99]  }
0x2e: {  	s3 =	simm.s32 @!p0 $0x1082;
	s9 =	sld [smem:$0x3F9A]  }
0x2f: {  	lr =	sadd.s32 s0, s3;
	s0 =	sld [smem:$0x3F91]  }
0x30: {  	s3 =	sld [smem:$0x3F94]  }
0x31: {  	[smem:$0x3F9D] =	sst s10  }
0x32: {  	s10 =	sld [smem:$0x3F9B];
	_ =	sdelay $0x3  }
0x33: {  	p0 =	seq.s32 s10, $0x1;
	s10 =	sld [smem:$0x3F9D];
	_ =	sdelay $0x3  }
0x34: {  	[smem:$0x3F9D] =	sst s10  }
0x35: {  	s10 =	sld [smem:$0x3F9C];
	_ =	sdelay $0x3  }
0x36: {  	p1 =	seq.s32 s10, $0x1;
	s10 =	sld [smem:$0x3F9D];
	_ =	sdelay $0x3  }
0x37: {  	[smem:$0x3F9D] =	sst s10  }
0x38: {  	s10 =	sld [smem:$0x3F9E]  }
0x39: {  	_ = 	snop;
	(pc) =	sbr.ind lr, $3  }
0x3a: {  	_ = 	snop  }
0x3b: {  	_ = 	snop  }
0x3c: {  	p2 =	seq.s32 s10, $0x1;
	s10 =	sld [smem:$0x3F9D]  }
0x3d: {  	_ =	shalt  }
0x3e: {  	_ =	shalt  }
0x3f: {  	_ =	shalt  }
0x40: {  	_ =	shalt  }
0x41: {  	_ =	shalt  }
0x42: {  	_ =	shalt  }
0x43: {  	_ =	shalt  }
0x44: {  	_ =	shalt  }
0x45: {  	_ =	shalt  }
0x46: {  	_ =	shalt  }
0x47: {  	_ =	shalt  }
0x48: {  	_ =	shalt  }
0x49: {  	_ =	shalt  }
0x4a: {  	_ =	shalt  }
0x4b: {  	_ =	shalt  }
0x4c: {  	_ =	shalt  }
0x4d: {  	_ =	shalt  }
0x4e: {  	_ =	shalt  }
0x4f: {  	_ =	shalt  }
0x50: {  	_ =	shalt  }
0x51: {  	_ =	shalt  }
0x52: {  	_ =	shalt  }
0x53: {  	_ =	shalt  }
0x54: {  	_ =	shalt  }
0x55: {  	_ =	shalt  }
0x56: {  	_ =	shalt  }
0x57: {  	_ =	shalt  }
0x58: {  	_ =	shalt  }
0x59: {  	_ =	shalt  }
0x5a: {  	_ =	shalt  }
0x5b: {  	_ =	shalt  }
0x5c: {  	_ =	shalt  }
0x5d: {  	_ =	shalt  }
0x5e: {  	_ =	shalt  }
0x5f: {  	_ =	shalt  }
0x60: {  	_ =	shalt  }
0x61: {  	_ =	shalt  }
0x62: {  	_ =	shalt  }
0x63: {  	_ =	shalt  }
0x64: {  	_ =	shalt  }
0x65: {  	_ =	shalt  }
0x66: {  	_ =	shalt  }
0x67: {  	_ =	shalt  }
0x68: {  	_ =	shalt  }
0x69: {  	_ =	shalt  }
0x6a: {  	_ =	shalt  }
0x6b: {  	_ =	shalt  }
0x6c: {  	_ =	shalt  }
0x6d: {  	_ =	shalt  }
0x6e: {  	_ =	shalt  }
0x6f: {  	_ =	shalt  }
0x70: {  	_ =	shalt  }
0x71: {  	_ =	shalt  }
0x72: {  	_ =	shalt  }
0x73: {  	_ =	shalt  }
0x74: {  	_ =	shalt  }
0x75: {  	_ =	shalt  }
0x76: {  	_ =	shalt  }
0x77: {  	_ =	shalt  }
0x78: {  	_ =	shalt  }
0x79: {  	_ =	shalt  }
0x7a: {  	_ =	shalt  }
0x7b: {  	_ =	shalt  }
0x7c: {  	_ =	shalt  }
0x7d: {  	_ =	shalt  }
0x7e: {  	_ =	shalt  }
0x7f: {  	_ =	shalt  }
0x80: {  	_ =	shalt  }
0x81: {  	_ =	shalt  }
0x82: {  	_ =	shalt  }
0x83: {  	_ =	shalt  }
0x84: {  	_ =	shalt  }
0x85: {  	_ =	shalt  }
0x86: {  	_ =	shalt  }
0x87: {  	_ =	shalt  }
.Lfunc_end0:
.L_simem_size_0:
called_computation_lowered:
.L_overlay_start_0:
0x88: {  	s2 =	sld [smem:$0x3FD9]  }
0x89: {  	s3 =	sld [smem:$0x3FFE];
	_ =	sdelay $0x1  }
0x8a: {  	s1 =	srdreg.scid  }
0x8b: {  	s0 =	sand.u32 $0x1, s1  }
0x8c: {  	s17 =	sshll.u32 s0, $0xA;
	s2 =	sadd.s32 s3, s2  }
0x8d: {  	s2 =	sadd.s32 s2, s17  }
0x8e: {  	[smem:$0x3FA9] =	sst s2  }
0x8f: {  	_ = 	snop  }
0x90: {  	s18 =	sld [smem:$0x3FD0];
	(tm) =	ssettm $0x1  }
0x91: {  	s19 =	sld [smem:$0x3FFB];
	_ =	sdelay $0x3  }
0x92: {  	_ =	strace s19  }
0x93: {  	s2 =	sld [smem:$0x3FFC];
	_ =	sdelay $0x3  }
0x94: {  	_ =	strace s2  }
0x95: {  	s2 =	sld [smem:$0x3FFD];
	_ =	sdelay $0x3  }
0x96: {  	_ =	strace s2  }
0x97: {  	_ =	strace $0x8FFFFFFF  }
0x98: {  	s20 =	sld [smem:$0x3FDB];
	_ =	sdelay $0x1  }
0x99: {  	s4 =	simm.s32 $_scs_section_size  }
0x9a: {  	s5 =	simm.s32 $_size__tile_overlayer_lowered;
	s6 =	simm.s32 $_tile_overlayer_lowered  }
0x9b: {  	s7 =	simm.s32 $0x1BFF;
	s21 =	sshll.u32 s6, $0x1;
	s4 =	sadd.s32 s4, s20  }
0x9c: {  	s22 =	simm.s32 $0x0;
	s5 =	sshll.u32 s5, $0x1;
	s6 =	sadd.s32 s21, s4  }
0x9d: {  	[timem:s22], [sflag:s7] =	dma.local [hbm:s6], s5  }
0x9e: {  	_ =	swait.ge [sflag:s7], s5  }
0x9f: {  	s5 =	ssub.s32 $0x0, s5;
	[sflag:s7] =	ssyncset.done $0x0  }
0xa0: {  	[sflag:s7] =	ssyncadd.s32 s5;
	_ =	sdelay $0x1  }
0xa1: {  	s23 =	simm.s32 $0x1B8B  }
0xa2: {  	_ =	swait.ge [sflag:s23], $0x1  }
0xa3: {  	[sflag:s23] =	ssyncset.done $0x0  }
0xa4: {  	[sflag:s23] =	ssyncadd.s32 $0xFFFFFFFF  }
0xa5: {  	s5 =	sld [smem:$0x0]  }
0xa6: {  	s6 =	sand.u32 $0xFFFFFFFE, s1  }
0xa7: {  	p0 =	sne.s32 s1, s6  }
0xa8: {  	s6 =	sshll.u32 @p0 s6, $0xE  }
0xa9: {  	s6 =	sadd.s32 @p0 $0x11B8D, s6;
	s7 =	sshll.u32 @p0 s5, $0x11  }
0xaa: {  	s6 =	sor.u32 @p0 s7, s6  }
0xab: {  	[sflag:s6] =	ssyncadd.remote.s32 @p0 $0x1;
	_ =	sdelay $0x1  }
0xac: {  	s6 =	simm.s32 @p0 $0x1B8D  }
0xad: {  	_ =	swait.eq @p0 [sflag:s6], $0x1  }
0xae: {  	[sflag:s6] =	ssyncadd.s32 @p0 $0xFFFFFFFF  }
0xaf: {  	s7 =	sshll.u32 @!p0 s1, $0xE  }
0xb0: {  	s7 =	sor.u32 @!p0 $0x4000, s7;
	s6 =	simm.s32 @!p0 $0x1B8D  }
0xb1: {  	s5 =	sshll.u32 @!p0 s5, $0x11;
	s7 =	sadd.s32 @!p0 $0x11B8D, s7;
	_ =	swait.eq @!p0 [sflag:s6], $0x1  }
0xb2: {  	s5 =	sor.u32 @!p0 s5, s7;
	[sflag:s6] =	ssyncadd.s32 @!p0 $0xFFFFFFFF  }
0xb3: {  	s25 =	simm.s32 $0x1B8E;
	s24 =	sld [smem:$0x3FFE];
	[sflag:s5] =	ssyncadd.remote.s32 @!p0 $0x1  }
0xb4: {  	s26 =	simm.s32 $execute0_lowered;
	[smem:$0x3FD2] =	sst s25  }
0xb5: {  	s6 =	sshll.u32 s26, $0x1;
	_ =	strace $0x80000049;
	[dreg:$0x1] =	wrdreg $0xFFFFFFFF  }
0xb6: {  	s28 =	simm.s32 $_size_execute0_lowered;
	s4 =	sadd.s32 s4, s6;
	[dreg:$0x0] =	wrdreg $0x0  }
0xb7: {  	s6 =	sshll.u32 s28, $0x1;
	[dreg:$0x2] =	wrdreg s4  }
0xb8: {  	[dreg:$0x3] =	wrdreg s6  }
0xb9: {  	[dreg:$0x4] =	wrdreg $0xC0  }
0xba: {  	_ =	task [dreg:s22], $0x5FFFF  }
0xbb: {  	[dreg:$0x1] =	wrdreg $0xFFFFFFFF  }
0xbc: {  	[dreg:$0x0] =	wrdreg $0x60  }
0xbd: {  	[dreg:$0x2] =	wrdreg s24  }
0xbe: {  	[dreg:$0x3] =	wrdreg s18  }
0xbf: {  	[dreg:$0x4] =	wrdreg $0x140000  }
0xc0: {  	[dreg:$0x5] =	wrdreg $0x9  }
0xc1: {  	_ =	task.clear_ibuf [dreg:s22], $0x6FFFF;
	_ =	strace $0x90000049  }
0xc2: {  	s29 =	simm.s32 $0x9;
	_ =	strace $0x8000004B  }
0xc3: {  	_ =	swait.ge [sflag:s29], $0x1  }
0xc4: {  	[sflag:s29] =	ssyncadd.s32 $0xFFFFFFFF  }
0xc5: {  	_ =	strace $0x9000004B  }
0xc6: {  	_ =	sfence  }
0xc7: {  	s30 =	sld [smem:$0x0];
	_ =	sdelay $0x2  }
0xc8: {  	s31 =	sshll.u32 s1, $0xD;
	s1 =	sshrl.u32 s1, $0x2  }
0xc9: {  	s4 =	sand.u32 $0x4000, s31;
	s1 =	sadd.s32 s1, s30  }
0xca: {  	s0 =	sor.u32 s4, s0;
	s1 =	sshll.u32 s1, $0x11  }
0xcb: {  	s0 =	sor.u32 s1, s0  }
0xcc: {  	s0 =	sadd.s32 $0x8F2B, s0  }
0xcd: {  	[sflag:s0] =	ssyncadd.remote.s32 $0x1  }
0xce: {  	_ =	sfence.sel $0xFFFF  }
0xcf: {  	[dreg:$0x0] =	wrdreg $0xFFFFFFFF;
	(pc) =	sbr.abs _section_cstart, $3  }
0xd0: {  	[dreg:$0x1] =	wrdreg $0xFFFFFFFF  }
0xd1: {  	_ =	task.clear_ibuf [dreg:s22], $0x2FFFF;
	_ =	strace $0x9FFFFFFF  }
0xd2: {  	(tm) =	ssettm $0x7FFFFFFF  }
0xd3: {  	_ =	shalt  }
tec
execute0_lowered:
.L_overlay_start_1:
0x0: {  	(tag) =	ssettag $0x1  }
0x1: {  	s7 =	rddreg [dreg:$0x0];
	s0 =	stileid.u32  }
0x2: {  	s1 =	srdreg.scid;
	s2 =	rddreg [dreg:$0x1]  }
0x3: {  	s3 =	rddreg [dreg:$0x2];
	s4 =	simm.s32 $0x0;
	s16 =	simm.s32 $0x12000  }
0x4: {  	s17 =	simm.s32 $0x3;
	s18 =	simm.s32 $0x5000;
	s19 =	simm.s32 $0x80  }
0x5: {  	s20 =	simm.s32 $0xA000;
	s21 =	simm.s32 $0xE000;
	s22 =	simm.s32 $0x1  }
0x6: {  	s23 =	simm.s32 $0x2;
	s26 =	simm.s32 $0x0;
	s6 =	smul.u32 $0xA00, s0  }
0x7: {  	s8 =	sand.u32 $0x1, s1;
	s1 =	rddreg [dreg:$0x3];
	s9 =	smul.u32 $0x140, s0  }
0x8: {  	[smem:$0x7FF] =	sst s4;
	s10 =	smul.u32 $0x28000, s0;
	s5 =	sadd.s32 $0x2F000, s7  }
0x9: {  	s25 =	sor.u32 $0x1400, s0;
	p0 =	sne.s32 s0, $0xF;
	s24 =	smul.u32 $0x1400, s8  }
0xa: {  	_ =	strace $0x8000004A;
	s8 =	ssub.s32 $0x2, s8;
	v1 =	vmov s25;
	s25 =	simm.s32 $0x9F80  }
0xb: {  	s13 =	sadd.s32 s6, s7;
	s30 =	sshrl.u32 s10, $0x2;
	s11 =	sshrl.u32 s8, $0x1  }
0xc: {  	s29 =	sadd.s32 s9, s24;
	s6 =	sadd.s32 s30, s3;
	s15 =	ssub.s32 s8, s11  }
0xd: {  	s11 =	sadd.s32 $0xA0000, s3;
	s12 =	sadd.s32 $0x61000, s13;
	s13 =	sadd.s32 $0x57000, s13  }
0xe: {  	v0 =	vmov s24;
	s24 =	simm.s32 $0x9F00;
	s31 =	sshll.u32 s29, $0x4;
	s8 =	sadd.s32 $0x4000, s6  }
0xf: {  	s9 =	sadd.s32 $0x6000, s6;
	s10 =	sadd.s32 $0x8000, s6;
	s14 =	sadd.s32 s31, s7  }
0x10: {  	s15 =	smax.u32 s15, $0x1;
	s7 =	sadd.s32 $0x2000, s6;
	s14 =	sadd.s32 $0x93000, s14  }
.LBB2_1:
0x11: {  	[tilespmem:s16], [sflag:$0x3] =	stream.linear.gather [hbm4b:s2+s4], $0x2000, $0x38;
	[tilespmem:$0x1E080] =	vst v63  }
0x12: {  	_ =	swait.ge [sflag:s17], $0x2000  }
0x13: {  	[sflag:s17] =	ssyncset.done $0x0  }
0x14: {  	[sflag:s17] =	ssyncadd.s32 $0xFFFFE000  }
0x15: {  	[spmem:s6] =	stream.linear.scatter [tilespmem:s16], [sflag:$0x3], $0x2000, $0x38;
	[tilespmem:$0x1E080] =	vst v63  }
0x16: {  	_ =	swait.ge [sflag:s17], $0x2000  }
0x17: {  	[sflag:s17] =	ssyncset.done $0x0  }
0x18: {  	[sflag:s17] =	ssyncadd.s32 $0xFFFFE000  }
0x19: {  	[spmem:s7] =	stream.linear.scatter [tilespmem:s16], [sflag:$0x3], $0x2000, $0x38;
	[tilespmem:$0x1E080] =	vst v63  }
0x1a: {  	_ =	swait.ge [sflag:s17], $0x2000  }
0x1b: {  	[sflag:s17] =	ssyncset.done $0x0  }
0x1c: {  	[sflag:s17] =	ssyncadd.s32 $0xFFFFE000  }
0x1d: {  	[spmem:s8] =	stream.linear.scatter [tilespmem:s16], [sflag:$0x3], $0x2000, $0x38;
	[tilespmem:$0x1E080] =	vst v63  }
0x1e: {  	_ =	swait.ge [sflag:s17], $0x2000  }
0x1f: {  	[sflag:s17] =	ssyncset.done $0x0  }
0x20: {  	[sflag:s17] =	ssyncadd.s32 $0xFFFFE000  }
0x21: {  	[spmem:s9] =	stream.linear.scatter [tilespmem:s16], [sflag:$0x3], $0x2000, $0x38;
	[tilespmem:$0x1E080] =	vst v63  }
0x22: {  	_ =	swait.ge [sflag:s17], $0x2000  }
0x23: {  	[sflag:s17] =	ssyncset.done $0x0  }
0x24: {  	[sflag:s17] =	ssyncadd.s32 $0xFFFFE000  }
0x25: {  	[spmem:s10] =	stream.linear.scatter [tilespmem:s16], [sflag:$0x3], $0x2000, $0x38;
	[tilespmem:$0x1E080] =	vst v63  }
0x26: {  	_ =	swait.ge [sflag:s17], $0x2000  }
0x27: {  	[sflag:s17] =	ssyncset.done $0x0  }
0x28: {  	s28 =	simm.s32 @!p0 $0x12000;
	[sflag:s17] =	ssyncadd.s32 $0xFFFFE000  }
0x29: {  	[spmem:s11] =	stream.linear.scatter @!p0 [tilespmem:s28], [sflag:$0x3], $0x800, $0x38;
	[tilespmem:$0x1E080] =	vst v63  }
0x2a: {  	s28 =	simm.s32 @!p0 $0x3  }
0x2b: {  	_ =	swait.ge @!p0 [sflag:s28], $0x800  }
0x2c: {  	[sflag:s28] =	ssyncset.done @!p0 $0x0  }
0x2d: {  	[sflag:s28] =	ssyncadd.s32 @!p0 $0xFFFFF800  }
0x2e: {  	[tilespmem:s4], [sflag:$0x3] =	stream.linear.gather [hbm4b:s12+s4], $0x5000, $0x38;
	[tilespmem:$0x1E080] =	vst v63  }
0x2f: {  	_ =	swait.ge [sflag:s17], $0x5000  }
0x30: {  	[sflag:s17] =	ssyncset.done $0x0  }
0x31: {  	[sflag:s17] =	ssyncadd.s32 $0xFFFFB000  }
0x32: {  	[tilespmem:s18], [sflag:$0x3] =	stream.linear.gather [hbm4b:s13+s4], $0x5000, $0x38;
	[tilespmem:$0x1E080] =	vst v63  }
0x33: {  	_ =	swait.ge [sflag:s17], $0x5000  }
0x34: {  	[sflag:s17] =	ssyncset.done $0x0  }
0x35: {  	s28 =	simm.s32 $0x0;
	[sflag:s17] =	ssyncadd.s32 $0xFFFFB000  }
0x36: {  	v2 =	vld [tilespmem:s28+$0x5000];
	_ =	sdelay $0x1  }
0x37: {  	v3 =	vld [tilespmem:s28+$0x5010];
	_ =	sdelay $0x1  }
0x38: {  	v6 =	vld [tilespmem:s28+$0x5020]  }
0x39: {  	v9 =	vld [tilespmem:s28+$0x5030];
	v4 =	vsub.s32 v2, v0  }
0x3a: {  	vm0 =	vge.s32 v2, v0;
	vm1 =	vlt.s32 v4, $0x1400  }
0x3b: {  	v7 =	vsub.s32 v3, v0;
	vm0 =	vmand vm0, vm1;
	vm1 =	vge.s32 v3, v0;
	v3 =	vld [tilespmem:s28+$0x5040]  }
0x3c: {  	vm2 =	vlt.s32 v7, $0x1400;
	v5 =	vsel vm0, v4, v1;
	v4 =	vld [tilespmem:s28+$0x5050]  }
0x3d: {  	v8 =	vsub.s32 v6, v0;
	vm0 =	vmand vm1, vm2  }
0x3e: {  	vm1 =	vge.s32 v6, v0;
	vm2 =	vlt.s32 v8, $0x1400;
	v6 =	vsub.s32 v9, v0  }
0x3f: {  	s29 =	simm.s32 $0x200;
	v2 =	vld [tilespmem:s28+$0x5060];
	vm1 =	vmand vm1, vm2;
	vm2 =	vge.s32 v9, v0;
	vm3 =	vlt.s32 v6, $0x1400  }
.LBB2_2:
0x40: {  	p1 =	sne.s32 s29, $0x13E00;
	v7 =	vsel vm0, v7, v1;
	v8 =	vsel vm1, v8, v1;
	vm0 =	vmand vm2, vm3;
	v9 =	vld [tilespmem:s28+$0x5070]  }
0x41: {  	v10 =	vsub.s32 v3, v0;
	vm1 =	vge.s32 v3, v0;
	v3 =	vsub.s32 v4, v0  }
0x42: {  	s30 =	sshra.s32 s29, $0x2;
	vm2 =	vlt.s32 v10, $0x1400;
	vm3 =	vge.s32 v4, v0;
	[tilespmem:s28+$0x5000] =	vst v5;
	vm4 =	vlt.s32 v3, $0x1400  }
0x43: {  	v5 =	vsel vm0, v6, v1;
	vm0 =	vmand vm1, vm2;
	v4 =	vld [tilespmem:s30+$0x5000];
	[tilespmem:s28+$0x5010] =	vst v7;
	vm1 =	vmand vm3, vm4  }
0x44: {  	v7 =	vsel vm0, v10, v1;
	v6 =	vld [tilespmem:s30+$0x5010];
	[tilespmem:s28+$0x5020] =	vst v8;
	v3 =	vsel vm1, v3, v1;
	v8 =	vsub.s32 v2, v0  }
0x45: {  	vm0 =	vge.s32 v2, v0;
	[tilespmem:s28+$0x5030] =	vst v5;
	vm1 =	vlt.s32 v8, $0x1400;
	v2 =	vsub.s32 v9, v0  }
0x46: {  	v10 =	vld [tilespmem:s30+$0x5020];
	[tilespmem:s28+$0x5040] =	vst v7;
	vm0 =	vmand vm0, vm1;
	vm1 =	vge.s32 v9, v0;
	vm2 =	vlt.s32 v2, $0x1400  }
0x47: {  	v9 =	vld [tilespmem:s30+$0x5030];
	[tilespmem:s28+$0x5050] =	vst v3;
	v3 =	vsel vm0, v8, v1;
	vm0 =	vmand vm1, vm2  }
0x48: {  	v5 =	vsub.s32 v4, v0;
	[tilespmem:s28+$0x5060] =	vst v3;
	v2 =	vsel vm0, v2, v1  }
.Ltmp0:
0x49: {  	vm0 =	vge.s32 v4, v0;
	vm1 =	vlt.s32 v5, $0x1400;
	v7 =	vsub.s32 v6, v0;
	v3 =	vld [tilespmem:s30+$0x5040];
	[tilespmem:s28+$0x5070] =	vst v2;
	s28 =	smov.u32 s30;
	(pc) =	sbr.rel @p1 .LBB2_2-.Ltmp0, $4  }
0x4a: {  	vm0 =	vmand vm0, vm1;
	vm1 =	vge.s32 v6, v0;
	vm2 =	vlt.s32 v7, $0x1400;
	v4 =	vld [tilespmem:s28+$0x5050]  }
0x4b: {  	v5 =	vsel vm0, v5, v1;
	vm0 =	vmand vm1, vm2;
	v8 =	vsub.s32 v10, v0  }
0x4c: {  	vm1 =	vge.s32 v10, v0;
	vm2 =	vlt.s32 v8, $0x1400;
	v6 =	vsub.s32 v9, v0  }
0x4d: {  	s29 =	sadd.s32 $0x200, s29;
	vm1 =	vmand vm1, vm2;
	vm2 =	vge.s32 v9, v0;
	vm3 =	vlt.s32 v6, $0x1400;
	v2 =	vld [tilespmem:s28+$0x5060]  }
0x4e: {  	v7 =	vsel vm0, v7, v1;
	v8 =	vsel vm1, v8, v1;
	vm13 =	vmand vm2, vm3;
	v9 =	vld [tilespmem:s28+$0x5070]  }
0x4f: {  	v10 =	vsub.s32 v3, v0;
	vm14 =	vge.s32 v3, v0;
	v3 =	vsub.s32 v4, v0  }
0x50: {  	[tilespmem:s28+$0x5000] =	vst v5;
	vm15 =	vlt.s32 v10, $0x1400;
	vm8 =	vge.s32 v4, v0;
	vm4 =	vlt.s32 v3, $0x1400  }
0x51: {  	[tilespmem:s28+$0x5010] =	vst v7;
	v61 =	vsel vm13, v6, v1;
	vm9 =	vmand vm14, vm15;
	vm10 =	vmand vm8, vm4  }
0x52: {  	[tilespmem:s28+$0x5020] =	vst v8;
	v62 =	vsel vm9, v10, v1;
	v3 =	vsel vm10, v3, v1;
	v63 =	vsub.s32 v2, v0  }
0x53: {  	[tilespmem:s28+$0x5030] =	vst v61;
	vm11 =	vge.s32 v2, v0;
	vm12 =	vlt.s32 v63, $0x1400;
	v2 =	vsub.s32 v9, v0  }
0x54: {  	[tilespmem:s28+$0x5040] =	vst v62;
	vm13 =	vge.s32 v9, v0;
	vm0 =	vmand vm11, vm12;
	vm14 =	vlt.s32 v2, $0x1400  }
0x55: {  	[tilespmem:s28+$0x5050] =	vst v3;
	v3 =	vsel vm0, v63, v1;
	vm15 =	vmand vm13, vm14  }
0x56: {  	[tilespmem:s28+$0x5060] =	vst v3;
	v2 =	vsel vm15, v2, v1  }
0x57: {  	[tilespmem:s28+$0x5070] =	vst v2  }
0x58: {  	s28 =	simm.s32 $0x0;
	[bflag:$0x0] =	sbarrier.arrive $0xFFFF  }
0x59: {  	[tilespmem:s20], [sflag:$0x1] =	stream.indirect.gather [hbm4b:s5+s19], $0x80, s28, s19, $0xb8;
	[tilespmem:$0x1E080] =	vst v63  }
0x5a: {  	_ = 	snop  }
0x5b: {  	[tilespmem:s21], [sflag:$0x2] =	stream.indirect.gather [hbm4b:s5+s19], $0x80, s19, s19, $0xb8;
	[tilespmem:$0x1E080] =	vst v63  }
0x5c: {  	_ =	swait.ge [sflag:s22], $0x4000  }
0x5d: {  	[sflag:s22] =	ssyncset.done $0x0  }
0x5e: {  	s28 =	simm.s32 $0x5000;
	[sflag:s22] =	ssyncadd.s32 $0xFFFFC000  }
0x5f: {  	[spmem:s3] =	stream.indirect.scatter.add.f32 [tilespmem:s20], [sflag:$0x3], $0x80, s28, s19, $0xb8;
	[tilespmem:$0x1E080] =	vst v63  }
0x60: {  	_ =	swait.ge [sflag:s17], $0x4000  }
0x61: {  	[sflag:s17] =	ssyncset.done $0x0  }
0x62: {  	s28 =	simm.s32 $0x100;
	[sflag:s17] =	ssyncadd.s32 $0xFFFFC000  }
0x63: {  	[tilespmem:s20], [sflag:$0x1] =	stream.indirect.gather [hbm4b:s5+s19], $0x80, s28, s19, $0xb8;
	[tilespmem:$0x1E080] =	vst v63  }
0x64: {  	_ =	swait.ge [sflag:s23], $0x4000  }
0x65: {  	[sflag:s23] =	ssyncset.done $0x0  }
0x66: {  	s28 =	simm.s32 $0x5080;
	[sflag:s23] =	ssyncadd.s32 $0xFFFFC000  }
0x67: {  	[spmem:s3] =	stream.indirect.scatter.add.f32 [tilespmem:s21], [sflag:$0x3], $0x80, s28, s19, $0xb8;
	[tilespmem:$0x1E080] =	vst v63  }
0x68: {  	_ =	swait.ge [sflag:s17], $0x4000  }
0x69: {  	[sflag:s17] =	ssyncset.done $0x0  }
0x6a: {  	s29 =	simm.s32 $0x180;
	s28 =	simm.s32 $0x400;
	[sflag:s17] =	ssyncadd.s32 $0xFFFFC000  }
.LBB2_4:
0x6b: {  	[tilespmem:s21], [sflag:$0x2] =	stream.indirect.gather [hbm4b:s5+s19], $0x80, s29, s19, $0xb8;
	[tilespmem:$0x1E080] =	vst v63  }
0x6c: {  	s29 =	smov.u32 s28  }
0x6d: {  	p1 =	sne.s32 s28, $0x13800;
	s28 =	sadd.s32 $0x400, s28;
	_ =	swait.ge [sflag:s22], $0x4000  }
0x6e: {  	s29 =	sshra.s32 s29, $0x2;
	[sflag:s22] =	ssyncset.done $0x0  }
0x6f: {  	s30 =	sadd.s32 $0x5000, s29;
	[sflag:s22] =	ssyncadd.s32 $0xFFFFC000  }
0x70: {  	[spmem:s3] =	stream.indirect.scatter.add.f32 [tilespmem:s20], [sflag:$0x3], $0x80, s30, s19, $0xb8;
	[tilespmem:$0x1E080] =	vst v63  }
0x71: {  	_ =	swait.ge [sflag:s17], $0x4000  }
0x72: {  	[sflag:s17] =	ssyncset.done $0x0  }
0x73: {  	s30 =	sadd.s32 $0x100, s29;
	[sflag:s17] =	ssyncadd.s32 $0xFFFFC000  }
0x74: {  	[tilespmem:s20], [sflag:$0x1] =	stream.indirect.gather [hbm4b:s5+s19], $0x80, s30, s19, $0xb8;
	[tilespmem:$0x1E080] =	vst v63  }
0x75: {  	_ =	swait.ge [sflag:s23], $0x4000  }
0x76: {  	[sflag:s23] =	ssyncset.done $0x0  }
.Ltmp1:
0x77: {  	s30 =	sadd.s32 $0x5080, s29;
	[sflag:s23] =	ssyncadd.s32 $0xFFFFC000;
	(pc) =	sbr.rel @p1 .LBB2_4-.Ltmp1, $4  }
0x78: {  	[spmem:s3] =	stream.indirect.scatter.add.f32 [tilespmem:s21], [sflag:$0x3], $0x80, s30, s19, $0xb8;
	[tilespmem:$0x1E080] =	vst v63  }
0x79: {  	_ =	swait.ge [sflag:s17], $0x4000  }
0x7a: {  	[sflag:s17] =	ssyncset.done $0x0  }
0x7b: {  	s29 =	sadd.s32 $0x180, s29;
	[sflag:s17] =	ssyncadd.s32 $0xFFFFC000  }
0x7c: {  	[tilespmem:s21], [sflag:$0x2] =	stream.indirect.gather [hbm4b:s5+s19], $0x80, s29, s19, $0xb8;
	[tilespmem:$0x1E080] =	vst v63  }
0x7d: {  	_ =	swait.ge [sflag:s22], $0x4000  }
0x7e: {  	[sflag:s22] =	ssyncset.done $0x0  }
0x7f: {  	[sflag:s22] =	ssyncadd.s32 $0xFFFFC000  }
0x80: {  	[spmem:s3] =	stream.indirect.scatter.add.f32 [tilespmem:s20], [sflag:$0x3], $0x80, s24, s19, $0xb8;
	[tilespmem:$0x1E080] =	vst v63  }
0x81: {  	_ =	swait.ge [sflag:s17], $0x4000  }
0x82: {  	[sflag:s17] =	ssyncset.done $0x0  }
0x83: {  	[sflag:s17] =	ssyncadd.s32 $0xFFFFC000  }
0x84: {  	_ =	swait.ge [sflag:s23], $0x4000  }
0x85: {  	[sflag:s23] =	ssyncset.done $0x0  }
0x86: {  	[sflag:s23] =	ssyncadd.s32 $0xFFFFC000  }
0x87: {  	[spmem:s3] =	stream.indirect.scatter.add.f32 [tilespmem:s21], [sflag:$0x3], $0x80, s25, s19, $0xb8;
	[tilespmem:$0x1E080] =	vst v63  }
0x88: {  	_ =	swait.ge [sflag:s17], $0x4000  }
0x89: {  	s28 =	sshll.u32 s0, $0x6;
	s26 =	sadd.s32 $0x1, s26;
	[sflag:s17] =	ssyncset.done $0x0  }
0x8a: {  	s31 =	sshrl.u32 s6, $0x3;
	p1 =	sne.s32 s26, s15;
	[sflag:s17] =	ssyncadd.s32 $0xFFFFC000  }
.Ltmp2:
0x8b: {  	s28 =	sor.u32 $0x1C03, s28;
	[bflag:$0x0] =	sbarrier.arrive $0xFFFF;
	(pc) =	sbr.rel @p1 .LBB2_1-.Ltmp2, $4  }
0x8c: {  	[hbm:s14], [sflag:s28] =	dma.local [spmem:s31], $0x1400  }
0x8d: {  	_ =	swait.ge [sflag:s17], $0x1400  }
0x8e: {  	[sflag:s17] =	ssyncset.done $0x0  }
0x8f: {  	[sflag:s17] =	ssyncadd.s32 $0xFFFFEC00  }
0x90: {  	_ =	sfence.sel $0x180000  }
0x91: {  	[bflag:$0x0] =	sbarrier.arrive $0xFFFF  }
0x92: {  	p0 =	sne.s32 s0, $0x0;
	_ =	strace $0x9000004A  }
0x93: {  	s0 =	sadd.s32 @!p0 $0x100000, s1;
	[bflag:$0x2] =	sbarrier.arrive $0xFFFF  }
0x94: {  	[sflag:s0] =	ssyncadd.tile.s32 @!p0 $0x1;
	_ =	shalt  }
.Lfunc_end2:
_tile_overlayer_lowered:
.L_overlay_start_2:
0x95: {  	(tag) =	ssettag $0x2  }
0x96: {  	s0 =	rddreg [dreg:$0x0];
	s2 =	stileid.u32  }
0x97: {  	s1 =	rddreg [dreg:$0x1];
	p0 =	sne.s32 s2, $0x0  }
0x98: {  	s3 =	rddreg [dreg:$0x2];
	[bflag:$0x3] =	sbarrier.arrive $0xFFFF;
	s2 =	simm.s32 @!p0 $0x1C03  }
0x99: {  	[timem:s3], [sflag:s2] =	dma.local @!p0 [hbm:s0], s1  }
0x9a: {  	s0 =	simm.s32 @!p0 $0x3  }
0x9b: {  	_ =	swait.ge @!p0 [sflag:s0], s1  }
0x9c: {  	s1 =	ssub.s32 @!p0 $0x0, s1;
	[sflag:s0] =	ssyncset.done @!p0 $0x0  }
0x9d: {  	[sflag:s0] =	ssyncadd.s32 @!p0 s1  }
0x9e: {  	[bflag:$0x3] =	sbarrier.arrive $0xFFFF  }
0x9f: {  	_ =	shalt  }

// kernel: kernel.19.cloned.1.call-start
scs
__scs_entry_jumppad:
0x0: {  	(pc) =	sbr.rel $0x88, $3  }
0x1: {  	(tag) =	ssettag $0x0;
	lr =	simm.s32 $0x1  }
0x2: {  	[smem:$0x3F82] =	sst lr;
	_ =	strace $0xD0000000  }
0x3: {  	_ = 	snop  }
0x4: {  	_ = 	snop  }
0x5: {  	_ = 	snop  }
0x6: {  	_ = 	snop  }
0x7: {  	_ = 	snop  }
__scs_overlays_trampoline_lowered:
0x8: {  	[smem:$0x3F91] =	sst s0  }
0x9: {  	[smem:$0x3F92] =	sst s1  }
0xa: {  	[smem:$0x3F93] =	sst s2  }
0xb: {  	[smem:$0x3F94] =	sst s3  }
0xc: {  	[smem:$0x3F95] =	sst s4  }
0xd: {  	[smem:$0x3F96] =	sst s5  }
0xe: {  	[smem:$0x3F97] =	sst s6  }
0xf: {  	[smem:$0x3F98] =	sst s7  }
0x10: {  	[smem:$0x3F99] =	sst s8  }
0x11: {  	[smem:$0x3F9A] =	sst s9;
	s0 =	simm.s32 @!p0 $0x0  }
0x12: {  	s1 =	sld [smem:$0x3F80];
	s0 =	simm.s32 @p0 $0x1  }
0x13: {  	[smem:$0x3F9B] =	sst s0;
	s0 =	simm.s32 @!p1 $0x0  }
0x14: {  	s2 =	sld [smem:$0x3F7F];
	s0 =	simm.s32 @p1 $0x1  }
0x15: {  	[smem:$0x3F9C] =	sst s0;
	s0 =	simm.s32 @!p2 $0x0  }
0x16: {  	s3 =	sld [smem:$0x3FDB];
	s0 =	simm.s32 @p2 $0x1  }
0x17: {  	s4 =	simm.s32 $0x1BF5;
	[smem:$0x3F9E] =	sst s0  }
0x18: {  	s0 =	sld [smem:$0x3F81];
	_ =	swait.ge [sflag:s4], $0x0  }
0x19: {  	s7 =	sld [smem:$0x3F82]  }
0x1a: {  	s8 =	sadd.s32 $0xFFFFE003, lr  }
0x1b: {  	s9 =	sadd.s32 $0xFFFFFEF7, lr;
	s5 =	simm.s32 $0xFFFFFFFF;
	p2 =	slt.u32 s8, $0xFFFFF086  }
0x1c: {  	p1 =	slt.u32 s9, $0xF7A;
	s5 =	simm.s32 @!p2 $0x0  }
0x1d: {  	s5 =	simm.s32 @p1 $0x1;
	p0 =	seq.s32 s7, s2  }
0x1e: {  	s7 =	smul.u32 @!p0 $0xF7A, s2;
	p2 =	seq.s32 @!p0 s5, $0x0  }
0x1f: {  	s9 =	smul.u32 $0xF7A, s1;
	s8 =	simm.s32 @!p0 $0x1BF5;
	p2 =	por !p2, p0  }
0x20: {  	[sflag:s8] =	ssyncset.s32 @!p0 $0xFFFFF086;
	s6 =	sadd.s32 @!p0 s3, s7;
	s7 =	simm.s32 @!p0 $0x108  }
0x21: {  	s3 =	sadd.s32 s3, s9;
	s6 =	sadd.s32 @!p0 $0x88, s6;
	s7 =	simm.s32 @p2 $0x1082  }
0x22: {  	[simem:s7], [sflag:s8] =	dma.local @!p0 [hbm:s6], $0xF7A  }
0x23: {  	s9 =	sor.u32 $0xD0000000, s2;
	s6 =	simm.s32 $0x108;
	_ =	swait.ge @!p0 [sflag:s8], $0x0  }
0x24: {  	s3 =	sadd.s32 $0x88, s3;
	s6 =	simm.s32 @!p1 $0x1082;
	[sflag:s4] =	ssyncset.s32 $0xFFFFF086  }
0x25: {  	[simem:s6], [sflag:s4] =	dma.local [hbm:s3], $0xF7A  }
0x26: {  	[smem:$0x3F82] =	sst s1;
	(tag) =	ssettag s2;
	_ =	strace s9  }
0x27: {  	s1 =	sld [smem:$0x3F92]  }
0x28: {  	s2 =	sld [smem:$0x3F93]  }
0x29: {  	s4 =	sld [smem:$0x3F95]  }
0x2a: {  	p0 =	seq.s32 s5, $0x0;
	s5 =	sld [smem:$0x3F96]  }
0x2b: {  	s6 =	sld [smem:$0x3F97]  }
0x2c: {  	s7 =	sld [smem:$0x3F98]  }
0x2d: {  	s3 =	simm.s32 $0x108;
	s8 =	sld [smem:$0x3F99]  }
0x2e: {  	s3 =	simm.s32 @!p0 $0x1082;
	s9 =	sld [smem:$0x3F9A]  }
0x2f: {  	lr =	sadd.s32 s0, s3;
	s0 =	sld [smem:$0x3F91]  }
0x30: {  	s3 =	sld [smem:$0x3F94]  }
0x31: {  	[smem:$0x3F9D] =	sst s10  }
0x32: {  	s10 =	sld [smem:$0x3F9B];
	_ =	sdelay $0x3  }
0x33: {  	p0 =	seq.s32 s10, $0x1;
	s10 =	sld [smem:$0x3F9D];
	_ =	sdelay $0x3  }
0x34: {  	[smem:$0x3F9D] =	sst s10  }
0x35: {  	s10 =	sld [smem:$0x3F9C];
	_ =	sdelay $0x3  }
0x36: {  	p1 =	seq.s32 s10, $0x1;
	s10 =	sld [smem:$0x3F9D];
	_ =	sdelay $0x3  }
0x37: {  	[smem:$0x3F9D] =	sst s10  }
0x38: {  	s10 =	sld [smem:$0x3F9E]  }
0x39: {  	_ = 	snop;
	(pc) =	sbr.ind lr, $3  }
0x3a: {  	_ = 	snop  }
0x3b: {  	_ = 	snop  }
0x3c: {  	p2 =	seq.s32 s10, $0x1;
	s10 =	sld [smem:$0x3F9D]  }
0x3d: {  	_ =	shalt  }
0x3e: {  	_ =	shalt  }
0x3f: {  	_ =	shalt  }
0x40: {  	_ =	shalt  }
0x41: {  	_ =	shalt  }
0x42: {  	_ =	shalt  }
0x43: {  	_ =	shalt  }
0x44: {  	_ =	shalt  }
0x45: {  	_ =	shalt  }
0x46: {  	_ =	shalt  }
0x47: {  	_ =	shalt  }
0x48: {  	_ =	shalt  }
0x49: {  	_ =	shalt  }
0x4a: {  	_ =	shalt  }
0x4b: {  	_ =	shalt  }
0x4c: {  	_ =	shalt  }
0x4d: {  	_ =	shalt  }
0x4e: {  	_ =	shalt  }
0x4f: {  	_ =	shalt  }
0x50: {  	_ =	shalt  }
0x51: {  	_ =	shalt  }
0x52: {  	_ =	shalt  }
0x53: {  	_ =	shalt  }
0x54: {  	_ =	shalt  }
0x55: {  	_ =	shalt  }
0x56: {  	_ =	shalt  }
0x57: {  	_ =	shalt  }
0x58: {  	_ =	shalt  }
0x59: {  	_ =	shalt  }
0x5a: {  	_ =	shalt  }
0x5b: {  	_ =	shalt  }
0x5c: {  	_ =	shalt  }
0x5d: {  	_ =	shalt  }
0x5e: {  	_ =	shalt  }
0x5f: {  	_ =	shalt  }
0x60: {  	_ =	shalt  }
0x61: {  	_ =	shalt  }
0x62: {  	_ =	shalt  }
0x63: {  	_ =	shalt  }
0x64: {  	_ =	shalt  }
0x65: {  	_ =	shalt  }
0x66: {  	_ =	shalt  }
0x67: {  	_ =	shalt  }
0x68: {  	_ =	shalt  }
0x69: {  	_ =	shalt  }
0x6a: {  	_ =	shalt  }
0x6b: {  	_ =	shalt  }
0x6c: {  	_ =	shalt  }
0x6d: {  	_ =	shalt  }
0x6e: {  	_ =	shalt  }
0x6f: {  	_ =	shalt  }
0x70: {  	_ =	shalt  }
0x71: {  	_ =	shalt  }
0x72: {  	_ =	shalt  }
0x73: {  	_ =	shalt  }
0x74: {  	_ =	shalt  }
0x75: {  	_ =	shalt  }
0x76: {  	_ =	shalt  }
0x77: {  	_ =	shalt  }
0x78: {  	_ =	shalt  }
0x79: {  	_ =	shalt  }
0x7a: {  	_ =	shalt  }
0x7b: {  	_ =	shalt  }
0x7c: {  	_ =	shalt  }
0x7d: {  	_ =	shalt  }
0x7e: {  	_ =	shalt  }
0x7f: {  	_ =	shalt  }
0x80: {  	_ =	shalt  }
0x81: {  	_ =	shalt  }
0x82: {  	_ =	shalt  }
0x83: {  	_ =	shalt  }
0x84: {  	_ =	shalt  }
0x85: {  	_ =	shalt  }
0x86: {  	_ =	shalt  }
0x87: {  	_ =	shalt  }
.Lfunc_end0:
.L_simem_size_0:
called_computation.1_lowered:
.L_overlay_start_0:
0x88: {  	s2 =	sld [smem:$0x3FD9]  }
0x89: {  	s3 =	sld [smem:$0x3FFE];
	_ =	sdelay $0x1  }
0x8a: {  	s1 =	srdreg.scid  }
0x8b: {  	s0 =	sand.u32 $0x1, s1  }
0x8c: {  	s17 =	sshll.u32 s0, $0xA;
	s2 =	sadd.s32 s3, s2  }
0x8d: {  	s2 =	sadd.s32 s2, s17  }
0x8e: {  	[smem:$0x3FA9] =	sst s2  }
0x8f: {  	_ = 	snop  }
0x90: {  	s2 =	sld [smem:$0x3FD0];
	(tm) =	ssettm $0x1  }
0x91: {  	s18 =	sld [smem:$0x3FFB];
	_ =	sdelay $0x3  }
0x92: {  	_ =	strace s18  }
0x93: {  	s3 =	sld [smem:$0x3FFC];
	_ =	sdelay $0x3  }
0x94: {  	_ =	strace s3  }
0x95: {  	s3 =	sld [smem:$0x3FFD];
	_ =	sdelay $0x3  }
0x96: {  	_ =	strace s3  }
0x97: {  	_ =	strace $0x8FFFFFFF  }
0x98: {  	s19 =	sld [smem:$0x3FDB];
	_ =	sdelay $0x1  }
0x99: {  	s4 =	simm.s32 $_scs_section_size  }
0x9a: {  	s5 =	simm.s32 $_size__tile_overlayer_lowered;
	s6 =	simm.s32 $_tile_overlayer_lowered  }
0x9b: {  	s22 =	simm.s32 $0x1BFF;
	s21 =	sshll.u32 s6, $0x1;
	s3 =	sadd.s32 s4, s19  }
0x9c: {  	s7 =	simm.s32 $0x0;
	s20 =	sshll.u32 s5, $0x1;
	s5 =	sadd.s32 s21, s3  }
0x9d: {  	[timem:s7], [sflag:s22] =	dma.local [hbm:s5], s20  }
0x9e: {  	_ =	swait.ge [sflag:s22], s20  }
0x9f: {  	s4 =	ssub.s32 $0x0, s20;
	[sflag:s22] =	ssyncset.done $0x0  }
0xa0: {  	[sflag:s22] =	ssyncadd.s32 s4;
	_ =	sdelay $0x1  }
0xa1: {  	s23 =	simm.s32 $0x1B8B  }
0xa2: {  	_ =	swait.ge [sflag:s23], $0x1  }
0xa3: {  	[sflag:s23] =	ssyncset.done $0x0  }
0xa4: {  	s25 =	simm.s32 $0x1B8E;
	s24 =	sld [smem:$0x3FFE];
	[sflag:s23] =	ssyncadd.s32 $0xFFFFFFFF  }
0xa5: {  	s26 =	simm.s32 $execute0_lowered;
	[smem:$0x3FD2] =	sst s25  }
0xa6: {  	s5 =	sshll.u32 s26, $0x1;
	_ =	strace $0x80000046;
	[dreg:$0x1] =	wrdreg $0xFFFFFFFF  }
0xa7: {  	s28 =	simm.s32 $_size_execute0_lowered;
	s3 =	sadd.s32 s3, s5;
	[dreg:$0x0] =	wrdreg $0x0  }
0xa8: {  	s5 =	sshll.u32 s28, $0x1;
	[dreg:$0x2] =	wrdreg s3  }
0xa9: {  	[dreg:$0x3] =	wrdreg s5  }
0xaa: {  	[dreg:$0x4] =	wrdreg $0xC0  }
0xab: {  	_ =	task [dreg:s7], $0x5FFFF  }
0xac: {  	[dreg:$0x1] =	wrdreg $0xFFFFFFFF  }
0xad: {  	[dreg:$0x0] =	wrdreg $0x60  }
0xae: {  	[dreg:$0x2] =	wrdreg s24  }
0xaf: {  	[dreg:$0x3] =	wrdreg s2  }
0xb0: {  	[dreg:$0x4] =	wrdreg $0x140000  }
0xb1: {  	[dreg:$0x5] =	wrdreg $0xA  }
0xb2: {  	_ =	task.clear_ibuf [dreg:s7], $0x6FFFF;
	_ =	strace $0x90000046  }
0xb3: {  	s29 =	simm.s32 $0xA;
	_ =	strace $0x80000048  }
0xb4: {  	_ =	swait.ge [sflag:s29], $0x1  }
0xb5: {  	[sflag:s29] =	ssyncadd.s32 $0xFFFFFFFF  }
0xb6: {  	_ =	strace $0x90000048  }
0xb7: {  	_ =	sfence  }
0xb8: {  	s30 =	sld [smem:$0x0];
	_ =	sdelay $0x2  }
0xb9: {  	s31 =	sshll.u32 s1, $0xD;
	s1 =	sshrl.u32 s1, $0x2  }
0xba: {  	s3 =	sand.u32 $0x4000, s31;
	s1 =	sadd.s32 s1, s30  }
0xbb: {  	s0 =	sor.u32 s3, s0;
	s1 =	sshll.u32 s1, $0x11  }
0xbc: {  	s0 =	sor.u32 s1, s0  }
0xbd: {  	s0 =	sadd.s32 $0x8F2B, s0  }
0xbe: {  	[sflag:s0] =	ssyncadd.remote.s32 $0x1  }
0xbf: {  	_ =	sfence.sel $0xFFFF  }
0xc0: {  	[dreg:$0x0] =	wrdreg $0xFFFFFFFF;
	(pc) =	sbr.abs _section_cstart, $3  }
0xc1: {  	[dreg:$0x1] =	wrdreg $0xFFFFFFFF  }
0xc2: {  	_ =	task.clear_ibuf [dreg:s7], $0x2FFFF;
	_ =	strace $0x9FFFFFFF  }
0xc3: {  	(tm) =	ssettm $0x7FFFFFFF  }
tec
execute0_lowered:
.L_overlay_start_1:
0x0: {  	(tag) =	ssettag $0x1  }
0x1: {  	s7 =	rddreg [dreg:$0x0];
	s0 =	stileid.u32  }
0x2: {  	s1 =	srdreg.scid;
	s2 =	rddreg [dreg:$0x1]  }
0x3: {  	s3 =	rddreg [dreg:$0x2];
	s4 =	simm.s32 $0x0;
	s16 =	simm.s32 $0x12000  }
0x4: {  	s17 =	simm.s32 $0x3;
	s18 =	simm.s32 $0x5000;
	s19 =	simm.s32 $0x80  }
0x5: {  	s20 =	simm.s32 $0xA000;
	s21 =	simm.s32 $0xE000;
	s22 =	simm.s32 $0x1  }
0x6: {  	s23 =	simm.s32 $0x2;
	s26 =	simm.s32 $0x0;
	s6 =	smul.u32 $0xA00, s0  }
0x7: {  	s8 =	sand.u32 $0x1, s1;
	s1 =	rddreg [dreg:$0x3];
	s9 =	smul.u32 $0x140, s0  }
0x8: {  	[smem:$0x7FF] =	sst s4;
	s10 =	smul.u32 $0x28000, s0;
	s5 =	sadd.s32 $0x7000, s7  }
0x9: {  	s25 =	sor.u32 $0x1400, s0;
	p0 =	sne.s32 s0, $0xF;
	s24 =	smul.u32 $0x1400, s8  }
0xa: {  	_ =	strace $0x80000047;
	s8 =	ssub.s32 $0x2, s8;
	v1 =	vmov s25;
	s25 =	simm.s32 $0x9F80  }
0xb: {  	s13 =	sadd.s32 s6, s7;
	s30 =	sshrl.u32 s10, $0x2;
	s11 =	sshrl.u32 s8, $0x1  }
0xc: {  	s29 =	sadd.s32 s9, s24;
	s6 =	sadd.s32 s30, s3;
	s15 =	ssub.s32 s8, s11  }
0xd: {  	s11 =	sadd.s32 $0xA0000, s3;
	s12 =	sadd.s32 $0x61000, s13;
	s13 =	sadd.s32 $0x57000, s13  }
0xe: {  	v0 =	vmov s24;
	s24 =	simm.s32 $0x9F00;
	s31 =	sshll.u32 s29, $0x4;
	s8 =	sadd.s32 $0x4000, s6  }
0xf: {  	s9 =	sadd.s32 $0x6000, s6;
	s10 =	sadd.s32 $0x8000, s6;
	s14 =	sadd.s32 s31, s7  }
0x10: {  	s15 =	smax.u32 s15, $0x1;
	s7 =	sadd.s32 $0x2000, s6;
	s14 =	sadd.s32 $0x6B000, s14  }
.LBB2_1:
0x11: {  	[tilespmem:s16], [sflag:$0x3] =	stream.linear.gather [hbm4b:s2+s4], $0x2000, $0x38;
	[tilespmem:$0x1E080] =	vst v63  }
0x12: {  	_ =	swait.ge [sflag:s17], $0x2000  }
0x13: {  	[sflag:s17] =	ssyncset.done $0x0  }
0x14: {  	[sflag:s17] =	ssyncadd.s32 $0xFFFFE000  }
0x15: {  	[spmem:s6] =	stream.linear.scatter [tilespmem:s16], [sflag:$0x3], $0x2000, $0x38;
	[tilespmem:$0x1E080] =	vst v63  }
0x16: {  	_ =	swait.ge [sflag:s17], $0x2000  }
0x17: {  	[sflag:s17] =	ssyncset.done $0x0  }
0x18: {  	[sflag:s17] =	ssyncadd.s32 $0xFFFFE000  }
0x19: {  	[spmem:s7] =	stream.linear.scatter [tilespmem:s16], [sflag:$0x3], $0x2000, $0x38;
	[tilespmem:$0x1E080] =	vst v63  }
0x1a: {  	_ =	swait.ge [sflag:s17], $0x2000  }
0x1b: {  	[sflag:s17] =	ssyncset.done $0x0  }
0x1c: {  	[sflag:s17] =	ssyncadd.s32 $0xFFFFE000  }
0x1d: {  	[spmem:s8] =	stream.linear.scatter [tilespmem:s16], [sflag:$0x3], $0x2000, $0x38;
	[tilespmem:$0x1E080] =	vst v63  }
0x1e: {  	_ =	swait.ge [sflag:s17], $0x2000  }
0x1f: {  	[sflag:s17] =	ssyncset.done $0x0  }
0x20: {  	[sflag:s17] =	ssyncadd.s32 $0xFFFFE000  }
0x21: {  	[spmem:s9] =	stream.linear.scatter [tilespmem:s16], [sflag:$0x3], $0x2000, $0x38;
	[tilespmem:$0x1E080] =	vst v63  }
0x22: {  	_ =	swait.ge [sflag:s17], $0x2000  }
0x23: {  	[sflag:s17] =	ssyncset.done $0x0  }
0x24: {  	[sflag:s17] =	ssyncadd.s32 $0xFFFFE000  }
0x25: {  	[spmem:s10] =	stream.linear.scatter [tilespmem:s16], [sflag:$0x3], $0x2000, $0x38;
	[tilespmem:$0x1E080] =	vst v63  }
0x26: {  	_ =	swait.ge [sflag:s17], $0x2000  }
0x27: {  	[sflag:s17] =	ssyncset.done $0x0  }
0x28: {  	s28 =	simm.s32 @!p0 $0x12000;
	[sflag:s17] =	ssyncadd.s32 $0xFFFFE000  }
0x29: {  	[spmem:s11] =	stream.linear.scatter @!p0 [tilespmem:s28], [sflag:$0x3], $0x800, $0x38;
	[tilespmem:$0x1E080] =	vst v63  }
0x2a: {  	s28 =	simm.s32 @!p0 $0x3  }
0x2b: {  	_ =	swait.ge @!p0 [sflag:s28], $0x800  }
0x2c: {  	[sflag:s28] =	ssyncset.done @!p0 $0x0  }
0x2d: {  	[sflag:s28] =	ssyncadd.s32 @!p0 $0xFFFFF800  }
0x2e: {  	[tilespmem:s4], [sflag:$0x3] =	stream.linear.gather [hbm4b:s12+s4], $0x5000, $0x38;
	[tilespmem:$0x1E080] =	vst v63  }
0x2f: {  	_ =	swait.ge [sflag:s17], $0x5000  }
0x30: {  	[sflag:s17] =	ssyncset.done $0x0  }
0x31: {  	[sflag:s17] =	ssyncadd.s32 $0xFFFFB000  }
0x32: {  	[tilespmem:s18], [sflag:$0x3] =	stream.linear.gather [hbm4b:s13+s4], $0x5000, $0x38;
	[tilespmem:$0x1E080] =	vst v63  }
0x33: {  	_ =	swait.ge [sflag:s17], $0x5000  }
0x34: {  	[sflag:s17] =	ssyncset.done $0x0  }
0x35: {  	s28 =	simm.s32 $0x0;
	[sflag:s17] =	ssyncadd.s32 $0xFFFFB000  }
0x36: {  	v2 =	vld [tilespmem:s28+$0x5000];
	_ =	sdelay $0x1  }
0x37: {  	v3 =	vld [tilespmem:s28+$0x5010];
	_ =	sdelay $0x1  }
0x38: {  	v6 =	vld [tilespmem:s28+$0x5020]  }
0x39: {  	v9 =	vld [tilespmem:s28+$0x5030];
	v4 =	vsub.s32 v2, v0  }
0x3a: {  	vm0 =	vge.s32 v2, v0;
	vm1 =	vlt.s32 v4, $0x1400  }
0x3b: {  	v7 =	vsub.s32 v3, v0;
	vm0 =	vmand vm0, vm1;
	vm1 =	vge.s32 v3, v0;
	v3 =	vld [tilespmem:s28+$0x5040]  }
0x3c: {  	vm2 =	vlt.s32 v7, $0x1400;
	v5 =	vsel vm0, v4, v1;
	v4 =	vld [tilespmem:s28+$0x5050]  }
0x3d: {  	v8 =	vsub.s32 v6, v0;
	vm0 =	vmand vm1, vm2  }
0x3e: {  	vm1 =	vge.s32 v6, v0;
	vm2 =	vlt.s32 v8, $0x1400;
	v6 =	vsub.s32 v9, v0  }
0x3f: {  	s29 =	simm.s32 $0x200;
	v2 =	vld [tilespmem:s28+$0x5060];
	vm1 =	vmand vm1, vm2;
	vm2 =	vge.s32 v9, v0;
	vm3 =	vlt.s32 v6, $0x1400  }
.LBB2_2:
0x40: {  	p1 =	sne.s32 s29, $0x13E00;
	v7 =	vsel vm0, v7, v1;
	v8 =	vsel vm1, v8, v1;
	vm0 =	vmand vm2, vm3;
	v9 =	vld [tilespmem:s28+$0x5070]  }
0x41: {  	v10 =	vsub.s32 v3, v0;
	vm1 =	vge.s32 v3, v0;
	v3 =	vsub.s32 v4, v0  }
0x42: {  	s30 =	sshra.s32 s29, $0x2;
	vm2 =	vlt.s32 v10, $0x1400;
	vm3 =	vge.s32 v4, v0;
	[tilespmem:s28+$0x5000] =	vst v5;
	vm4 =	vlt.s32 v3, $0x1400  }
0x43: {  	v5 =	vsel vm0, v6, v1;
	vm0 =	vmand vm1, vm2;
	v4 =	vld [tilespmem:s30+$0x5000];
	[tilespmem:s28+$0x5010] =	vst v7;
	vm1 =	vmand vm3, vm4  }
0x44: {  	v7 =	vsel vm0, v10, v1;
	v6 =	vld [tilespmem:s30+$0x5010];
	[tilespmem:s28+$0x5020] =	vst v8;
	v3 =	vsel vm1, v3, v1;
	v8 =	vsub.s32 v2, v0  }
0x45: {  	vm0 =	vge.s32 v2, v0;
	[tilespmem:s28+$0x5030] =	vst v5;
	vm1 =	vlt.s32 v8, $0x1400;
	v2 =	vsub.s32 v9, v0  }
0x46: {  	v10 =	vld [tilespmem:s30+$0x5020];
	[tilespmem:s28+$0x5040] =	vst v7;
	vm0 =	vmand vm0, vm1;
	vm1 =	vge.s32 v9, v0;
	vm2 =	vlt.s32 v2, $0x1400  }
0x47: {  	v9 =	vld [tilespmem:s30+$0x5030];
	[tilespmem:s28+$0x5050] =	vst v3;
	v3 =	vsel vm0, v8, v1;
	vm0 =	vmand vm1, vm2  }
0x48: {  	v5 =	vsub.s32 v4, v0;
	[tilespmem:s28+$0x5060] =	vst v3;
	v2 =	vsel vm0, v2, v1  }
.Ltmp0:
0x49: {  	vm0 =	vge.s32 v4, v0;
	vm1 =	vlt.s32 v5, $0x1400;
	v7 =	vsub.s32 v6, v0;
	v3 =	vld [tilespmem:s30+$0x5040];
	[tilespmem:s28+$0x5070] =	vst v2;
	s28 =	smov.u32 s30;
	(pc) =	sbr.rel @p1 .LBB2_2-.Ltmp0, $4  }
0x4a: {  	vm0 =	vmand vm0, vm1;
	vm1 =	vge.s32 v6, v0;
	vm2 =	vlt.s32 v7, $0x1400;
	v4 =	vld [tilespmem:s28+$0x5050]  }
0x4b: {  	v5 =	vsel vm0, v5, v1;
	vm0 =	vmand vm1, vm2;
	v8 =	vsub.s32 v10, v0  }
0x4c: {  	vm1 =	vge.s32 v10, v0;
	vm2 =	vlt.s32 v8, $0x1400;
	v6 =	vsub.s32 v9, v0  }
0x4d: {  	s29 =	sadd.s32 $0x200, s29;
	vm1 =	vmand vm1, vm2;
	vm2 =	vge.s32 v9, v0;
	vm3 =	vlt.s32 v6, $0x1400;
	v2 =	vld [tilespmem:s28+$0x5060]  }
0x4e: {  	v7 =	vsel vm0, v7, v1;
	v8 =	vsel vm1, v8, v1;
	vm13 =	vmand vm2, vm3;
	v9 =	vld [tilespmem:s28+$0x5070]  }
0x4f: {  	v10 =	vsub.s32 v3, v0;
	vm14 =	vge.s32 v3, v0;
	v3 =	vsub.s32 v4, v0  }
0x50: {  	[tilespmem:s28+$0x5000] =	vst v5;
	vm15 =	vlt.s32 v10, $0x1400;
	vm8 =	vge.s32 v4, v0;
	vm4 =	vlt.s32 v3, $0x1400  }
0x51: {  	[tilespmem:s28+$0x5010] =	vst v7;
	v61 =	vsel vm13, v6, v1;
	vm9 =	vmand vm14, vm15;
	vm10 =	vmand vm8, vm4  }
0x52: {  	[tilespmem:s28+$0x5020] =	vst v8;
	v62 =	vsel vm9, v10, v1;
	v3 =	vsel vm10, v3, v1;
	v63 =	vsub.s32 v2, v0  }
0x53: {  	[tilespmem:s28+$0x5030] =	vst v61;
	vm11 =	vge.s32 v2, v0;
	vm12 =	vlt.s32 v63, $0x1400;
	v2 =	vsub.s32 v9, v0  }
0x54: {  	[tilespmem:s28+$0x5040] =	vst v62;
	vm13 =	vge.s32 v9, v0;
	vm0 =	vmand vm11, vm12;
	vm14 =	vlt.s32 v2, $0x1400  }
0x55: {  	[tilespmem:s28+$0x5050] =	vst v3;
	v3 =	vsel vm0, v63, v1;
	vm15 =	vmand vm13, vm14  }
0x56: {  	[tilespmem:s28+$0x5060] =	vst v3;
	v2 =	vsel vm15, v2, v1  }
0x57: {  	[tilespmem:s28+$0x5070] =	vst v2  }
0x58: {  	s28 =	simm.s32 $0x0;
	[bflag:$0x0] =	sbarrier.arrive $0xFFFF  }
0x59: {  	[tilespmem:s20], [sflag:$0x1] =	stream.indirect.gather [hbm4b:s5+s19], $0x80, s28, s19, $0xb8;
	[tilespmem:$0x1E080] =	vst v63  }
0x5a: {  	_ = 	snop  }
0x5b: {  	[tilespmem:s21], [sflag:$0x2] =	stream.indirect.gather [hbm4b:s5+s19], $0x80, s19, s19, $0xb8;
	[tilespmem:$0x1E080] =	vst v63  }
0x5c: {  	_ =	swait.ge [sflag:s22], $0x4000  }
0x5d: {  	[sflag:s22] =	ssyncset.done $0x0  }
0x5e: {  	s28 =	simm.s32 $0x5000;
	[sflag:s22] =	ssyncadd.s32 $0xFFFFC000  }
0x5f: {  	[spmem:s3] =	stream.indirect.scatter.add.f32 [tilespmem:s20], [sflag:$0x3], $0x80, s28, s19, $0xb8;
	[tilespmem:$0x1E080] =	vst v63  }
0x60: {  	_ =	swait.ge [sflag:s17], $0x4000  }
0x61: {  	[sflag:s17] =	ssyncset.done $0x0  }
0x62: {  	s28 =	simm.s32 $0x100;
	[sflag:s17] =	ssyncadd.s32 $0xFFFFC000  }
0x63: {  	[tilespmem:s20], [sflag:$0x1] =	stream.indirect.gather [hbm4b:s5+s19], $0x80, s28, s19, $0xb8;
	[tilespmem:$0x1E080] =	vst v63  }
0x64: {  	_ =	swait.ge [sflag:s23], $0x4000  }
0x65: {  	[sflag:s23] =	ssyncset.done $0x0  }
0x66: {  	s28 =	simm.s32 $0x5080;
	[sflag:s23] =	ssyncadd.s32 $0xFFFFC000  }
0x67: {  	[spmem:s3] =	stream.indirect.scatter.add.f32 [tilespmem:s21], [sflag:$0x3], $0x80, s28, s19, $0xb8;
	[tilespmem:$0x1E080] =	vst v63  }
0x68: {  	_ =	swait.ge [sflag:s17], $0x4000  }
0x69: {  	[sflag:s17] =	ssyncset.done $0x0  }
0x6a: {  	s29 =	simm.s32 $0x180;
	s28 =	simm.s32 $0x400;
	[sflag:s17] =	ssyncadd.s32 $0xFFFFC000  }
.LBB2_4:
0x6b: {  	[tilespmem:s21], [sflag:$0x2] =	stream.indirect.gather [hbm4b:s5+s19], $0x80, s29, s19, $0xb8;
	[tilespmem:$0x1E080] =	vst v63  }
0x6c: {  	s29 =	smov.u32 s28  }
0x6d: {  	p1 =	sne.s32 s28, $0x13800;
	s28 =	sadd.s32 $0x400, s28;
	_ =	swait.ge [sflag:s22], $0x4000  }
0x6e: {  	s29 =	sshra.s32 s29, $0x2;
	[sflag:s22] =	ssyncset.done $0x0  }
0x6f: {  	s30 =	sadd.s32 $0x5000, s29;
	[sflag:s22] =	ssyncadd.s32 $0xFFFFC000  }
0x70: {  	[spmem:s3] =	stream.indirect.scatter.add.f32 [tilespmem:s20], [sflag:$0x3], $0x80, s30, s19, $0xb8;
	[tilespmem:$0x1E080] =	vst v63  }
0x71: {  	_ =	swait.ge [sflag:s17], $0x4000  }
0x72: {  	[sflag:s17] =	ssyncset.done $0x0  }
0x73: {  	s30 =	sadd.s32 $0x100, s29;
	[sflag:s17] =	ssyncadd.s32 $0xFFFFC000  }
0x74: {  	[tilespmem:s20], [sflag:$0x1] =	stream.indirect.gather [hbm4b:s5+s19], $0x80, s30, s19, $0xb8;
	[tilespmem:$0x1E080] =	vst v63  }
0x75: {  	_ =	swait.ge [sflag:s23], $0x4000  }
0x76: {  	[sflag:s23] =	ssyncset.done $0x0  }
.Ltmp1:
0x77: {  	s30 =	sadd.s32 $0x5080, s29;
	[sflag:s23] =	ssyncadd.s32 $0xFFFFC000;
	(pc) =	sbr.rel @p1 .LBB2_4-.Ltmp1, $4  }
0x78: {  	[spmem:s3] =	stream.indirect.scatter.add.f32 [tilespmem:s21], [sflag:$0x3], $0x80, s30, s19, $0xb8;
	[tilespmem:$0x1E080] =	vst v63  }
0x79: {  	_ =	swait.ge [sflag:s17], $0x4000  }
0x7a: {  	[sflag:s17] =	ssyncset.done $0x0  }
0x7b: {  	s29 =	sadd.s32 $0x180, s29;
	[sflag:s17] =	ssyncadd.s32 $0xFFFFC000  }
0x7c: {  	[tilespmem:s21], [sflag:$0x2] =	stream.indirect.gather [hbm4b:s5+s19], $0x80, s29, s19, $0xb8;
	[tilespmem:$0x1E080] =	vst v63  }
0x7d: {  	_ =	swait.ge [sflag:s22], $0x4000  }
0x7e: {  	[sflag:s22] =	ssyncset.done $0x0  }
0x7f: {  	[sflag:s22] =	ssyncadd.s32 $0xFFFFC000  }
0x80: {  	[spmem:s3] =	stream.indirect.scatter.add.f32 [tilespmem:s20], [sflag:$0x3], $0x80, s24, s19, $0xb8;
	[tilespmem:$0x1E080] =	vst v63  }
0x81: {  	_ =	swait.ge [sflag:s17], $0x4000  }
0x82: {  	[sflag:s17] =	ssyncset.done $0x0  }
0x83: {  	[sflag:s17] =	ssyncadd.s32 $0xFFFFC000  }
0x84: {  	_ =	swait.ge [sflag:s23], $0x4000  }
0x85: {  	[sflag:s23] =	ssyncset.done $0x0  }
0x86: {  	[sflag:s23] =	ssyncadd.s32 $0xFFFFC000  }
0x87: {  	[spmem:s3] =	stream.indirect.scatter.add.f32 [tilespmem:s21], [sflag:$0x3], $0x80, s25, s19, $0xb8;
	[tilespmem:$0x1E080] =	vst v63  }
0x88: {  	_ =	swait.ge [sflag:s17], $0x4000  }
0x89: {  	s28 =	sshll.u32 s0, $0x6;
	s26 =	sadd.s32 $0x1, s26;
	[sflag:s17] =	ssyncset.done $0x0  }
0x8a: {  	s31 =	sshrl.u32 s6, $0x3;
	p1 =	sne.s32 s26, s15;
	[sflag:s17] =	ssyncadd.s32 $0xFFFFC000  }
.Ltmp2:
0x8b: {  	s28 =	sor.u32 $0x1C03, s28;
	[bflag:$0x0] =	sbarrier.arrive $0xFFFF;
	(pc) =	sbr.rel @p1 .LBB2_1-.Ltmp2, $4  }
0x8c: {  	[hbm:s14], [sflag:s28] =	dma.local [spmem:s31], $0x1400  }
0x8d: {  	_ =	swait.ge [sflag:s17], $0x1400  }
0x8e: {  	[sflag:s17] =	ssyncset.done $0x0  }
0x8f: {  	[sflag:s17] =	ssyncadd.s32 $0xFFFFEC00  }
0x90: {  	_ =	sfence.sel $0x180000  }
0x91: {  	[bflag:$0x0] =	sbarrier.arrive $0xFFFF  }
0x92: {  	p0 =	sne.s32 s0, $0x0;
	_ =	strace $0x90000047  }
0x93: {  	s0 =	sadd.s32 @!p0 $0x100000, s1;
	[bflag:$0x2] =	sbarrier.arrive $0xFFFF  }
0x94: {  	[sflag:s0] =	ssyncadd.tile.s32 @!p0 $0x1;
	_ =	shalt  }
.Lfunc_end2:
_tile_overlayer_lowered:
.L_overlay_start_2:
0x95: {  	(tag) =	ssettag $0x2  }
0x96: {  	s0 =	rddreg [dreg:$0x0];
	s2 =	stileid.u32  }
0x97: {  	s1 =	rddreg [dreg:$0x1];
	p0 =	sne.s32 s2, $0x0  }
0x98: {  	s3 =	rddreg [dreg:$0x2];
	[bflag:$0x3] =	sbarrier.arrive $0xFFFF;
	s2 =	simm.s32 @!p0 $0x1C03  }
0x99: {  	[timem:s3], [sflag:s2] =	dma.local @!p0 [hbm:s0], s1  }
0x9a: {  	s0 =	simm.s32 @!p0 $0x3  }
0x9b: {  	_ =	swait.ge @!p0 [sflag:s0], s1  }
0x9c: {  	s1 =	ssub.s32 @!p0 $0x0, s1;
	[sflag:s0] =	ssyncset.done @!p0 $0x0  }
0x9d: {  	[sflag:s0] =	ssyncadd.s32 @!p0 s1  }
0x9e: {  	[bflag:$0x3] =	sbarrier.arrive $0xFFFF  }
0x9f: {  	_ =	shalt  }

// kernel: kernel.22.cloned.1.call-start
scs
__scs_entry_jumppad:
0x0: {  	(pc) =	sbr.rel $0x88, $3  }
0x1: {  	(tag) =	ssettag $0x0;
	lr =	simm.s32 $0x1  }
0x2: {  	[smem:$0x3F82] =	sst lr;
	_ =	strace $0xD0000000  }
0x3: {  	_ = 	snop  }
0x4: {  	_ = 	snop  }
0x5: {  	_ = 	snop  }
0x6: {  	_ = 	snop  }
0x7: {  	_ = 	snop  }
__scs_overlays_trampoline_lowered:
0x8: {  	[smem:$0x3F91] =	sst s0  }
0x9: {  	[smem:$0x3F92] =	sst s1  }
0xa: {  	[smem:$0x3F93] =	sst s2  }
0xb: {  	[smem:$0x3F94] =	sst s3  }
0xc: {  	[smem:$0x3F95] =	sst s4  }
0xd: {  	[smem:$0x3F96] =	sst s5  }
0xe: {  	[smem:$0x3F97] =	sst s6  }
0xf: {  	[smem:$0x3F98] =	sst s7  }
0x10: {  	[smem:$0x3F99] =	sst s8  }
0x11: {  	[smem:$0x3F9A] =	sst s9;
	s0 =	simm.s32 @!p0 $0x0  }
0x12: {  	s1 =	sld [smem:$0x3F80];
	s0 =	simm.s32 @p0 $0x1  }
0x13: {  	[smem:$0x3F9B] =	sst s0;
	s0 =	simm.s32 @!p1 $0x0  }
0x14: {  	s2 =	sld [smem:$0x3F7F];
	s0 =	simm.s32 @p1 $0x1  }
0x15: {  	[smem:$0x3F9C] =	sst s0;
	s0 =	simm.s32 @!p2 $0x0  }
0x16: {  	s3 =	sld [smem:$0x3FDB];
	s0 =	simm.s32 @p2 $0x1  }
0x17: {  	s4 =	simm.s32 $0x1BF5;
	[smem:$0x3F9E] =	sst s0  }
0x18: {  	s0 =	sld [smem:$0x3F81];
	_ =	swait.ge [sflag:s4], $0x0  }
0x19: {  	s7 =	sld [smem:$0x3F82]  }
0x1a: {  	s8 =	sadd.s32 $0xFFFFE003, lr  }
0x1b: {  	s9 =	sadd.s32 $0xFFFFFEF7, lr;
	s5 =	simm.s32 $0xFFFFFFFF;
	p2 =	slt.u32 s8, $0xFFFFF086  }
0x1c: {  	p1 =	slt.u32 s9, $0xF7A;
	s5 =	simm.s32 @!p2 $0x0  }
0x1d: {  	s5 =	simm.s32 @p1 $0x1;
	p0 =	seq.s32 s7, s2  }
0x1e: {  	s7 =	smul.u32 @!p0 $0xF7A, s2;
	p2 =	seq.s32 @!p0 s5, $0x0  }
0x1f: {  	s9 =	smul.u32 $0xF7A, s1;
	s8 =	simm.s32 @!p0 $0x1BF5;
	p2 =	por !p2, p0  }
0x20: {  	[sflag:s8] =	ssyncset.s32 @!p0 $0xFFFFF086;
	s6 =	sadd.s32 @!p0 s3, s7;
	s7 =	simm.s32 @!p0 $0x108  }
0x21: {  	s3 =	sadd.s32 s3, s9;
	s6 =	sadd.s32 @!p0 $0x88, s6;
	s7 =	simm.s32 @p2 $0x1082  }
0x22: {  	[simem:s7], [sflag:s8] =	dma.local @!p0 [hbm:s6], $0xF7A  }
0x23: {  	s9 =	sor.u32 $0xD0000000, s2;
	s6 =	simm.s32 $0x108;
	_ =	swait.ge @!p0 [sflag:s8], $0x0  }
0x24: {  	s3 =	sadd.s32 $0x88, s3;
	s6 =	simm.s32 @!p1 $0x1082;
	[sflag:s4] =	ssyncset.s32 $0xFFFFF086  }
0x25: {  	[simem:s6], [sflag:s4] =	dma.local [hbm:s3], $0xF7A  }
0x26: {  	[smem:$0x3F82] =	sst s1;
	(tag) =	ssettag s2;
	_ =	strace s9  }
0x27: {  	s1 =	sld [smem:$0x3F92]  }
0x28: {  	s2 =	sld [smem:$0x3F93]  }
0x29: {  	s4 =	sld [smem:$0x3F95]  }
0x2a: {  	p0 =	seq.s32 s5, $0x0;
	s5 =	sld [smem:$0x3F96]  }
0x2b: {  	s6 =	sld [smem:$0x3F97]  }
0x2c: {  	s7 =	sld [smem:$0x3F98]  }
0x2d: {  	s3 =	simm.s32 $0x108;
	s8 =	sld [smem:$0x3F99]  }
0x2e: {  	s3 =	simm.s32 @!p0 $0x1082;
	s9 =	sld [smem:$0x3F9A]  }
0x2f: {  	lr =	sadd.s32 s0, s3;
	s0 =	sld [smem:$0x3F91]  }
0x30: {  	s3 =	sld [smem:$0x3F94]  }
0x31: {  	[smem:$0x3F9D] =	sst s10  }
0x32: {  	s10 =	sld [smem:$0x3F9B];
	_ =	sdelay $0x3  }
0x33: {  	p0 =	seq.s32 s10, $0x1;
	s10 =	sld [smem:$0x3F9D];
	_ =	sdelay $0x3  }
0x34: {  	[smem:$0x3F9D] =	sst s10  }
0x35: {  	s10 =	sld [smem:$0x3F9C];
	_ =	sdelay $0x3  }
0x36: {  	p1 =	seq.s32 s10, $0x1;
	s10 =	sld [smem:$0x3F9D];
	_ =	sdelay $0x3  }
0x37: {  	[smem:$0x3F9D] =	sst s10  }
0x38: {  	s10 =	sld [smem:$0x3F9E]  }
0x39: {  	_ = 	snop;
	(pc) =	sbr.ind lr, $3  }
0x3a: {  	_ = 	snop  }
0x3b: {  	_ = 	snop  }
0x3c: {  	p2 =	seq.s32 s10, $0x1;
	s10 =	sld [smem:$0x3F9D]  }
0x3d: {  	_ =	shalt  }
0x3e: {  	_ =	shalt  }
0x3f: {  	_ =	shalt  }
0x40: {  	_ =	shalt  }
0x41: {  	_ =	shalt  }
0x42: {  	_ =	shalt  }
0x43: {  	_ =	shalt  }
0x44: {  	_ =	shalt  }
0x45: {  	_ =	shalt  }
0x46: {  	_ =	shalt  }
0x47: {  	_ =	shalt  }
0x48: {  	_ =	shalt  }
0x49: {  	_ =	shalt  }
0x4a: {  	_ =	shalt  }
0x4b: {  	_ =	shalt  }
0x4c: {  	_ =	shalt  }
0x4d: {  	_ =	shalt  }
0x4e: {  	_ =	shalt  }
0x4f: {  	_ =	shalt  }
0x50: {  	_ =	shalt  }
0x51: {  	_ =	shalt  }
0x52: {  	_ =	shalt  }
0x53: {  	_ =	shalt  }
0x54: {  	_ =	shalt  }
0x55: {  	_ =	shalt  }
0x56: {  	_ =	shalt  }
0x57: {  	_ =	shalt  }
0x58: {  	_ =	shalt  }
0x59: {  	_ =	shalt  }
0x5a: {  	_ =	shalt  }
0x5b: {  	_ =	shalt  }
0x5c: {  	_ =	shalt  }
0x5d: {  	_ =	shalt  }
0x5e: {  	_ =	shalt  }
0x5f: {  	_ =	shalt  }
0x60: {  	_ =	shalt  }
0x61: {  	_ =	shalt  }
0x62: {  	_ =	shalt  }
0x63: {  	_ =	shalt  }
0x64: {  	_ =	shalt  }
0x65: {  	_ =	shalt  }
0x66: {  	_ =	shalt  }
0x67: {  	_ =	shalt  }
0x68: {  	_ =	shalt  }
0x69: {  	_ =	shalt  }
0x6a: {  	_ =	shalt  }
0x6b: {  	_ =	shalt  }
0x6c: {  	_ =	shalt  }
0x6d: {  	_ =	shalt  }
0x6e: {  	_ =	shalt  }
0x6f: {  	_ =	shalt  }
0x70: {  	_ =	shalt  }
0x71: {  	_ =	shalt  }
0x72: {  	_ =	shalt  }
0x73: {  	_ =	shalt  }
0x74: {  	_ =	shalt  }
0x75: {  	_ =	shalt  }
0x76: {  	_ =	shalt  }
0x77: {  	_ =	shalt  }
0x78: {  	_ =	shalt  }
0x79: {  	_ =	shalt  }
0x7a: {  	_ =	shalt  }
0x7b: {  	_ =	shalt  }
0x7c: {  	_ =	shalt  }
0x7d: {  	_ =	shalt  }
0x7e: {  	_ =	shalt  }
0x7f: {  	_ =	shalt  }
0x80: {  	_ =	shalt  }
0x81: {  	_ =	shalt  }
0x82: {  	_ =	shalt  }
0x83: {  	_ =	shalt  }
0x84: {  	_ =	shalt  }
0x85: {  	_ =	shalt  }
0x86: {  	_ =	shalt  }
0x87: {  	_ =	shalt  }
.Lfunc_end0:
.L_simem_size_0:
called_computation.2_lowered:
.L_overlay_start_0:
0x88: {  	s2 =	sld [smem:$0x3FD9]  }
0x89: {  	s3 =	sld [smem:$0x3FFE];
	_ =	sdelay $0x1  }
0x8a: {  	s1 =	srdreg.scid  }
0x8b: {  	s0 =	sand.u32 $0x1, s1  }
0x8c: {  	s17 =	sshll.u32 s0, $0xA;
	s2 =	sadd.s32 s3, s2  }
0x8d: {  	s2 =	sadd.s32 s2, s17  }
0x8e: {  	[smem:$0x3FA9] =	sst s2  }
0x8f: {  	_ = 	snop  }
0x90: {  	s2 =	sld [smem:$0x3FD0];
	(tm) =	ssettm $0x1  }
0x91: {  	s18 =	sld [smem:$0x3FFB];
	_ =	sdelay $0x3  }
0x92: {  	_ =	strace s18  }
0x93: {  	s3 =	sld [smem:$0x3FFC];
	_ =	sdelay $0x3  }
0x94: {  	_ =	strace s3  }
0x95: {  	s3 =	sld [smem:$0x3FFD];
	_ =	sdelay $0x3  }
0x96: {  	_ =	strace s3  }
0x97: {  	_ =	strace $0x8FFFFFFF  }
0x98: {  	s19 =	sld [smem:$0x3FDB];
	_ =	sdelay $0x1  }
0x99: {  	s4 =	simm.s32 $_scs_section_size  }
0x9a: {  	s5 =	simm.s32 $_size__tile_overlayer_lowered;
	s6 =	simm.s32 $_tile_overlayer_lowered  }
0x9b: {  	s22 =	simm.s32 $0x1BFF;
	s21 =	sshll.u32 s6, $0x1;
	s3 =	sadd.s32 s4, s19  }
0x9c: {  	s7 =	simm.s32 $0x0;
	s20 =	sshll.u32 s5, $0x1;
	s5 =	sadd.s32 s21, s3  }
0x9d: {  	[timem:s7], [sflag:s22] =	dma.local [hbm:s5], s20  }
0x9e: {  	_ =	swait.ge [sflag:s22], s20  }
0x9f: {  	s4 =	ssub.s32 $0x0, s20;
	[sflag:s22] =	ssyncset.done $0x0  }
0xa0: {  	[sflag:s22] =	ssyncadd.s32 s4;
	_ =	sdelay $0x1  }
0xa1: {  	s23 =	simm.s32 $0x1B8B  }
0xa2: {  	_ =	swait.ge [sflag:s23], $0x1  }
0xa3: {  	[sflag:s23] =	ssyncset.done $0x0  }
0xa4: {  	s25 =	simm.s32 $0x1B8E;
	s24 =	sld [smem:$0x3FFE];
	[sflag:s23] =	ssyncadd.s32 $0xFFFFFFFF  }
0xa5: {  	s26 =	simm.s32 $execute0_lowered;
	[smem:$0x3FD2] =	sst s25  }
0xa6: {  	s5 =	sshll.u32 s26, $0x1;
	_ =	strace $0x8000004C;
	[dreg:$0x1] =	wrdreg $0xFFFFFFFF  }
0xa7: {  	s28 =	simm.s32 $_size_execute0_lowered;
	s3 =	sadd.s32 s3, s5;
	[dreg:$0x0] =	wrdreg $0x0  }
0xa8: {  	s5 =	sshll.u32 s28, $0x1;
	[dreg:$0x2] =	wrdreg s3  }
0xa9: {  	[dreg:$0x3] =	wrdreg s5  }
0xaa: {  	[dreg:$0x4] =	wrdreg $0xC0  }
0xab: {  	_ =	task [dreg:s7], $0x5FFFF  }
0xac: {  	[dreg:$0x1] =	wrdreg $0xFFFFFFFF  }
0xad: {  	[dreg:$0x0] =	wrdreg $0x60  }
0xae: {  	[dreg:$0x2] =	wrdreg s24  }
0xaf: {  	[dreg:$0x3] =	wrdreg s2  }
0xb0: {  	[dreg:$0x4] =	wrdreg $0x140000  }
0xb1: {  	[dreg:$0x5] =	wrdreg $0x9  }
0xb2: {  	_ =	task.clear_ibuf [dreg:s7], $0x6FFFF;
	_ =	strace $0x9000004C  }
0xb3: {  	s29 =	simm.s32 $0x9;
	_ =	strace $0x8000004E  }
0xb4: {  	_ =	swait.ge [sflag:s29], $0x1  }
0xb5: {  	[sflag:s29] =	ssyncadd.s32 $0xFFFFFFFF  }
0xb6: {  	_ =	strace $0x9000004E  }
0xb7: {  	_ =	sfence  }
0xb8: {  	s30 =	sld [smem:$0x0];
	_ =	sdelay $0x2  }
0xb9: {  	s31 =	sshll.u32 s1, $0xD;
	s1 =	sshrl.u32 s1, $0x2  }
0xba: {  	s3 =	sand.u32 $0x4000, s31;
	s1 =	sadd.s32 s1, s30  }
0xbb: {  	s0 =	sor.u32 s3, s0;
	s1 =	sshll.u32 s1, $0x11  }
0xbc: {  	s0 =	sor.u32 s1, s0  }
0xbd: {  	s0 =	sadd.s32 $0x8F2B, s0  }
0xbe: {  	[sflag:s0] =	ssyncadd.remote.s32 $0x1  }
0xbf: {  	_ =	sfence.sel $0xFFFF  }
0xc0: {  	[dreg:$0x0] =	wrdreg $0xFFFFFFFF;
	(pc) =	sbr.abs _section_cstart, $3  }
0xc1: {  	[dreg:$0x1] =	wrdreg $0xFFFFFFFF  }
0xc2: {  	_ =	task.clear_ibuf [dreg:s7], $0x2FFFF;
	_ =	strace $0x9FFFFFFF  }
0xc3: {  	(tm) =	ssettm $0x7FFFFFFF  }
tec
execute0_lowered:
.L_overlay_start_1:
0x0: {  	(tag) =	ssettag $0x1  }
0x1: {  	s7 =	rddreg [dreg:$0x0];
	s0 =	stileid.u32  }
0x2: {  	s1 =	srdreg.scid;
	s2 =	rddreg [dreg:$0x1]  }
0x3: {  	s3 =	rddreg [dreg:$0x2];
	s4 =	simm.s32 $0x0;
	s16 =	simm.s32 $0x12000  }
0x4: {  	s17 =	simm.s32 $0x3;
	s18 =	simm.s32 $0x5000;
	s19 =	simm.s32 $0x80  }
0x5: {  	s20 =	simm.s32 $0xA000;
	s21 =	simm.s32 $0xE000;
	s22 =	simm.s32 $0x1  }
0x6: {  	s23 =	simm.s32 $0x2;
	s26 =	simm.s32 $0x0;
	s6 =	smul.u32 $0xA00, s0  }
0x7: {  	s8 =	sand.u32 $0x1, s1;
	s1 =	rddreg [dreg:$0x3];
	s9 =	smul.u32 $0x140, s0  }
0x8: {  	[smem:$0x7FF] =	sst s4;
	s10 =	smul.u32 $0x28000, s0;
	s5 =	sadd.s32 $0x7000, s7  }
0x9: {  	s25 =	sor.u32 $0x1400, s0;
	p0 =	sne.s32 s0, $0xF;
	s24 =	smul.u32 $0x1400, s8  }
0xa: {  	_ =	strace $0x8000004D;
	s8 =	ssub.s32 $0x2, s8;
	v1 =	vmov s25;
	s25 =	simm.s32 $0x9F80  }
0xb: {  	s13 =	sadd.s32 s6, s7;
	s30 =	sshrl.u32 s10, $0x2;
	s11 =	sshrl.u32 s8, $0x1  }
0xc: {  	s29 =	sadd.s32 s9, s24;
	s6 =	sadd.s32 s30, s3;
	s15 =	ssub.s32 s8, s11  }
0xd: {  	s11 =	sadd.s32 $0xA0000, s3;
	s12 =	sadd.s32 $0x61000, s13;
	s13 =	sadd.s32 $0x57000, s13  }
0xe: {  	v0 =	vmov s24;
	s24 =	simm.s32 $0x9F00;
	s31 =	sshll.u32 s29, $0x4;
	s8 =	sadd.s32 $0x4000, s6  }
0xf: {  	s9 =	sadd.s32 $0x6000, s6;
	s10 =	sadd.s32 $0x8000, s6;
	s14 =	sadd.s32 s31, s7  }
0x10: {  	s15 =	smax.u32 s15, $0x1;
	s7 =	sadd.s32 $0x2000, s6;
	s14 =	sadd.s32 $0x2F000, s14  }
.LBB2_1:
0x11: {  	[tilespmem:s16], [sflag:$0x3] =	stream.linear.gather [hbm4b:s2+s4], $0x2000, $0x38;
	[tilespmem:$0x1E080] =	vst v63  }
0x12: {  	_ =	swait.ge [sflag:s17], $0x2000  }
0x13: {  	[sflag:s17] =	ssyncset.done $0x0  }
0x14: {  	[sflag:s17] =	ssyncadd.s32 $0xFFFFE000  }
0x15: {  	[spmem:s6] =	stream.linear.scatter [tilespmem:s16], [sflag:$0x3], $0x2000, $0x38;
	[tilespmem:$0x1E080] =	vst v63  }
0x16: {  	_ =	swait.ge [sflag:s17], $0x2000  }
0x17: {  	[sflag:s17] =	ssyncset.done $0x0  }
0x18: {  	[sflag:s17] =	ssyncadd.s32 $0xFFFFE000  }
0x19: {  	[spmem:s7] =	stream.linear.scatter [tilespmem:s16], [sflag:$0x3], $0x2000, $0x38;
	[tilespmem:$0x1E080] =	vst v63  }
0x1a: {  	_ =	swait.ge [sflag:s17], $0x2000  }
0x1b: {  	[sflag:s17] =	ssyncset.done $0x0  }
0x1c: {  	[sflag:s17] =	ssyncadd.s32 $0xFFFFE000  }
0x1d: {  	[spmem:s8] =	stream.linear.scatter [tilespmem:s16], [sflag:$0x3], $0x2000, $0x38;
	[tilespmem:$0x1E080] =	vst v63  }
0x1e: {  	_ =	swait.ge [sflag:s17], $0x2000  }
0x1f: {  	[sflag:s17] =	ssyncset.done $0x0  }
0x20: {  	[sflag:s17] =	ssyncadd.s32 $0xFFFFE000  }
0x21: {  	[spmem:s9] =	stream.linear.scatter [tilespmem:s16], [sflag:$0x3], $0x2000, $0x38;
	[tilespmem:$0x1E080] =	vst v63  }
0x22: {  	_ =	swait.ge [sflag:s17], $0x2000  }
0x23: {  	[sflag:s17] =	ssyncset.done $0x0  }
0x24: {  	[sflag:s17] =	ssyncadd.s32 $0xFFFFE000  }
0x25: {  	[spmem:s10] =	stream.linear.scatter [tilespmem:s16], [sflag:$0x3], $0x2000, $0x38;
	[tilespmem:$0x1E080] =	vst v63  }
0x26: {  	_ =	swait.ge [sflag:s17], $0x2000  }
0x27: {  	[sflag:s17] =	ssyncset.done $0x0  }
0x28: {  	s28 =	simm.s32 @!p0 $0x12000;
	[sflag:s17] =	ssyncadd.s32 $0xFFFFE000  }
0x29: {  	[spmem:s11] =	stream.linear.scatter @!p0 [tilespmem:s28], [sflag:$0x3], $0x800, $0x38;
	[tilespmem:$0x1E080] =	vst v63  }
0x2a: {  	s28 =	simm.s32 @!p0 $0x3  }
0x2b: {  	_ =	swait.ge @!p0 [sflag:s28], $0x800  }
0x2c: {  	[sflag:s28] =	ssyncset.done @!p0 $0x0  }
0x2d: {  	[sflag:s28] =	ssyncadd.s32 @!p0 $0xFFFFF800  }
0x2e: {  	[tilespmem:s4], [sflag:$0x3] =	stream.linear.gather [hbm4b:s12+s4], $0x5000, $0x38;
	[tilespmem:$0x1E080] =	vst v63  }
0x2f: {  	_ =	swait.ge [sflag:s17], $0x5000  }
0x30: {  	[sflag:s17] =	ssyncset.done $0x0  }
0x31: {  	[sflag:s17] =	ssyncadd.s32 $0xFFFFB000  }
0x32: {  	[tilespmem:s18], [sflag:$0x3] =	stream.linear.gather [hbm4b:s13+s4], $0x5000, $0x38;
	[tilespmem:$0x1E080] =	vst v63  }
0x33: {  	_ =	swait.ge [sflag:s17], $0x5000  }
0x34: {  	[sflag:s17] =	ssyncset.done $0x0  }
0x35: {  	s28 =	simm.s32 $0x0;
	[sflag:s17] =	ssyncadd.s32 $0xFFFFB000  }
0x36: {  	v2 =	vld [tilespmem:s28+$0x5000];
	_ =	sdelay $0x1  }
0x37: {  	v3 =	vld [tilespmem:s28+$0x5010];
	_ =	sdelay $0x1  }
0x38: {  	v6 =	vld [tilespmem:s28+$0x5020]  }
0x39: {  	v9 =	vld [tilespmem:s28+$0x5030];
	v4 =	vsub.s32 v2, v0  }
0x3a: {  	vm0 =	vge.s32 v2, v0;
	vm1 =	vlt.s32 v4, $0x1400  }
0x3b: {  	v7 =	vsub.s32 v3, v0;
	vm0 =	vmand vm0, vm1;
	vm1 =	vge.s32 v3, v0;
	v3 =	vld [tilespmem:s28+$0x5040]  }
0x3c: {  	vm2 =	vlt.s32 v7, $0x1400;
	v5 =	vsel vm0, v4, v1;
	v4 =	vld [tilespmem:s28+$0x5050]  }
0x3d: {  	v8 =	vsub.s32 v6, v0;
	vm0 =	vmand vm1, vm2  }
0x3e: {  	vm1 =	vge.s32 v6, v0;
	vm2 =	vlt.s32 v8, $0x1400;
	v6 =	vsub.s32 v9, v0  }
0x3f: {  	s29 =	simm.s32 $0x200;
	v2 =	vld [tilespmem:s28+$0x5060];
	vm1 =	vmand vm1, vm2;
	vm2 =	vge.s32 v9, v0;
	vm3 =	vlt.s32 v6, $0x1400  }
.LBB2_2:
0x40: {  	p1 =	sne.s32 s29, $0x13E00;
	v7 =	vsel vm0, v7, v1;
	v8 =	vsel vm1, v8, v1;
	vm0 =	vmand vm2, vm3;
	v9 =	vld [tilespmem:s28+$0x5070]  }
0x41: {  	v10 =	vsub.s32 v3, v0;
	vm1 =	vge.s32 v3, v0;
	v3 =	vsub.s32 v4, v0  }
0x42: {  	s30 =	sshra.s32 s29, $0x2;
	vm2 =	vlt.s32 v10, $0x1400;
	vm3 =	vge.s32 v4, v0;
	[tilespmem:s28+$0x5000] =	vst v5;
	vm4 =	vlt.s32 v3, $0x1400  }
0x43: {  	v5 =	vsel vm0, v6, v1;
	vm0 =	vmand vm1, vm2;
	v4 =	vld [tilespmem:s30+$0x5000];
	[tilespmem:s28+$0x5010] =	vst v7;
	vm1 =	vmand vm3, vm4  }
0x44: {  	v7 =	vsel vm0, v10, v1;
	v6 =	vld [tilespmem:s30+$0x5010];
	[tilespmem:s28+$0x5020] =	vst v8;
	v3 =	vsel vm1, v3, v1;
	v8 =	vsub.s32 v2, v0  }
0x45: {  	vm0 =	vge.s32 v2, v0;
	[tilespmem:s28+$0x5030] =	vst v5;
	vm1 =	vlt.s32 v8, $0x1400;
	v2 =	vsub.s32 v9, v0  }
0x46: {  	v10 =	vld [tilespmem:s30+$0x5020];
	[tilespmem:s28+$0x5040] =	vst v7;
	vm0 =	vmand vm0, vm1;
	vm1 =	vge.s32 v9, v0;
	vm2 =	vlt.s32 v2, $0x1400  }
0x47: {  	v9 =	vld [tilespmem:s30+$0x5030];
	[tilespmem:s28+$0x5050] =	vst v3;
	v3 =	vsel vm0, v8, v1;
	vm0 =	vmand vm1, vm2  }
0x48: {  	v5 =	vsub.s32 v4, v0;
	[tilespmem:s28+$0x5060] =	vst v3;
	v2 =	vsel vm0, v2, v1  }
.Ltmp0:
0x49: {  	vm0 =	vge.s32 v4, v0;
	vm1 =	vlt.s32 v5, $0x1400;
	v7 =	vsub.s32 v6, v0;
	v3 =	vld [tilespmem:s30+$0x5040];
	[tilespmem:s28+$0x5070] =	vst v2;
	s28 =	smov.u32 s30;
	(pc) =	sbr.rel @p1 .LBB2_2-.Ltmp0, $4  }
0x4a: {  	vm0 =	vmand vm0, vm1;
	vm1 =	vge.s32 v6, v0;
	vm2 =	vlt.s32 v7, $0x1400;
	v4 =	vld [tilespmem:s28+$0x5050]  }
0x4b: {  	v5 =	vsel vm0, v5, v1;
	vm0 =	vmand vm1, vm2;
	v8 =	vsub.s32 v10, v0  }
0x4c: {  	vm1 =	vge.s32 v10, v0;
	vm2 =	vlt.s32 v8, $0x1400;
	v6 =	vsub.s32 v9, v0  }
0x4d: {  	s29 =	sadd.s32 $0x200, s29;
	vm1 =	vmand vm1, vm2;
	vm2 =	vge.s32 v9, v0;
	vm3 =	vlt.s32 v6, $0x1400;
	v2 =	vld [tilespmem:s28+$0x5060]  }
0x4e: {  	v7 =	vsel vm0, v7, v1;
	v8 =	vsel vm1, v8, v1;
	vm13 =	vmand vm2, vm3;
	v9 =	vld [tilespmem:s28+$0x5070]  }
0x4f: {  	v10 =	vsub.s32 v3, v0;
	vm14 =	vge.s32 v3, v0;
	v3 =	vsub.s32 v4, v0  }
0x50: {  	[tilespmem:s28+$0x5000] =	vst v5;
	vm15 =	vlt.s32 v10, $0x1400;
	vm8 =	vge.s32 v4, v0;
	vm4 =	vlt.s32 v3, $0x1400  }
0x51: {  	[tilespmem:s28+$0x5010] =	vst v7;
	v61 =	vsel vm13, v6, v1;
	vm9 =	vmand vm14, vm15;
	vm10 =	vmand vm8, vm4  }
0x52: {  	[tilespmem:s28+$0x5020] =	vst v8;
	v62 =	vsel vm9, v10, v1;
	v3 =	vsel vm10, v3, v1;
	v63 =	vsub.s32 v2, v0  }
0x53: {  	[tilespmem:s28+$0x5030] =	vst v61;
	vm11 =	vge.s32 v2, v0;
	vm12 =	vlt.s32 v63, $0x1400;
	v2 =	vsub.s32 v9, v0  }
0x54: {  	[tilespmem:s28+$0x5040] =	vst v62;
	vm13 =	vge.s32 v9, v0;
	vm0 =	vmand vm11, vm12;
	vm14 =	vlt.s32 v2, $0x1400  }
0x55: {  	[tilespmem:s28+$0x5050] =	vst v3;
	v3 =	vsel vm0, v63, v1;
	vm15 =	vmand vm13, vm14  }
0x56: {  	[tilespmem:s28+$0x5060] =	vst v3;
	v2 =	vsel vm15, v2, v1  }
0x57: {  	[tilespmem:s28+$0x5070] =	vst v2  }
0x58: {  	s28 =	simm.s32 $0x0;
	[bflag:$0x0] =	sbarrier.arrive $0xFFFF  }
0x59: {  	[tilespmem:s20], [sflag:$0x1] =	stream.indirect.gather [hbm4b:s5+s19], $0x80, s28, s19, $0xb8;
	[tilespmem:$0x1E080] =	vst v63  }
0x5a: {  	_ = 	snop  }
0x5b: {  	[tilespmem:s21], [sflag:$0x2] =	stream.indirect.gather [hbm4b:s5+s19], $0x80, s19, s19, $0xb8;
	[tilespmem:$0x1E080] =	vst v63  }
0x5c: {  	_ =	swait.ge [sflag:s22], $0x4000  }
0x5d: {  	[sflag:s22] =	ssyncset.done $0x0  }
0x5e: {  	s28 =	simm.s32 $0x5000;
	[sflag:s22] =	ssyncadd.s32 $0xFFFFC000  }
0x5f: {  	[spmem:s3] =	stream.indirect.scatter.add.f32 [tilespmem:s20], [sflag:$0x3], $0x80, s28, s19, $0xb8;
	[tilespmem:$0x1E080] =	vst v63  }
0x60: {  	_ =	swait.ge [sflag:s17], $0x4000  }
0x61: {  	[sflag:s17] =	ssyncset.done $0x0  }
0x62: {  	s28 =	simm.s32 $0x100;
	[sflag:s17] =	ssyncadd.s32 $0xFFFFC000  }
0x63: {  	[tilespmem:s20], [sflag:$0x1] =	stream.indirect.gather [hbm4b:s5+s19], $0x80, s28, s19, $0xb8;
	[tilespmem:$0x1E080] =	vst v63  }
0x64: {  	_ =	swait.ge [sflag:s23], $0x4000  }
0x65: {  	[sflag:s23] =	ssyncset.done $0x0  }
0x66: {  	s28 =	simm.s32 $0x5080;
	[sflag:s23] =	ssyncadd.s32 $0xFFFFC000  }
0x67: {  	[spmem:s3] =	stream.indirect.scatter.add.f32 [tilespmem:s21], [sflag:$0x3], $0x80, s28, s19, $0xb8;
	[tilespmem:$0x1E080] =	vst v63  }
0x68: {  	_ =	swait.ge [sflag:s17], $0x4000  }
0x69: {  	[sflag:s17] =	ssyncset.done $0x0  }
0x6a: {  	s29 =	simm.s32 $0x180;
	s28 =	simm.s32 $0x400;
	[sflag:s17] =	ssyncadd.s32 $0xFFFFC000  }
.LBB2_4:
0x6b: {  	[tilespmem:s21], [sflag:$0x2] =	stream.indirect.gather [hbm4b:s5+s19], $0x80, s29, s19, $0xb8;
	[tilespmem:$0x1E080] =	vst v63  }
0x6c: {  	s29 =	smov.u32 s28  }
0x6d: {  	p1 =	sne.s32 s28, $0x13800;
	s28 =	sadd.s32 $0x400, s28;
	_ =	swait.ge [sflag:s22], $0x4000  }
0x6e: {  	s29 =	sshra.s32 s29, $0x2;
	[sflag:s22] =	ssyncset.done $0x0  }
0x6f: {  	s30 =	sadd.s32 $0x5000, s29;
	[sflag:s22] =	ssyncadd.s32 $0xFFFFC000  }
0x70: {  	[spmem:s3] =	stream.indirect.scatter.add.f32 [tilespmem:s20], [sflag:$0x3], $0x80, s30, s19, $0xb8;
	[tilespmem:$0x1E080] =	vst v63  }
0x71: {  	_ =	swait.ge [sflag:s17], $0x4000  }
0x72: {  	[sflag:s17] =	ssyncset.done $0x0  }
0x73: {  	s30 =	sadd.s32 $0x100, s29;
	[sflag:s17] =	ssyncadd.s32 $0xFFFFC000  }
0x74: {  	[tilespmem:s20], [sflag:$0x1] =	stream.indirect.gather [hbm4b:s5+s19], $0x80, s30, s19, $0xb8;
	[tilespmem:$0x1E080] =	vst v63  }
0x75: {  	_ =	swait.ge [sflag:s23], $0x4000  }
0x76: {  	[sflag:s23] =	ssyncset.done $0x0  }
.Ltmp1:
0x77: {  	s30 =	sadd.s32 $0x5080, s29;
	[sflag:s23] =	ssyncadd.s32 $0xFFFFC000;
	(pc) =	sbr.rel @p1 .LBB2_4-.Ltmp1, $4  }
0x78: {  	[spmem:s3] =	stream.indirect.scatter.add.f32 [tilespmem:s21], [sflag:$0x3], $0x80, s30, s19, $0xb8;
	[tilespmem:$0x1E080] =	vst v63  }
0x79: {  	_ =	swait.ge [sflag:s17], $0x4000  }
0x7a: {  	[sflag:s17] =	ssyncset.done $0x0  }
0x7b: {  	s29 =	sadd.s32 $0x180, s29;
	[sflag:s17] =	ssyncadd.s32 $0xFFFFC000  }
0x7c: {  	[tilespmem:s21], [sflag:$0x2] =	stream.indirect.gather [hbm4b:s5+s19], $0x80, s29, s19, $0xb8;
	[tilespmem:$0x1E080] =	vst v63  }
0x7d: {  	_ =	swait.ge [sflag:s22], $0x4000  }
0x7e: {  	[sflag:s22] =	ssyncset.done $0x0  }
0x7f: {  	[sflag:s22] =	ssyncadd.s32 $0xFFFFC000  }
0x80: {  	[spmem:s3] =	stream.indirect.scatter.add.f32 [tilespmem:s20], [sflag:$0x3], $0x80, s24, s19, $0xb8;
	[tilespmem:$0x1E080] =	vst v63  }
0x81: {  	_ =	swait.ge [sflag:s17], $0x4000  }
0x82: {  	[sflag:s17] =	ssyncset.done $0x0  }
0x83: {  	[sflag:s17] =	ssyncadd.s32 $0xFFFFC000  }
0x84: {  	_ =	swait.ge [sflag:s23], $0x4000  }
0x85: {  	[sflag:s23] =	ssyncset.done $0x0  }
0x86: {  	[sflag:s23] =	ssyncadd.s32 $0xFFFFC000  }
0x87: {  	[spmem:s3] =	stream.indirect.scatter.add.f32 [tilespmem:s21], [sflag:$0x3], $0x80, s25, s19, $0xb8;
	[tilespmem:$0x1E080] =	vst v63  }
0x88: {  	_ =	swait.ge [sflag:s17], $0x4000  }
0x89: {  	s28 =	sshll.u32 s0, $0x6;
	s26 =	sadd.s32 $0x1, s26;
	[sflag:s17] =	ssyncset.done $0x0  }
0x8a: {  	s31 =	sshrl.u32 s6, $0x3;
	p1 =	sne.s32 s26, s15;
	[sflag:s17] =	ssyncadd.s32 $0xFFFFC000  }
.Ltmp2:
0x8b: {  	s28 =	sor.u32 $0x1C03, s28;
	[bflag:$0x0] =	sbarrier.arrive $0xFFFF;
	(pc) =	sbr.rel @p1 .LBB2_1-.Ltmp2, $4  }
0x8c: {  	[hbm:s14], [sflag:s28] =	dma.local [spmem:s31], $0x1400  }
0x8d: {  	_ =	swait.ge [sflag:s17], $0x1400  }
0x8e: {  	[sflag:s17] =	ssyncset.done $0x0  }
0x8f: {  	[sflag:s17] =	ssyncadd.s32 $0xFFFFEC00  }
0x90: {  	_ =	sfence.sel $0x180000  }
0x91: {  	[bflag:$0x0] =	sbarrier.arrive $0xFFFF  }
0x92: {  	p0 =	sne.s32 s0, $0x0;
	_ =	strace $0x9000004D  }
0x93: {  	s0 =	sadd.s32 @!p0 $0x100000, s1;
	[bflag:$0x2] =	sbarrier.arrive $0xFFFF  }
0x94: {  	[sflag:s0] =	ssyncadd.tile.s32 @!p0 $0x1;
	_ =	shalt  }
.Lfunc_end2:
_tile_overlayer_lowered:
.L_overlay_start_2:
0x95: {  	(tag) =	ssettag $0x2  }
0x96: {  	s0 =	rddreg [dreg:$0x0];
	s2 =	stileid.u32  }
0x97: {  	s1 =	rddreg [dreg:$0x1];
	p0 =	sne.s32 s2, $0x0  }
0x98: {  	s3 =	rddreg [dreg:$0x2];
	[bflag:$0x3] =	sbarrier.arrive $0xFFFF;
	s2 =	simm.s32 @!p0 $0x1C03  }
0x99: {  	[timem:s3], [sflag:s2] =	dma.local @!p0 [hbm:s0], s1  }
0x9a: {  	s0 =	simm.s32 @!p0 $0x3  }
0x9b: {  	_ =	swait.ge @!p0 [sflag:s0], s1  }
0x9c: {  	s1 =	ssub.s32 @!p0 $0x0, s1;
	[sflag:s0] =	ssyncset.done @!p0 $0x0  }
0x9d: {  	[sflag:s0] =	ssyncadd.s32 @!p0 s1  }
0x9e: {  	[bflag:$0x3] =	sbarrier.arrive $0xFFFF  }
0x9f: {  	_ =	shalt  }

// kernel: kernel.25.cloned.1.call-start
scs
__scs_entry_jumppad:
0x0: {  	(pc) =	sbr.rel $0x88, $3  }
0x1: {  	(tag) =	ssettag $0x0;
	lr =	simm.s32 $0x1  }
0x2: {  	[smem:$0x3F82] =	sst lr;
	_ =	strace $0xD0000000  }
0x3: {  	_ = 	snop  }
0x4: {  	_ = 	snop  }
0x5: {  	_ = 	snop  }
0x6: {  	_ = 	snop  }
0x7: {  	_ = 	snop  }
__scs_overlays_trampoline_lowered:
0x8: {  	[smem:$0x3F91] =	sst s0  }
0x9: {  	[smem:$0x3F92] =	sst s1  }
0xa: {  	[smem:$0x3F93] =	sst s2  }
0xb: {  	[smem:$0x3F94] =	sst s3  }
0xc: {  	[smem:$0x3F95] =	sst s4  }
0xd: {  	[smem:$0x3F96] =	sst s5  }
0xe: {  	[smem:$0x3F97] =	sst s6  }
0xf: {  	[smem:$0x3F98] =	sst s7  }
0x10: {  	[smem:$0x3F99] =	sst s8  }
0x11: {  	[smem:$0x3F9A] =	sst s9;
	s0 =	simm.s32 @!p0 $0x0  }
0x12: {  	s1 =	sld [smem:$0x3F80];
	s0 =	simm.s32 @p0 $0x1  }
0x13: {  	[smem:$0x3F9B] =	sst s0;
	s0 =	simm.s32 @!p1 $0x0  }
0x14: {  	s2 =	sld [smem:$0x3F7F];
	s0 =	simm.s32 @p1 $0x1  }
0x15: {  	[smem:$0x3F9C] =	sst s0;
	s0 =	simm.s32 @!p2 $0x0  }
0x16: {  	s3 =	sld [smem:$0x3FDB];
	s0 =	simm.s32 @p2 $0x1  }
0x17: {  	s4 =	simm.s32 $0x1BF5;
	[smem:$0x3F9E] =	sst s0  }
0x18: {  	s0 =	sld [smem:$0x3F81];
	_ =	swait.ge [sflag:s4], $0x0  }
0x19: {  	s7 =	sld [smem:$0x3F82]  }
0x1a: {  	s8 =	sadd.s32 $0xFFFFE003, lr  }
0x1b: {  	s9 =	sadd.s32 $0xFFFFFEF7, lr;
	s5 =	simm.s32 $0xFFFFFFFF;
	p2 =	slt.u32 s8, $0xFFFFF086  }
0x1c: {  	p1 =	slt.u32 s9, $0xF7A;
	s5 =	simm.s32 @!p2 $0x0  }
0x1d: {  	s5 =	simm.s32 @p1 $0x1;
	p0 =	seq.s32 s7, s2  }
0x1e: {  	s7 =	smul.u32 @!p0 $0xF7A, s2;
	p2 =	seq.s32 @!p0 s5, $0x0  }
0x1f: {  	s9 =	smul.u32 $0xF7A, s1;
	s8 =	simm.s32 @!p0 $0x1BF5;
	p2 =	por !p2, p0  }
0x20: {  	[sflag:s8] =	ssyncset.s32 @!p0 $0xFFFFF086;
	s6 =	sadd.s32 @!p0 s3, s7;
	s7 =	simm.s32 @!p0 $0x108  }
0x21: {  	s3 =	sadd.s32 s3, s9;
	s6 =	sadd.s32 @!p0 $0x88, s6;
	s7 =	simm.s32 @p2 $0x1082  }
0x22: {  	[simem:s7], [sflag:s8] =	dma.local @!p0 [hbm:s6], $0xF7A  }
0x23: {  	s9 =	sor.u32 $0xD0000000, s2;
	s6 =	simm.s32 $0x108;
	_ =	swait.ge @!p0 [sflag:s8], $0x0  }
0x24: {  	s3 =	sadd.s32 $0x88, s3;
	s6 =	simm.s32 @!p1 $0x1082;
	[sflag:s4] =	ssyncset.s32 $0xFFFFF086  }
0x25: {  	[simem:s6], [sflag:s4] =	dma.local [hbm:s3], $0xF7A  }
0x26: {  	[smem:$0x3F82] =	sst s1;
	(tag) =	ssettag s2;
	_ =	strace s9  }
0x27: {  	s1 =	sld [smem:$0x3F92]  }
0x28: {  	s2 =	sld [smem:$0x3F93]  }
0x29: {  	s4 =	sld [smem:$0x3F95]  }
0x2a: {  	p0 =	seq.s32 s5, $0x0;
	s5 =	sld [smem:$0x3F96]  }
0x2b: {  	s6 =	sld [smem:$0x3F97]  }
0x2c: {  	s7 =	sld [smem:$0x3F98]  }
0x2d: {  	s3 =	simm.s32 $0x108;
	s8 =	sld [smem:$0x3F99]  }
0x2e: {  	s3 =	simm.s32 @!p0 $0x1082;
	s9 =	sld [smem:$0x3F9A]  }
0x2f: {  	lr =	sadd.s32 s0, s3;
	s0 =	sld [smem:$0x3F91]  }
0x30: {  	s3 =	sld [smem:$0x3F94]  }
0x31: {  	[smem:$0x3F9D] =	sst s10  }
0x32: {  	s10 =	sld [smem:$0x3F9B];
	_ =	sdelay $0x3  }
0x33: {  	p0 =	seq.s32 s10, $0x1;
	s10 =	sld [smem:$0x3F9D];
	_ =	sdelay $0x3  }
0x34: {  	[smem:$0x3F9D] =	sst s10  }
0x35: {  	s10 =	sld [smem:$0x3F9C];
	_ =	sdelay $0x3  }
0x36: {  	p1 =	seq.s32 s10, $0x1;
	s10 =	sld [smem:$0x3F9D];
	_ =	sdelay $0x3  }
0x37: {  	[smem:$0x3F9D] =	sst s10  }
0x38: {  	s10 =	sld [smem:$0x3F9E]  }
0x39: {  	_ = 	snop;
	(pc) =	sbr.ind lr, $3  }
0x3a: {  	_ = 	snop  }
0x3b: {  	_ = 	snop  }
0x3c: {  	p2 =	seq.s32 s10, $0x1;
	s10 =	sld [smem:$0x3F9D]  }
0x3d: {  	_ =	shalt  }
0x3e: {  	_ =	shalt  }
0x3f: {  	_ =	shalt  }
0x40: {  	_ =	shalt  }
0x41: {  	_ =	shalt  }
0x42: {  	_ =	shalt  }
0x43: {  	_ =	shalt  }
0x44: {  	_ =	shalt  }
0x45: {  	_ =	shalt  }
0x46: {  	_ =	shalt  }
0x47: {  	_ =	shalt  }
0x48: {  	_ =	shalt  }
0x49: {  	_ =	shalt  }
0x4a: {  	_ =	shalt  }
0x4b: {  	_ =	shalt  }
0x4c: {  	_ =	shalt  }
0x4d: {  	_ =	shalt  }
0x4e: {  	_ =	shalt  }
0x4f: {  	_ =	shalt  }
0x50: {  	_ =	shalt  }
0x51: {  	_ =	shalt  }
0x52: {  	_ =	shalt  }
0x53: {  	_ =	shalt  }
0x54: {  	_ =	shalt  }
0x55: {  	_ =	shalt  }
0x56: {  	_ =	shalt  }
0x57: {  	_ =	shalt  }
0x58: {  	_ =	shalt  }
0x59: {  	_ =	shalt  }
0x5a: {  	_ =	shalt  }
0x5b: {  	_ =	shalt  }
0x5c: {  	_ =	shalt  }
0x5d: {  	_ =	shalt  }
0x5e: {  	_ =	shalt  }
0x5f: {  	_ =	shalt  }
0x60: {  	_ =	shalt  }
0x61: {  	_ =	shalt  }
0x62: {  	_ =	shalt  }
0x63: {  	_ =	shalt  }
0x64: {  	_ =	shalt  }
0x65: {  	_ =	shalt  }
0x66: {  	_ =	shalt  }
0x67: {  	_ =	shalt  }
0x68: {  	_ =	shalt  }
0x69: {  	_ =	shalt  }
0x6a: {  	_ =	shalt  }
0x6b: {  	_ =	shalt  }
0x6c: {  	_ =	shalt  }
0x6d: {  	_ =	shalt  }
0x6e: {  	_ =	shalt  }
0x6f: {  	_ =	shalt  }
0x70: {  	_ =	shalt  }
0x71: {  	_ =	shalt  }
0x72: {  	_ =	shalt  }
0x73: {  	_ =	shalt  }
0x74: {  	_ =	shalt  }
0x75: {  	_ =	shalt  }
0x76: {  	_ =	shalt  }
0x77: {  	_ =	shalt  }
0x78: {  	_ =	shalt  }
0x79: {  	_ =	shalt  }
0x7a: {  	_ =	shalt  }
0x7b: {  	_ =	shalt  }
0x7c: {  	_ =	shalt  }
0x7d: {  	_ =	shalt  }
0x7e: {  	_ =	shalt  }
0x7f: {  	_ =	shalt  }
0x80: {  	_ =	shalt  }
0x81: {  	_ =	shalt  }
0x82: {  	_ =	shalt  }
0x83: {  	_ =	shalt  }
0x84: {  	_ =	shalt  }
0x85: {  	_ =	shalt  }
0x86: {  	_ =	shalt  }
0x87: {  	_ =	shalt  }
.Lfunc_end0:
.L_simem_size_0:
called_computation.3_lowered:
.L_overlay_start_0:
0x88: {  	s2 =	sld [smem:$0x3FD9]  }
0x89: {  	s3 =	sld [smem:$0x3FFE];
	_ =	sdelay $0x1  }
0x8a: {  	s1 =	srdreg.scid  }
0x8b: {  	s0 =	sand.u32 $0x1, s1  }
0x8c: {  	s17 =	sshll.u32 s0, $0xA;
	s2 =	sadd.s32 s3, s2  }
0x8d: {  	s2 =	sadd.s32 s2, s17  }
0x8e: {  	[smem:$0x3FA9] =	sst s2  }
0x8f: {  	_ = 	snop  }
0x90: {  	s2 =	sld [smem:$0x3FD0];
	(tm) =	ssettm $0x1  }
0x91: {  	s18 =	sld [smem:$0x3FFB];
	_ =	sdelay $0x3  }
0x92: {  	_ =	strace s18  }
0x93: {  	s3 =	sld [smem:$0x3FFC];
	_ =	sdelay $0x3  }
0x94: {  	_ =	strace s3  }
0x95: {  	s3 =	sld [smem:$0x3FFD];
	_ =	sdelay $0x3  }
0x96: {  	_ =	strace s3  }
0x97: {  	_ =	strace $0x8FFFFFFF  }
0x98: {  	s19 =	sld [smem:$0x3FDB];
	_ =	sdelay $0x1  }
0x99: {  	s4 =	simm.s32 $_scs_section_size  }
0x9a: {  	s5 =	simm.s32 $_size__tile_overlayer_lowered;
	s6 =	simm.s32 $_tile_overlayer_lowered  }
0x9b: {  	s22 =	simm.s32 $0x1BFF;
	s21 =	sshll.u32 s6, $0x1;
	s3 =	sadd.s32 s4, s19  }
0x9c: {  	s7 =	simm.s32 $0x0;
	s20 =	sshll.u32 s5, $0x1;
	s5 =	sadd.s32 s21, s3  }
0x9d: {  	[timem:s7], [sflag:s22] =	dma.local [hbm:s5], s20  }
0x9e: {  	_ =	swait.ge [sflag:s22], s20  }
0x9f: {  	s4 =	ssub.s32 $0x0, s20;
	[sflag:s22] =	ssyncset.done $0x0  }
0xa0: {  	[sflag:s22] =	ssyncadd.s32 s4;
	_ =	sdelay $0x1  }
0xa1: {  	s23 =	simm.s32 $0x1B8B  }
0xa2: {  	_ =	swait.ge [sflag:s23], $0x1  }
0xa3: {  	[sflag:s23] =	ssyncset.done $0x0  }
0xa4: {  	s25 =	simm.s32 $0x1B8E;
	s24 =	sld [smem:$0x3FFE];
	[sflag:s23] =	ssyncadd.s32 $0xFFFFFFFF  }
0xa5: {  	s26 =	simm.s32 $execute0_lowered;
	[smem:$0x3FD2] =	sst s25  }
0xa6: {  	s5 =	sshll.u32 s26, $0x1;
	_ =	strace $0x8000004F;
	[dreg:$0x1] =	wrdreg $0xFFFFFFFF  }
0xa7: {  	s28 =	simm.s32 $_size_execute0_lowered;
	s3 =	sadd.s32 s3, s5;
	[dreg:$0x0] =	wrdreg $0x0  }
0xa8: {  	s5 =	sshll.u32 s28, $0x1;
	[dreg:$0x2] =	wrdreg s3  }
0xa9: {  	[dreg:$0x3] =	wrdreg s5  }
0xaa: {  	[dreg:$0x4] =	wrdreg $0xC0  }
0xab: {  	_ =	task [dreg:s7], $0x5FFFF  }
0xac: {  	[dreg:$0x1] =	wrdreg $0xFFFFFFFF  }
0xad: {  	[dreg:$0x0] =	wrdreg $0x60  }
0xae: {  	[dreg:$0x2] =	wrdreg s24  }
0xaf: {  	[dreg:$0x3] =	wrdreg s2  }
0xb0: {  	[dreg:$0x4] =	wrdreg $0x140000  }
0xb1: {  	[dreg:$0x5] =	wrdreg $0x9  }
0xb2: {  	_ =	task.clear_ibuf [dreg:s7], $0x6FFFF;
	_ =	strace $0x9000004F  }
0xb3: {  	s29 =	simm.s32 $0x9;
	_ =	strace $0x80000051  }
0xb4: {  	_ =	swait.ge [sflag:s29], $0x1  }
0xb5: {  	[sflag:s29] =	ssyncadd.s32 $0xFFFFFFFF  }
0xb6: {  	_ =	strace $0x90000051  }
0xb7: {  	_ =	sfence  }
0xb8: {  	s30 =	sld [smem:$0x0];
	_ =	sdelay $0x2  }
0xb9: {  	s31 =	sshll.u32 s1, $0xD;
	s1 =	sshrl.u32 s1, $0x2  }
0xba: {  	s3 =	sand.u32 $0x4000, s31;
	s1 =	sadd.s32 s1, s30  }
0xbb: {  	s0 =	sor.u32 s3, s0;
	s1 =	sshll.u32 s1, $0x11  }
0xbc: {  	s0 =	sor.u32 s1, s0  }
0xbd: {  	s0 =	sadd.s32 $0x8F2B, s0  }
0xbe: {  	[sflag:s0] =	ssyncadd.remote.s32 $0x1  }
0xbf: {  	_ =	sfence.sel $0xFFFF  }
0xc0: {  	[dreg:$0x0] =	wrdreg $0xFFFFFFFF;
	(pc) =	sbr.abs _section_cstart, $3  }
0xc1: {  	[dreg:$0x1] =	wrdreg $0xFFFFFFFF  }
0xc2: {  	_ =	task.clear_ibuf [dreg:s7], $0x2FFFF;
	_ =	strace $0x9FFFFFFF  }
0xc3: {  	(tm) =	ssettm $0x7FFFFFFF  }
tec
execute0_lowered:
.L_overlay_start_1:
0x0: {  	(tag) =	ssettag $0x1  }
0x1: {  	s7 =	rddreg [dreg:$0x0];
	s0 =	stileid.u32  }
0x2: {  	s1 =	srdreg.scid;
	s2 =	rddreg [dreg:$0x1]  }
0x3: {  	s3 =	rddreg [dreg:$0x2];
	s4 =	simm.s32 $0x0;
	s16 =	simm.s32 $0x12000  }
0x4: {  	s17 =	simm.s32 $0x3;
	s18 =	simm.s32 $0x5000;
	s19 =	simm.s32 $0x80  }
0x5: {  	s20 =	simm.s32 $0xA000;
	s21 =	simm.s32 $0xE000;
	s22 =	simm.s32 $0x1  }
0x6: {  	s23 =	simm.s32 $0x2;
	s26 =	simm.s32 $0x0;
	s6 =	smul.u32 $0xA00, s0  }
0x7: {  	s8 =	sand.u32 $0x1, s1;
	s1 =	rddreg [dreg:$0x3];
	s9 =	smul.u32 $0x140, s0  }
0x8: {  	[smem:$0x7FF] =	sst s4;
	s10 =	smul.u32 $0x28000, s0;
	s5 =	sadd.s32 $0x7000, s7  }
0x9: {  	s25 =	sor.u32 $0x1400, s0;
	p0 =	sne.s32 s0, $0xF;
	s24 =	smul.u32 $0x1400, s8  }
0xa: {  	_ =	strace $0x80000050;
	s8 =	ssub.s32 $0x2, s8;
	v1 =	vmov s25;
	s25 =	simm.s32 $0x9F80  }
0xb: {  	s13 =	sadd.s32 s6, s7;
	s30 =	sshrl.u32 s10, $0x2;
	s11 =	sshrl.u32 s8, $0x1  }
0xc: {  	s29 =	sadd.s32 s9, s24;
	s6 =	sadd.s32 s30, s3;
	s15 =	ssub.s32 s8, s11  }
0xd: {  	s11 =	sadd.s32 $0xA0000, s3;
	s12 =	sadd.s32 $0x61000, s13;
	s13 =	sadd.s32 $0x57000, s13  }
0xe: {  	v0 =	vmov s24;
	s24 =	simm.s32 $0x9F00;
	s31 =	sshll.u32 s29, $0x4;
	s8 =	sadd.s32 $0x4000, s6  }
0xf: {  	s9 =	sadd.s32 $0x6000, s6;
	s10 =	sadd.s32 $0x8000, s6;
	s14 =	sadd.s32 s31, s7  }
0x10: {  	s15 =	smax.u32 s15, $0x1;
	s7 =	sadd.s32 $0x2000, s6;
	s14 =	sadd.s32 $0x2F000, s14  }
.LBB2_1:
0x11: {  	[tilespmem:s16], [sflag:$0x3] =	stream.linear.gather [hbm4b:s2+s4], $0x2000, $0x38;
	[tilespmem:$0x1E080] =	vst v63  }
0x12: {  	_ =	swait.ge [sflag:s17], $0x2000  }
0x13: {  	[sflag:s17] =	ssyncset.done $0x0  }
0x14: {  	[sflag:s17] =	ssyncadd.s32 $0xFFFFE000  }
0x15: {  	[spmem:s6] =	stream.linear.scatter [tilespmem:s16], [sflag:$0x3], $0x2000, $0x38;
	[tilespmem:$0x1E080] =	vst v63  }
0x16: {  	_ =	swait.ge [sflag:s17], $0x2000  }
0x17: {  	[sflag:s17] =	ssyncset.done $0x0  }
0x18: {  	[sflag:s17] =	ssyncadd.s32 $0xFFFFE000  }
0x19: {  	[spmem:s7] =	stream.linear.scatter [tilespmem:s16], [sflag:$0x3], $0x2000, $0x38;
	[tilespmem:$0x1E080] =	vst v63  }
0x1a: {  	_ =	swait.ge [sflag:s17], $0x2000  }
0x1b: {  	[sflag:s17] =	ssyncset.done $0x0  }
0x1c: {  	[sflag:s17] =	ssyncadd.s32 $0xFFFFE000  }
0x1d: {  	[spmem:s8] =	stream.linear.scatter [tilespmem:s16], [sflag:$0x3], $0x2000, $0x38;
	[tilespmem:$0x1E080] =	vst v63  }
0x1e: {  	_ =	swait.ge [sflag:s17], $0x2000  }
0x1f: {  	[sflag:s17] =	ssyncset.done $0x0  }
0x20: {  	[sflag:s17] =	ssyncadd.s32 $0xFFFFE000  }
0x21: {  	[spmem:s9] =	stream.linear.scatter [tilespmem:s16], [sflag:$0x3], $0x2000, $0x38;
	[tilespmem:$0x1E080] =	vst v63  }
0x22: {  	_ =	swait.ge [sflag:s17], $0x2000  }
0x23: {  	[sflag:s17] =	ssyncset.done $0x0  }
0x24: {  	[sflag:s17] =	ssyncadd.s32 $0xFFFFE000  }
0x25: {  	[spmem:s10] =	stream.linear.scatter [tilespmem:s16], [sflag:$0x3], $0x2000, $0x38;
	[tilespmem:$0x1E080] =	vst v63  }
0x26: {  	_ =	swait.ge [sflag:s17], $0x2000  }
0x27: {  	[sflag:s17] =	ssyncset.done $0x0  }
0x28: {  	s28 =	simm.s32 @!p0 $0x12000;
	[sflag:s17] =	ssyncadd.s32 $0xFFFFE000  }
0x29: {  	[spmem:s11] =	stream.linear.scatter @!p0 [tilespmem:s28], [sflag:$0x3], $0x800, $0x38;
	[tilespmem:$0x1E080] =	vst v63  }
0x2a: {  	s28 =	simm.s32 @!p0 $0x3  }
0x2b: {  	_ =	swait.ge @!p0 [sflag:s28], $0x800  }
0x2c: {  	[sflag:s28] =	ssyncset.done @!p0 $0x0  }
0x2d: {  	[sflag:s28] =	ssyncadd.s32 @!p0 $0xFFFFF800  }
0x2e: {  	[tilespmem:s4], [sflag:$0x3] =	stream.linear.gather [hbm4b:s12+s4], $0x5000, $0x38;
	[tilespmem:$0x1E080] =	vst v63  }
0x2f: {  	_ =	swait.ge [sflag:s17], $0x5000  }
0x30: {  	[sflag:s17] =	ssyncset.done $0x0  }
0x31: {  	[sflag:s17] =	ssyncadd.s32 $0xFFFFB000  }
0x32: {  	[tilespmem:s18], [sflag:$0x3] =	stream.linear.gather [hbm4b:s13+s4], $0x5000, $0x38;
	[tilespmem:$0x1E080] =	vst v63  }
0x33: {  	_ =	swait.ge [sflag:s17], $0x5000  }
0x34: {  	[sflag:s17] =	ssyncset.done $0x0  }
0x35: {  	s28 =	simm.s32 $0x0;
	[sflag:s17] =	ssyncadd.s32 $0xFFFFB000  }
0x36: {  	v2 =	vld [tilespmem:s28+$0x5000];
	_ =	sdelay $0x1  }
0x37: {  	v3 =	vld [tilespmem:s28+$0x5010];
	_ =	sdelay $0x1  }
0x38: {  	v6 =	vld [tilespmem:s28+$0x5020]  }
0x39: {  	v9 =	vld [tilespmem:s28+$0x5030];
	v4 =	vsub.s32 v2, v0  }
0x3a: {  	vm0 =	vge.s32 v2, v0;
	vm1 =	vlt.s32 v4, $0x1400  }
0x3b: {  	v7 =	vsub.s32 v3, v0;
	vm0 =	vmand vm0, vm1;
	vm1 =	vge.s32 v3, v0;
	v3 =	vld [tilespmem:s28+$0x5040]  }
0x3c: {  	vm2 =	vlt.s32 v7, $0x1400;
	v5 =	vsel vm0, v4, v1;
	v4 =	vld [tilespmem:s28+$0x5050]  }
0x3d: {  	v8 =	vsub.s32 v6, v0;
	vm0 =	vmand vm1, vm2  }
0x3e: {  	vm1 =	vge.s32 v6, v0;
	vm2 =	vlt.s32 v8, $0x1400;
	v6 =	vsub.s32 v9, v0  }
0x3f: {  	s29 =	simm.s32 $0x200;
	v2 =	vld [tilespmem:s28+$0x5060];
	vm1 =	vmand vm1, vm2;
	vm2 =	vge.s32 v9, v0;
	vm3 =	vlt.s32 v6, $0x1400  }
.LBB2_2:
0x40: {  	p1 =	sne.s32 s29, $0x13E00;
	v7 =	vsel vm0, v7, v1;
	v8 =	vsel vm1, v8, v1;
	vm0 =	vmand vm2, vm3;
	v9 =	vld [tilespmem:s28+$0x5070]  }
0x41: {  	v10 =	vsub.s32 v3, v0;
	vm1 =	vge.s32 v3, v0;
	v3 =	vsub.s32 v4, v0  }
0x42: {  	s30 =	sshra.s32 s29, $0x2;
	vm2 =	vlt.s32 v10, $0x1400;
	vm3 =	vge.s32 v4, v0;
	[tilespmem:s28+$0x5000] =	vst v5;
	vm4 =	vlt.s32 v3, $0x1400  }
0x43: {  	v5 =	vsel vm0, v6, v1;
	vm0 =	vmand vm1, vm2;
	v4 =	vld [tilespmem:s30+$0x5000];
	[tilespmem:s28+$0x5010] =	vst v7;
	vm1 =	vmand vm3, vm4  }
0x44: {  	v7 =	vsel vm0, v10, v1;
	v6 =	vld [tilespmem:s30+$0x5010];
	[tilespmem:s28+$0x5020] =	vst v8;
	v3 =	vsel vm1, v3, v1;
	v8 =	vsub.s32 v2, v0  }
0x45: {  	vm0 =	vge.s32 v2, v0;
	[tilespmem:s28+$0x5030] =	vst v5;
	vm1 =	vlt.s32 v8, $0x1400;
	v2 =	vsub.s32 v9, v0  }
0x46: {  	v10 =	vld [tilespmem:s30+$0x5020];
	[tilespmem:s28+$0x5040] =	vst v7;
	vm0 =	vmand vm0, vm1;
	vm1 =	vge.s32 v9, v0;
	vm2 =	vlt.s32 v2, $0x1400  }
0x47: {  	v9 =	vld [tilespmem:s30+$0x5030];
	[tilespmem:s28+$0x5050] =	vst v3;
	v3 =	vsel vm0, v8, v1;
	vm0 =	vmand vm1, vm2  }
0x48: {  	v5 =	vsub.s32 v4, v0;
	[tilespmem:s28+$0x5060] =	vst v3;
	v2 =	vsel vm0, v2, v1  }
.Ltmp0:
0x49: {  	vm0 =	vge.s32 v4, v0;
	vm1 =	vlt.s32 v5, $0x1400;
	v7 =	vsub.s32 v6, v0;
	v3 =	vld [tilespmem:s30+$0x5040];
	[tilespmem:s28+$0x5070] =	vst v2;
	s28 =	smov.u32 s30;
	(pc) =	sbr.rel @p1 .LBB2_2-.Ltmp0, $4  }
0x4a: {  	vm0 =	vmand vm0, vm1;
	vm1 =	vge.s32 v6, v0;
	vm2 =	vlt.s32 v7, $0x1400;
	v4 =	vld [tilespmem:s28+$0x5050]  }
0x4b: {  	v5 =	vsel vm0, v5, v1;
	vm0 =	vmand vm1, vm2;
	v8 =	vsub.s32 v10, v0  }
0x4c: {  	vm1 =	vge.s32 v10, v0;
	vm2 =	vlt.s32 v8, $0x1400;
	v6 =	vsub.s32 v9, v0  }
0x4d: {  	s29 =	sadd.s32 $0x200, s29;
	vm1 =	vmand vm1, vm2;
	vm2 =	vge.s32 v9, v0;
	vm3 =	vlt.s32 v6, $0x1400;
	v2 =	vld [tilespmem:s28+$0x5060]  }
0x4e: {  	v7 =	vsel vm0, v7, v1;
	v8 =	vsel vm1, v8, v1;
	vm13 =	vmand vm2, vm3;
	v9 =	vld [tilespmem:s28+$0x5070]  }
0x4f: {  	v10 =	vsub.s32 v3, v0;
	vm14 =	vge.s32 v3, v0;
	v3 =	vsub.s32 v4, v0  }
0x50: {  	[tilespmem:s28+$0x5000] =	vst v5;
	vm15 =	vlt.s32 v10, $0x1400;
	vm8 =	vge.s32 v4, v0;
	vm4 =	vlt.s32 v3, $0x1400  }
0x51: {  	[tilespmem:s28+$0x5010] =	vst v7;
	v61 =	vsel vm13, v6, v1;
	vm9 =	vmand vm14, vm15;
	vm10 =	vmand vm8, vm4  }
0x52: {  	[tilespmem:s28+$0x5020] =	vst v8;
	v62 =	vsel vm9, v10, v1;
	v3 =	vsel vm10, v3, v1;
	v63 =	vsub.s32 v2, v0  }
0x53: {  	[tilespmem:s28+$0x5030] =	vst v61;
	vm11 =	vge.s32 v2, v0;
	vm12 =	vlt.s32 v63, $0x1400;
	v2 =	vsub.s32 v9, v0  }
0x54: {  	[tilespmem:s28+$0x5040] =	vst v62;
	vm13 =	vge.s32 v9, v0;
	vm0 =	vmand vm11, vm12;
	vm14 =	vlt.s32 v2, $0x1400  }
0x55: {  	[tilespmem:s28+$0x5050] =	vst v3;
	v3 =	vsel vm0, v63, v1;
	vm15 =	vmand vm13, vm14  }
0x56: {  	[tilespmem:s28+$0x5060] =	vst v3;
	v2 =	vsel vm15, v2, v1  }
0x57: {  	[tilespmem:s28+$0x5070] =	vst v2  }
0x58: {  	s28 =	simm.s32 $0x0;
	[bflag:$0x0] =	sbarrier.arrive $0xFFFF  }
0x59: {  	[tilespmem:s20], [sflag:$0x1] =	stream.indirect.gather [hbm4b:s5+s19], $0x80, s28, s19, $0xb8;
	[tilespmem:$0x1E080] =	vst v63  }
0x5a: {  	_ = 	snop  }
0x5b: {  	[tilespmem:s21], [sflag:$0x2] =	stream.indirect.gather [hbm4b:s5+s19], $0x80, s19, s19, $0xb8;
	[tilespmem:$0x1E080] =	vst v63  }
0x5c: {  	_ =	swait.ge [sflag:s22], $0x4000  }
0x5d: {  	[sflag:s22] =	ssyncset.done $0x0  }
0x5e: {  	s28 =	simm.s32 $0x5000;
	[sflag:s22] =	ssyncadd.s32 $0xFFFFC000  }
0x5f: {  	[spmem:s3] =	stream.indirect.scatter.add.f32 [tilespmem:s20], [sflag:$0x3], $0x80, s28, s19, $0xb8;
	[tilespmem:$0x1E080] =	vst v63  }
0x60: {  	_ =	swait.ge [sflag:s17], $0x4000  }
0x61: {  	[sflag:s17] =	ssyncset.done $0x0  }
0x62: {  	s28 =	simm.s32 $0x100;
	[sflag:s17] =	ssyncadd.s32 $0xFFFFC000  }
0x63: {  	[tilespmem:s20], [sflag:$0x1] =	stream.indirect.gather [hbm4b:s5+s19], $0x80, s28, s19, $0xb8;
	[tilespmem:$0x1E080] =	vst v63  }
0x64: {  	_ =	swait.ge [sflag:s23], $0x4000  }
0x65: {  	[sflag:s23] =	ssyncset.done $0x0  }
0x66: {  	s28 =	simm.s32 $0x5080;
	[sflag:s23] =	ssyncadd.s32 $0xFFFFC000  }
0x67: {  	[spmem:s3] =	stream.indirect.scatter.add.f32 [tilespmem:s21], [sflag:$0x3], $0x80, s28, s19, $0xb8;
	[tilespmem:$0x1E080] =	vst v63  }
0x68: {  	_ =	swait.ge [sflag:s17], $0x4000  }
0x69: {  	[sflag:s17] =	ssyncset.done $0x0  }
0x6a: {  	s29 =	simm.s32 $0x180;
	s28 =	simm.s32 $0x400;
	[sflag:s17] =	ssyncadd.s32 $0xFFFFC000  }
.LBB2_4:
0x6b: {  	[tilespmem:s21], [sflag:$0x2] =	stream.indirect.gather [hbm4b:s5+s19], $0x80, s29, s19, $0xb8;
	[tilespmem:$0x1E080] =	vst v63  }
0x6c: {  	s29 =	smov.u32 s28  }
0x6d: {  	p1 =	sne.s32 s28, $0x13800;
	s28 =	sadd.s32 $0x400, s28;
	_ =	swait.ge [sflag:s22], $0x4000  }
0x6e: {  	s29 =	sshra.s32 s29, $0x2;
	[sflag:s22] =	ssyncset.done $0x0  }
0x6f: {  	s30 =	sadd.s32 $0x5000, s29;
	[sflag:s22] =	ssyncadd.s32 $0xFFFFC000  }
0x70: {  	[spmem:s3] =	stream.indirect.scatter.add.f32 [tilespmem:s20], [sflag:$0x3], $0x80, s30, s19, $0xb8;
	[tilespmem:$0x1E080] =	vst v63  }
0x71: {  	_ =	swait.ge [sflag:s17], $0x4000  }
0x72: {  	[sflag:s17] =	ssyncset.done $0x0  }
0x73: {  	s30 =	sadd.s32 $0x100, s29;
	[sflag:s17] =	ssyncadd.s32 $0xFFFFC000  }
0x74: {  	[tilespmem:s20], [sflag:$0x1] =	stream.indirect.gather [hbm4b:s5+s19], $0x80, s30, s19, $0xb8;
	[tilespmem:$0x1E080] =	vst v63  }
0x75: {  	_ =	swait.ge [sflag:s23], $0x4000  }
0x76: {  	[sflag:s23] =	ssyncset.done $0x0  }
.Ltmp1:
0x77: {  	s30 =	sadd.s32 $0x5080, s29;
	[sflag:s23] =	ssyncadd.s32 $0xFFFFC000;
	(pc) =	sbr.rel @p1 .LBB2_4-.Ltmp1, $4  }
0x78: {  	[spmem:s3] =	stream.indirect.scatter.add.f32 [tilespmem:s21], [sflag:$0x3], $0x80, s30, s19, $0xb8;
	[tilespmem:$0x1E080] =	vst v63  }
0x79: {  	_ =	swait.ge [sflag:s17], $0x4000  }
0x7a: {  	[sflag:s17] =	ssyncset.done $0x0  }
0x7b: {  	s29 =	sadd.s32 $0x180, s29;
	[sflag:s17] =	ssyncadd.s32 $0xFFFFC000  }
0x7c: {  	[tilespmem:s21], [sflag:$0x2] =	stream.indirect.gather [hbm4b:s5+s19], $0x80, s29, s19, $0xb8;
	[tilespmem:$0x1E080] =	vst v63  }
0x7d: {  	_ =	swait.ge [sflag:s22], $0x4000  }
0x7e: {  	[sflag:s22] =	ssyncset.done $0x0  }
0x7f: {  	[sflag:s22] =	ssyncadd.s32 $0xFFFFC000  }
0x80: {  	[spmem:s3] =	stream.indirect.scatter.add.f32 [tilespmem:s20], [sflag:$0x3], $0x80, s24, s19, $0xb8;
	[tilespmem:$0x1E080] =	vst v63  }
0x81: {  	_ =	swait.ge [sflag:s17], $0x4000  }
0x82: {  	[sflag:s17] =	ssyncset.done $0x0  }
0x83: {  	[sflag:s17] =	ssyncadd.s32 $0xFFFFC000  }
0x84: {  	_ =	swait.ge [sflag:s23], $0x4000  }
0x85: {  	[sflag:s23] =	ssyncset.done $0x0  }
0x86: {  	[sflag:s23] =	ssyncadd.s32 $0xFFFFC000  }
0x87: {  	[spmem:s3] =	stream.indirect.scatter.add.f32 [tilespmem:s21], [sflag:$0x3], $0x80, s25, s19, $0xb8;
	[tilespmem:$0x1E080] =	vst v63  }
0x88: {  	_ =	swait.ge [sflag:s17], $0x4000  }
0x89: {  	s28 =	sshll.u32 s0, $0x6;
	s26 =	sadd.s32 $0x1, s26;
	[sflag:s17] =	ssyncset.done $0x0  }
0x8a: {  	s31 =	sshrl.u32 s6, $0x3;
	p1 =	sne.s32 s26, s15;
	[sflag:s17] =	ssyncadd.s32 $0xFFFFC000  }
.Ltmp2:
0x8b: {  	s28 =	sor.u32 $0x1C03, s28;
	[bflag:$0x0] =	sbarrier.arrive $0xFFFF;
	(pc) =	sbr.rel @p1 .LBB2_1-.Ltmp2, $4  }
0x8c: {  	[hbm:s14], [sflag:s28] =	dma.local [spmem:s31], $0x1400  }
0x8d: {  	_ =	swait.ge [sflag:s17], $0x1400  }
0x8e: {  	[sflag:s17] =	ssyncset.done $0x0  }
0x8f: {  	[sflag:s17] =	ssyncadd.s32 $0xFFFFEC00  }
0x90: {  	_ =	sfence.sel $0x180000  }
0x91: {  	[bflag:$0x0] =	sbarrier.arrive $0xFFFF  }
0x92: {  	p0 =	sne.s32 s0, $0x0;
	_ =	strace $0x90000050  }
0x93: {  	s0 =	sadd.s32 @!p0 $0x100000, s1;
	[bflag:$0x2] =	sbarrier.arrive $0xFFFF  }
0x94: {  	[sflag:s0] =	ssyncadd.tile.s32 @!p0 $0x1;
	_ =	shalt  }
.Lfunc_end2:
_tile_overlayer_lowered:
.L_overlay_start_2:
0x95: {  	(tag) =	ssettag $0x2  }
0x96: {  	s0 =	rddreg [dreg:$0x0];
	s2 =	stileid.u32  }
0x97: {  	s1 =	rddreg [dreg:$0x1];
	p0 =	sne.s32 s2, $0x0  }
0x98: {  	s3 =	rddreg [dreg:$0x2];
	[bflag:$0x3] =	sbarrier.arrive $0xFFFF;
	s2 =	simm.s32 @!p0 $0x1C03  }
0x99: {  	[timem:s3], [sflag:s2] =	dma.local @!p0 [hbm:s0], s1  }
0x9a: {  	s0 =	simm.s32 @!p0 $0x3  }
0x9b: {  	_ =	swait.ge @!p0 [sflag:s0], s1  }
0x9c: {  	s1 =	ssub.s32 @!p0 $0x0, s1;
	[sflag:s0] =	ssyncset.done @!p0 $0x0  }
0x9d: {  	[sflag:s0] =	ssyncadd.s32 @!p0 s1  }
0x9e: {  	[bflag:$0x3] =	sbarrier.arrive $0xFFFF  }
0x9f: {  	_ =	shalt  }

// kernel: kernel.28.cloned.1.call-start
scs
__scs_entry_jumppad:
0x0: {  	(pc) =	sbr.rel $0x88, $3  }
0x1: {  	(tag) =	ssettag $0x0;
	lr =	simm.s32 $0x1  }
0x2: {  	[smem:$0x3F82] =	sst lr;
	_ =	strace $0xD0000000  }
0x3: {  	_ = 	snop  }
0x4: {  	_ = 	snop  }
0x5: {  	_ = 	snop  }
0x6: {  	_ = 	snop  }
0x7: {  	_ = 	snop  }
__scs_overlays_trampoline_lowered:
0x8: {  	[smem:$0x3F91] =	sst s0  }
0x9: {  	[smem:$0x3F92] =	sst s1  }
0xa: {  	[smem:$0x3F93] =	sst s2  }
0xb: {  	[smem:$0x3F94] =	sst s3  }
0xc: {  	[smem:$0x3F95] =	sst s4  }
0xd: {  	[smem:$0x3F96] =	sst s5  }
0xe: {  	[smem:$0x3F97] =	sst s6  }
0xf: {  	[smem:$0x3F98] =	sst s7  }
0x10: {  	[smem:$0x3F99] =	sst s8  }
0x11: {  	[smem:$0x3F9A] =	sst s9;
	s0 =	simm.s32 @!p0 $0x0  }
0x12: {  	s1 =	sld [smem:$0x3F80];
	s0 =	simm.s32 @p0 $0x1  }
0x13: {  	[smem:$0x3F9B] =	sst s0;
	s0 =	simm.s32 @!p1 $0x0  }
0x14: {  	s2 =	sld [smem:$0x3F7F];
	s0 =	simm.s32 @p1 $0x1  }
0x15: {  	[smem:$0x3F9C] =	sst s0;
	s0 =	simm.s32 @!p2 $0x0  }
0x16: {  	s3 =	sld [smem:$0x3FDB];
	s0 =	simm.s32 @p2 $0x1  }
0x17: {  	s4 =	simm.s32 $0x1BF5;
	[smem:$0x3F9E] =	sst s0  }
0x18: {  	s0 =	sld [smem:$0x3F81];
	_ =	swait.ge [sflag:s4], $0x0  }
0x19: {  	s7 =	sld [smem:$0x3F82]  }
0x1a: {  	s8 =	sadd.s32 $0xFFFFE003, lr  }
0x1b: {  	s9 =	sadd.s32 $0xFFFFFEF7, lr;
	s5 =	simm.s32 $0xFFFFFFFF;
	p2 =	slt.u32 s8, $0xFFFFF086  }
0x1c: {  	p1 =	slt.u32 s9, $0xF7A;
	s5 =	simm.s32 @!p2 $0x0  }
0x1d: {  	s5 =	simm.s32 @p1 $0x1;
	p0 =	seq.s32 s7, s2  }
0x1e: {  	s7 =	smul.u32 @!p0 $0xF7A, s2;
	p2 =	seq.s32 @!p0 s5, $0x0  }
0x1f: {  	s9 =	smul.u32 $0xF7A, s1;
	s8 =	simm.s32 @!p0 $0x1BF5;
	p2 =	por !p2, p0  }
0x20: {  	[sflag:s8] =	ssyncset.s32 @!p0 $0xFFFFF086;
	s6 =	sadd.s32 @!p0 s3, s7;
	s7 =	simm.s32 @!p0 $0x108  }
0x21: {  	s3 =	sadd.s32 s3, s9;
	s6 =	sadd.s32 @!p0 $0x88, s6;
	s7 =	simm.s32 @p2 $0x1082  }
0x22: {  	[simem:s7], [sflag:s8] =	dma.local @!p0 [hbm:s6], $0xF7A  }
0x23: {  	s9 =	sor.u32 $0xD0000000, s2;
	s6 =	simm.s32 $0x108;
	_ =	swait.ge @!p0 [sflag:s8], $0x0  }
0x24: {  	s3 =	sadd.s32 $0x88, s3;
	s6 =	simm.s32 @!p1 $0x1082;
	[sflag:s4] =	ssyncset.s32 $0xFFFFF086  }
0x25: {  	[simem:s6], [sflag:s4] =	dma.local [hbm:s3], $0xF7A  }
0x26: {  	[smem:$0x3F82] =	sst s1;
	(tag) =	ssettag s2;
	_ =	strace s9  }
0x27: {  	s1 =	sld [smem:$0x3F92]  }
0x28: {  	s2 =	sld [smem:$0x3F93]  }
0x29: {  	s4 =	sld [smem:$0x3F95]  }
0x2a: {  	p0 =	seq.s32 s5, $0x0;
	s5 =	sld [smem:$0x3F96]  }
0x2b: {  	s6 =	sld [smem:$0x3F97]  }
0x2c: {  	s7 =	sld [smem:$0x3F98]  }
0x2d: {  	s3 =	simm.s32 $0x108;
	s8 =	sld [smem:$0x3F99]  }
0x2e: {  	s3 =	simm.s32 @!p0 $0x1082;
	s9 =	sld [smem:$0x3F9A]  }
0x2f: {  	lr =	sadd.s32 s0, s3;
	s0 =	sld [smem:$0x3F91]  }
0x30: {  	s3 =	sld [smem:$0x3F94]  }
0x31: {  	[smem:$0x3F9D] =	sst s10  }
0x32: {  	s10 =	sld [smem:$0x3F9B];
	_ =	sdelay $0x3  }
0x33: {  	p0 =	seq.s32 s10, $0x1;
	s10 =	sld [smem:$0x3F9D];
	_ =	sdelay $0x3  }
0x34: {  	[smem:$0x3F9D] =	sst s10  }
0x35: {  	s10 =	sld [smem:$0x3F9C];
	_ =	sdelay $0x3  }
0x36: {  	p1 =	seq.s32 s10, $0x1;
	s10 =	sld [smem:$0x3F9D];
	_ =	sdelay $0x3  }
0x37: {  	[smem:$0x3F9D] =	sst s10  }
0x38: {  	s10 =	sld [smem:$0x3F9E]  }
0x39: {  	_ = 	snop;
	(pc) =	sbr.ind lr, $3  }
0x3a: {  	_ = 	snop  }
0x3b: {  	_ = 	snop  }
0x3c: {  	p2 =	seq.s32 s10, $0x1;
	s10 =	sld [smem:$0x3F9D]  }
0x3d: {  	_ =	shalt  }
0x3e: {  	_ =	shalt  }
0x3f: {  	_ =	shalt  }
0x40: {  	_ =	shalt  }
0x41: {  	_ =	shalt  }
0x42: {  	_ =	shalt  }
0x43: {  	_ =	shalt  }
0x44: {  	_ =	shalt  }
0x45: {  	_ =	shalt  }
0x46: {  	_ =	shalt  }
0x47: {  	_ =	shalt  }
0x48: {  	_ =	shalt  }
0x49: {  	_ =	shalt  }
0x4a: {  	_ =	shalt  }
0x4b: {  	_ =	shalt  }
0x4c: {  	_ =	shalt  }
0x4d: {  	_ =	shalt  }
0x4e: {  	_ =	shalt  }
0x4f: {  	_ =	shalt  }
0x50: {  	_ =	shalt  }
0x51: {  	_ =	shalt  }
0x52: {  	_ =	shalt  }
0x53: {  	_ =	shalt  }
0x54: {  	_ =	shalt  }
0x55: {  	_ =	shalt  }
0x56: {  	_ =	shalt  }
0x57: {  	_ =	shalt  }
0x58: {  	_ =	shalt  }
0x59: {  	_ =	shalt  }
0x5a: {  	_ =	shalt  }
0x5b: {  	_ =	shalt  }
0x5c: {  	_ =	shalt  }
0x5d: {  	_ =	shalt  }
0x5e: {  	_ =	shalt  }
0x5f: {  	_ =	shalt  }
0x60: {  	_ =	shalt  }
0x61: {  	_ =	shalt  }
0x62: {  	_ =	shalt  }
0x63: {  	_ =	shalt  }
0x64: {  	_ =	shalt  }
0x65: {  	_ =	shalt  }
0x66: {  	_ =	shalt  }
0x67: {  	_ =	shalt  }
0x68: {  	_ =	shalt  }
0x69: {  	_ =	shalt  }
0x6a: {  	_ =	shalt  }
0x6b: {  	_ =	shalt  }
0x6c: {  	_ =	shalt  }
0x6d: {  	_ =	shalt  }
0x6e: {  	_ =	shalt  }
0x6f: {  	_ =	shalt  }
0x70: {  	_ =	shalt  }
0x71: {  	_ =	shalt  }
0x72: {  	_ =	shalt  }
0x73: {  	_ =	shalt  }
0x74: {  	_ =	shalt  }
0x75: {  	_ =	shalt  }
0x76: {  	_ =	shalt  }
0x77: {  	_ =	shalt  }
0x78: {  	_ =	shalt  }
0x79: {  	_ =	shalt  }
0x7a: {  	_ =	shalt  }
0x7b: {  	_ =	shalt  }
0x7c: {  	_ =	shalt  }
0x7d: {  	_ =	shalt  }
0x7e: {  	_ =	shalt  }
0x7f: {  	_ =	shalt  }
0x80: {  	_ =	shalt  }
0x81: {  	_ =	shalt  }
0x82: {  	_ =	shalt  }
0x83: {  	_ =	shalt  }
0x84: {  	_ =	shalt  }
0x85: {  	_ =	shalt  }
0x86: {  	_ =	shalt  }
0x87: {  	_ =	shalt  }
.Lfunc_end0:
.L_simem_size_0:
called_computation.4_lowered:
.L_overlay_start_0:
0x88: {  	s2 =	sld [smem:$0x3FD9]  }
0x89: {  	s3 =	sld [smem:$0x3FFE];
	_ =	sdelay $0x1  }
0x8a: {  	s1 =	srdreg.scid  }
0x8b: {  	s0 =	sand.u32 $0x1, s1  }
0x8c: {  	s17 =	sshll.u32 s0, $0xA;
	s2 =	sadd.s32 s3, s2  }
0x8d: {  	s2 =	sadd.s32 s2, s17  }
0x8e: {  	[smem:$0x3FA9] =	sst s2  }
0x8f: {  	_ = 	snop  }
0x90: {  	s2 =	sld [smem:$0x3FD0];
	(tm) =	ssettm $0x1  }
0x91: {  	s18 =	sld [smem:$0x3FFB];
	_ =	sdelay $0x3  }
0x92: {  	_ =	strace s18  }
0x93: {  	s3 =	sld [smem:$0x3FFC];
	_ =	sdelay $0x3  }
0x94: {  	_ =	strace s3  }
0x95: {  	s3 =	sld [smem:$0x3FFD];
	_ =	sdelay $0x3  }
0x96: {  	_ =	strace s3  }
0x97: {  	_ =	strace $0x8FFFFFFF  }
0x98: {  	s19 =	sld [smem:$0x3FDB];
	_ =	sdelay $0x1  }
0x99: {  	s4 =	simm.s32 $_scs_section_size  }
0x9a: {  	s5 =	simm.s32 $_size__tile_overlayer_lowered;
	s6 =	simm.s32 $_tile_overlayer_lowered  }
0x9b: {  	s22 =	simm.s32 $0x1BFF;
	s21 =	sshll.u32 s6, $0x1;
	s3 =	sadd.s32 s4, s19  }
0x9c: {  	s7 =	simm.s32 $0x0;
	s20 =	sshll.u32 s5, $0x1;
	s5 =	sadd.s32 s21, s3  }
0x9d: {  	[timem:s7], [sflag:s22] =	dma.local [hbm:s5], s20  }
0x9e: {  	_ =	swait.ge [sflag:s22], s20  }
0x9f: {  	s4 =	ssub.s32 $0x0, s20;
	[sflag:s22] =	ssyncset.done $0x0  }
0xa0: {  	[sflag:s22] =	ssyncadd.s32 s4;
	_ =	sdelay $0x1  }
0xa1: {  	s23 =	simm.s32 $0x1B8B  }
0xa2: {  	_ =	swait.ge [sflag:s23], $0x1  }
0xa3: {  	[sflag:s23] =	ssyncset.done $0x0  }
0xa4: {  	s25 =	simm.s32 $0x1B8E;
	s24 =	sld [smem:$0x3FFE];
	[sflag:s23] =	ssyncadd.s32 $0xFFFFFFFF  }
0xa5: {  	s26 =	simm.s32 $execute0_lowered;
	[smem:$0x3FD2] =	sst s25  }
0xa6: {  	s5 =	sshll.u32 s26, $0x1;
	_ =	strace $0x80000052;
	[dreg:$0x1] =	wrdreg $0xFFFFFFFF  }
0xa7: {  	s28 =	simm.s32 $_size_execute0_lowered;
	s3 =	sadd.s32 s3, s5;
	[dreg:$0x0] =	wrdreg $0x0  }
0xa8: {  	s5 =	sshll.u32 s28, $0x1;
	[dreg:$0x2] =	wrdreg s3  }
0xa9: {  	[dreg:$0x3] =	wrdreg s5  }
0xaa: {  	[dreg:$0x4] =	wrdreg $0xC0  }
0xab: {  	_ =	task [dreg:s7], $0x5FFFF  }
0xac: {  	[dreg:$0x1] =	wrdreg $0xFFFFFFFF  }
0xad: {  	[dreg:$0x0] =	wrdreg $0x60  }
0xae: {  	[dreg:$0x2] =	wrdreg s24  }
0xaf: {  	[dreg:$0x3] =	wrdreg s2  }
0xb0: {  	[dreg:$0x4] =	wrdreg $0x140000  }
0xb1: {  	[dreg:$0x5] =	wrdreg $0x9  }
0xb2: {  	_ =	task.clear_ibuf [dreg:s7], $0x6FFFF;
	_ =	strace $0x90000052  }
0xb3: {  	s29 =	simm.s32 $0x9;
	_ =	strace $0x80000054  }
0xb4: {  	_ =	swait.ge [sflag:s29], $0x1  }
0xb5: {  	[sflag:s29] =	ssyncadd.s32 $0xFFFFFFFF  }
0xb6: {  	_ =	strace $0x90000054  }
0xb7: {  	_ =	sfence  }
0xb8: {  	s30 =	sld [smem:$0x0];
	_ =	sdelay $0x2  }
0xb9: {  	s31 =	sshll.u32 s1, $0xD;
	s1 =	sshrl.u32 s1, $0x2  }
0xba: {  	s3 =	sand.u32 $0x4000, s31;
	s1 =	sadd.s32 s1, s30  }
0xbb: {  	s0 =	sor.u32 s3, s0;
	s1 =	sshll.u32 s1, $0x11  }
0xbc: {  	s0 =	sor.u32 s1, s0  }
0xbd: {  	s0 =	sadd.s32 $0x8F2B, s0  }
0xbe: {  	[sflag:s0] =	ssyncadd.remote.s32 $0x1  }
0xbf: {  	_ =	sfence.sel $0xFFFF  }
0xc0: {  	[dreg:$0x0] =	wrdreg $0xFFFFFFFF;
	(pc) =	sbr.abs _section_cstart, $3  }
0xc1: {  	[dreg:$0x1] =	wrdreg $0xFFFFFFFF  }
0xc2: {  	_ =	task.clear_ibuf [dreg:s7], $0x2FFFF;
	_ =	strace $0x9FFFFFFF  }
0xc3: {  	(tm) =	ssettm $0x7FFFFFFF  }
tec
execute0_lowered:
.L_overlay_start_1:
0x0: {  	(tag) =	ssettag $0x1  }
0x1: {  	s7 =	rddreg [dreg:$0x0];
	s0 =	stileid.u32  }
0x2: {  	s1 =	srdreg.scid;
	s2 =	rddreg [dreg:$0x1]  }
0x3: {  	s3 =	rddreg [dreg:$0x2];
	s4 =	simm.s32 $0x0;
	s16 =	simm.s32 $0x12000  }
0x4: {  	s17 =	simm.s32 $0x3;
	s18 =	simm.s32 $0x5000;
	s19 =	simm.s32 $0x80  }
0x5: {  	s20 =	simm.s32 $0xA000;
	s21 =	simm.s32 $0xE000;
	s22 =	simm.s32 $0x1  }
0x6: {  	s23 =	simm.s32 $0x2;
	s26 =	simm.s32 $0x0;
	s6 =	smul.u32 $0xA00, s0  }
0x7: {  	s8 =	sand.u32 $0x1, s1;
	s1 =	rddreg [dreg:$0x3];
	s9 =	smul.u32 $0x140, s0  }
0x8: {  	[smem:$0x7FF] =	sst s4;
	s10 =	smul.u32 $0x28000, s0;
	s5 =	sadd.s32 $0x7000, s7  }
0x9: {  	s25 =	sor.u32 $0x1400, s0;
	p0 =	sne.s32 s0, $0xF;
	s24 =	smul.u32 $0x1400, s8  }
0xa: {  	_ =	strace $0x80000053;
	s8 =	ssub.s32 $0x2, s8;
	v1 =	vmov s25;
	s25 =	simm.s32 $0x9F80  }
0xb: {  	s13 =	sadd.s32 s6, s7;
	s30 =	sshrl.u32 s10, $0x2;
	s11 =	sshrl.u32 s8, $0x1  }
0xc: {  	s29 =	sadd.s32 s9, s24;
	s6 =	sadd.s32 s30, s3;
	s15 =	ssub.s32 s8, s11  }
0xd: {  	s11 =	sadd.s32 $0xA0000, s3;
	s12 =	sadd.s32 $0x61000, s13;
	s13 =	sadd.s32 $0x57000, s13  }
0xe: {  	v0 =	vmov s24;
	s24 =	simm.s32 $0x9F00;
	s31 =	sshll.u32 s29, $0x4;
	s8 =	sadd.s32 $0x4000, s6  }
0xf: {  	s9 =	sadd.s32 $0x6000, s6;
	s10 =	sadd.s32 $0x8000, s6;
	s14 =	sadd.s32 s31, s7  }
0x10: {  	s15 =	smax.u32 s15, $0x1;
	s7 =	sadd.s32 $0x2000, s6;
	s14 =	sadd.s32 $0x2F000, s14  }
.LBB2_1:
0x11: {  	[tilespmem:s16], [sflag:$0x3] =	stream.linear.gather [hbm4b:s2+s4], $0x2000, $0x38;
	[tilespmem:$0x1E080] =	vst v63  }
0x12: {  	_ =	swait.ge [sflag:s17], $0x2000  }
0x13: {  	[sflag:s17] =	ssyncset.done $0x0  }
0x14: {  	[sflag:s17] =	ssyncadd.s32 $0xFFFFE000  }
0x15: {  	[spmem:s6] =	stream.linear.scatter [tilespmem:s16], [sflag:$0x3], $0x2000, $0x38;
	[tilespmem:$0x1E080] =	vst v63  }
0x16: {  	_ =	swait.ge [sflag:s17], $0x2000  }
0x17: {  	[sflag:s17] =	ssyncset.done $0x0  }
0x18: {  	[sflag:s17] =	ssyncadd.s32 $0xFFFFE000  }
0x19: {  	[spmem:s7] =	stream.linear.scatter [tilespmem:s16], [sflag:$0x3], $0x2000, $0x38;
	[tilespmem:$0x1E080] =	vst v63  }
0x1a: {  	_ =	swait.ge [sflag:s17], $0x2000  }
0x1b: {  	[sflag:s17] =	ssyncset.done $0x0  }
0x1c: {  	[sflag:s17] =	ssyncadd.s32 $0xFFFFE000  }
0x1d: {  	[spmem:s8] =	stream.linear.scatter [tilespmem:s16], [sflag:$0x3], $0x2000, $0x38;
	[tilespmem:$0x1E080] =	vst v63  }
0x1e: {  	_ =	swait.ge [sflag:s17], $0x2000  }
0x1f: {  	[sflag:s17] =	ssyncset.done $0x0  }
0x20: {  	[sflag:s17] =	ssyncadd.s32 $0xFFFFE000  }
0x21: {  	[spmem:s9] =	stream.linear.scatter [tilespmem:s16], [sflag:$0x3], $0x2000, $0x38;
	[tilespmem:$0x1E080] =	vst v63  }
0x22: {  	_ =	swait.ge [sflag:s17], $0x2000  }
0x23: {  	[sflag:s17] =	ssyncset.done $0x0  }
0x24: {  	[sflag:s17] =	ssyncadd.s32 $0xFFFFE000  }
0x25: {  	[spmem:s10] =	stream.linear.scatter [tilespmem:s16], [sflag:$0x3], $0x2000, $0x38;
	[tilespmem:$0x1E080] =	vst v63  }
0x26: {  	_ =	swait.ge [sflag:s17], $0x2000  }
0x27: {  	[sflag:s17] =	ssyncset.done $0x0  }
0x28: {  	s28 =	simm.s32 @!p0 $0x12000;
	[sflag:s17] =	ssyncadd.s32 $0xFFFFE000  }
0x29: {  	[spmem:s11] =	stream.linear.scatter @!p0 [tilespmem:s28], [sflag:$0x3], $0x800, $0x38;
	[tilespmem:$0x1E080] =	vst v63  }
0x2a: {  	s28 =	simm.s32 @!p0 $0x3  }
0x2b: {  	_ =	swait.ge @!p0 [sflag:s28], $0x800  }
0x2c: {  	[sflag:s28] =	ssyncset.done @!p0 $0x0  }
0x2d: {  	[sflag:s28] =	ssyncadd.s32 @!p0 $0xFFFFF800  }
0x2e: {  	[tilespmem:s4], [sflag:$0x3] =	stream.linear.gather [hbm4b:s12+s4], $0x5000, $0x38;
	[tilespmem:$0x1E080] =	vst v63  }
0x2f: {  	_ =	swait.ge [sflag:s17], $0x5000  }
0x30: {  	[sflag:s17] =	ssyncset.done $0x0  }
0x31: {  	[sflag:s17] =	ssyncadd.s32 $0xFFFFB000  }
0x32: {  	[tilespmem:s18], [sflag:$0x3] =	stream.linear.gather [hbm4b:s13+s4], $0x5000, $0x38;
	[tilespmem:$0x1E080] =	vst v63  }
0x33: {  	_ =	swait.ge [sflag:s17], $0x5000  }
0x34: {  	[sflag:s17] =	ssyncset.done $0x0  }
0x35: {  	s28 =	simm.s32 $0x0;
	[sflag:s17] =	ssyncadd.s32 $0xFFFFB000  }
0x36: {  	v2 =	vld [tilespmem:s28+$0x5000];
	_ =	sdelay $0x1  }
0x37: {  	v3 =	vld [tilespmem:s28+$0x5010];
	_ =	sdelay $0x1  }
0x38: {  	v6 =	vld [tilespmem:s28+$0x5020]  }
0x39: {  	v9 =	vld [tilespmem:s28+$0x5030];
	v4 =	vsub.s32 v2, v0  }
0x3a: {  	vm0 =	vge.s32 v2, v0;
	vm1 =	vlt.s32 v4, $0x1400  }
0x3b: {  	v7 =	vsub.s32 v3, v0;
	vm0 =	vmand vm0, vm1;
	vm1 =	vge.s32 v3, v0;
	v3 =	vld [tilespmem:s28+$0x5040]  }
0x3c: {  	vm2 =	vlt.s32 v7, $0x1400;
	v5 =	vsel vm0, v4, v1;
	v4 =	vld [tilespmem:s28+$0x5050]  }
0x3d: {  	v8 =	vsub.s32 v6, v0;
	vm0 =	vmand vm1, vm2  }
0x3e: {  	vm1 =	vge.s32 v6, v0;
	vm2 =	vlt.s32 v8, $0x1400;
	v6 =	vsub.s32 v9, v0  }
0x3f: {  	s29 =	simm.s32 $0x200;
	v2 =	vld [tilespmem:s28+$0x5060];
	vm1 =	vmand vm1, vm2;
	vm2 =	vge.s32 v9, v0;
	vm3 =	vlt.s32 v6, $0x1400  }
.LBB2_2:
0x40: {  	p1 =	sne.s32 s29, $0x13E00;
	v7 =	vsel vm0, v7, v1;
	v8 =	vsel vm1, v8, v1;
	vm0 =	vmand vm2, vm3;
	v9 =	vld [tilespmem:s28+$0x5070]  }
0x41: {  	v10 =	vsub.s32 v3, v0;
	vm1 =	vge.s32 v3, v0;
	v3 =	vsub.s32 v4, v0  }
0x42: {  	s30 =	sshra.s32 s29, $0x2;
	vm2 =	vlt.s32 v10, $0x1400;
	vm3 =	vge.s32 v4, v0;
	[tilespmem:s28+$0x5000] =	vst v5;
	vm4 =	vlt.s32 v3, $0x1400  }
0x43: {  	v5 =	vsel vm0, v6, v1;
	vm0 =	vmand vm1, vm2;
	v4 =	vld [tilespmem:s30+$0x5000];
	[tilespmem:s28+$0x5010] =	vst v7;
	vm1 =	vmand vm3, vm4  }
0x44: {  	v7 =	vsel vm0, v10, v1;
	v6 =	vld [tilespmem:s30+$0x5010];
	[tilespmem:s28+$0x5020] =	vst v8;
	v3 =	vsel vm1, v3, v1;
	v8 =	vsub.s32 v2, v0  }
0x45: {  	vm0 =	vge.s32 v2, v0;
	[tilespmem:s28+$0x5030] =	vst v5;
	vm1 =	vlt.s32 v8, $0x1400;
	v2 =	vsub.s32 v9, v0  }
0x46: {  	v10 =	vld [tilespmem:s30+$0x5020];
	[tilespmem:s28+$0x5040] =	vst v7;
	vm0 =	vmand vm0, vm1;
	vm1 =	vge.s32 v9, v0;
	vm2 =	vlt.s32 v2, $0x1400  }
0x47: {  	v9 =	vld [tilespmem:s30+$0x5030];
	[tilespmem:s28+$0x5050] =	vst v3;
	v3 =	vsel vm0, v8, v1;
	vm0 =	vmand vm1, vm2  }
0x48: {  	v5 =	vsub.s32 v4, v0;
	[tilespmem:s28+$0x5060] =	vst v3;
	v2 =	vsel vm0, v2, v1  }
.Ltmp0:
0x49: {  	vm0 =	vge.s32 v4, v0;
	vm1 =	vlt.s32 v5, $0x1400;
	v7 =	vsub.s32 v6, v0;
	v3 =	vld [tilespmem:s30+$0x5040];
	[tilespmem:s28+$0x5070] =	vst v2;
	s28 =	smov.u32 s30;
	(pc) =	sbr.rel @p1 .LBB2_2-.Ltmp0, $4  }
0x4a: {  	vm0 =	vmand vm0, vm1;
	vm1 =	vge.s32 v6, v0;
	vm2 =	vlt.s32 v7, $0x1400;
	v4 =	vld [tilespmem:s28+$0x5050]  }
0x4b: {  	v5 =	vsel vm0, v5, v1;
	vm0 =	vmand vm1, vm2;
	v8 =	vsub.s32 v10, v0  }
0x4c: {  	vm1 =	vge.s32 v10, v0;
	vm2 =	vlt.s32 v8, $0x1400;
	v6 =	vsub.s32 v9, v0  }
0x4d: {  	s29 =	sadd.s32 $0x200, s29;
	vm1 =	vmand vm1, vm2;
	vm2 =	vge.s32 v9, v0;
	vm3 =	vlt.s32 v6, $0x1400;
	v2 =	vld [tilespmem:s28+$0x5060]  }
0x4e: {  	v7 =	vsel vm0, v7, v1;
	v8 =	vsel vm1, v8, v1;
	vm13 =	vmand vm2, vm3;
	v9 =	vld [tilespmem:s28+$0x5070]  }
0x4f: {  	v10 =	vsub.s32 v3, v0;
	vm14 =	vge.s32 v3, v0;
	v3 =	vsub.s32 v4, v0  }
0x50: {  	[tilespmem:s28+$0x5000] =	vst v5;
	vm15 =	vlt.s32 v10, $0x1400;
	vm8 =	vge.s32 v4, v0;
	vm4 =	vlt.s32 v3, $0x1400  }
0x51: {  	[tilespmem:s28+$0x5010] =	vst v7;
	v61 =	vsel vm13, v6, v1;
	vm9 =	vmand vm14, vm15;
	vm10 =	vmand vm8, vm4  }
0x52: {  	[tilespmem:s28+$0x5020] =	vst v8;
	v62 =	vsel vm9, v10, v1;
	v3 =	vsel vm10, v3, v1;
	v63 =	vsub.s32 v2, v0  }
0x53: {  	[tilespmem:s28+$0x5030] =	vst v61;
	vm11 =	vge.s32 v2, v0;
	vm12 =	vlt.s32 v63, $0x1400;
	v2 =	vsub.s32 v9, v0  }
0x54: {  	[tilespmem:s28+$0x5040] =	vst v62;
	vm13 =	vge.s32 v9, v0;
	vm0 =	vmand vm11, vm12;
	vm14 =	vlt.s32 v2, $0x1400  }
0x55: {  	[tilespmem:s28+$0x5050] =	vst v3;
	v3 =	vsel vm0, v63, v1;
	vm15 =	vmand vm13, vm14  }
0x56: {  	[tilespmem:s28+$0x5060] =	vst v3;
	v2 =	vsel vm15, v2, v1  }
0x57: {  	[tilespmem:s28+$0x5070] =	vst v2  }
0x58: {  	s28 =	simm.s32 $0x0;
	[bflag:$0x0] =	sbarrier.arrive $0xFFFF  }
0x59: {  	[tilespmem:s20], [sflag:$0x1] =	stream.indirect.gather [hbm4b:s5+s19], $0x80, s28, s19, $0xb8;
	[tilespmem:$0x1E080] =	vst v63  }
0x5a: {  	_ = 	snop  }
0x5b: {  	[tilespmem:s21], [sflag:$0x2] =	stream.indirect.gather [hbm4b:s5+s19], $0x80, s19, s19, $0xb8;
	[tilespmem:$0x1E080] =	vst v63  }
0x5c: {  	_ =	swait.ge [sflag:s22], $0x4000  }
0x5d: {  	[sflag:s22] =	ssyncset.done $0x0  }
0x5e: {  	s28 =	simm.s32 $0x5000;
	[sflag:s22] =	ssyncadd.s32 $0xFFFFC000  }
0x5f: {  	[spmem:s3] =	stream.indirect.scatter.add.f32 [tilespmem:s20], [sflag:$0x3], $0x80, s28, s19, $0xb8;
	[tilespmem:$0x1E080] =	vst v63  }
0x60: {  	_ =	swait.ge [sflag:s17], $0x4000  }
0x61: {  	[sflag:s17] =	ssyncset.done $0x0  }
0x62: {  	s28 =	simm.s32 $0x100;
	[sflag:s17] =	ssyncadd.s32 $0xFFFFC000  }
0x63: {  	[tilespmem:s20], [sflag:$0x1] =	stream.indirect.gather [hbm4b:s5+s19], $0x80, s28, s19, $0xb8;
	[tilespmem:$0x1E080] =	vst v63  }
0x64: {  	_ =	swait.ge [sflag:s23], $0x4000  }
0x65: {  	[sflag:s23] =	ssyncset.done $0x0  }
0x66: {  	s28 =	simm.s32 $0x5080;
	[sflag:s23] =	ssyncadd.s32 $0xFFFFC000  }
0x67: {  	[spmem:s3] =	stream.indirect.scatter.add.f32 [tilespmem:s21], [sflag:$0x3], $0x80, s28, s19, $0xb8;
	[tilespmem:$0x1E080] =	vst v63  }
0x68: {  	_ =	swait.ge [sflag:s17], $0x4000  }
0x69: {  	[sflag:s17] =	ssyncset.done $0x0  }
0x6a: {  	s29 =	simm.s32 $0x180;
	s28 =	simm.s32 $0x400;
	[sflag:s17] =	ssyncadd.s32 $0xFFFFC000  }
.LBB2_4:
0x6b: {  	[tilespmem:s21], [sflag:$0x2] =	stream.indirect.gather [hbm4b:s5+s19], $0x80, s29, s19, $0xb8;
	[tilespmem:$0x1E080] =	vst v63  }
0x6c: {  	s29 =	smov.u32 s28  }
0x6d: {  	p1 =	sne.s32 s28, $0x13800;
	s28 =	sadd.s32 $0x400, s28;
	_ =	swait.ge [sflag:s22], $0x4000  }
0x6e: {  	s29 =	sshra.s32 s29, $0x2;
	[sflag:s22] =	ssyncset.done $0x0  }
0x6f: {  	s30 =	sadd.s32 $0x5000, s29;
	[sflag:s22] =	ssyncadd.s32 $0xFFFFC000  }
0x70: {  	[spmem:s3] =	stream.indirect.scatter.add.f32 [tilespmem:s20], [sflag:$0x3], $0x80, s30, s19, $0xb8;
	[tilespmem:$0x1E080] =	vst v63  }
0x71: {  	_ =	swait.ge [sflag:s17], $0x4000  }
0x72: {  	[sflag:s17] =	ssyncset.done $0x0  }
0x73: {  	s30 =	sadd.s32 $0x100, s29;
	[sflag:s17] =	ssyncadd.s32 $0xFFFFC000  }
0x74: {  	[tilespmem:s20], [sflag:$0x1] =	stream.indirect.gather [hbm4b:s5+s19], $0x80, s30, s19, $0xb8;
	[tilespmem:$0x1E080] =	vst v63  }
0x75: {  	_ =	swait.ge [sflag:s23], $0x4000  }
0x76: {  	[sflag:s23] =	ssyncset.done $0x0  }
.Ltmp1:
0x77: {  	s30 =	sadd.s32 $0x5080, s29;
	[sflag:s23] =	ssyncadd.s32 $0xFFFFC000;
	(pc) =	sbr.rel @p1 .LBB2_4-.Ltmp1, $4  }
0x78: {  	[spmem:s3] =	stream.indirect.scatter.add.f32 [tilespmem:s21], [sflag:$0x3], $0x80, s30, s19, $0xb8;
	[tilespmem:$0x1E080] =	vst v63  }
0x79: {  	_ =	swait.ge [sflag:s17], $0x4000  }
0x7a: {  	[sflag:s17] =	ssyncset.done $0x0  }
0x7b: {  	s29 =	sadd.s32 $0x180, s29;
	[sflag:s17] =	ssyncadd.s32 $0xFFFFC000  }
0x7c: {  	[tilespmem:s21], [sflag:$0x2] =	stream.indirect.gather [hbm4b:s5+s19], $0x80, s29, s19, $0xb8;
	[tilespmem:$0x1E080] =	vst v63  }
0x7d: {  	_ =	swait.ge [sflag:s22], $0x4000  }
0x7e: {  	[sflag:s22] =	ssyncset.done $0x0  }
0x7f: {  	[sflag:s22] =	ssyncadd.s32 $0xFFFFC000  }
0x80: {  	[spmem:s3] =	stream.indirect.scatter.add.f32 [tilespmem:s20], [sflag:$0x3], $0x80, s24, s19, $0xb8;
	[tilespmem:$0x1E080] =	vst v63  }
0x81: {  	_ =	swait.ge [sflag:s17], $0x4000  }
0x82: {  	[sflag:s17] =	ssyncset.done $0x0  }
0x83: {  	[sflag:s17] =	ssyncadd.s32 $0xFFFFC000  }
0x84: {  	_ =	swait.ge [sflag:s23], $0x4000  }
0x85: {  	[sflag:s23] =	ssyncset.done $0x0  }
0x86: {  	[sflag:s23] =	ssyncadd.s32 $0xFFFFC000  }
0x87: {  	[spmem:s3] =	stream.indirect.scatter.add.f32 [tilespmem:s21], [sflag:$0x3], $0x80, s25, s19, $0xb8;
	[tilespmem:$0x1E080] =	vst v63  }
0x88: {  	_ =	swait.ge [sflag:s17], $0x4000  }
0x89: {  	s28 =	sshll.u32 s0, $0x6;
	s26 =	sadd.s32 $0x1, s26;
	[sflag:s17] =	ssyncset.done $0x0  }
0x8a: {  	s31 =	sshrl.u32 s6, $0x3;
	p1 =	sne.s32 s26, s15;
	[sflag:s17] =	ssyncadd.s32 $0xFFFFC000  }
.Ltmp2:
0x8b: {  	s28 =	sor.u32 $0x1C03, s28;
	[bflag:$0x0] =	sbarrier.arrive $0xFFFF;
	(pc) =	sbr.rel @p1 .LBB2_1-.Ltmp2, $4  }
0x8c: {  	[hbm:s14], [sflag:s28] =	dma.local [spmem:s31], $0x1400  }
0x8d: {  	_ =	swait.ge [sflag:s17], $0x1400  }
0x8e: {  	[sflag:s17] =	ssyncset.done $0x0  }
0x8f: {  	[sflag:s17] =	ssyncadd.s32 $0xFFFFEC00  }
0x90: {  	_ =	sfence.sel $0x180000  }
0x91: {  	[bflag:$0x0] =	sbarrier.arrive $0xFFFF  }
0x92: {  	p0 =	sne.s32 s0, $0x0;
	_ =	strace $0x90000053  }
0x93: {  	s0 =	sadd.s32 @!p0 $0x100000, s1;
	[bflag:$0x2] =	sbarrier.arrive $0xFFFF  }
0x94: {  	[sflag:s0] =	ssyncadd.tile.s32 @!p0 $0x1;
	_ =	shalt  }
.Lfunc_end2:
_tile_overlayer_lowered:
.L_overlay_start_2:
0x95: {  	(tag) =	ssettag $0x2  }
0x96: {  	s0 =	rddreg [dreg:$0x0];
	s2 =	stileid.u32  }
0x97: {  	s1 =	rddreg [dreg:$0x1];
	p0 =	sne.s32 s2, $0x0  }
0x98: {  	s3 =	rddreg [dreg:$0x2];
	[bflag:$0x3] =	sbarrier.arrive $0xFFFF;
	s2 =	simm.s32 @!p0 $0x1C03  }
0x99: {  	[timem:s3], [sflag:s2] =	dma.local @!p0 [hbm:s0], s1  }
0x9a: {  	s0 =	simm.s32 @!p0 $0x3  }
0x9b: {  	_ =	swait.ge @!p0 [sflag:s0], s1  }
0x9c: {  	s1 =	ssub.s32 @!p0 $0x0, s1;
	[sflag:s0] =	ssyncset.done @!p0 $0x0  }
0x9d: {  	[sflag:s0] =	ssyncadd.s32 @!p0 s1  }
0x9e: {  	[bflag:$0x3] =	sbarrier.arrive $0xFFFF  }
0x9f: {  	_ =	shalt  }

</sc_bundles>
